<compile_context>
chip_gen: v7x
topology: tpu7x:2x2x1
jax: 0.10.2.dev20260603
libtpu: 0.0.44.dev20260713+nightly
codegen_flags: <defaults>
</compile_context>

<pallas_src>
import jax
import jax.numpy as jnp
from jax.experimental import pallas as pl
from jax.experimental.pallas import tpu as pltpu
from jax.experimental.pallas import tpu_sc as plsc

_CODEBOOK = 1024
_DIM = 64
_COMMIT = 0.25
_GATHER_WINDOW = 128
_B = 32
_T = 1024
_CHUNK = 16


def _idx_body(x_ref, emb_ref, x2_ref, e2_ref, idx_ref, loss_ref):
    xb = x_ref[0]
    emb = emb_ref[...]
    x2 = x2_ref[0]
    e2 = e2_ref[...]
    xe2 = jax.lax.dot_general(
        emb, xb, (((1,), (0,)), ((), ())),
        preferred_element_type=jnp.float32)
    d = (x2 + e2) - xe2
    dmin = jnp.min(d, axis=0)
    iota = jax.lax.broadcasted_iota(jnp.int32, d.shape, 0)
    idx_ref[0, :] = jnp.min(jnp.where(d == dmin[None, :], iota, _CODEBOOK),
                            axis=0)
    part = jnp.sum(dmin)

    @pl.when(pl.program_id(0) == 0)
    def _():
        loss_ref[0, 0] = 0.0

    loss_ref[0, 0] += part


def _idx_chunk(x3, emb2, x2, e2, off):
    return pl.pallas_call(
        _idx_body,
        grid=(_CHUNK,),
        in_specs=[
            pl.BlockSpec((1, _DIM, _T), lambda b: (b + off, 0, 0)),
            pl.BlockSpec((_CODEBOOK, _DIM), lambda b: (0, 0)),
            pl.BlockSpec((1, 1, _T), lambda b: (b + off, 0, 0)),
            pl.BlockSpec((_CODEBOOK, 1), lambda b: (0, 0)),
        ],
        out_specs=[
            pl.BlockSpec((1, _T), lambda b: (0, b)),
            pl.BlockSpec(block_shape=(1, 1), index_map=lambda b: (0, 0),
                         memory_space=pltpu.MemorySpace.SMEM),
        ],
        out_shape=[
            jax.ShapeDtypeStruct((1, _CHUNK * _T), jnp.int32),
            jax.ShapeDtypeStruct((1, 1), jnp.float32),
        ],
    )(x3, emb2, x2, e2)


def _sc_gather(emb_pad, idx_flat, n_rows):
    mesh = plsc.VectorSubcoreMesh(core_axis_name="c", subcore_axis_name="s")

    @pl.kernel(out_type=jax.ShapeDtypeStruct((n_rows, _DIM), jnp.float32),
               mesh=mesh,
               scratch_types=[pltpu.VMEM((_GATHER_WINDOW, 128), jnp.float32)])
    def gather_kernel(emb_hbm, i_hbm, o_hbm, tmp_ref):
        def body(i_vmem, o_vmem):
            pltpu.sync_copy(emb_hbm.at[i_vmem.at[0]], tmp_ref)
            o_vmem[...] = tmp_ref[:, :_DIM]

        pltpu.emit_pipeline(
            body,
            grid=(n_rows // _GATHER_WINDOW,),
            in_specs=[pl.BlockSpec((1, _GATHER_WINDOW),
                                   index_map=lambda i: (0, i))],
            out_specs=[pl.BlockSpec((_GATHER_WINDOW, _DIM),
                                    index_map=lambda i: (i, 0))],
            core_axis_name=("c", "s"),
            dimension_semantics=(pltpu.PARALLEL,),
        )(i_hbm, o_hbm)

    return gather_kernel(emb_pad, idx_flat)


def _tr_body(q_ref, out_ref):
    out_ref[0] = jnp.transpose(q_ref[0])


def _tr_body_alias(q_ref, prev_ref, out_ref):
    _tr_body(q_ref, out_ref)


def _tr_chunk_first(q_chunk, off):
    return pl.pallas_call(
        _tr_body,
        grid=(_CHUNK,),
        in_specs=[
            pl.BlockSpec((1, _T, _DIM), lambda b: (b, 0, 0)),
        ],
        out_specs=pl.BlockSpec((1, _DIM, _T), lambda b: (b + off, 0, 0)),
        out_shape=jax.ShapeDtypeStruct((_B, _DIM, _T), jnp.float32),
    )(q_chunk)


def _tr_chunk_alias(q_chunk, prev, off):
    return pl.pallas_call(
        _tr_body_alias,
        grid=(_CHUNK,),
        in_specs=[
            pl.BlockSpec((1, _T, _DIM), lambda b: (b, 0, 0)),
            pl.BlockSpec(memory_space=pltpu.MemorySpace.HBM),
        ],
        out_specs=pl.BlockSpec((1, _DIM, _T), lambda b: (b + off, 0, 0)),
        out_shape=jax.ShapeDtypeStruct((_B, _DIM, _T), jnp.float32),
        input_output_aliases={1: 0},
    )(q_chunk, prev)


def kernel(x, emb_weight):
    B, C, H, W = x.shape
    T = H * W
    x3 = x.reshape(B, C, T)
    flat_x = jnp.transpose(x, (0, 2, 3, 1)).reshape(-1, C)
    x2 = jnp.sum(flat_x ** 2, axis=1).reshape(B, 1, T)
    e2 = jnp.sum(emb_weight ** 2, axis=1).reshape(_CODEBOOK, 1)
    emb_x2 = emb_weight * 2.0
    emb_pad = jnp.concatenate(
        [emb_weight, jnp.zeros((_CODEBOOK, 128 - _DIM), jnp.float32)], axis=1)

    idx_a, loss_a = _idx_chunk(x3, emb_x2, x2, e2, 0)
    idx_b, loss_b = _idx_chunk(x3, emb_x2, x2, e2, _CHUNK)
    q_a = _sc_gather(emb_pad, idx_a, _CHUNK * T)
    q_b = _sc_gather(emb_pad, idx_b, _CHUNK * T)

    out_a = _tr_chunk_first(q_a.reshape(_CHUNK, T, _DIM), 0)
    q3 = _tr_chunk_alias(q_b.reshape(_CHUNK, T, _DIM), out_a, _CHUNK)

    m = (loss_a[0, 0] + loss_b[0, 0]) / (B * C * H * W)
    loss = m + _COMMIT * m
    return q3.reshape(B, C, H, W), loss

# --- scband reference (transcript-rebuilt; emitter-appended) ---
"""Pipeline reference for scband-vqvaequantizer-41162966565038 (READ-ONLY COPY).

The authoritative reference and input builder live on the scoring server;
editing this copy changes nothing except your own understanding.
"""

import jax, jax.numpy as jnp
import numpy as np

CODEBOOK_SIZE = 1024
LATENT_DIM = 64
COMMITMENT_COST = 0.25

def setup_inputs(seed: int = 0) -> dict:
    key = jax.random.key(seed)
    k1, k2 = jax.random.split(key)
    x = jax.random.normal(k1, (32, 64, 32, 32), dtype=jnp.float32)
    emb_weight = jax.random.uniform(
        k2, (CODEBOOK_SIZE, LATENT_DIM), dtype=jnp.float32,
        minval=-1.0 / CODEBOOK_SIZE, maxval=1.0 / CODEBOOK_SIZE)
    return {"x": x, "emb_weight": emb_weight}

def reference(x, emb_weight):
    # b c h w -> b h w c
    x_perm = jnp.transpose(x, (0, 2, 3, 1))
    b, h, w, c = x_perm.shape
    flat_x = x_perm.reshape(-1, c)
    distances = (jnp.sum(flat_x ** 2, axis=1, keepdims=True)
                 + jnp.sum(emb_weight ** 2, axis=1)
                 - 2.0 * (flat_x @ emb_weight.T))
    encoding_indices = jnp.argmin(distances, axis=1)
    quantized = jnp.take(emb_weight, encoding_indices, axis=0)
    quantized = quantized.reshape(b, h, w, c)
    e_latent_loss = jnp.mean((jax.lax.stop_gradient(quantized) - x_perm) ** 2)
    q_latent_loss = jnp.mean((quantized - jax.lax.stop_gradient(x_perm)) ** 2)
    loss = q_latent_loss + COMMITMENT_COST * e_latent_loss
    quantized_st = x_perm + jax.lax.stop_gradient(quantized - x_perm)
    quantized_out = jnp.transpose(quantized_st, (0, 3, 1, 2))
    return (quantized_out, loss)

if __name__ == "__main__":
    import jax
    _d = setup_inputs()
    print(jax.jit(kernel)(*tuple(_d.values())))

</pallas_src>

<mosaic_0001>
#map = affine_map<(d0, d1) -> (0, 0)>
module attributes {stable_mosaic.version = 14 : i64} {
  func.func @gather_kernel(%arg0: i32, %arg1: i32, %arg2: memref<1024x128xf32, #tpu.memory_space<hbm>>, %arg3: memref<1x16384xi32, #tpu.memory_space<hbm>>, %arg4: memref<16384x64xf32, #tpu.memory_space<hbm>>, %arg5: memref<128x128xf32, #tpu.memory_space<vmem>>) attributes {dimension_semantics = [#tpu.dimension_semantics<core_parallel>, #tpu.dimension_semantics<subcore_parallel>], iteration_bounds = array<i64: 2, 16>, scalar_prefetch = 0 : i64, scratch_operands = 1 : i64, tpu.core_type = #tpu.core_type<sc_vector_subcore>, window_params = [{transform_indices = #map}, {transform_indices = #map}, {transform_indices = #map}]} {
    %mul3A = arith.constant 1 : i32
    %mul3A_0 = arith.muli %arg1, %mul3A : i32
    %add3A = arith.constant 0 : i32
    %add3A_1 = arith.addi %add3A, %mul3A_0 : i32
    %mul3A_2 = arith.constant 16 : i32
    %mul3A_3 = arith.muli %arg0, %mul3A_2 : i32
    %add3A_4 = arith.addi %add3A_1, %mul3A_3 : i32
    %mul3A_5 = arith.constant 4 : i32
    %mul3A_6 = arith.muli %add3A_4, %mul3A_5 : i32
    "tpu.region"() ({
      %run_scoped3A = memref.alloca() : memref<2x1x128xi32, #tpu.memory_space<vmem>>
      %run_scoped3A_7 = tpu.sem_alloc : memref<2x!tpu.dma_semaphore, #tpu.memory_space<semaphore_mem>>
      %run_scoped3A_8 = memref.alloca() : memref<2x128x64xf32, #tpu.memory_space<vmem>>
      %run_scoped3A_9 = tpu.sem_alloc : memref<2x!tpu.dma_semaphore, #tpu.memory_space<semaphore_mem>>
      %add3A_10 = arith.constant 0 : i32
      %add3A_11 = arith.addi %add3A_10, %mul3A_6 : i32
      %select_n3A = arith.constant true
      %select_n3A_12 = arith.constant 0 : i32
      %select_n3A_13 = arith.constant -1 : i32
      %select_n3A_14 = arith.select %select_n3A, %select_n3A_13, %select_n3A_12 : i32
      %eq3A = arith.constant -1 : i32
      %eq3A_15 = arith.cmpi eq, %select_n3A_14, %eq3A : i32
      %select_n3A_16 = arith.constant 3 : i32
      %select_n3A_17 = arith.select %eq3A_15, %select_n3A_16, %select_n3A_14 : i32
      %add3A_18 = arith.addi %select_n3A_17, %mul3A_6 : i32
      %select_n3A_19 = arith.constant true
      %select_n3A_20 = arith.constant 0 : i32
      %select_n3A_21 = arith.constant 1 : i32
      %select_n3A_22 = arith.select %select_n3A_19, %select_n3A_21, %select_n3A_20 : i32
      %eq3A_23 = arith.constant 4 : i32
      %eq3A_24 = arith.cmpi eq, %select_n3A_22, %eq3A_23 : i32
      %select_n3A_25 = arith.constant 0 : i32
      %select_n3A_26 = arith.select %eq3A_24, %select_n3A_25, %select_n3A_22 : i32
      %add3A_27 = arith.addi %select_n3A_26, %mul3A_6 : i32
      %add3A_28 = arith.constant 1 : i32
      %add3A_29 = arith.addi %select_n3A_26, %add3A_28 : i32
      %select_n3A_30 = arith.constant true
      %select_n3A_31 = arith.select %select_n3A_30, %add3A_29, %select_n3A_26 : i32
      %eq3A_32 = arith.constant 4 : i32
      %eq3A_33 = arith.cmpi eq, %select_n3A_31, %eq3A_32 : i32
      %select_n3A_34 = arith.constant 0 : i32
      %select_n3A_35 = arith.select %eq3A_33, %select_n3A_34, %select_n3A_31 : i32
      %add3A_36 = arith.addi %select_n3A_35, %mul3A_6 : i32
      "tpu.trace_start"() <{level = 10 : i32, message = "ep_initialize_0"}> : () -> ()
      %rem3A = arith.constant 0 : i32
      %rem3A_37 = arith.constant 2 : i32
      %rem3A_38 = arith.remui %rem3A, %rem3A_37 : i32
      %mul3A_39 = arith.constant 128 : i32
      %mul3A_40 = arith.muli %mul3A_39, %add3A_11 : i32
      %dma_start3A = arith.constant 0 : i32
      %dma_start3A_41 = arith.constant 0 : i32
      %dma_start3A_42 = tpu.memref_slice %run_scoped3A[%rem3A_38, %dma_start3A, %dma_start3A_41] : memref<2x1x128xi32, #tpu.memory_space<vmem>> -> memref<1x1x128xi32, #tpu.memory_space<vmem>>
      %dma_start3A_43 = tpu.memref_squeeze %dma_start3A_42 : memref<1x1x128xi32, #tpu.memory_space<vmem>> -> memref<1x128xi32, #tpu.memory_space<vmem>>
      %dma_start3A_44 = arith.constant 0 : i32
      %dma_start3A_45 = tpu.memref_slice %arg3[%dma_start3A_44, %mul3A_40] : memref<1x16384xi32, #tpu.memory_space<hbm>> -> memref<1x128xi32, #tpu.memory_space<hbm>>
      %dma_start3A_46 = tpu.memref_slice %run_scoped3A_7[%rem3A_38] : memref<2x!tpu.dma_semaphore, #tpu.memory_space<semaphore_mem>> -> memref<1x!tpu.dma_semaphore, #tpu.memory_space<semaphore_mem>>
      %dma_start3A_47 = tpu.memref_squeeze %dma_start3A_46 : memref<1x!tpu.dma_semaphore, #tpu.memory_space<semaphore_mem>> -> memref<!tpu.dma_semaphore, #tpu.memory_space<semaphore_mem>>
      %dma_start3A_48 = arith.constant 0 : i32
      %dma_start3A_49 = arith.constant 0 : i32
      %dma_start3A_50 = tpu.memref_slice %run_scoped3A[%rem3A_38, %dma_start3A_48, %dma_start3A_49] : memref<2x1x128xi32, #tpu.memory_space<vmem>> -> memref<1x1x128xi32, #tpu.memory_space<vmem>>
      %dma_start3A_51 = tpu.memref_squeeze %dma_start3A_50 : memref<1x1x128xi32, #tpu.memory_space<vmem>> -> memref<1x128xi32, #tpu.memory_space<vmem>>
      %dma_start3A_52 = arith.constant 0 : i32
      %dma_start3A_53 = tpu.memref_slice %arg3[%dma_start3A_52, %mul3A_40] : memref<1x16384xi32, #tpu.memory_space<hbm>> -> memref<1x128xi32, #tpu.memory_space<hbm>>
      tpu.enqueue_dma source(%dma_start3A_53 : memref<1x128xi32, #tpu.memory_space<hbm>>) target(%dma_start3A_51 : memref<1x128xi32, #tpu.memory_space<vmem>>) target_semaphore(%dma_start3A_47 : memref<!tpu.dma_semaphore, #tpu.memory_space<semaphore_mem>>)
      %add3A_54 = arith.constant 0 : i32
      %add3A_55 = arith.constant 1 : i32
      %add3A_56 = arith.addi %add3A_54, %add3A_55 : i32
      %select_n3A_57 = arith.constant true
      %select_n3A_58 = arith.constant 0 : i32
      %select_n3A_59 = arith.select %select_n3A_57, %add3A_56, %select_n3A_58 : i32
      "tpu.trace_stop"() : () -> ()
      %scan3A = arith.constant 0 : i32
      %scan3A_60 = arith.constant 0 : i32
      %scan3A_61 = arith.constant 0 : i32
      %scan3A_62 = arith.constant 0 : i32
      %scan3A_63 = arith.constant 0 : i32
      %scan3A_64 = arith.constant 4 : i32
      %scan3A_65 = arith.addi %scan3A_63, %scan3A_64 : i32
      %scan3A_66 = arith.constant 1 : i32
      %scan3A_67:5 = scf.for %scan3A_121 = %scan3A_63 to %scan3A_65 step %scan3A_66 iter_args(%scan3A_122 = %select_n3A_59, %scan3A_123 = %scan3A, %scan3A_124 = %scan3A_60, %scan3A_125 = %scan3A_61, %scan3A_126 = %scan3A_62) -> (i32, i32, i32, i32, i32)  : i32 {
        %eq3A_127 = arith.constant 0 : i32
        %eq3A_128 = arith.cmpi eq, %scan3A_121, %eq3A_127 : i32
        %eq3A_129 = arith.constant 3 : i32
        %eq3A_130 = arith.cmpi eq, %scan3A_121, %eq3A_129 : i32
        %add3A_131 = arith.addi %scan3A_126, %mul3A_6 : i32
        %sub3A_132 = arith.constant 1 : i32
        %sub3A_133 = arith.subi %scan3A_126, %sub3A_132 : i32
        %select_n3A_134 = arith.constant true
        %select_n3A_135 = arith.select %select_n3A_134, %sub3A_133, %scan3A_126 : i32
        %eq3A_136 = arith.constant -1 : i32
        %eq3A_137 = arith.cmpi eq, %select_n3A_135, %eq3A_136 : i32
        %select_n3A_138 = arith.constant 3 : i32
        %select_n3A_139 = arith.select %eq3A_137, %select_n3A_138, %select_n3A_135 : i32
        %add3A_140 = arith.addi %select_n3A_139, %mul3A_6 : i32
        %add3A_141 = arith.constant 1 : i32
        %add3A_142 = arith.addi %scan3A_126, %add3A_141 : i32
        %select_n3A_143 = arith.constant true
        %select_n3A_144 = arith.select %select_n3A_143, %add3A_142, %scan3A_126 : i32
        %eq3A_145 = arith.constant 4 : i32
        %eq3A_146 = arith.cmpi eq, %select_n3A_144, %eq3A_145 : i32
        %select_n3A_147 = arith.constant 0 : i32
        %select_n3A_148 = arith.select %eq3A_146, %select_n3A_147, %select_n3A_144 : i32
        %add3A_149 = arith.addi %select_n3A_148, %mul3A_6 : i32
        %add3A_150 = arith.constant 1 : i32
        %add3A_151 = arith.addi %select_n3A_148, %add3A_150 : i32
        %select_n3A_152 = arith.constant true
        %select_n3A_153 = arith.select %select_n3A_152, %add3A_151, %select_n3A_148 : i32
        %eq3A_154 = arith.constant 4 : i32
        %eq3A_155 = arith.cmpi eq, %select_n3A_153, %eq3A_154 : i32
        %select_n3A_156 = arith.constant 0 : i32
        %select_n3A_157 = arith.select %eq3A_155, %select_n3A_156, %select_n3A_153 : i32
        %add3A_158 = arith.addi %select_n3A_157, %mul3A_6 : i32
        %ne3A = arith.cmpi ne, %add3A_131, %add3A_149 : i32
        %or3A = arith.constant false
        %or3A_159 = arith.ori %or3A, %ne3A : i1
        %ge3A = arith.constant 3 : i32
        %ge3A_160 = arith.cmpi sge, %scan3A_121, %ge3A : i32
        %not3A = arith.constant true
        %not3A_161 = arith.xori %ge3A_160, %not3A : i1
        %and3A = arith.andi %or3A_159, %not3A_161 : i1
        %convert_element_type3A = arith.extui %and3A : i1 to i32
        %cond3A = arith.constant 0 : i32
        %cond3A_162 = arith.cmpi ne, %convert_element_type3A, %cond3A : i32
        scf.if %cond3A_162 {
          "tpu.trace_start"() <{level = 10 : i32, message = "ep_copy_in"}> : () -> ()
          %rem3A_272 = arith.constant 2 : i32
          %rem3A_273 = arith.remui %scan3A_122, %rem3A_272 : i32
          %mul3A_274 = arith.constant 128 : i32
          %mul3A_275 = arith.muli %mul3A_274, %add3A_149 : i32
          %dma_start3A_276 = arith.constant 0 : i32
          %dma_start3A_277 = arith.constant 0 : i32
          %dma_start3A_278 = tpu.memref_slice %run_scoped3A[%rem3A_273, %dma_start3A_276, %dma_start3A_277] : memref<2x1x128xi32, #tpu.memory_space<vmem>> -> memref<1x1x128xi32, #tpu.memory_space<vmem>>
          %dma_start3A_279 = tpu.memref_squeeze %dma_start3A_278 : memref<1x1x128xi32, #tpu.memory_space<vmem>> -> memref<1x128xi32, #tpu.memory_space<vmem>>
          %dma_start3A_280 = arith.constant 0 : i32
          %dma_start3A_281 = tpu.memref_slice %arg3[%dma_start3A_280, %mul3A_275] : memref<1x16384xi32, #tpu.memory_space<hbm>> -> memref<1x128xi32, #tpu.memory_space<hbm>>
          %dma_start3A_282 = tpu.memref_slice %run_scoped3A_7[%rem3A_273] : memref<2x!tpu.dma_semaphore, #tpu.memory_space<semaphore_mem>> -> memref<1x!tpu.dma_semaphore, #tpu.memory_space<semaphore_mem>>
          %dma_start3A_283 = tpu.memref_squeeze %dma_start3A_282 : memref<1x!tpu.dma_semaphore, #tpu.memory_space<semaphore_mem>> -> memref<!tpu.dma_semaphore, #tpu.memory_space<semaphore_mem>>
          %dma_start3A_284 = arith.constant 0 : i32
          %dma_start3A_285 = arith.constant 0 : i32
          %dma_start3A_286 = tpu.memref_slice %run_scoped3A[%rem3A_273, %dma_start3A_284, %dma_start3A_285] : memref<2x1x128xi32, #tpu.memory_space<vmem>> -> memref<1x1x128xi32, #tpu.memory_space<vmem>>
          %dma_start3A_287 = tpu.memref_squeeze %dma_start3A_286 : memref<1x1x128xi32, #tpu.memory_space<vmem>> -> memref<1x128xi32, #tpu.memory_space<vmem>>
          %dma_start3A_288 = arith.constant 0 : i32
          %dma_start3A_289 = tpu.memref_slice %arg3[%dma_start3A_288, %mul3A_275] : memref<1x16384xi32, #tpu.memory_space<hbm>> -> memref<1x128xi32, #tpu.memory_space<hbm>>
          tpu.enqueue_dma source(%dma_start3A_289 : memref<1x128xi32, #tpu.memory_space<hbm>>) target(%dma_start3A_287 : memref<1x128xi32, #tpu.memory_space<vmem>>) target_semaphore(%dma_start3A_283 : memref<!tpu.dma_semaphore, #tpu.memory_space<semaphore_mem>>)
          "tpu.trace_stop"() : () -> ()
        } else {
        }
        %and3A_163 = arith.constant true
        %and3A_164 = arith.andi %and3A, %and3A_163 : i1
        %add3A_165 = arith.constant 1 : i32
        %add3A_166 = arith.addi %scan3A_122, %add3A_165 : i32
        %select_n3A_167 = arith.select %and3A_164, %add3A_166, %scan3A_122 : i32
        %ne3A_168 = arith.cmpi ne, %add3A_131, %add3A_149 : i32
        %or3A_169 = arith.constant false
        %or3A_170 = arith.ori %or3A_169, %ne3A_168 : i1
        %or3A_171 = arith.constant false
        %or3A_172 = arith.ori %or3A_170, %or3A_171 : i1
        %ge3A_173 = arith.constant 3 : i32
        %ge3A_174 = arith.cmpi sge, %scan3A_121, %ge3A_173 : i32
        %not3A_175 = arith.constant true
        %not3A_176 = arith.xori %ge3A_174, %not3A_175 : i1
        %and3A_177 = arith.andi %or3A_172, %not3A_176 : i1
        %ne3A_178 = arith.cmpi ne, %add3A_131, %add3A_140 : i32
        %or3A_179 = arith.constant false
        %or3A_180 = arith.ori %or3A_179, %ne3A_178 : i1
        %or3A_181 = arith.ori %or3A_180, %eq3A_128 : i1
        %convert_element_type3A_182 = arith.extui %or3A_181 : i1 to i32
        %cond3A_183 = arith.constant 0 : i32
        %cond3A_184 = arith.cmpi ne, %convert_element_type3A_182, %cond3A_183 : i32
        scf.if %cond3A_184 {
          "tpu.trace_start"() <{level = 10 : i32, message = "ep_wait_in"}> : () -> ()
          %mul3A_272 = arith.constant 128 : i32
          %mul3A_273 = arith.muli %mul3A_272, %add3A_131 : i32
          %rem3A_274 = arith.constant 2 : i32
          %rem3A_275 = arith.remui %scan3A_123, %rem3A_274 : i32
          %dma_wait3A_276 = arith.constant 0 : i32
          %dma_wait3A_277 = arith.constant 0 : i32
          %dma_wait3A_278 = tpu.memref_slice %run_scoped3A[%rem3A_275, %dma_wait3A_276, %dma_wait3A_277] : memref<2x1x128xi32, #tpu.memory_space<vmem>> -> memref<1x1x128xi32, #tpu.memory_space<vmem>>
          %dma_wait3A_279 = tpu.memref_squeeze %dma_wait3A_278 : memref<1x1x128xi32, #tpu.memory_space<vmem>> -> memref<1x128xi32, #tpu.memory_space<vmem>>
          %dma_wait3A_280 = arith.constant 0 : i32
          %dma_wait3A_281 = tpu.memref_slice %arg3[%dma_wait3A_280, %mul3A_273] : memref<1x16384xi32, #tpu.memory_space<hbm>> -> memref<1x128xi32, #tpu.memory_space<hbm>>
          %dma_wait3A_282 = tpu.memref_slice %run_scoped3A_7[%rem3A_275] : memref<2x!tpu.dma_semaphore, #tpu.memory_space<semaphore_mem>> -> memref<1x!tpu.dma_semaphore, #tpu.memory_space<semaphore_mem>>
          %dma_wait3A_283 = tpu.memref_squeeze %dma_wait3A_282 : memref<1x!tpu.dma_semaphore, #tpu.memory_space<semaphore_mem>> -> memref<!tpu.dma_semaphore, #tpu.memory_space<semaphore_mem>>
          %dma_wait3A_284 = arith.constant 0 : i32
          %dma_wait3A_285 = arith.constant 0 : i32
          %dma_wait3A_286 = tpu.memref_slice %run_scoped3A[%rem3A_275, %dma_wait3A_284, %dma_wait3A_285] : memref<2x1x128xi32, #tpu.memory_space<vmem>> -> memref<1x1x128xi32, #tpu.memory_space<vmem>>
          %dma_wait3A_287 = tpu.memref_squeeze %dma_wait3A_286 : memref<1x1x128xi32, #tpu.memory_space<vmem>> -> memref<1x128xi32, #tpu.memory_space<vmem>>
          %dma_wait3A_288 = arith.constant 0 : i32
          %dma_wait3A_289 = tpu.memref_slice %arg3[%dma_wait3A_288, %mul3A_273] : memref<1x16384xi32, #tpu.memory_space<hbm>> -> memref<1x128xi32, #tpu.memory_space<hbm>>
          tpu.wait_dma2 semaphore(%dma_wait3A_283 : memref<!tpu.dma_semaphore, #tpu.memory_space<semaphore_mem>>) src(%dma_wait3A_289 : memref<1x128xi32, #tpu.memory_space<hbm>>) dst(%dma_wait3A_287 : memref<1x128xi32, #tpu.memory_space<vmem>>)
          "tpu.trace_stop"() : () -> ()
        } else {
        }
        %ne3A_185 = arith.cmpi ne, %add3A_131, %add3A_140 : i32
        %or3A_186 = arith.constant false
        %or3A_187 = arith.ori %or3A_186, %ne3A_185 : i1
        %or3A_188 = arith.constant false
        %or3A_189 = arith.ori %or3A_187, %or3A_188 : i1
        %or3A_190 = arith.ori %or3A_189, %eq3A_128 : i1
        %convert_element_type3A_191 = arith.extui %or3A_190 : i1 to i32
        %cond3A_192 = arith.constant 0 : i32
        %cond3A_193 = arith.cmpi ne, %convert_element_type3A_191, %cond3A_192 : i32
        scf.if %cond3A_193 {
        } else {
        }
        %rem3A_194 = arith.constant 2 : i32
        %rem3A_195 = arith.remui %scan3A_123, %rem3A_194 : i32
        %rem3A_196 = arith.constant 2 : i32
        %rem3A_197 = arith.remui %scan3A_124, %rem3A_196 : i32
        %run_scoped3A_198 = arith.constant 0 : i32
        "tpu.trace_start"() <{level = 10 : i32, message = "ep_run_kernel"}> : () -> ()
        "tpu.region"() ({
          %run_scoped3A_272 = tpu.sem_alloc : memref<!tpu.dma_semaphore, #tpu.memory_space<semaphore_mem>>
          %dma_start3A_273 = arith.constant 0 : i32
          %dma_start3A_274 = arith.constant 0 : i32
          %dma_start3A_275 = tpu.memref_slice %run_scoped3A[%rem3A_195, %dma_start3A_273, %dma_start3A_274] : memref<2x1x128xi32, #tpu.memory_space<vmem>> -> memref<1x1x128xi32, #tpu.memory_space<vmem>>
          %dma_start3A_276 = tpu.memref_squeeze %dma_start3A_275 : memref<1x1x128xi32, #tpu.memory_space<vmem>> -> memref<1x128xi32, #tpu.memory_space<vmem>>
          %dma_start3A_277 = arith.constant 0 : i32
          %dma_start3A_278 = tpu.memref_slice %dma_start3A_276[%run_scoped3A_198, %dma_start3A_277] : memref<1x128xi32, #tpu.memory_space<vmem>> -> memref<1x128xi32, #tpu.memory_space<vmem>>
          %dma_start3A_279 = tpu.memref_squeeze %dma_start3A_278 : memref<1x128xi32, #tpu.memory_space<vmem>> -> memref<128xi32, #tpu.memory_space<vmem>>
          %dma_start3A_280 = arith.constant 0 : i32
          %dma_start3A_281 = arith.constant 0 : i32
          %dma_start3A_282 = tpu.memref_slice %arg2[%dma_start3A_280, %dma_start3A_281] : memref<1024x128xf32, #tpu.memory_space<hbm>> -> memref<1024x128xf32, #tpu.memory_space<hbm>>
          tpu.enqueue_indirect_dma source(%dma_start3A_282 : memref<1024x128xf32, #tpu.memory_space<hbm>>) target(%arg5 : memref<128x128xf32, #tpu.memory_space<vmem>>) offsets(%dma_start3A_279 : memref<128xi32, #tpu.memory_space<vmem>>) semaphore(%run_scoped3A_272 : memref<!tpu.dma_semaphore, #tpu.memory_space<semaphore_mem>>)
          %dma_wait3A_283 = arith.constant 0 : i32
          %dma_wait3A_284 = arith.constant 0 : i32
          %dma_wait3A_285 = tpu.memref_slice %run_scoped3A[%rem3A_195, %dma_wait3A_283, %dma_wait3A_284] : memref<2x1x128xi32, #tpu.memory_space<vmem>> -> memref<1x1x128xi32, #tpu.memory_space<vmem>>
          %dma_wait3A_286 = tpu.memref_squeeze %dma_wait3A_285 : memref<1x1x128xi32, #tpu.memory_space<vmem>> -> memref<1x128xi32, #tpu.memory_space<vmem>>
          %dma_wait3A_287 = arith.constant 0 : i32
          %dma_wait3A_288 = tpu.memref_slice %dma_wait3A_286[%run_scoped3A_198, %dma_wait3A_287] : memref<1x128xi32, #tpu.memory_space<vmem>> -> memref<1x128xi32, #tpu.memory_space<vmem>>
          %dma_wait3A_289 = tpu.memref_squeeze %dma_wait3A_288 : memref<1x128xi32, #tpu.memory_space<vmem>> -> memref<128xi32, #tpu.memory_space<vmem>>
          %dma_wait3A_290 = arith.constant 0 : i32
          %dma_wait3A_291 = arith.constant 0 : i32
          %dma_wait3A_292 = tpu.memref_slice %arg2[%dma_wait3A_290, %dma_wait3A_291] : memref<1024x128xf32, #tpu.memory_space<hbm>> -> memref<1024x128xf32, #tpu.memory_space<hbm>>
          tpu.wait_indirect_dma semaphore(%run_scoped3A_272 : memref<!tpu.dma_semaphore, #tpu.memory_space<semaphore_mem>>) src(%dma_wait3A_292 : memref<1024x128xf32, #tpu.memory_space<hbm>>) dst(%arg5 : memref<128x128xf32, #tpu.memory_space<vmem>>)
          tpu.yield
        }) : () -> ()
        %get3A = arith.constant 0 : index
        %get3A_199 = arith.constant 0 : index
        %get3A_200 = tpu.vector_load %arg5[%get3A, %get3A_199] {strides = array<i32>} : memref<128x128xf32, #tpu.memory_space<vmem>>, vector<128x64xf32>,
        %get3A_201 = vector.shape_cast %get3A_200 : vector<128x64xf32> to vector<128x64xf32>
        %swap3A = arith.index_cast %rem3A_197 : i32 to index
        %swap3A_202 = arith.constant 0 : index
        %swap3A_203 = arith.constant 0 : index
        %swap3A_204 = tpu.vector_load %run_scoped3A_8[%swap3A, %swap3A_202, %swap3A_203] {strides = array<i32>} : memref<2x128x64xf32, #tpu.memory_space<vmem>>, vector<1x128x64xf32>,
        %swap3A_205 = vector.shape_cast %swap3A_204 : vector<1x128x64xf32> to vector<128x64xf32>
        %swap3A_206 = vector.shape_cast %get3A_201 : vector<128x64xf32> to vector<1x128x64xf32>
        tpu.vector_store %run_scoped3A_8[%swap3A, %swap3A_202, %swap3A_203], %swap3A_206 {strides = array<i32>} : memref<2x128x64xf32, #tpu.memory_space<vmem>>, vector<1x128x64xf32>,
        "tpu.trace_stop"() : () -> ()
        %ne3A_207 = arith.cmpi ne, %add3A_131, %add3A_149 : i32
        %or3A_208 = arith.constant false
        %or3A_209 = arith.ori %or3A_208, %ne3A_207 : i1
        %or3A_210 = arith.ori %or3A_209, %eq3A_130 : i1
        %convert_element_type3A_211 = arith.extui %or3A_210 : i1 to i32
        %cond3A_212 = arith.constant 0 : i32
        %cond3A_213 = arith.cmpi ne, %convert_element_type3A_211, %cond3A_212 : i32
        scf.if %cond3A_213 {
        } else {
        }
        %and3A_214 = arith.constant false
        %and3A_215 = arith.andi %or3A_210, %and3A_214 : i1
        %ne3A_216 = arith.cmpi ne, %add3A_131, %add3A_149 : i32
        %or3A_217 = arith.constant false
        %or3A_218 = arith.ori %or3A_217, %ne3A_216 : i1
        %or3A_219 = arith.constant false
        %or3A_220 = arith.ori %or3A_218, %or3A_219 : i1
        %or3A_221 = arith.ori %or3A_220, %eq3A_130 : i1
        %convert_element_type3A_222 = arith.extui %or3A_221 : i1 to i32
        %cond3A_223 = arith.constant 0 : i32
        %cond3A_224 = arith.cmpi ne, %convert_element_type3A_222, %cond3A_223 : i32
        scf.if %cond3A_224 {
          "tpu.trace_start"() <{level = 10 : i32, message = "ep_copy_out"}> : () -> ()
          %rem3A_272 = arith.constant 2 : i32
          %rem3A_273 = arith.remui %scan3A_124, %rem3A_272 : i32
          %mul3A_274 = arith.constant 128 : i32
          %mul3A_275 = arith.muli %mul3A_274, %add3A_131 : i32
          %dma_start3A_276 = arith.constant 0 : i32
          %dma_start3A_277 = arith.constant 0 : i32
          %dma_start3A_278 = tpu.memref_slice %run_scoped3A_8[%rem3A_273, %dma_start3A_276, %dma_start3A_277] : memref<2x128x64xf32, #tpu.memory_space<vmem>> -> memref<1x128x64xf32, #tpu.memory_space<vmem>>
          %dma_start3A_279 = tpu.memref_squeeze %dma_start3A_278 : memref<1x128x64xf32, #tpu.memory_space<vmem>> -> memref<128x64xf32, #tpu.memory_space<vmem>>
          %dma_start3A_280 = arith.constant 0 : i32
          %dma_start3A_281 = tpu.memref_slice %arg4[%mul3A_275, %dma_start3A_280] : memref<16384x64xf32, #tpu.memory_space<hbm>> -> memref<128x64xf32, #tpu.memory_space<hbm>>
          %dma_start3A_282 = tpu.memref_slice %run_scoped3A_9[%rem3A_273] : memref<2x!tpu.dma_semaphore, #tpu.memory_space<semaphore_mem>> -> memref<1x!tpu.dma_semaphore, #tpu.memory_space<semaphore_mem>>
          %dma_start3A_283 = tpu.memref_squeeze %dma_start3A_282 : memref<1x!tpu.dma_semaphore, #tpu.memory_space<semaphore_mem>> -> memref<!tpu.dma_semaphore, #tpu.memory_space<semaphore_mem>>
          %dma_start3A_284 = arith.constant 0 : i32
          %dma_start3A_285 = tpu.memref_slice %arg4[%mul3A_275, %dma_start3A_284] : memref<16384x64xf32, #tpu.memory_space<hbm>> -> memref<128x64xf32, #tpu.memory_space<hbm>>
          %dma_start3A_286 = arith.constant 0 : i32
          %dma_start3A_287 = arith.constant 0 : i32
          %dma_start3A_288 = tpu.memref_slice %run_scoped3A_8[%rem3A_273, %dma_start3A_286, %dma_start3A_287] : memref<2x128x64xf32, #tpu.memory_space<vmem>> -> memref<1x128x64xf32, #tpu.memory_space<vmem>>
          %dma_start3A_289 = tpu.memref_squeeze %dma_start3A_288 : memref<1x128x64xf32, #tpu.memory_space<vmem>> -> memref<128x64xf32, #tpu.memory_space<vmem>>
          tpu.enqueue_dma source(%dma_start3A_289 : memref<128x64xf32, #tpu.memory_space<vmem>>) target(%dma_start3A_285 : memref<128x64xf32, #tpu.memory_space<hbm>>) target_semaphore(%dma_start3A_283 : memref<!tpu.dma_semaphore, #tpu.memory_space<semaphore_mem>>)
          "tpu.trace_stop"() : () -> ()
        } else {
        }
        %and3A_225 = arith.constant true
        %and3A_226 = arith.andi %or3A_221, %and3A_225 : i1
        %add3A_227 = arith.constant 1 : i32
        %add3A_228 = arith.addi %scan3A_124, %add3A_227 : i32
        %select_n3A_229 = arith.select %and3A_226, %add3A_228, %scan3A_124 : i32
        %ne3A_230 = arith.cmpi ne, %add3A_131, %add3A_140 : i32
        %or3A_231 = arith.constant false
        %or3A_232 = arith.ori %or3A_231, %ne3A_230 : i1
        %not3A_233 = arith.constant true
        %not3A_234 = arith.xori %eq3A_128, %not3A_233 : i1
        %and3A_235 = arith.andi %or3A_232, %not3A_234 : i1
        %convert_element_type3A_236 = arith.extui %and3A_235 : i1 to i32
        %cond3A_237 = arith.constant 0 : i32
        %cond3A_238 = arith.cmpi ne, %convert_element_type3A_236, %cond3A_237 : i32
        scf.if %cond3A_238 {
        } else {
        }
        %and3A_239 = arith.constant false
        %and3A_240 = arith.andi %and3A_235, %and3A_239 : i1
        %ne3A_241 = arith.cmpi ne, %add3A_131, %add3A_140 : i32
        %or3A_242 = arith.constant false
        %or3A_243 = arith.ori %or3A_242, %ne3A_241 : i1
        %or3A_244 = arith.constant false
        %or3A_245 = arith.ori %or3A_243, %or3A_244 : i1
        %not3A_246 = arith.constant true
        %not3A_247 = arith.xori %eq3A_128, %not3A_246 : i1
        %and3A_248 = arith.andi %or3A_245, %not3A_247 : i1
        %convert_element_type3A_249 = arith.extui %and3A_248 : i1 to i32
        %cond3A_250 = arith.constant 0 : i32
        %cond3A_251 = arith.cmpi ne, %convert_element_type3A_249, %cond3A_250 : i32
        scf.if %cond3A_251 {
          "tpu.trace_start"() <{level = 10 : i32, message = "ep_wait_out"}> : () -> ()
          %rem3A_272 = arith.constant 2 : i32
          %rem3A_273 = arith.remui %scan3A_125, %rem3A_272 : i32
          %mul3A_274 = arith.constant 128 : i32
          %mul3A_275 = arith.muli %mul3A_274, %add3A_140 : i32
          %dma_wait3A_276 = arith.constant 0 : i32
          %dma_wait3A_277 = arith.constant 0 : i32
          %dma_wait3A_278 = tpu.memref_slice %run_scoped3A_8[%rem3A_273, %dma_wait3A_276, %dma_wait3A_277] : memref<2x128x64xf32, #tpu.memory_space<vmem>> -> memref<1x128x64xf32, #tpu.memory_space<vmem>>
          %dma_wait3A_279 = tpu.memref_squeeze %dma_wait3A_278 : memref<1x128x64xf32, #tpu.memory_space<vmem>> -> memref<128x64xf32, #tpu.memory_space<vmem>>
          %dma_wait3A_280 = arith.constant 0 : i32
          %dma_wait3A_281 = tpu.memref_slice %arg4[%mul3A_275, %dma_wait3A_280] : memref<16384x64xf32, #tpu.memory_space<hbm>> -> memref<128x64xf32, #tpu.memory_space<hbm>>
          %dma_wait3A_282 = tpu.memref_slice %run_scoped3A_9[%rem3A_273] : memref<2x!tpu.dma_semaphore, #tpu.memory_space<semaphore_mem>> -> memref<1x!tpu.dma_semaphore, #tpu.memory_space<semaphore_mem>>
          %dma_wait3A_283 = tpu.memref_squeeze %dma_wait3A_282 : memref<1x!tpu.dma_semaphore, #tpu.memory_space<semaphore_mem>> -> memref<!tpu.dma_semaphore, #tpu.memory_space<semaphore_mem>>
          %dma_wait3A_284 = arith.constant 0 : i32
          %dma_wait3A_285 = tpu.memref_slice %arg4[%mul3A_275, %dma_wait3A_284] : memref<16384x64xf32, #tpu.memory_space<hbm>> -> memref<128x64xf32, #tpu.memory_space<hbm>>
          %dma_wait3A_286 = arith.constant 0 : i32
          %dma_wait3A_287 = arith.constant 0 : i32
          %dma_wait3A_288 = tpu.memref_slice %run_scoped3A_8[%rem3A_273, %dma_wait3A_286, %dma_wait3A_287] : memref<2x128x64xf32, #tpu.memory_space<vmem>> -> memref<1x128x64xf32, #tpu.memory_space<vmem>>
          %dma_wait3A_289 = tpu.memref_squeeze %dma_wait3A_288 : memref<1x128x64xf32, #tpu.memory_space<vmem>> -> memref<128x64xf32, #tpu.memory_space<vmem>>
          tpu.wait_dma2 semaphore(%dma_wait3A_283 : memref<!tpu.dma_semaphore, #tpu.memory_space<semaphore_mem>>) src(%dma_wait3A_289 : memref<128x64xf32, #tpu.memory_space<vmem>>) dst(%dma_wait3A_285 : memref<128x64xf32, #tpu.memory_space<hbm>>)
          "tpu.trace_stop"() : () -> ()
        } else {
        }
        %and3A_252 = arith.constant true
        %and3A_253 = arith.andi %and3A_248, %and3A_252 : i1
        %add3A_254 = arith.constant 1 : i32
        %add3A_255 = arith.addi %scan3A_125, %add3A_254 : i32
        %select_n3A_256 = arith.select %and3A_253, %add3A_255, %scan3A_125 : i32
        %ne3A_257 = arith.cmpi ne, %add3A_131, %add3A_149 : i32
        %or3A_258 = arith.constant false
        %or3A_259 = arith.ori %or3A_258, %ne3A_257 : i1
        %or3A_260 = arith.ori %or3A_259, %eq3A_130 : i1
        %add3A_261 = arith.constant 1 : i32
        %add3A_262 = arith.addi %scan3A_123, %add3A_261 : i32
        %select_n3A_263 = arith.select %or3A_260, %add3A_262, %scan3A_123 : i32
        %add3A_264 = arith.constant 1 : i32
        %add3A_265 = arith.addi %scan3A_126, %add3A_264 : i32
        %select_n3A_266 = arith.constant true
        %select_n3A_267 = arith.select %select_n3A_266, %add3A_265, %scan3A_126 : i32
        %eq3A_268 = arith.constant 4 : i32
        %eq3A_269 = arith.cmpi eq, %select_n3A_267, %eq3A_268 : i32
        %select_n3A_270 = arith.constant 0 : i32
        %select_n3A_271 = arith.select %eq3A_269, %select_n3A_270, %select_n3A_267 : i32
        scf.yield %select_n3A_167, %select_n3A_263, %select_n3A_229, %select_n3A_256, %select_n3A_271 : i32, i32, i32, i32, i32
      }
      %scan3A_68 = arith.constant 4 : i32
      %sub3A = arith.constant 1 : i32
      %sub3A_69 = arith.subi %scan3A_67#4, %sub3A : i32
      %select_n3A_70 = arith.constant true
      %select_n3A_71 = arith.select %select_n3A_70, %sub3A_69, %scan3A_67#4 : i32
      %eq3A_72 = arith.constant -1 : i32
      %eq3A_73 = arith.cmpi eq, %select_n3A_71, %eq3A_72 : i32
      %select_n3A_74 = arith.constant 3 : i32
      %select_n3A_75 = arith.select %eq3A_73, %select_n3A_74, %select_n3A_71 : i32
      %add3A_76 = arith.addi %select_n3A_75, %mul3A_6 : i32
      %sub3A_77 = arith.constant 1 : i32
      %sub3A_78 = arith.subi %select_n3A_75, %sub3A_77 : i32
      %select_n3A_79 = arith.constant true
      %select_n3A_80 = arith.select %select_n3A_79, %sub3A_78, %select_n3A_75 : i32
      %eq3A_81 = arith.constant -1 : i32
      %eq3A_82 = arith.cmpi eq, %select_n3A_80, %eq3A_81 : i32
      %select_n3A_83 = arith.constant 3 : i32
      %select_n3A_84 = arith.select %eq3A_82, %select_n3A_83, %select_n3A_80 : i32
      %add3A_85 = arith.addi %select_n3A_84, %mul3A_6 : i32
      %add3A_86 = arith.constant 1 : i32
      %add3A_87 = arith.addi %select_n3A_75, %add3A_86 : i32
      %select_n3A_88 = arith.constant true
      %select_n3A_89 = arith.select %select_n3A_88, %add3A_87, %select_n3A_75 : i32
      %eq3A_90 = arith.constant 4 : i32
      %eq3A_91 = arith.cmpi eq, %select_n3A_89, %eq3A_90 : i32
      %select_n3A_92 = arith.constant 0 : i32
      %select_n3A_93 = arith.select %eq3A_91, %select_n3A_92, %select_n3A_89 : i32
      %add3A_94 = arith.addi %select_n3A_93, %mul3A_6 : i32
      %add3A_95 = arith.constant 1 : i32
      %add3A_96 = arith.addi %select_n3A_93, %add3A_95 : i32
      %select_n3A_97 = arith.constant true
      %select_n3A_98 = arith.select %select_n3A_97, %add3A_96, %select_n3A_93 : i32
      %eq3A_99 = arith.constant 4 : i32
      %eq3A_100 = arith.cmpi eq, %select_n3A_98, %eq3A_99 : i32
      %select_n3A_101 = arith.constant 0 : i32
      %select_n3A_102 = arith.select %eq3A_100, %select_n3A_101, %select_n3A_98 : i32
      %add3A_103 = arith.addi %select_n3A_102, %mul3A_6 : i32
      "tpu.trace_start"() <{level = 10 : i32, message = "ep_finalize"}> : () -> ()
      %rem3A_104 = arith.constant 2 : i32
      %rem3A_105 = arith.remui %scan3A_67#3, %rem3A_104 : i32
      %mul3A_106 = arith.constant 128 : i32
      %mul3A_107 = arith.muli %mul3A_106, %add3A_76 : i32
      %dma_wait3A = arith.constant 0 : i32
      %dma_wait3A_108 = arith.constant 0 : i32
      %dma_wait3A_109 = tpu.memref_slice %run_scoped3A_8[%rem3A_105, %dma_wait3A, %dma_wait3A_108] : memref<2x128x64xf32, #tpu.memory_space<vmem>> -> memref<1x128x64xf32, #tpu.memory_space<vmem>>
      %dma_wait3A_110 = tpu.memref_squeeze %dma_wait3A_109 : memref<1x128x64xf32, #tpu.memory_space<vmem>> -> memref<128x64xf32, #tpu.memory_space<vmem>>
      %dma_wait3A_111 = arith.constant 0 : i32
      %dma_wait3A_112 = tpu.memref_slice %arg4[%mul3A_107, %dma_wait3A_111] : memref<16384x64xf32, #tpu.memory_space<hbm>> -> memref<128x64xf32, #tpu.memory_space<hbm>>
      %dma_wait3A_113 = tpu.memref_slice %run_scoped3A_9[%rem3A_105] : memref<2x!tpu.dma_semaphore, #tpu.memory_space<semaphore_mem>> -> memref<1x!tpu.dma_semaphore, #tpu.memory_space<semaphore_mem>>
      %dma_wait3A_114 = tpu.memref_squeeze %dma_wait3A_113 : memref<1x!tpu.dma_semaphore, #tpu.memory_space<semaphore_mem>> -> memref<!tpu.dma_semaphore, #tpu.memory_space<semaphore_mem>>
      %dma_wait3A_115 = arith.constant 0 : i32
      %dma_wait3A_116 = tpu.memref_slice %arg4[%mul3A_107, %dma_wait3A_115] : memref<16384x64xf32, #tpu.memory_space<hbm>> -> memref<128x64xf32, #tpu.memory_space<hbm>>
      %dma_wait3A_117 = arith.constant 0 : i32
      %dma_wait3A_118 = arith.constant 0 : i32
      %dma_wait3A_119 = tpu.memref_slice %run_scoped3A_8[%rem3A_105, %dma_wait3A_117, %dma_wait3A_118] : memref<2x128x64xf32, #tpu.memory_space<vmem>> -> memref<1x128x64xf32, #tpu.memory_space<vmem>>
      %dma_wait3A_120 = tpu.memref_squeeze %dma_wait3A_119 : memref<1x128x64xf32, #tpu.memory_space<vmem>> -> memref<128x64xf32, #tpu.memory_space<vmem>>
      tpu.wait_dma2 semaphore(%dma_wait3A_114 : memref<!tpu.dma_semaphore, #tpu.memory_space<semaphore_mem>>) src(%dma_wait3A_120 : memref<128x64xf32, #tpu.memory_space<vmem>>) dst(%dma_wait3A_116 : memref<128x64xf32, #tpu.memory_space<hbm>>)
      "tpu.trace_stop"() : () -> ()
      tpu.yield
    }) : () -> ()
    return
  }
}

#map = affine_map<(d0, d1) -> (0, 0)>
module attributes {stable_mosaic.version = 14 : i64} {
  func.func @gather_kernel(%arg0: i32, %arg1: i32, %arg2: memref<1024x128xf32, #tpu.memory_space<hbm>>, %arg3: memref<1x16384xi32, #tpu.memory_space<hbm>>, %arg4: memref<16384x64xf32, #tpu.memory_space<hbm>>, %arg5: memref<128x128xf32, #tpu.memory_space<vmem>>) attributes {dimension_semantics = [#tpu.dimension_semantics<core_parallel>, #tpu.dimension_semantics<subcore_parallel>], iteration_bounds = array<i64: 2, 16>, scalar_prefetch = 0 : i64, scratch_operands = 1 : i64, tpu.core_type = #tpu.core_type<sc_vector_subcore>, window_params = [{transform_indices = #map}, {transform_indices = #map}, {transform_indices = #map}]} {
    %mul3A = arith.constant 1 : i32
    %mul3A_0 = arith.muli %arg1, %mul3A : i32
    %add3A = arith.constant 0 : i32
    %add3A_1 = arith.addi %add3A, %mul3A_0 : i32
    %mul3A_2 = arith.constant 16 : i32
    %mul3A_3 = arith.muli %arg0, %mul3A_2 : i32
    %add3A_4 = arith.addi %add3A_1, %mul3A_3 : i32
    %mul3A_5 = arith.constant 4 : i32
    %mul3A_6 = arith.muli %add3A_4, %mul3A_5 : i32
    "tpu.region"() ({
      %run_scoped3A = memref.alloca() : memref<2x1x128xi32, #tpu.memory_space<vmem>>
      %run_scoped3A_7 = tpu.sem_alloc : memref<2x!tpu.dma_semaphore, #tpu.memory_space<semaphore_mem>>
      %run_scoped3A_8 = memref.alloca() : memref<2x128x64xf32, #tpu.memory_space<vmem>>
      %run_scoped3A_9 = tpu.sem_alloc : memref<2x!tpu.dma_semaphore, #tpu.memory_space<semaphore_mem>>
      %add3A_10 = arith.constant 0 : i32
      %add3A_11 = arith.addi %add3A_10, %mul3A_6 : i32
      %select_n3A = arith.constant true
      %select_n3A_12 = arith.constant 0 : i32
      %select_n3A_13 = arith.constant -1 : i32
      %select_n3A_14 = arith.select %select_n3A, %select_n3A_13, %select_n3A_12 : i32
      %eq3A = arith.constant -1 : i32
      %eq3A_15 = arith.cmpi eq, %select_n3A_14, %eq3A : i32
      %select_n3A_16 = arith.constant 3 : i32
      %select_n3A_17 = arith.select %eq3A_15, %select_n3A_16, %select_n3A_14 : i32
      %add3A_18 = arith.addi %select_n3A_17, %mul3A_6 : i32
      %select_n3A_19 = arith.constant true
      %select_n3A_20 = arith.constant 0 : i32
      %select_n3A_21 = arith.constant 1 : i32
      %select_n3A_22 = arith.select %select_n3A_19, %select_n3A_21, %select_n3A_20 : i32
      %eq3A_23 = arith.constant 4 : i32
      %eq3A_24 = arith.cmpi eq, %select_n3A_22, %eq3A_23 : i32
      %select_n3A_25 = arith.constant 0 : i32
      %select_n3A_26 = arith.select %eq3A_24, %select_n3A_25, %select_n3A_22 : i32
      %add3A_27 = arith.addi %select_n3A_26, %mul3A_6 : i32
      %add3A_28 = arith.constant 1 : i32
      %add3A_29 = arith.addi %select_n3A_26, %add3A_28 : i32
      %select_n3A_30 = arith.constant true
      %select_n3A_31 = arith.select %select_n3A_30, %add3A_29, %select_n3A_26 : i32
      %eq3A_32 = arith.constant 4 : i32
      %eq3A_33 = arith.cmpi eq, %select_n3A_31, %eq3A_32 : i32
      %select_n3A_34 = arith.constant 0 : i32
      %select_n3A_35 = arith.select %eq3A_33, %select_n3A_34, %select_n3A_31 : i32
      %add3A_36 = arith.addi %select_n3A_35, %mul3A_6 : i32
      "tpu.trace_start"() <{level = 10 : i32, message = "ep_initialize_0"}> : () -> ()
      %rem3A = arith.constant 0 : i32
      %rem3A_37 = arith.constant 2 : i32
      %rem3A_38 = arith.remui %rem3A, %rem3A_37 : i32
      %mul3A_39 = arith.constant 128 : i32
      %mul3A_40 = arith.muli %mul3A_39, %add3A_11 : i32
      %dma_start3A = arith.constant 0 : i32
      %dma_start3A_41 = arith.constant 0 : i32
      %dma_start3A_42 = tpu.memref_slice %run_scoped3A[%rem3A_38, %dma_start3A, %dma_start3A_41] : memref<2x1x128xi32, #tpu.memory_space<vmem>> -> memref<1x1x128xi32, #tpu.memory_space<vmem>>
      %dma_start3A_43 = tpu.memref_squeeze %dma_start3A_42 : memref<1x1x128xi32, #tpu.memory_space<vmem>> -> memref<1x128xi32, #tpu.memory_space<vmem>>
      %dma_start3A_44 = arith.constant 0 : i32
      %dma_start3A_45 = tpu.memref_slice %arg3[%dma_start3A_44, %mul3A_40] : memref<1x16384xi32, #tpu.memory_space<hbm>> -> memref<1x128xi32, #tpu.memory_space<hbm>>
      %dma_start3A_46 = tpu.memref_slice %run_scoped3A_7[%rem3A_38] : memref<2x!tpu.dma_semaphore, #tpu.memory_space<semaphore_mem>> -> memref<1x!tpu.dma_semaphore, #tpu.memory_space<semaphore_mem>>
      %dma_start3A_47 = tpu.memref_squeeze %dma_start3A_46 : memref<1x!tpu.dma_semaphore, #tpu.memory_space<semaphore_mem>> -> memref<!tpu.dma_semaphore, #tpu.memory_space<semaphore_mem>>
      %dma_start3A_48 = arith.constant 0 : i32
      %dma_start3A_49 = arith.constant 0 : i32
      %dma_start3A_50 = tpu.memref_slice %run_scoped3A[%rem3A_38, %dma_start3A_48, %dma_start3A_49] : memref<2x1x128xi32, #tpu.memory_space<vmem>> -> memref<1x1x128xi32, #tpu.memory_space<vmem>>
      %dma_start3A_51 = tpu.memref_squeeze %dma_start3A_50 : memref<1x1x128xi32, #tpu.memory_space<vmem>> -> memref<1x128xi32, #tpu.memory_space<vmem>>
      %dma_start3A_52 = arith.constant 0 : i32
      %dma_start3A_53 = tpu.memref_slice %arg3[%dma_start3A_52, %mul3A_40] : memref<1x16384xi32, #tpu.memory_space<hbm>> -> memref<1x128xi32, #tpu.memory_space<hbm>>
      tpu.enqueue_dma source(%dma_start3A_53 : memref<1x128xi32, #tpu.memory_space<hbm>>) target(%dma_start3A_51 : memref<1x128xi32, #tpu.memory_space<vmem>>) target_semaphore(%dma_start3A_47 : memref<!tpu.dma_semaphore, #tpu.memory_space<semaphore_mem>>)
      %add3A_54 = arith.constant 0 : i32
      %add3A_55 = arith.constant 1 : i32
      %add3A_56 = arith.addi %add3A_54, %add3A_55 : i32
      %select_n3A_57 = arith.constant true
      %select_n3A_58 = arith.constant 0 : i32
      %select_n3A_59 = arith.select %select_n3A_57, %add3A_56, %select_n3A_58 : i32
      "tpu.trace_stop"() : () -> ()
      %scan3A = arith.constant 0 : i32
      %scan3A_60 = arith.constant 0 : i32
      %scan3A_61 = arith.constant 0 : i32
      %scan3A_62 = arith.constant 0 : i32
      %scan3A_63 = arith.constant 0 : i32
      %scan3A_64 = arith.constant 4 : i32
      %scan3A_65 = arith.addi %scan3A_63, %scan3A_64 : i32
      %scan3A_66 = arith.constant 1 : i32
      %scan3A_67:5 = scf.for %scan3A_121 = %scan3A_63 to %scan3A_65 step %scan3A_66 iter_args(%scan3A_122 = %select_n3A_59, %scan3A_123 = %scan3A, %scan3A_124 = %scan3A_60, %scan3A_125 = %scan3A_61, %scan3A_126 = %scan3A_62) -> (i32, i32, i32, i32, i32)  : i32 {
        %eq3A_127 = arith.constant 0 : i32
        %eq3A_128 = arith.cmpi eq, %scan3A_121, %eq3A_127 : i32
        %eq3A_129 = arith.constant 3 : i32
        %eq3A_130 = arith.cmpi eq, %scan3A_121, %eq3A_129 : i32
        %add3A_131 = arith.addi %scan3A_126, %mul3A_6 : i32
        %sub3A_132 = arith.constant 1 : i32
        %sub3A_133 = arith.subi %scan3A_126, %sub3A_132 : i32
        %select_n3A_134 = arith.constant true
        %select_n3A_135 = arith.select %select_n3A_134, %sub3A_133, %scan3A_126 : i32
        %eq3A_136 = arith.constant -1 : i32
        %eq3A_137 = arith.cmpi eq, %select_n3A_135, %eq3A_136 : i32
        %select_n3A_138 = arith.constant 3 : i32
        %select_n3A_139 = arith.select %eq3A_137, %select_n3A_138, %select_n3A_135 : i32
        %add3A_140 = arith.addi %select_n3A_139, %mul3A_6 : i32
        %add3A_141 = arith.constant 1 : i32
        %add3A_142 = arith.addi %scan3A_126, %add3A_141 : i32
        %select_n3A_143 = arith.constant true
        %select_n3A_144 = arith.select %select_n3A_143, %add3A_142, %scan3A_126 : i32
        %eq3A_145 = arith.constant 4 : i32
        %eq3A_146 = arith.cmpi eq, %select_n3A_144, %eq3A_145 : i32
        %select_n3A_147 = arith.constant 0 : i32
        %select_n3A_148 = arith.select %eq3A_146, %select_n3A_147, %select_n3A_144 : i32
        %add3A_149 = arith.addi %select_n3A_148, %mul3A_6 : i32
        %add3A_150 = arith.constant 1 : i32
        %add3A_151 = arith.addi %select_n3A_148, %add3A_150 : i32
        %select_n3A_152 = arith.constant true
        %select_n3A_153 = arith.select %select_n3A_152, %add3A_151, %select_n3A_148 : i32
        %eq3A_154 = arith.constant 4 : i32
        %eq3A_155 = arith.cmpi eq, %select_n3A_153, %eq3A_154 : i32
        %select_n3A_156 = arith.constant 0 : i32
        %select_n3A_157 = arith.select %eq3A_155, %select_n3A_156, %select_n3A_153 : i32
        %add3A_158 = arith.addi %select_n3A_157, %mul3A_6 : i32
        %ne3A = arith.cmpi ne, %add3A_131, %add3A_149 : i32
        %or3A = arith.constant false
        %or3A_159 = arith.ori %or3A, %ne3A : i1
        %ge3A = arith.constant 3 : i32
        %ge3A_160 = arith.cmpi sge, %scan3A_121, %ge3A : i32
        %not3A = arith.constant true
        %not3A_161 = arith.xori %ge3A_160, %not3A : i1
        %and3A = arith.andi %or3A_159, %not3A_161 : i1
        %convert_element_type3A = arith.extui %and3A : i1 to i32
        %cond3A = arith.constant 0 : i32
        %cond3A_162 = arith.cmpi ne, %convert_element_type3A, %cond3A : i32
        scf.if %cond3A_162 {
          "tpu.trace_start"() <{level = 10 : i32, message = "ep_copy_in"}> : () -> ()
          %rem3A_272 = arith.constant 2 : i32
          %rem3A_273 = arith.remui %scan3A_122, %rem3A_272 : i32
          %mul3A_274 = arith.constant 128 : i32
          %mul3A_275 = arith.muli %mul3A_274, %add3A_149 : i32
          %dma_start3A_276 = arith.constant 0 : i32
          %dma_start3A_277 = arith.constant 0 : i32
          %dma_start3A_278 = tpu.memref_slice %run_scoped3A[%rem3A_273, %dma_start3A_276, %dma_start3A_277] : memref<2x1x128xi32, #tpu.memory_space<vmem>> -> memref<1x1x128xi32, #tpu.memory_space<vmem>>
          %dma_start3A_279 = tpu.memref_squeeze %dma_start3A_278 : memref<1x1x128xi32, #tpu.memory_space<vmem>> -> memref<1x128xi32, #tpu.memory_space<vmem>>
          %dma_start3A_280 = arith.constant 0 : i32
          %dma_start3A_281 = tpu.memref_slice %arg3[%dma_start3A_280, %mul3A_275] : memref<1x16384xi32, #tpu.memory_space<hbm>> -> memref<1x128xi32, #tpu.memory_space<hbm>>
          %dma_start3A_282 = tpu.memref_slice %run_scoped3A_7[%rem3A_273] : memref<2x!tpu.dma_semaphore, #tpu.memory_space<semaphore_mem>> -> memref<1x!tpu.dma_semaphore, #tpu.memory_space<semaphore_mem>>
          %dma_start3A_283 = tpu.memref_squeeze %dma_start3A_282 : memref<1x!tpu.dma_semaphore, #tpu.memory_space<semaphore_mem>> -> memref<!tpu.dma_semaphore, #tpu.memory_space<semaphore_mem>>
          %dma_start3A_284 = arith.constant 0 : i32
          %dma_start3A_285 = arith.constant 0 : i32
          %dma_start3A_286 = tpu.memref_slice %run_scoped3A[%rem3A_273, %dma_start3A_284, %dma_start3A_285] : memref<2x1x128xi32, #tpu.memory_space<vmem>> -> memref<1x1x128xi32, #tpu.memory_space<vmem>>
          %dma_start3A_287 = tpu.memref_squeeze %dma_start3A_286 : memref<1x1x128xi32, #tpu.memory_space<vmem>> -> memref<1x128xi32, #tpu.memory_space<vmem>>
          %dma_start3A_288 = arith.constant 0 : i32
          %dma_start3A_289 = tpu.memref_slice %arg3[%dma_start3A_288, %mul3A_275] : memref<1x16384xi32, #tpu.memory_space<hbm>> -> memref<1x128xi32, #tpu.memory_space<hbm>>
          tpu.enqueue_dma source(%dma_start3A_289 : memref<1x128xi32, #tpu.memory_space<hbm>>) target(%dma_start3A_287 : memref<1x128xi32, #tpu.memory_space<vmem>>) target_semaphore(%dma_start3A_283 : memref<!tpu.dma_semaphore, #tpu.memory_space<semaphore_mem>>)
          "tpu.trace_stop"() : () -> ()
        } else {
        }
        %and3A_163 = arith.constant true
        %and3A_164 = arith.andi %and3A, %and3A_163 : i1
        %add3A_165 = arith.constant 1 : i32
        %add3A_166 = arith.addi %scan3A_122, %add3A_165 : i32
        %select_n3A_167 = arith.select %and3A_164, %add3A_166, %scan3A_122 : i32
        %ne3A_168 = arith.cmpi ne, %add3A_131, %add3A_149 : i32
        %or3A_169 = arith.constant false
        %or3A_170 = arith.ori %or3A_169, %ne3A_168 : i1
        %or3A_171 = arith.constant false
        %or3A_172 = arith.ori %or3A_170, %or3A_171 : i1
        %ge3A_173 = arith.constant 3 : i32
        %ge3A_174 = arith.cmpi sge, %scan3A_121, %ge3A_173 : i32
        %not3A_175 = arith.constant true
        %not3A_176 = arith.xori %ge3A_174, %not3A_175 : i1
        %and3A_177 = arith.andi %or3A_172, %not3A_176 : i1
        %ne3A_178 = arith.cmpi ne, %add3A_131, %add3A_140 : i32
        %or3A_179 = arith.constant false
        %or3A_180 = arith.ori %or3A_179, %ne3A_178 : i1
        %or3A_181 = arith.ori %or3A_180, %eq3A_128 : i1
        %convert_element_type3A_182 = arith.extui %or3A_181 : i1 to i32
        %cond3A_183 = arith.constant 0 : i32
        %cond3A_184 = arith.cmpi ne, %convert_element_type3A_182, %cond3A_183 : i32
        scf.if %cond3A_184 {
          "tpu.trace_start"() <{level = 10 : i32, message = "ep_wait_in"}> : () -> ()
          %mul3A_272 = arith.constant 128 : i32
          %mul3A_273 = arith.muli %mul3A_272, %add3A_131 : i32
          %rem3A_274 = arith.constant 2 : i32
          %rem3A_275 = arith.remui %scan3A_123, %rem3A_274 : i32
          %dma_wait3A_276 = arith.constant 0 : i32
          %dma_wait3A_277 = arith.constant 0 : i32
          %dma_wait3A_278 = tpu.memref_slice %run_scoped3A[%rem3A_275, %dma_wait3A_276, %dma_wait3A_277] : memref<2x1x128xi32, #tpu.memory_space<vmem>> -> memref<1x1x128xi32, #tpu.memory_space<vmem>>
          %dma_wait3A_279 = tpu.memref_squeeze %dma_wait3A_278 : memref<1x1x128xi32, #tpu.memory_space<vmem>> -> memref<1x128xi32, #tpu.memory_space<vmem>>
          %dma_wait3A_280 = arith.constant 0 : i32
          %dma_wait3A_281 = tpu.memref_slice %arg3[%dma_wait3A_280, %mul3A_273] : memref<1x16384xi32, #tpu.memory_space<hbm>> -> memref<1x128xi32, #tpu.memory_space<hbm>>
          %dma_wait3A_282 = tpu.memref_slice %run_scoped3A_7[%rem3A_275] : memref<2x!tpu.dma_semaphore, #tpu.memory_space<semaphore_mem>> -> memref<1x!tpu.dma_semaphore, #tpu.memory_space<semaphore_mem>>
          %dma_wait3A_283 = tpu.memref_squeeze %dma_wait3A_282 : memref<1x!tpu.dma_semaphore, #tpu.memory_space<semaphore_mem>> -> memref<!tpu.dma_semaphore, #tpu.memory_space<semaphore_mem>>
          %dma_wait3A_284 = arith.constant 0 : i32
          %dma_wait3A_285 = arith.constant 0 : i32
          %dma_wait3A_286 = tpu.memref_slice %run_scoped3A[%rem3A_275, %dma_wait3A_284, %dma_wait3A_285] : memref<2x1x128xi32, #tpu.memory_space<vmem>> -> memref<1x1x128xi32, #tpu.memory_space<vmem>>
          %dma_wait3A_287 = tpu.memref_squeeze %dma_wait3A_286 : memref<1x1x128xi32, #tpu.memory_space<vmem>> -> memref<1x128xi32, #tpu.memory_space<vmem>>
          %dma_wait3A_288 = arith.constant 0 : i32
          %dma_wait3A_289 = tpu.memref_slice %arg3[%dma_wait3A_288, %mul3A_273] : memref<1x16384xi32, #tpu.memory_space<hbm>> -> memref<1x128xi32, #tpu.memory_space<hbm>>
          tpu.wait_dma2 semaphore(%dma_wait3A_283 : memref<!tpu.dma_semaphore, #tpu.memory_space<semaphore_mem>>) src(%dma_wait3A_289 : memref<1x128xi32, #tpu.memory_space<hbm>>) dst(%dma_wait3A_287 : memref<1x128xi32, #tpu.memory_space<vmem>>)
          "tpu.trace_stop"() : () -> ()
        } else {
        }
        %ne3A_185 = arith.cmpi ne, %add3A_131, %add3A_140 : i32
        %or3A_186 = arith.constant false
        %or3A_187 = arith.ori %or3A_186, %ne3A_185 : i1
        %or3A_188 = arith.constant false
        %or3A_189 = arith.ori %or3A_187, %or3A_188 : i1
        %or3A_190 = arith.ori %or3A_189, %eq3A_128 : i1
        %convert_element_type3A_191 = arith.extui %or3A_190 : i1 to i32
        %cond3A_192 = arith.constant 0 : i32
        %cond3A_193 = arith.cmpi ne, %convert_element_type3A_191, %cond3A_192 : i32
        scf.if %cond3A_193 {
        } else {
        }
        %rem3A_194 = arith.constant 2 : i32
        %rem3A_195 = arith.remui %scan3A_123, %rem3A_194 : i32
        %rem3A_196 = arith.constant 2 : i32
        %rem3A_197 = arith.remui %scan3A_124, %rem3A_196 : i32
        %run_scoped3A_198 = arith.constant 0 : i32
        "tpu.trace_start"() <{level = 10 : i32, message = "ep_run_kernel"}> : () -> ()
        "tpu.region"() ({
          %run_scoped3A_272 = tpu.sem_alloc : memref<!tpu.dma_semaphore, #tpu.memory_space<semaphore_mem>>
          %dma_start3A_273 = arith.constant 0 : i32
          %dma_start3A_274 = arith.constant 0 : i32
          %dma_start3A_275 = tpu.memref_slice %run_scoped3A[%rem3A_195, %dma_start3A_273, %dma_start3A_274] : memref<2x1x128xi32, #tpu.memory_space<vmem>> -> memref<1x1x128xi32, #tpu.memory_space<vmem>>
          %dma_start3A_276 = tpu.memref_squeeze %dma_start3A_275 : memref<1x1x128xi32, #tpu.memory_space<vmem>> -> memref<1x128xi32, #tpu.memory_space<vmem>>
          %dma_start3A_277 = arith.constant 0 : i32
          %dma_start3A_278 = tpu.memref_slice %dma_start3A_276[%run_scoped3A_198, %dma_start3A_277] : memref<1x128xi32, #tpu.memory_space<vmem>> -> memref<1x128xi32, #tpu.memory_space<vmem>>
          %dma_start3A_279 = tpu.memref_squeeze %dma_start3A_278 : memref<1x128xi32, #tpu.memory_space<vmem>> -> memref<128xi32, #tpu.memory_space<vmem>>
          %dma_start3A_280 = arith.constant 0 : i32
          %dma_start3A_281 = arith.constant 0 : i32
          %dma_start3A_282 = tpu.memref_slice %arg2[%dma_start3A_280, %dma_start3A_281] : memref<1024x128xf32, #tpu.memory_space<hbm>> -> memref<1024x128xf32, #tpu.memory_space<hbm>>
          tpu.enqueue_indirect_dma source(%dma_start3A_282 : memref<1024x128xf32, #tpu.memory_space<hbm>>) target(%arg5 : memref<128x128xf32, #tpu.memory_space<vmem>>) offsets(%dma_start3A_279 : memref<128xi32, #tpu.memory_space<vmem>>) semaphore(%run_scoped3A_272 : memref<!tpu.dma_semaphore, #tpu.memory_space<semaphore_mem>>)
          %dma_wait3A_283 = arith.constant 0 : i32
          %dma_wait3A_284 = arith.constant 0 : i32
          %dma_wait3A_285 = tpu.memref_slice %run_scoped3A[%rem3A_195, %dma_wait3A_283, %dma_wait3A_284] : memref<2x1x128xi32, #tpu.memory_space<vmem>> -> memref<1x1x128xi32, #tpu.memory_space<vmem>>
          %dma_wait3A_286 = tpu.memref_squeeze %dma_wait3A_285 : memref<1x1x128xi32, #tpu.memory_space<vmem>> -> memref<1x128xi32, #tpu.memory_space<vmem>>
          %dma_wait3A_287 = arith.constant 0 : i32
          %dma_wait3A_288 = tpu.memref_slice %dma_wait3A_286[%run_scoped3A_198, %dma_wait3A_287] : memref<1x128xi32, #tpu.memory_space<vmem>> -> memref<1x128xi32, #tpu.memory_space<vmem>>
          %dma_wait3A_289 = tpu.memref_squeeze %dma_wait3A_288 : memref<1x128xi32, #tpu.memory_space<vmem>> -> memref<128xi32, #tpu.memory_space<vmem>>
          %dma_wait3A_290 = arith.constant 0 : i32
          %dma_wait3A_291 = arith.constant 0 : i32
          %dma_wait3A_292 = tpu.memref_slice %arg2[%dma_wait3A_290, %dma_wait3A_291] : memref<1024x128xf32, #tpu.memory_space<hbm>> -> memref<1024x128xf32, #tpu.memory_space<hbm>>
          tpu.wait_indirect_dma semaphore(%run_scoped3A_272 : memref<!tpu.dma_semaphore, #tpu.memory_space<semaphore_mem>>) src(%dma_wait3A_292 : memref<1024x128xf32, #tpu.memory_space<hbm>>) dst(%arg5 : memref<128x128xf32, #tpu.memory_space<vmem>>)
          tpu.yield
        }) : () -> ()
        %get3A = arith.constant 0 : index
        %get3A_199 = arith.constant 0 : index
        %get3A_200 = tpu.vector_load %arg5[%get3A, %get3A_199] {strides = array<i32>} : memref<128x128xf32, #tpu.memory_space<vmem>>, vector<128x64xf32>,
        %get3A_201 = vector.shape_cast %get3A_200 : vector<128x64xf32> to vector<128x64xf32>
        %swap3A = arith.index_cast %rem3A_197 : i32 to index
        %swap3A_202 = arith.constant 0 : index
        %swap3A_203 = arith.constant 0 : index
        %swap3A_204 = tpu.vector_load %run_scoped3A_8[%swap3A, %swap3A_202, %swap3A_203] {strides = array<i32>} : memref<2x128x64xf32, #tpu.memory_space<vmem>>, vector<1x128x64xf32>,
        %swap3A_205 = vector.shape_cast %swap3A_204 : vector<1x128x64xf32> to vector<128x64xf32>
        %swap3A_206 = vector.shape_cast %get3A_201 : vector<128x64xf32> to vector<1x128x64xf32>
        tpu.vector_store %run_scoped3A_8[%swap3A, %swap3A_202, %swap3A_203], %swap3A_206 {strides = array<i32>} : memref<2x128x64xf32, #tpu.memory_space<vmem>>, vector<1x128x64xf32>,
        "tpu.trace_stop"() : () -> ()
        %ne3A_207 = arith.cmpi ne, %add3A_131, %add3A_149 : i32
        %or3A_208 = arith.constant false
        %or3A_209 = arith.ori %or3A_208, %ne3A_207 : i1
        %or3A_210 = arith.ori %or3A_209, %eq3A_130 : i1
        %convert_element_type3A_211 = arith.extui %or3A_210 : i1 to i32
        %cond3A_212 = arith.constant 0 : i32
        %cond3A_213 = arith.cmpi ne, %convert_element_type3A_211, %cond3A_212 : i32
        scf.if %cond3A_213 {
        } else {
        }
        %and3A_214 = arith.constant false
        %and3A_215 = arith.andi %or3A_210, %and3A_214 : i1
        %ne3A_216 = arith.cmpi ne, %add3A_131, %add3A_149 : i32
        %or3A_217 = arith.constant false
        %or3A_218 = arith.ori %or3A_217, %ne3A_216 : i1
        %or3A_219 = arith.constant false
        %or3A_220 = arith.ori %or3A_218, %or3A_219 : i1
        %or3A_221 = arith.ori %or3A_220, %eq3A_130 : i1
        %convert_element_type3A_222 = arith.extui %or3A_221 : i1 to i32
        %cond3A_223 = arith.constant 0 : i32
        %cond3A_224 = arith.cmpi ne, %convert_element_type3A_222, %cond3A_223 : i32
        scf.if %cond3A_224 {
          "tpu.trace_start"() <{level = 10 : i32, message = "ep_copy_out"}> : () -> ()
          %rem3A_272 = arith.constant 2 : i32
          %rem3A_273 = arith.remui %scan3A_124, %rem3A_272 : i32
          %mul3A_274 = arith.constant 128 : i32
          %mul3A_275 = arith.muli %mul3A_274, %add3A_131 : i32
          %dma_start3A_276 = arith.constant 0 : i32
          %dma_start3A_277 = arith.constant 0 : i32
          %dma_start3A_278 = tpu.memref_slice %run_scoped3A_8[%rem3A_273, %dma_start3A_276, %dma_start3A_277] : memref<2x128x64xf32, #tpu.memory_space<vmem>> -> memref<1x128x64xf32, #tpu.memory_space<vmem>>
          %dma_start3A_279 = tpu.memref_squeeze %dma_start3A_278 : memref<1x128x64xf32, #tpu.memory_space<vmem>> -> memref<128x64xf32, #tpu.memory_space<vmem>>
          %dma_start3A_280 = arith.constant 0 : i32
          %dma_start3A_281 = tpu.memref_slice %arg4[%mul3A_275, %dma_start3A_280] : memref<16384x64xf32, #tpu.memory_space<hbm>> -> memref<128x64xf32, #tpu.memory_space<hbm>>
          %dma_start3A_282 = tpu.memref_slice %run_scoped3A_9[%rem3A_273] : memref<2x!tpu.dma_semaphore, #tpu.memory_space<semaphore_mem>> -> memref<1x!tpu.dma_semaphore, #tpu.memory_space<semaphore_mem>>
          %dma_start3A_283 = tpu.memref_squeeze %dma_start3A_282 : memref<1x!tpu.dma_semaphore, #tpu.memory_space<semaphore_mem>> -> memref<!tpu.dma_semaphore, #tpu.memory_space<semaphore_mem>>
          %dma_start3A_284 = arith.constant 0 : i32
          %dma_start3A_285 = tpu.memref_slice %arg4[%mul3A_275, %dma_start3A_284] : memref<16384x64xf32, #tpu.memory_space<hbm>> -> memref<128x64xf32, #tpu.memory_space<hbm>>
          %dma_start3A_286 = arith.constant 0 : i32
          %dma_start3A_287 = arith.constant 0 : i32
          %dma_start3A_288 = tpu.memref_slice %run_scoped3A_8[%rem3A_273, %dma_start3A_286, %dma_start3A_287] : memref<2x128x64xf32, #tpu.memory_space<vmem>> -> memref<1x128x64xf32, #tpu.memory_space<vmem>>
          %dma_start3A_289 = tpu.memref_squeeze %dma_start3A_288 : memref<1x128x64xf32, #tpu.memory_space<vmem>> -> memref<128x64xf32, #tpu.memory_space<vmem>>
          tpu.enqueue_dma source(%dma_start3A_289 : memref<128x64xf32, #tpu.memory_space<vmem>>) target(%dma_start3A_285 : memref<128x64xf32, #tpu.memory_space<hbm>>) target_semaphore(%dma_start3A_283 : memref<!tpu.dma_semaphore, #tpu.memory_space<semaphore_mem>>)
          "tpu.trace_stop"() : () -> ()
        } else {
        }
        %and3A_225 = arith.constant true
        %and3A_226 = arith.andi %or3A_221, %and3A_225 : i1
        %add3A_227 = arith.constant 1 : i32
        %add3A_228 = arith.addi %scan3A_124, %add3A_227 : i32
        %select_n3A_229 = arith.select %and3A_226, %add3A_228, %scan3A_124 : i32
        %ne3A_230 = arith.cmpi ne, %add3A_131, %add3A_140 : i32
        %or3A_231 = arith.constant false
        %or3A_232 = arith.ori %or3A_231, %ne3A_230 : i1
        %not3A_233 = arith.constant true
        %not3A_234 = arith.xori %eq3A_128, %not3A_233 : i1
        %and3A_235 = arith.andi %or3A_232, %not3A_234 : i1
        %convert_element_type3A_236 = arith.extui %and3A_235 : i1 to i32
        %cond3A_237 = arith.constant 0 : i32
        %cond3A_238 = arith.cmpi ne, %convert_element_type3A_236, %cond3A_237 : i32
        scf.if %cond3A_238 {
        } else {
        }
        %and3A_239 = arith.constant false
        %and3A_240 = arith.andi %and3A_235, %and3A_239 : i1
        %ne3A_241 = arith.cmpi ne, %add3A_131, %add3A_140 : i32
        %or3A_242 = arith.constant false
        %or3A_243 = arith.ori %or3A_242, %ne3A_241 : i1
        %or3A_244 = arith.constant false
        %or3A_245 = arith.ori %or3A_243, %or3A_244 : i1
        %not3A_246 = arith.constant true
        %not3A_247 = arith.xori %eq3A_128, %not3A_246 : i1
        %and3A_248 = arith.andi %or3A_245, %not3A_247 : i1
        %convert_element_type3A_249 = arith.extui %and3A_248 : i1 to i32
        %cond3A_250 = arith.constant 0 : i32
        %cond3A_251 = arith.cmpi ne, %convert_element_type3A_249, %cond3A_250 : i32
        scf.if %cond3A_251 {
          "tpu.trace_start"() <{level = 10 : i32, message = "ep_wait_out"}> : () -> ()
          %rem3A_272 = arith.constant 2 : i32
          %rem3A_273 = arith.remui %scan3A_125, %rem3A_272 : i32
          %mul3A_274 = arith.constant 128 : i32
          %mul3A_275 = arith.muli %mul3A_274, %add3A_140 : i32
          %dma_wait3A_276 = arith.constant 0 : i32
          %dma_wait3A_277 = arith.constant 0 : i32
          %dma_wait3A_278 = tpu.memref_slice %run_scoped3A_8[%rem3A_273, %dma_wait3A_276, %dma_wait3A_277] : memref<2x128x64xf32, #tpu.memory_space<vmem>> -> memref<1x128x64xf32, #tpu.memory_space<vmem>>
          %dma_wait3A_279 = tpu.memref_squeeze %dma_wait3A_278 : memref<1x128x64xf32, #tpu.memory_space<vmem>> -> memref<128x64xf32, #tpu.memory_space<vmem>>
          %dma_wait3A_280 = arith.constant 0 : i32
          %dma_wait3A_281 = tpu.memref_slice %arg4[%mul3A_275, %dma_wait3A_280] : memref<16384x64xf32, #tpu.memory_space<hbm>> -> memref<128x64xf32, #tpu.memory_space<hbm>>
          %dma_wait3A_282 = tpu.memref_slice %run_scoped3A_9[%rem3A_273] : memref<2x!tpu.dma_semaphore, #tpu.memory_space<semaphore_mem>> -> memref<1x!tpu.dma_semaphore, #tpu.memory_space<semaphore_mem>>
          %dma_wait3A_283 = tpu.memref_squeeze %dma_wait3A_282 : memref<1x!tpu.dma_semaphore, #tpu.memory_space<semaphore_mem>> -> memref<!tpu.dma_semaphore, #tpu.memory_space<semaphore_mem>>
          %dma_wait3A_284 = arith.constant 0 : i32
          %dma_wait3A_285 = tpu.memref_slice %arg4[%mul3A_275, %dma_wait3A_284] : memref<16384x64xf32, #tpu.memory_space<hbm>> -> memref<128x64xf32, #tpu.memory_space<hbm>>
          %dma_wait3A_286 = arith.constant 0 : i32
          %dma_wait3A_287 = arith.constant 0 : i32
          %dma_wait3A_288 = tpu.memref_slice %run_scoped3A_8[%rem3A_273, %dma_wait3A_286, %dma_wait3A_287] : memref<2x128x64xf32, #tpu.memory_space<vmem>> -> memref<1x128x64xf32, #tpu.memory_space<vmem>>
          %dma_wait3A_289 = tpu.memref_squeeze %dma_wait3A_288 : memref<1x128x64xf32, #tpu.memory_space<vmem>> -> memref<128x64xf32, #tpu.memory_space<vmem>>
          tpu.wait_dma2 semaphore(%dma_wait3A_283 : memref<!tpu.dma_semaphore, #tpu.memory_space<semaphore_mem>>) src(%dma_wait3A_289 : memref<128x64xf32, #tpu.memory_space<vmem>>) dst(%dma_wait3A_285 : memref<128x64xf32, #tpu.memory_space<hbm>>)
          "tpu.trace_stop"() : () -> ()
        } else {
        }
        %and3A_252 = arith.constant true
        %and3A_253 = arith.andi %and3A_248, %and3A_252 : i1
        %add3A_254 = arith.constant 1 : i32
        %add3A_255 = arith.addi %scan3A_125, %add3A_254 : i32
        %select_n3A_256 = arith.select %and3A_253, %add3A_255, %scan3A_125 : i32
        %ne3A_257 = arith.cmpi ne, %add3A_131, %add3A_149 : i32
        %or3A_258 = arith.constant false
        %or3A_259 = arith.ori %or3A_258, %ne3A_257 : i1
        %or3A_260 = arith.ori %or3A_259, %eq3A_130 : i1
        %add3A_261 = arith.constant 1 : i32
        %add3A_262 = arith.addi %scan3A_123, %add3A_261 : i32
        %select_n3A_263 = arith.select %or3A_260, %add3A_262, %scan3A_123 : i32
        %add3A_264 = arith.constant 1 : i32
        %add3A_265 = arith.addi %scan3A_126, %add3A_264 : i32
        %select_n3A_266 = arith.constant true
        %select_n3A_267 = arith.select %select_n3A_266, %add3A_265, %scan3A_126 : i32
        %eq3A_268 = arith.constant 4 : i32
        %eq3A_269 = arith.cmpi eq, %select_n3A_267, %eq3A_268 : i32
        %select_n3A_270 = arith.constant 0 : i32
        %select_n3A_271 = arith.select %eq3A_269, %select_n3A_270, %select_n3A_267 : i32
        scf.yield %select_n3A_167, %select_n3A_263, %select_n3A_229, %select_n3A_256, %select_n3A_271 : i32, i32, i32, i32, i32
      }
      %scan3A_68 = arith.constant 4 : i32
      %sub3A = arith.constant 1 : i32
      %sub3A_69 = arith.subi %scan3A_67#4, %sub3A : i32
      %select_n3A_70 = arith.constant true
      %select_n3A_71 = arith.select %select_n3A_70, %sub3A_69, %scan3A_67#4 : i32
      %eq3A_72 = arith.constant -1 : i32
      %eq3A_73 = arith.cmpi eq, %select_n3A_71, %eq3A_72 : i32
      %select_n3A_74 = arith.constant 3 : i32
      %select_n3A_75 = arith.select %eq3A_73, %select_n3A_74, %select_n3A_71 : i32
      %add3A_76 = arith.addi %select_n3A_75, %mul3A_6 : i32
      %sub3A_77 = arith.constant 1 : i32
      %sub3A_78 = arith.subi %select_n3A_75, %sub3A_77 : i32
      %select_n3A_79 = arith.constant true
      %select_n3A_80 = arith.select %select_n3A_79, %sub3A_78, %select_n3A_75 : i32
      %eq3A_81 = arith.constant -1 : i32
      %eq3A_82 = arith.cmpi eq, %select_n3A_80, %eq3A_81 : i32
      %select_n3A_83 = arith.constant 3 : i32
      %select_n3A_84 = arith.select %eq3A_82, %select_n3A_83, %select_n3A_80 : i32
      %add3A_85 = arith.addi %select_n3A_84, %mul3A_6 : i32
      %add3A_86 = arith.constant 1 : i32
      %add3A_87 = arith.addi %select_n3A_75, %add3A_86 : i32
      %select_n3A_88 = arith.constant true
      %select_n3A_89 = arith.select %select_n3A_88, %add3A_87, %select_n3A_75 : i32
      %eq3A_90 = arith.constant 4 : i32
      %eq3A_91 = arith.cmpi eq, %select_n3A_89, %eq3A_90 : i32
      %select_n3A_92 = arith.constant 0 : i32
      %select_n3A_93 = arith.select %eq3A_91, %select_n3A_92, %select_n3A_89 : i32
      %add3A_94 = arith.addi %select_n3A_93, %mul3A_6 : i32
      %add3A_95 = arith.constant 1 : i32
      %add3A_96 = arith.addi %select_n3A_93, %add3A_95 : i32
      %select_n3A_97 = arith.constant true
      %select_n3A_98 = arith.select %select_n3A_97, %add3A_96, %select_n3A_93 : i32
      %eq3A_99 = arith.constant 4 : i32
      %eq3A_100 = arith.cmpi eq, %select_n3A_98, %eq3A_99 : i32
      %select_n3A_101 = arith.constant 0 : i32
      %select_n3A_102 = arith.select %eq3A_100, %select_n3A_101, %select_n3A_98 : i32
      %add3A_103 = arith.addi %select_n3A_102, %mul3A_6 : i32
      "tpu.trace_start"() <{level = 10 : i32, message = "ep_finalize"}> : () -> ()
      %rem3A_104 = arith.constant 2 : i32
      %rem3A_105 = arith.remui %scan3A_67#3, %rem3A_104 : i32
      %mul3A_106 = arith.constant 128 : i32
      %mul3A_107 = arith.muli %mul3A_106, %add3A_76 : i32
      %dma_wait3A = arith.constant 0 : i32
      %dma_wait3A_108 = arith.constant 0 : i32
      %dma_wait3A_109 = tpu.memref_slice %run_scoped3A_8[%rem3A_105, %dma_wait3A, %dma_wait3A_108] : memref<2x128x64xf32, #tpu.memory_space<vmem>> -> memref<1x128x64xf32, #tpu.memory_space<vmem>>
      %dma_wait3A_110 = tpu.memref_squeeze %dma_wait3A_109 : memref<1x128x64xf32, #tpu.memory_space<vmem>> -> memref<128x64xf32, #tpu.memory_space<vmem>>
      %dma_wait3A_111 = arith.constant 0 : i32
      %dma_wait3A_112 = tpu.memref_slice %arg4[%mul3A_107, %dma_wait3A_111] : memref<16384x64xf32, #tpu.memory_space<hbm>> -> memref<128x64xf32, #tpu.memory_space<hbm>>
      %dma_wait3A_113 = tpu.memref_slice %run_scoped3A_9[%rem3A_105] : memref<2x!tpu.dma_semaphore, #tpu.memory_space<semaphore_mem>> -> memref<1x!tpu.dma_semaphore, #tpu.memory_space<semaphore_mem>>
      %dma_wait3A_114 = tpu.memref_squeeze %dma_wait3A_113 : memref<1x!tpu.dma_semaphore, #tpu.memory_space<semaphore_mem>> -> memref<!tpu.dma_semaphore, #tpu.memory_space<semaphore_mem>>
      %dma_wait3A_115 = arith.constant 0 : i32
      %dma_wait3A_116 = tpu.memref_slice %arg4[%mul3A_107, %dma_wait3A_115] : memref<16384x64xf32, #tpu.memory_space<hbm>> -> memref<128x64xf32, #tpu.memory_space<hbm>>
      %dma_wait3A_117 = arith.constant 0 : i32
      %dma_wait3A_118 = arith.constant 0 : i32
      %dma_wait3A_119 = tpu.memref_slice %run_scoped3A_8[%rem3A_105, %dma_wait3A_117, %dma_wait3A_118] : memref<2x128x64xf32, #tpu.memory_space<vmem>> -> memref<1x128x64xf32, #tpu.memory_space<vmem>>
      %dma_wait3A_120 = tpu.memref_squeeze %dma_wait3A_119 : memref<1x128x64xf32, #tpu.memory_space<vmem>> -> memref<128x64xf32, #tpu.memory_space<vmem>>
      tpu.wait_dma2 semaphore(%dma_wait3A_114 : memref<!tpu.dma_semaphore, #tpu.memory_space<semaphore_mem>>) src(%dma_wait3A_120 : memref<128x64xf32, #tpu.memory_space<vmem>>) dst(%dma_wait3A_116 : memref<128x64xf32, #tpu.memory_space<hbm>>)
      "tpu.trace_stop"() : () -> ()
      tpu.yield
    }) : () -> ()
    return
  }
}

module attributes {stable_mosaic.version = 14 : i64} {
  func.func @_idx_body(%arg0: i32, %arg1: memref<1x64x1024xf32, #tpu.memory_space<vmem>>, %arg2: memref<1024x64xf32, #tpu.memory_space<vmem>>, %arg3: memref<1x1x1024xf32, #tpu.memory_space<vmem>>, %arg4: memref<1024x1xf32, #tpu.memory_space<vmem>>, %arg5: memref<1x1024xi32, #tpu.memory_space<vmem>>, %arg6: memref<1x1xf32, #tpu.memory_space<smem>>) attributes {dimension_semantics = [#tpu.dimension_semantics<arbitrary>], iteration_bounds = array<i64: 16>, scalar_prefetch = 0 : i64, scratch_operands = 0 : i64, tpu.core_type = #tpu.core_type<tc>, window_params = [{transform_indices = @transform_0, window_bounds = array<i64: 1, 64, 1024>}, {pipeline_mode = #tpu.pipeline_mode<synchronous>, transform_indices = @transform_1, window_bounds = array<i64: 1024, 64>}, {transform_indices = @transform_2, window_bounds = array<i64: 1, 1, 1024>}, {pipeline_mode = #tpu.pipeline_mode<synchronous>, transform_indices = @transform_3, window_bounds = array<i64: 1024, 1>}, {transform_indices = @transform_4, window_bounds = array<i64: 1, 1024>}, {transform_indices = @transform_5, window_bounds = array<i64: 1, 1>}]} {
    %get3A = arith.constant 0 : index
    %get3A_0 = arith.constant 0 : index
    %get3A_1 = arith.constant 0 : index
    %get3A_2 = vector.load %arg1[%get3A, %get3A_0, %get3A_1] : memref<1x64x1024xf32, #tpu.memory_space<vmem>>, vector<1x64x1024xf32>
    %get3A_3 = vector.shape_cast %get3A_2 : vector<1x64x1024xf32> to vector<64x1024xf32>
    %get3A_4 = arith.constant 0 : index
    %get3A_5 = arith.constant 0 : index
    %get3A_6 = vector.load %arg2[%get3A_4, %get3A_5] : memref<1024x64xf32, #tpu.memory_space<vmem>>, vector<1024x64xf32>
    %get3A_7 = arith.constant 0 : index
    %get3A_8 = arith.constant 0 : index
    %get3A_9 = arith.constant 0 : index
    %get3A_10 = vector.load %arg3[%get3A_7, %get3A_8, %get3A_9] : memref<1x1x1024xf32, #tpu.memory_space<vmem>>, vector<1x1x1024xf32>
    %get3A_11 = vector.shape_cast %get3A_10 : vector<1x1x1024xf32> to vector<1x1024xf32>
    %get3A_12 = arith.constant 0 : index
    %get3A_13 = arith.constant 0 : index
    %get3A_14 = vector.load %arg4[%get3A_12, %get3A_13] : memref<1024x1xf32, #tpu.memory_space<vmem>>, vector<1024x1xf32>
    %dot_general3A = arith.constant dense<0.000000e+00> : vector<1024x1024xf32>
    %dot_general3A_15 = tpu.matmul %get3A_6, %get3A_3, %dot_general3A {dimension_numbers = #tpu.dot_dimension_numbers<[1], [0], [0], [1], [0, 0, 1, 1], [], []>, transpose_lhs_hint = false} : vector<1024x64xf32>, vector<64x1024xf32>, vector<1024x1024xf32> -> vector<1024x1024xf32>
    %add3A = vector.broadcast %get3A_11 : vector<1x1024xf32> to vector<1024x1024xf32>
    %add3A_16 = vector.broadcast %get3A_14 : vector<1024x1xf32> to vector<1024x1024xf32>
    %add3A_17 = arith.addf %add3A, %add3A_16 : vector<1024x1024xf32>
    %sub3A = arith.subf %add3A_17, %dot_general3A_15 : vector<1024x1024xf32>
    %reduce_min3A = arith.constant dense<0x7F800000> : vector<1024xf32>
    %reduce_min3A_18 = vector.multi_reduction <minimumf>, %sub3A, %reduce_min3A [0] : vector<1024x1024xf32> to vector<1024xf32>
    %iota3A = tpu.iota {dimensions = array<i32: 0>} : vector<1024x1024xi32>
    %broadcast_in_dim3A = vector.shape_cast %reduce_min3A_18 : vector<1024xf32> to vector<1x1024xf32>
    %eq3A = vector.broadcast %broadcast_in_dim3A : vector<1x1024xf32> to vector<1024x1024xf32>
    %eq3A_19 = arith.cmpf oeq, %sub3A, %eq3A : vector<1024x1024xf32>
    %jit3A = arith.constant 1024 : i32
    %broadcast_in_dim3A_20 = vector.broadcast %jit3A : i32 to vector<1024x1024xi32>
    %select_n3A = arith.select %eq3A_19, %iota3A, %broadcast_in_dim3A_20 : vector<1024x1024xi1>, vector<1024x1024xi32>
    %reduce_min3A_21 = arith.constant dense<2147483647> : vector<1024xi32>
    %reduce_min3A_22 = vector.multi_reduction <minsi>, %select_n3A, %reduce_min3A_21 [0] : vector<1024x1024xi32> to vector<1024xi32>
    %swap3A = arith.constant 0 : index
    %swap3A_23 = arith.constant 0 : index
    %swap3A_24 = vector.load %arg5[%swap3A, %swap3A_23] : memref<1x1024xi32, #tpu.memory_space<vmem>>, vector<1x1024xi32>
    %swap3A_25 = vector.shape_cast %swap3A_24 : vector<1x1024xi32> to vector<1024xi32>
    %swap3A_26 = vector.shape_cast %reduce_min3A_22 : vector<1024xi32> to vector<1x1024xi32>
    tpu.vector_store %arg5[%swap3A, %swap3A_23], %swap3A_26 {strides = array<i32>} : memref<1x1024xi32, #tpu.memory_space<vmem>>, vector<1x1024xi32>,
    %reduce_sum3A = vector.shape_cast %reduce_min3A_18 : vector<1024xf32> to vector<1x1024xf32>
    %reduce_sum3A_27 = arith.constant dense<0.000000e+00> : vector<1xf32>
    %reduce_sum3A_28 = vector.multi_reduction <add>, %reduce_sum3A, %reduce_sum3A_27 [1] : vector<1x1024xf32> to vector<1xf32>
    %reduce_sum3A_29 = vector.shape_cast %reduce_sum3A_28 : vector<1xf32> to vector<1x1xf32>
    %reduce_sum3A_30 = vector.extract %reduce_sum3A_29[0, 0] : f32 from vector<1x1xf32>
    %eq3A_31 = arith.constant 0 : i32
    %eq3A_32 = arith.cmpi eq, %arg0, %eq3A_31 : i32
    %convert_element_type3A = arith.extui %eq3A_32 : i1 to i32
    %cond3A = arith.constant 0 : i32
    %cond3A_33 = arith.cmpi ne, %convert_element_type3A, %cond3A : i32
    scf.if %cond3A_33 {
      %swap3A_41 = arith.constant 0.000000e+00 : f32
      %swap3A_42 = arith.constant 0 : index
      %swap3A_43 = arith.constant 0 : index
      %swap3A_44 = memref.load %arg6[%swap3A_42, %swap3A_43] : memref<1x1xf32, #tpu.memory_space<smem>>
      memref.store %swap3A_41, %arg6[%swap3A_42, %swap3A_43] : memref<1x1xf32, #tpu.memory_space<smem>>
    } else {
    }
    %get3A_34 = arith.constant 0 : index
    %get3A_35 = arith.constant 0 : index
    %get3A_36 = memref.load %arg6[%get3A_34, %get3A_35] : memref<1x1xf32, #tpu.memory_space<smem>>
    %add3A_37 = arith.addf %get3A_36, %reduce_sum3A_30 : f32
    %swap3A_38 = arith.constant 0 : index
    %swap3A_39 = arith.constant 0 : index
    %swap3A_40 = memref.load %arg6[%swap3A_38, %swap3A_39] : memref<1x1xf32, #tpu.memory_space<smem>>
    memref.store %add3A_37, %arg6[%swap3A_38, %swap3A_39] : memref<1x1xf32, #tpu.memory_space<smem>>
    return
  }
  func.func @transform_0(%arg0: i32) -> (i32, i32, i32) {
    %add3A = arith.constant 0 : i32
    %add3A_0 = arith.addi %arg0, %add3A : i32
    %c0_i32 = arith.constant 0 : i32
    %c0_i32_1 = arith.constant 0 : i32
    %c0_i32_2 = arith.constant 0 : i32
    return %add3A_0, %c0_i32, %c0_i32_1 : i32, i32, i32
  }
  func.func @transform_1(%arg0: i32) -> (i32, i32) {
    %c0_i32 = arith.constant 0 : i32
    %c0_i32_0 = arith.constant 0 : i32
    %c0_i32_1 = arith.constant 0 : i32
    return %c0_i32, %c0_i32_0 : i32, i32
  }
  func.func @transform_2(%arg0: i32) -> (i32, i32, i32) {
    %add3A = arith.constant 0 : i32
    %add3A_0 = arith.addi %arg0, %add3A : i32
    %c0_i32 = arith.constant 0 : i32
    %c0_i32_1 = arith.constant 0 : i32
    %c0_i32_2 = arith.constant 0 : i32
    return %add3A_0, %c0_i32, %c0_i32_1 : i32, i32, i32
  }
  func.func @transform_3(%arg0: i32) -> (i32, i32) {
    %c0_i32 = arith.constant 0 : i32
    %c0_i32_0 = arith.constant 0 : i32
    %c0_i32_1 = arith.constant 0 : i32
    return %c0_i32, %c0_i32_0 : i32, i32
  }
  func.func @transform_4(%arg0: i32) -> (i32, i32) {
    %c0_i32 = arith.constant 0 : i32
    %c0_i32_0 = arith.constant 0 : i32
    return %c0_i32, %arg0 : i32, i32
  }
  func.func @transform_5(%arg0: i32) -> (i32, i32) {
    %c0_i32 = arith.constant 0 : i32
    %c0_i32_0 = arith.constant 0 : i32
    %c0_i32_1 = arith.constant 0 : i32
    return %c0_i32, %c0_i32_0 : i32, i32
  }
}

module attributes {stable_mosaic.version = 14 : i64} {
  func.func @_idx_body(%arg0: i32, %arg1: memref<1x64x1024xf32, #tpu.memory_space<vmem>>, %arg2: memref<1024x64xf32, #tpu.memory_space<vmem>>, %arg3: memref<1x1x1024xf32, #tpu.memory_space<vmem>>, %arg4: memref<1024x1xf32, #tpu.memory_space<vmem>>, %arg5: memref<1x1024xi32, #tpu.memory_space<vmem>>, %arg6: memref<1x1xf32, #tpu.memory_space<smem>>) attributes {dimension_semantics = [#tpu.dimension_semantics<arbitrary>], iteration_bounds = array<i64: 16>, scalar_prefetch = 0 : i64, scratch_operands = 0 : i64, tpu.core_type = #tpu.core_type<tc>, window_params = [{transform_indices = @transform_0, window_bounds = array<i64: 1, 64, 1024>}, {pipeline_mode = #tpu.pipeline_mode<synchronous>, transform_indices = @transform_1, window_bounds = array<i64: 1024, 64>}, {transform_indices = @transform_2, window_bounds = array<i64: 1, 1, 1024>}, {pipeline_mode = #tpu.pipeline_mode<synchronous>, transform_indices = @transform_3, window_bounds = array<i64: 1024, 1>}, {transform_indices = @transform_4, window_bounds = array<i64: 1, 1024>}, {transform_indices = @transform_5, window_bounds = array<i64: 1, 1>}]} {
    %get3A = arith.constant 0 : index
    %get3A_0 = arith.constant 0 : index
    %get3A_1 = arith.constant 0 : index
    %get3A_2 = vector.load %arg1[%get3A, %get3A_0, %get3A_1] : memref<1x64x1024xf32, #tpu.memory_space<vmem>>, vector<1x64x1024xf32>
    %get3A_3 = vector.shape_cast %get3A_2 : vector<1x64x1024xf32> to vector<64x1024xf32>
    %get3A_4 = arith.constant 0 : index
    %get3A_5 = arith.constant 0 : index
    %get3A_6 = vector.load %arg2[%get3A_4, %get3A_5] : memref<1024x64xf32, #tpu.memory_space<vmem>>, vector<1024x64xf32>
    %get3A_7 = arith.constant 0 : index
    %get3A_8 = arith.constant 0 : index
    %get3A_9 = arith.constant 0 : index
    %get3A_10 = vector.load %arg3[%get3A_7, %get3A_8, %get3A_9] : memref<1x1x1024xf32, #tpu.memory_space<vmem>>, vector<1x1x1024xf32>
    %get3A_11 = vector.shape_cast %get3A_10 : vector<1x1x1024xf32> to vector<1x1024xf32>
    %get3A_12 = arith.constant 0 : index
    %get3A_13 = arith.constant 0 : index
    %get3A_14 = vector.load %arg4[%get3A_12, %get3A_13] : memref<1024x1xf32, #tpu.memory_space<vmem>>, vector<1024x1xf32>
    %dot_general3A = arith.constant dense<0.000000e+00> : vector<1024x1024xf32>
    %dot_general3A_15 = tpu.matmul %get3A_6, %get3A_3, %dot_general3A {dimension_numbers = #tpu.dot_dimension_numbers<[1], [0], [0], [1], [0, 0, 1, 1], [], []>, transpose_lhs_hint = false} : vector<1024x64xf32>, vector<64x1024xf32>, vector<1024x1024xf32> -> vector<1024x1024xf32>
    %add3A = vector.broadcast %get3A_11 : vector<1x1024xf32> to vector<1024x1024xf32>
    %add3A_16 = vector.broadcast %get3A_14 : vector<1024x1xf32> to vector<1024x1024xf32>
    %add3A_17 = arith.addf %add3A, %add3A_16 : vector<1024x1024xf32>
    %sub3A = arith.subf %add3A_17, %dot_general3A_15 : vector<1024x1024xf32>
    %reduce_min3A = arith.constant dense<0x7F800000> : vector<1024xf32>
    %reduce_min3A_18 = vector.multi_reduction <minimumf>, %sub3A, %reduce_min3A [0] : vector<1024x1024xf32> to vector<1024xf32>
    %iota3A = tpu.iota {dimensions = array<i32: 0>} : vector<1024x1024xi32>
    %broadcast_in_dim3A = vector.shape_cast %reduce_min3A_18 : vector<1024xf32> to vector<1x1024xf32>
    %eq3A = vector.broadcast %broadcast_in_dim3A : vector<1x1024xf32> to vector<1024x1024xf32>
    %eq3A_19 = arith.cmpf oeq, %sub3A, %eq3A : vector<1024x1024xf32>
    %jit3A = arith.constant 1024 : i32
    %broadcast_in_dim3A_20 = vector.broadcast %jit3A : i32 to vector<1024x1024xi32>
    %select_n3A = arith.select %eq3A_19, %iota3A, %broadcast_in_dim3A_20 : vector<1024x1024xi1>, vector<1024x1024xi32>
    %reduce_min3A_21 = arith.constant dense<2147483647> : vector<1024xi32>
    %reduce_min3A_22 = vector.multi_reduction <minsi>, %select_n3A, %reduce_min3A_21 [0] : vector<1024x1024xi32> to vector<1024xi32>
    %swap3A = arith.constant 0 : index
    %swap3A_23 = arith.constant 0 : index
    %swap3A_24 = vector.load %arg5[%swap3A, %swap3A_23] : memref<1x1024xi32, #tpu.memory_space<vmem>>, vector<1x1024xi32>
    %swap3A_25 = vector.shape_cast %swap3A_24 : vector<1x1024xi32> to vector<1024xi32>
    %swap3A_26 = vector.shape_cast %reduce_min3A_22 : vector<1024xi32> to vector<1x1024xi32>
    tpu.vector_store %arg5[%swap3A, %swap3A_23], %swap3A_26 {strides = array<i32>} : memref<1x1024xi32, #tpu.memory_space<vmem>>, vector<1x1024xi32>,
    %reduce_sum3A = vector.shape_cast %reduce_min3A_18 : vector<1024xf32> to vector<1x1024xf32>
    %reduce_sum3A_27 = arith.constant dense<0.000000e+00> : vector<1xf32>
    %reduce_sum3A_28 = vector.multi_reduction <add>, %reduce_sum3A, %reduce_sum3A_27 [1] : vector<1x1024xf32> to vector<1xf32>
    %reduce_sum3A_29 = vector.shape_cast %reduce_sum3A_28 : vector<1xf32> to vector<1x1xf32>
    %reduce_sum3A_30 = vector.extract %reduce_sum3A_29[0, 0] : f32 from vector<1x1xf32>
    %eq3A_31 = arith.constant 0 : i32
    %eq3A_32 = arith.cmpi eq, %arg0, %eq3A_31 : i32
    %convert_element_type3A = arith.extui %eq3A_32 : i1 to i32
    %cond3A = arith.constant 0 : i32
    %cond3A_33 = arith.cmpi ne, %convert_element_type3A, %cond3A : i32
    scf.if %cond3A_33 {
      %swap3A_41 = arith.constant 0.000000e+00 : f32
      %swap3A_42 = arith.constant 0 : index
      %swap3A_43 = arith.constant 0 : index
      %swap3A_44 = memref.load %arg6[%swap3A_42, %swap3A_43] : memref<1x1xf32, #tpu.memory_space<smem>>
      memref.store %swap3A_41, %arg6[%swap3A_42, %swap3A_43] : memref<1x1xf32, #tpu.memory_space<smem>>
    } else {
    }
    %get3A_34 = arith.constant 0 : index
    %get3A_35 = arith.constant 0 : index
    %get3A_36 = memref.load %arg6[%get3A_34, %get3A_35] : memref<1x1xf32, #tpu.memory_space<smem>>
    %add3A_37 = arith.addf %get3A_36, %reduce_sum3A_30 : f32
    %swap3A_38 = arith.constant 0 : index
    %swap3A_39 = arith.constant 0 : index
    %swap3A_40 = memref.load %arg6[%swap3A_38, %swap3A_39] : memref<1x1xf32, #tpu.memory_space<smem>>
    memref.store %add3A_37, %arg6[%swap3A_38, %swap3A_39] : memref<1x1xf32, #tpu.memory_space<smem>>
    return
  }
  func.func @transform_0(%arg0: i32) -> (i32, i32, i32) {
    %add3A = arith.constant 16 : i32
    %add3A_0 = arith.addi %arg0, %add3A : i32
    %c0_i32 = arith.constant 0 : i32
    %c0_i32_1 = arith.constant 0 : i32
    %c0_i32_2 = arith.constant 0 : i32
    return %add3A_0, %c0_i32, %c0_i32_1 : i32, i32, i32
  }
  func.func @transform_1(%arg0: i32) -> (i32, i32) {
    %c0_i32 = arith.constant 0 : i32
    %c0_i32_0 = arith.constant 0 : i32
    %c0_i32_1 = arith.constant 0 : i32
    return %c0_i32, %c0_i32_0 : i32, i32
  }
  func.func @transform_2(%arg0: i32) -> (i32, i32, i32) {
    %add3A = arith.constant 16 : i32
    %add3A_0 = arith.addi %arg0, %add3A : i32
    %c0_i32 = arith.constant 0 : i32
    %c0_i32_1 = arith.constant 0 : i32
    %c0_i32_2 = arith.constant 0 : i32
    return %add3A_0, %c0_i32, %c0_i32_1 : i32, i32, i32
  }
  func.func @transform_3(%arg0: i32) -> (i32, i32) {
    %c0_i32 = arith.constant 0 : i32
    %c0_i32_0 = arith.constant 0 : i32
    %c0_i32_1 = arith.constant 0 : i32
    return %c0_i32, %c0_i32_0 : i32, i32
  }
  func.func @transform_4(%arg0: i32) -> (i32, i32) {
    %c0_i32 = arith.constant 0 : i32
    %c0_i32_0 = arith.constant 0 : i32
    return %c0_i32, %arg0 : i32, i32
  }
  func.func @transform_5(%arg0: i32) -> (i32, i32) {
    %c0_i32 = arith.constant 0 : i32
    %c0_i32_0 = arith.constant 0 : i32
    %c0_i32_1 = arith.constant 0 : i32
    return %c0_i32, %c0_i32_0 : i32, i32
  }
}

module attributes {stable_mosaic.version = 14 : i64} {
  func.func @_tr_body(%arg0: i32, %arg1: memref<1x1024x64xf32, #tpu.memory_space<vmem>>, %arg2: memref<1x64x1024xf32, #tpu.memory_space<vmem>>) attributes {dimension_semantics = [#tpu.dimension_semantics<arbitrary>], iteration_bounds = array<i64: 16>, scalar_prefetch = 0 : i64, scratch_operands = 0 : i64, tpu.core_type = #tpu.core_type<tc>, window_params = [{transform_indices = @transform_0, window_bounds = array<i64: 1, 1024, 64>}, {transform_indices = @transform_1, window_bounds = array<i64: 1, 64, 1024>}]} {
    %get3A = arith.constant 0 : index
    %get3A_0 = arith.constant 0 : index
    %get3A_1 = arith.constant 0 : index
    %get3A_2 = vector.load %arg1[%get3A, %get3A_0, %get3A_1] : memref<1x1024x64xf32, #tpu.memory_space<vmem>>, vector<1x1024x64xf32>
    %get3A_3 = vector.shape_cast %get3A_2 : vector<1x1024x64xf32> to vector<1024x64xf32>
    %transpose3A = tpu.transpose %get3A_3, [1, 0] : vector<1024x64xf32> -> vector<64x1024xf32>
    %swap3A = arith.constant 0 : index
    %swap3A_4 = arith.constant 0 : index
    %swap3A_5 = arith.constant 0 : index
    %swap3A_6 = vector.load %arg2[%swap3A, %swap3A_4, %swap3A_5] : memref<1x64x1024xf32, #tpu.memory_space<vmem>>, vector<1x64x1024xf32>
    %swap3A_7 = vector.shape_cast %swap3A_6 : vector<1x64x1024xf32> to vector<64x1024xf32>
    %swap3A_8 = vector.shape_cast %transpose3A : vector<64x1024xf32> to vector<1x64x1024xf32>
    tpu.vector_store %arg2[%swap3A, %swap3A_4, %swap3A_5], %swap3A_8 {strides = array<i32>} : memref<1x64x1024xf32, #tpu.memory_space<vmem>>, vector<1x64x1024xf32>,
    return
  }
  func.func @transform_0(%arg0: i32) -> (i32, i32, i32) {
    %c0_i32 = arith.constant 0 : i32
    %c0_i32_0 = arith.constant 0 : i32
    %c0_i32_1 = arith.constant 0 : i32
    return %arg0, %c0_i32, %c0_i32_0 : i32, i32, i32
  }
  func.func @transform_1(%arg0: i32) -> (i32, i32, i32) {
    %add3A = arith.constant 0 : i32
    %add3A_0 = arith.addi %arg0, %add3A : i32
    %c0_i32 = arith.constant 0 : i32
    %c0_i32_1 = arith.constant 0 : i32
    %c0_i32_2 = arith.constant 0 : i32
    return %add3A_0, %c0_i32, %c0_i32_1 : i32, i32, i32
  }
}

module attributes {stable_mosaic.version = 14 : i64} {
  func.func @_tr_body_alias(%arg0: i32, %arg1: memref<1x1024x64xf32, #tpu.memory_space<vmem>>, %arg2: memref<32x64x1024xf32, #tpu.memory_space<hbm>>, %arg3: memref<1x64x1024xf32, #tpu.memory_space<vmem>>) attributes {dimension_semantics = [#tpu.dimension_semantics<arbitrary>], iteration_bounds = array<i64: 16>, scalar_prefetch = 0 : i64, scratch_operands = 0 : i64, tpu.core_type = #tpu.core_type<tc>, window_params = [{transform_indices = @transform_0, window_bounds = array<i64: 1, 1024, 64>}, {}, {transform_indices = @transform_2, window_bounds = array<i64: 1, 64, 1024>}]} {
    %get3A = arith.constant 0 : index
    %get3A_0 = arith.constant 0 : index
    %get3A_1 = arith.constant 0 : index
    %get3A_2 = vector.load %arg1[%get3A, %get3A_0, %get3A_1] : memref<1x1024x64xf32, #tpu.memory_space<vmem>>, vector<1x1024x64xf32>
    %get3A_3 = vector.shape_cast %get3A_2 : vector<1x1024x64xf32> to vector<1024x64xf32>
    %transpose3A = tpu.transpose %get3A_3, [1, 0] : vector<1024x64xf32> -> vector<64x1024xf32>
    %swap3A = arith.constant 0 : index
    %swap3A_4 = arith.constant 0 : index
    %swap3A_5 = arith.constant 0 : index
    %swap3A_6 = vector.load %arg3[%swap3A, %swap3A_4, %swap3A_5] : memref<1x64x1024xf32, #tpu.memory_space<vmem>>, vector<1x64x1024xf32>
    %swap3A_7 = vector.shape_cast %swap3A_6 : vector<1x64x1024xf32> to vector<64x1024xf32>
    %swap3A_8 = vector.shape_cast %transpose3A : vector<64x1024xf32> to vector<1x64x1024xf32>
    tpu.vector_store %arg3[%swap3A, %swap3A_4, %swap3A_5], %swap3A_8 {strides = array<i32>} : memref<1x64x1024xf32, #tpu.memory_space<vmem>>, vector<1x64x1024xf32>,
    return
  }
  func.func @transform_0(%arg0: i32) -> (i32, i32, i32) {
    %c0_i32 = arith.constant 0 : i32
    %c0_i32_0 = arith.constant 0 : i32
    %c0_i32_1 = arith.constant 0 : i32
    return %arg0, %c0_i32, %c0_i32_0 : i32, i32, i32
  }
  func.func @transform_2(%arg0: i32) -> (i32, i32, i32) {
    %add3A = arith.constant 16 : i32
    %add3A_0 = arith.addi %arg0, %add3A : i32
    %c0_i32 = arith.constant 0 : i32
    %c0_i32_1 = arith.constant 0 : i32
    %c0_i32_2 = arith.constant 0 : i32
    return %add3A_0, %c0_i32, %c0_i32_1 : i32, i32, i32
  }
}

</mosaic_0001>

<sc_bundles>
// kernel: kernel.11.cloned.1.call-start
scs
__scs_entry_jumppad:
0x0: {  	(pc) =	sbr.rel $0x88, $3  }
0x1: {  	(tag) =	ssettag $0x0;
	lr =	simm.s32 $0x1  }
0x2: {  	[smem:$0x3F9F] =	sst lr;
	_ =	strace $0xD0000000  }
0x3: {  	_ = 	snop  }
0x4: {  	_ = 	snop  }
0x5: {  	_ = 	snop  }
0x6: {  	_ = 	snop  }
0x7: {  	_ = 	snop  }
__scs_overlays_trampoline_lowered:
0x8: {  	[smem:$0x3FAE] =	sst s0  }
0x9: {  	[smem:$0x3FAF] =	sst s1  }
0xa: {  	[smem:$0x3FB0] =	sst s2  }
0xb: {  	[smem:$0x3FB1] =	sst s3  }
0xc: {  	[smem:$0x3FB2] =	sst s4  }
0xd: {  	[smem:$0x3FB3] =	sst s5  }
0xe: {  	[smem:$0x3FB4] =	sst s6  }
0xf: {  	[smem:$0x3FB5] =	sst s7  }
0x10: {  	[smem:$0x3FB6] =	sst s8  }
0x11: {  	[smem:$0x3FB7] =	sst s9;
	s0 =	simm.s32 @!p0 $0x0  }
0x12: {  	s1 =	sld [smem:$0x3F9D];
	s0 =	simm.s32 @p0 $0x1  }
0x13: {  	[smem:$0x3FB8] =	sst s0;
	s0 =	simm.s32 @!p1 $0x0  }
0x14: {  	s2 =	sld [smem:$0x3F9C];
	s0 =	simm.s32 @p1 $0x1  }
0x15: {  	[smem:$0x3FB9] =	sst s0;
	s0 =	simm.s32 @!p2 $0x0  }
0x16: {  	s3 =	sld [smem:$0x3FDB];
	s0 =	simm.s32 @p2 $0x1  }
0x17: {  	s4 =	simm.s32 $0x1BF5;
	[smem:$0x3FBB] =	sst s0  }
0x18: {  	s0 =	sld [smem:$0x3F9E];
	_ =	swait.ge [sflag:s4], $0x0  }
0x19: {  	s7 =	sld [smem:$0x3F9F]  }
0x1a: {  	s8 =	sadd.s32 $0xFFFFE003, lr  }
0x1b: {  	s9 =	sadd.s32 $0xFFFFFEF7, lr;
	s5 =	simm.s32 $0xFFFFFFFF;
	p2 =	slt.u32 s8, $0xFFFFF086  }
0x1c: {  	p1 =	slt.u32 s9, $0xF7A;
	s5 =	simm.s32 @!p2 $0x0  }
0x1d: {  	s5 =	simm.s32 @p1 $0x1;
	p0 =	seq.s32 s7, s2  }
0x1e: {  	s7 =	smul.u32 @!p0 $0xF7A, s2;
	p2 =	seq.s32 @!p0 s5, $0x0  }
0x1f: {  	s9 =	smul.u32 $0xF7A, s1;
	s8 =	simm.s32 @!p0 $0x1BF5;
	p2 =	por !p2, p0  }
0x20: {  	[sflag:s8] =	ssyncset.s32 @!p0 $0xFFFFF086;
	s6 =	sadd.s32 @!p0 s3, s7;
	s7 =	simm.s32 @!p0 $0x108  }
0x21: {  	s3 =	sadd.s32 s3, s9;
	s6 =	sadd.s32 @!p0 $0x88, s6;
	s7 =	simm.s32 @p2 $0x1082  }
0x22: {  	[simem:s7], [sflag:s8] =	dma.local @!p0 [hbm:s6], $0xF7A  }
0x23: {  	s9 =	sor.u32 $0xD0000000, s2;
	s6 =	simm.s32 $0x108;
	_ =	swait.ge @!p0 [sflag:s8], $0x0  }
0x24: {  	s3 =	sadd.s32 $0x88, s3;
	s6 =	simm.s32 @!p1 $0x1082;
	[sflag:s4] =	ssyncset.s32 $0xFFFFF086  }
0x25: {  	[simem:s6], [sflag:s4] =	dma.local [hbm:s3], $0xF7A  }
0x26: {  	[smem:$0x3F9F] =	sst s1;
	(tag) =	ssettag s2;
	_ =	strace s9  }
0x27: {  	s1 =	sld [smem:$0x3FAF]  }
0x28: {  	s2 =	sld [smem:$0x3FB0]  }
0x29: {  	s4 =	sld [smem:$0x3FB2]  }
0x2a: {  	p0 =	seq.s32 s5, $0x0;
	s5 =	sld [smem:$0x3FB3]  }
0x2b: {  	s6 =	sld [smem:$0x3FB4]  }
0x2c: {  	s7 =	sld [smem:$0x3FB5]  }
0x2d: {  	s3 =	simm.s32 $0x108;
	s8 =	sld [smem:$0x3FB6]  }
0x2e: {  	s3 =	simm.s32 @!p0 $0x1082;
	s9 =	sld [smem:$0x3FB7]  }
0x2f: {  	lr =	sadd.s32 s0, s3;
	s0 =	sld [smem:$0x3FAE]  }
0x30: {  	s3 =	sld [smem:$0x3FB1]  }
0x31: {  	[smem:$0x3FBA] =	sst s10  }
0x32: {  	s10 =	sld [smem:$0x3FB8];
	_ =	sdelay $0x3  }
0x33: {  	p0 =	seq.s32 s10, $0x1;
	s10 =	sld [smem:$0x3FBA];
	_ =	sdelay $0x3  }
0x34: {  	[smem:$0x3FBA] =	sst s10  }
0x35: {  	s10 =	sld [smem:$0x3FB9];
	_ =	sdelay $0x3  }
0x36: {  	p1 =	seq.s32 s10, $0x1;
	s10 =	sld [smem:$0x3FBA];
	_ =	sdelay $0x3  }
0x37: {  	[smem:$0x3FBA] =	sst s10  }
0x38: {  	s10 =	sld [smem:$0x3FBB]  }
0x39: {  	_ = 	snop;
	(pc) =	sbr.ind lr, $3  }
0x3a: {  	_ = 	snop  }
0x3b: {  	_ = 	snop  }
0x3c: {  	p2 =	seq.s32 s10, $0x1;
	s10 =	sld [smem:$0x3FBA]  }
0x3d: {  	_ =	shalt  }
0x3e: {  	_ =	shalt  }
0x3f: {  	_ =	shalt  }
0x40: {  	_ =	shalt  }
0x41: {  	_ =	shalt  }
0x42: {  	_ =	shalt  }
0x43: {  	_ =	shalt  }
0x44: {  	_ =	shalt  }
0x45: {  	_ =	shalt  }
0x46: {  	_ =	shalt  }
0x47: {  	_ =	shalt  }
0x48: {  	_ =	shalt  }
0x49: {  	_ =	shalt  }
0x4a: {  	_ =	shalt  }
0x4b: {  	_ =	shalt  }
0x4c: {  	_ =	shalt  }
0x4d: {  	_ =	shalt  }
0x4e: {  	_ =	shalt  }
0x4f: {  	_ =	shalt  }
0x50: {  	_ =	shalt  }
0x51: {  	_ =	shalt  }
0x52: {  	_ =	shalt  }
0x53: {  	_ =	shalt  }
0x54: {  	_ =	shalt  }
0x55: {  	_ =	shalt  }
0x56: {  	_ =	shalt  }
0x57: {  	_ =	shalt  }
0x58: {  	_ =	shalt  }
0x59: {  	_ =	shalt  }
0x5a: {  	_ =	shalt  }
0x5b: {  	_ =	shalt  }
0x5c: {  	_ =	shalt  }
0x5d: {  	_ =	shalt  }
0x5e: {  	_ =	shalt  }
0x5f: {  	_ =	shalt  }
0x60: {  	_ =	shalt  }
0x61: {  	_ =	shalt  }
0x62: {  	_ =	shalt  }
0x63: {  	_ =	shalt  }
0x64: {  	_ =	shalt  }
0x65: {  	_ =	shalt  }
0x66: {  	_ =	shalt  }
0x67: {  	_ =	shalt  }
0x68: {  	_ =	shalt  }
0x69: {  	_ =	shalt  }
0x6a: {  	_ =	shalt  }
0x6b: {  	_ =	shalt  }
0x6c: {  	_ =	shalt  }
0x6d: {  	_ =	shalt  }
0x6e: {  	_ =	shalt  }
0x6f: {  	_ =	shalt  }
0x70: {  	_ =	shalt  }
0x71: {  	_ =	shalt  }
0x72: {  	_ =	shalt  }
0x73: {  	_ =	shalt  }
0x74: {  	_ =	shalt  }
0x75: {  	_ =	shalt  }
0x76: {  	_ =	shalt  }
0x77: {  	_ =	shalt  }
0x78: {  	_ =	shalt  }
0x79: {  	_ =	shalt  }
0x7a: {  	_ =	shalt  }
0x7b: {  	_ =	shalt  }
0x7c: {  	_ =	shalt  }
0x7d: {  	_ =	shalt  }
0x7e: {  	_ =	shalt  }
0x7f: {  	_ =	shalt  }
0x80: {  	_ =	shalt  }
0x81: {  	_ =	shalt  }
0x82: {  	_ =	shalt  }
0x83: {  	_ =	shalt  }
0x84: {  	_ =	shalt  }
0x85: {  	_ =	shalt  }
0x86: {  	_ =	shalt  }
0x87: {  	_ =	shalt  }
.Lfunc_end0:
.L_simem_size_0:
called_computation.1_lowered:
.L_overlay_start_0:
0x88: {  	s2 =	sld [smem:$0x3FD9]  }
0x89: {  	s3 =	sld [smem:$0x3FFE];
	_ =	sdelay $0x1  }
0x8a: {  	s1 =	srdreg.scid  }
0x8b: {  	s0 =	sand.u32 $0x1, s1  }
0x8c: {  	s15 =	sshll.u32 s0, $0xA;
	s2 =	sadd.s32 s3, s2  }
0x8d: {  	s2 =	sadd.s32 s2, s15  }
0x8e: {  	[smem:$0x3FC6] =	sst s2  }
0x8f: {  	_ = 	snop  }
0x90: {  	s2 =	sld [smem:$0x3FD0];
	_ =	sdelay $0x2  }
0x91: {  	s16 =	simm.s32 $0xB;
	s4 =	simm.s32 $0x10  }
0x92: {  	[smem:s4], [sflag:s16] =	dma.local [hbm:s2], $0x1  }
0x93: {  	_ =	swait.eq [sflag:s16], $0x1  }
0x94: {  	[sflag:s16] =	ssyncset.done $0x0  }
0x95: {  	[sflag:s16] =	ssyncadd.s32 $0xFFFFFFFF  }
0x96: {  	s17 =	sld [smem:$0x10];
	(tm) =	ssettm $0x1  }
0x97: {  	s18 =	sld [smem:$0x3FFB];
	_ =	sdelay $0x3  }
0x98: {  	_ =	strace s18  }
0x99: {  	s2 =	sld [smem:$0x3FFC];
	_ =	sdelay $0x3  }
0x9a: {  	_ =	strace s2  }
0x9b: {  	s2 =	sld [smem:$0x3FFD];
	_ =	sdelay $0x3  }
0x9c: {  	_ =	strace s2  }
0x9d: {  	_ =	strace $0x8FFFFFFF  }
0x9e: {  	s19 =	sld [smem:$0x3FDB];
	_ =	sdelay $0x1  }
0x9f: {  	s20 =	simm.s32 $_scs_section_size  }
0xa0: {  	s5 =	simm.s32 $_size__tile_overlayer_lowered;
	s6 =	simm.s32 $_tile_overlayer_lowered  }
0xa1: {  	s7 =	simm.s32 $0x1BFF;
	s21 =	sshll.u32 s6, $0x1;
	s4 =	sadd.s32 s20, s19  }
0xa2: {  	s22 =	simm.s32 $0x0;
	s5 =	sshll.u32 s5, $0x1;
	s6 =	sadd.s32 s21, s4  }
0xa3: {  	[timem:s22], [sflag:s7] =	dma.local [hbm:s6], s5  }
0xa4: {  	_ =	swait.ge [sflag:s7], s5  }
0xa5: {  	s5 =	ssub.s32 $0x0, s5;
	[sflag:s7] =	ssyncset.done $0x0  }
0xa6: {  	[sflag:s7] =	ssyncadd.s32 s5;
	_ =	sdelay $0x1  }
0xa7: {  	s23 =	simm.s32 $0x1B8B  }
0xa8: {  	_ =	swait.ge [sflag:s23], $0x1  }
0xa9: {  	[sflag:s23] =	ssyncset.done $0x0  }
0xaa: {  	[sflag:s23] =	ssyncadd.s32 $0xFFFFFFFF  }
0xab: {  	s5 =	sld [smem:$0x0]  }
0xac: {  	s6 =	sand.u32 $0xFFFFFFFE, s1  }
0xad: {  	p0 =	sne.s32 s1, s6  }
0xae: {  	s6 =	sshll.u32 @p0 s6, $0xE  }
0xaf: {  	s6 =	sadd.s32 @p0 $0x11B8D, s6;
	s7 =	sshll.u32 @p0 s5, $0x11  }
0xb0: {  	s6 =	sor.u32 @p0 s7, s6  }
0xb1: {  	[sflag:s6] =	ssyncadd.remote.s32 @p0 $0x1;
	_ =	sdelay $0x1  }
0xb2: {  	s6 =	simm.s32 @p0 $0x1B8D  }
0xb3: {  	_ =	swait.eq @p0 [sflag:s6], $0x1  }
0xb4: {  	[sflag:s6] =	ssyncadd.s32 @p0 $0xFFFFFFFF  }
0xb5: {  	s7 =	sshll.u32 @!p0 s1, $0xE  }
0xb6: {  	s7 =	sor.u32 @!p0 $0x4000, s7;
	s6 =	simm.s32 @!p0 $0x1B8D  }
0xb7: {  	s5 =	sshll.u32 @!p0 s5, $0x11;
	s7 =	sadd.s32 @!p0 $0x11B8D, s7;
	_ =	swait.eq @!p0 [sflag:s6], $0x1  }
0xb8: {  	s5 =	sor.u32 @!p0 s5, s7;
	[sflag:s6] =	ssyncadd.s32 @!p0 $0xFFFFFFFF  }
0xb9: {  	s25 =	simm.s32 $0x1B8E;
	s24 =	sld [smem:$0x3FFE];
	[sflag:s5] =	ssyncadd.remote.s32 @!p0 $0x1  }
0xba: {  	s26 =	simm.s32 $execute0_lowered;
	[smem:$0x3FD2] =	sst s25  }
0xbb: {  	s6 =	sshll.u32 s26, $0x1;
	_ =	strace $0x80000050;
	[dreg:$0x1] =	wrdreg $0xFFFFFFFF  }
0xbc: {  	s28 =	simm.s32 $_size_execute0_lowered;
	s4 =	sadd.s32 s4, s6;
	[dreg:$0x0] =	wrdreg $0x0  }
0xbd: {  	s6 =	sshll.u32 s28, $0x1;
	[dreg:$0x2] =	wrdreg s4  }
0xbe: {  	[dreg:$0x3] =	wrdreg s6  }
0xbf: {  	[dreg:$0x4] =	wrdreg $0xC0  }
0xc0: {  	_ =	task [dreg:s22], $0x5FFFF  }
0xc1: {  	[dreg:$0x1] =	wrdreg $0xFFFFFFFF  }
0xc2: {  	[dreg:$0x0] =	wrdreg $0x60  }
0xc3: {  	[dreg:$0x2] =	wrdreg s24  }
0xc4: {  	[dreg:$0x3] =	wrdreg s17  }
0xc5: {  	[dreg:$0x4] =	wrdreg $0xA  }
0xc6: {  	_ =	task.clear_ibuf [dreg:s22], $0x5FFFF;
	_ =	strace $0x90000050  }
0xc7: {  	s29 =	simm.s32 $0xA;
	_ =	strace $0x80000059  }
0xc8: {  	_ =	swait.ge [sflag:s29], $0x1  }
0xc9: {  	[sflag:s29] =	ssyncadd.s32 $0xFFFFFFFF  }
0xca: {  	_ =	strace $0x90000059  }
0xcb: {  	_ =	sfence  }
0xcc: {  	s30 =	sld [smem:$0x0];
	_ =	sdelay $0x2  }
0xcd: {  	s31 =	sshll.u32 s1, $0xD;
	s1 =	sshrl.u32 s1, $0x2  }
0xce: {  	s4 =	sand.u32 $0x4000, s31;
	s1 =	sadd.s32 s1, s30  }
0xcf: {  	s0 =	sor.u32 s4, s0;
	s1 =	sshll.u32 s1, $0x11  }
0xd0: {  	s0 =	sor.u32 s1, s0  }
0xd1: {  	s0 =	sadd.s32 $0x8F2B, s0  }
0xd2: {  	[sflag:s0] =	ssyncadd.remote.s32 $0x1  }
0xd3: {  	_ =	sfence.sel $0xFFFF  }
0xd4: {  	[dreg:$0x0] =	wrdreg $0xFFFFFFFF;
	(pc) =	sbr.abs _section_cstart, $3  }
0xd5: {  	[dreg:$0x1] =	wrdreg $0xFFFFFFFF  }
0xd6: {  	_ =	task.clear_ibuf [dreg:s22], $0x2FFFF;
	_ =	strace $0x9FFFFFFF  }
0xd7: {  	(tm) =	ssettm $0x7FFFFFFF  }
tec
execute0_lowered:
.L_overlay_start_1:
0x0: {  	(tag) =	ssettag $0x1  }
0x1: {  	s3 =	rddreg [dreg:$0x0]  }
0x2: {  	s0 =	rddreg [dreg:$0x1]  }
0x3: {  	s1 =	simm.s32 $0x0;
	[dreg:$0x5] =	wrdreg s0  }
0x4: {  	s2 =	srdreg.scid;
	s8 =	simm.s32 $0x80;
	s0 =	rddreg [dreg:$0x2]  }
0x5: {  	s9 =	simm.s32 $0x4;
	s10 =	simm.s32 $0x0;
	[smem:$0x7FF] =	sst s1  }
0x6: {  	s4 =	sadd.s32 $0xC00, s3;
	s5 =	sand.u32 $0x1, s2;
	s2 =	stileid.u32  }
0x7: {  	s3 =	sadd.s32 $0x45600, s3;
	_ =	strace $0x80000051;
	[dreg:$0x3] =	wrdreg s4  }
0x8: {  	s6 =	ssub.s32 $0x2, s5;
	s5 =	sshll.u32 s5, $0x4;
	[dreg:$0x4] =	wrdreg s8  }
0x9: {  	s8 =	simm.s32 $0x5;
	s31 =	sshrl.u32 s6, $0x1;
	s5 =	sor.u32 s2, s5  }
0xa: {  	s6 =	ssub.s32 s6, s31;
	s7 =	sshll.u32 s5, $0x6;
	s4 =	sshll.u32 s5, $0x2  }
0xb: {  	s5 =	sadd.s32 s3, s7;
	s6 =	smax.u32 s6, $0x1;
	s7 =	simm.s32 $0x4000  }
.LBB2_1:
0xc: {  	_ =	strace $0x80000052;
	s11 =	simm.s32 $0x4  }
0xd: {  	s12 =	simm.s32 $0x0;
	s13 =	simm.s32 $0x0;
	s14 =	simm.s32 $0x0  }
0xe: {  	[tilespmem:s7], [sflag:$0x1] =	stream.linear.gather [hbm4b:s5+s1], $0x80, $0x200038;
	[tilespmem:$0xC100] =	vst v63  }
0xf: {  	s15 =	simm.s32 $0x0;
	s16 =	simm.s32 $0x1;
	_ =	strace $0x90000052  }
.LBB2_2:
0x10: {  	s17 =	smov.u32 s12;
	s12 =	sadd.s32 $0x1, s12  }
0x11: {  	p0 =	seq.s32 s12, $0x4  }
0x12: {  	s12 =	simm.s32 @p0 $0x0  }
0x13: {  	p6 =	sne.s32 s11, $0x1;
	p1 =	sne.s32 s17, s12  }
0x14: {  	p0 =	por !p6, !p1  }
0x15: {  	p0 =	por !p0, !p0  }
0x16: {  	s19 =	sadd.s32 @p0 s4, s12  }
0x17: {  	s18 =	sand.u32 @p0 $0x1, s16;
	_ =	strace @p0 $0x80000053;
	s19 =	sshll.u32 @p0 s19, $0x4  }
0x18: {  	s21 =	simm.s32 @p0 $0x0;
	s20 =	sshll.u32 @p0 s18, $0x7;
	s19 =	sand.u32 @p0 $0x1FFFFFF0, s19  }
0x19: {  	s18 =	sadd.s32 @p0 $0x1, s18;
	s20 =	sor.u32 @p0 $0x4000, s20;
	s19 =	sadd.s32 @p0 s3, s19  }
0x1a: {  	[tilespmem:s20], [sflag:s18] =	stream.linear.gather @p0 [hbm4b:s19+s21], $0x80, $0x200038;
	[tilespmem:$0xC100] =	vst v63  }
0x1b: {  	s26 =	sand.u32 $0x1, s15;
	_ =	strace @p0 $0x90000053  }
0x1c: {  	s18 =	sadd.s32 $0x1, s26;
	_ =	strace $0x80000054  }
0x1d: {  	_ =	swait.ge [sflag:s18], $0x80  }
0x1e: {  	[sflag:s18] =	ssyncset.done $0x0  }
0x1f: {  	[sflag:s18] =	ssyncadd.s32 $0xFFFFFF80  }
0x20: {  	_ =	strace $0x90000054  }
0x21: {  	s29 =	sshll.u32 s15, $0x7;
	_ =	strace $0x80000055  }
0x22: {  	s19 =	sand.u32 $0x80, s29;
	s28 =	rddreg [dreg:$0x3]  }
0x23: {  	s19 =	sor.u32 $0x4000, s19;
	s30 =	rddreg [dreg:$0x4]  }
0x24: {  	[tilespmem:s1], [sflag:$0x5] =	stream.indirect.gather [hbm4b:s28+s30], $0x80, s19, s30, $0x2000b8;
	[tilespmem:$0xC100] =	vst v63  }
0x25: {  	_ =	swait.ge [sflag:s8], $0x4000  }
0x26: {  	[sflag:s8] =	ssyncset.done $0x0  }
0x27: {  	[sflag:s8] =	ssyncadd.s32 $0xFFFFC000  }
0x28: {  	v0 =	vld [tilespmem:$0x0]  }
0x29: {  	v25 =	vld [tilespmem:$0x10]  }
0x2a: {  	v26 =	vld [tilespmem:$0x20]  }
0x2b: {  	v27 =	vld [tilespmem:$0x30]  }
0x2c: {  	v28 =	vld [tilespmem:$0x80]  }
0x2d: {  	v29 =	vld [tilespmem:$0x90];
	[tilespmem:$0x1E3F0] =	vst v0  }
0x2e: {  	v30 =	vld [tilespmem:$0xA0];
	[tilespmem:$0x1E400] =	vst v25  }
0x2f: {  	v31 =	vld [tilespmem:$0xB0];
	[tilespmem:$0x1E410] =	vst v26  }
0x30: {  	v32 =	vld [tilespmem:$0x100];
	[tilespmem:$0x1E420] =	vst v27  }
0x31: {  	v33 =	vld [tilespmem:$0x110];
	[tilespmem:$0x1E430] =	vst v28  }
0x32: {  	v34 =	vld [tilespmem:$0x120];
	[tilespmem:$0x1E440] =	vst v29  }
0x33: {  	v35 =	vld [tilespmem:$0x130];
	[tilespmem:$0x1E450] =	vst v30  }
0x34: {  	v36 =	vld [tilespmem:$0x180];
	[tilespmem:$0x1E460] =	vst v31  }
0x35: {  	v37 =	vld [tilespmem:$0x190];
	[tilespmem:$0x1E470] =	vst v32  }
0x36: {  	v38 =	vld [tilespmem:$0x1A0];
	[tilespmem:$0x1E480] =	vst v33  }
0x37: {  	v39 =	vld [tilespmem:$0x1B0];
	[tilespmem:$0x1E490] =	vst v34  }
0x38: {  	v40 =	vld [tilespmem:$0x200];
	[tilespmem:$0x1E4A0] =	vst v35  }
0x39: {  	v41 =	vld [tilespmem:$0x210];
	[tilespmem:$0x1E4B0] =	vst v36  }
0x3a: {  	v42 =	vld [tilespmem:$0x220];
	[tilespmem:$0x1E4C0] =	vst v37  }
0x3b: {  	v43 =	vld [tilespmem:$0x230];
	[tilespmem:$0x1E4D0] =	vst v38  }
0x3c: {  	v44 =	vld [tilespmem:$0x280];
	[tilespmem:$0x1E4E0] =	vst v39  }
0x3d: {  	v45 =	vld [tilespmem:$0x290];
	[tilespmem:$0x1E4F0] =	vst v40  }
0x3e: {  	v46 =	vld [tilespmem:$0x2A0];
	[tilespmem:$0x1E500] =	vst v41  }
0x3f: {  	v47 =	vld [tilespmem:$0x2B0];
	[tilespmem:$0x1E510] =	vst v42  }
0x40: {  	v48 =	vld [tilespmem:$0x300];
	[tilespmem:$0x1E520] =	vst v43  }
0x41: {  	v49 =	vld [tilespmem:$0x310];
	[tilespmem:$0x1E530] =	vst v44  }
0x42: {  	v50 =	vld [tilespmem:$0x320];
	[tilespmem:$0x1E540] =	vst v45  }
0x43: {  	v51 =	vld [tilespmem:$0x330];
	[tilespmem:$0x1E550] =	vst v46  }
0x44: {  	v52 =	vld [tilespmem:$0x380];
	[tilespmem:$0x1E560] =	vst v47  }
0x45: {  	v53 =	vld [tilespmem:$0x390];
	[tilespmem:$0x1E570] =	vst v48  }
0x46: {  	v54 =	vld [tilespmem:$0x3A0];
	[tilespmem:$0x1E580] =	vst v49  }
0x47: {  	v55 =	vld [tilespmem:$0x3B0];
	[tilespmem:$0x1E590] =	vst v50  }
0x48: {  	v56 =	vld [tilespmem:$0x400];
	[tilespmem:$0x1E5A0] =	vst v51  }
0x49: {  	v57 =	vld [tilespmem:$0x410];
	[tilespmem:$0x1E5B0] =	vst v52  }
0x4a: {  	v58 =	vld [tilespmem:$0x420];
	[tilespmem:$0x1E5C0] =	vst v53  }
0x4b: {  	v59 =	vld [tilespmem:$0x430];
	[tilespmem:$0x1E5D0] =	vst v54  }
0x4c: {  	v60 =	vld [tilespmem:$0x480];
	[tilespmem:$0x1E5E0] =	vst v55  }
0x4d: {  	v61 =	vld [tilespmem:$0x490];
	[tilespmem:$0x1E5F0] =	vst v56  }
0x4e: {  	v62 =	vld [tilespmem:$0x4A0];
	[tilespmem:$0x1E600] =	vst v57  }
0x4f: {  	v63 =	vld [tilespmem:$0x4B0];
	[tilespmem:$0x1E610] =	vst v58  }
0x50: {  	v4 =	vld [tilespmem:$0x500];
	[tilespmem:$0x1E620] =	vst v59  }
0x51: {  	v5 =	vld [tilespmem:$0x510];
	[tilespmem:$0x1E630] =	vst v60  }
0x52: {  	v6 =	vld [tilespmem:$0x520];
	[tilespmem:$0x1E640] =	vst v61  }
0x53: {  	v7 =	vld [tilespmem:$0x530];
	[tilespmem:$0x1E650] =	vst v62  }
0x54: {  	v8 =	vld [tilespmem:$0x580];
	[tilespmem:$0x1E660] =	vst v63  }
0x55: {  	v9 =	vld [tilespmem:$0x590];
	[tilespmem:$0x1E670] =	vst v4  }
0x56: {  	v10 =	vld [tilespmem:$0x5A0];
	[tilespmem:$0x1E680] =	vst v5  }
0x57: {  	v11 =	vld [tilespmem:$0x5B0];
	[tilespmem:$0x1E690] =	vst v6  }
0x58: {  	v12 =	vld [tilespmem:$0x600];
	[tilespmem:$0x1E6A0] =	vst v7  }
0x59: {  	v13 =	vld [tilespmem:$0x610];
	[tilespmem:$0x1E6B0] =	vst v8  }
0x5a: {  	v14 =	vld [tilespmem:$0x620];
	[tilespmem:$0x1E6C0] =	vst v9  }
0x5b: {  	v15 =	vld [tilespmem:$0x630];
	[tilespmem:$0x1E6D0] =	vst v10  }
0x5c: {  	v16 =	vld [tilespmem:$0x680];
	[tilespmem:$0x1E6E0] =	vst v11  }
0x5d: {  	v17 =	vld [tilespmem:$0x690];
	[tilespmem:$0x1E6F0] =	vst v12  }
0x5e: {  	v18 =	vld [tilespmem:$0x6A0];
	[tilespmem:$0x1E700] =	vst v13  }
0x5f: {  	v19 =	vld [tilespmem:$0x6B0];
	[tilespmem:$0x1E710] =	vst v14  }
0x60: {  	v20 =	vld [tilespmem:$0x700];
	[tilespmem:$0x1E720] =	vst v15  }
0x61: {  	v21 =	vld [tilespmem:$0x710];
	[tilespmem:$0x1E730] =	vst v16  }
0x62: {  	v22 =	vld [tilespmem:$0x720];
	[tilespmem:$0x1E740] =	vst v17  }
0x63: {  	v23 =	vld [tilespmem:$0x730];
	[tilespmem:$0x1E750] =	vst v18  }
0x64: {  	v24 =	vld [tilespmem:$0x780];
	[tilespmem:$0x1E760] =	vst v19  }
0x65: {  	[tilespmem:$0x1E770] =	vst v20;
	v25 =	vld [tilespmem:$0x790]  }
0x66: {  	[tilespmem:$0x1E780] =	vst v21;
	v26 =	vld [tilespmem:$0x7A0]  }
0x67: {  	[tilespmem:$0x1E790] =	vst v22;
	v27 =	vld [tilespmem:$0x7B0]  }
0x68: {  	[tilespmem:$0x1E7A0] =	vst v23;
	v28 =	vld [tilespmem:$0x800]  }
0x69: {  	[tilespmem:$0x1E7B0] =	vst v24;
	v29 =	vld [tilespmem:$0x810]  }
0x6a: {  	v30 =	vld [tilespmem:$0x820];
	[tilespmem:$0x1E7C0] =	vst v25  }
0x6b: {  	v31 =	vld [tilespmem:$0x830];
	[tilespmem:$0x1E7D0] =	vst v26  }
0x6c: {  	v32 =	vld [tilespmem:$0x880];
	[tilespmem:$0x1E7E0] =	vst v27  }
0x6d: {  	v33 =	vld [tilespmem:$0x890];
	[tilespmem:$0x1E7F0] =	vst v28  }
0x6e: {  	v34 =	vld [tilespmem:$0x8A0];
	[tilespmem:$0x1E800] =	vst v29  }
0x6f: {  	v35 =	vld [tilespmem:$0x8B0];
	[tilespmem:$0x1E810] =	vst v30  }
0x70: {  	v36 =	vld [tilespmem:$0x900];
	[tilespmem:$0x1E820] =	vst v31  }
0x71: {  	v37 =	vld [tilespmem:$0x910];
	[tilespmem:$0x1E830] =	vst v32  }
0x72: {  	v38 =	vld [tilespmem:$0x920];
	[tilespmem:$0x1E840] =	vst v33  }
0x73: {  	v39 =	vld [tilespmem:$0x930];
	[tilespmem:$0x1E850] =	vst v34  }
0x74: {  	v40 =	vld [tilespmem:$0x980];
	[tilespmem:$0x1E860] =	vst v35  }
0x75: {  	v41 =	vld [tilespmem:$0x990];
	[tilespmem:$0x1E870] =	vst v36  }
0x76: {  	v42 =	vld [tilespmem:$0x9A0];
	[tilespmem:$0x1E880] =	vst v37  }
0x77: {  	v43 =	vld [tilespmem:$0x9B0];
	[tilespmem:$0x1E890] =	vst v38  }
0x78: {  	v44 =	vld [tilespmem:$0xA00];
	[tilespmem:$0x1E8A0] =	vst v39  }
0x79: {  	v45 =	vld [tilespmem:$0xA10];
	[tilespmem:$0x1E8B0] =	vst v40  }
0x7a: {  	v46 =	vld [tilespmem:$0xA20];
	[tilespmem:$0x1E8C0] =	vst v41  }
0x7b: {  	v47 =	vld [tilespmem:$0xA30];
	[tilespmem:$0x1E8D0] =	vst v42  }
0x7c: {  	v48 =	vld [tilespmem:$0xA80];
	[tilespmem:$0x1E8E0] =	vst v43  }
0x7d: {  	v49 =	vld [tilespmem:$0xA90];
	[tilespmem:$0x1E8F0] =	vst v44  }
0x7e: {  	v50 =	vld [tilespmem:$0xAA0];
	[tilespmem:$0x1E900] =	vst v45  }
0x7f: {  	v51 =	vld [tilespmem:$0xAB0];
	[tilespmem:$0x1E910] =	vst v46  }
0x80: {  	v52 =	vld [tilespmem:$0xB00];
	[tilespmem:$0x1E920] =	vst v47  }
0x81: {  	v53 =	vld [tilespmem:$0xB10];
	[tilespmem:$0x1E930] =	vst v48  }
0x82: {  	v54 =	vld [tilespmem:$0xB20];
	[tilespmem:$0x1E940] =	vst v49  }
0x83: {  	v55 =	vld [tilespmem:$0xB30];
	[tilespmem:$0x1E950] =	vst v50  }
0x84: {  	v56 =	vld [tilespmem:$0xB80];
	[tilespmem:$0x1E960] =	vst v51  }
0x85: {  	v57 =	vld [tilespmem:$0xB90];
	[tilespmem:$0x1E970] =	vst v52  }
0x86: {  	v58 =	vld [tilespmem:$0xBA0];
	[tilespmem:$0x1E980] =	vst v53  }
0x87: {  	v59 =	vld [tilespmem:$0xBB0];
	[tilespmem:$0x1E990] =	vst v54  }
0x88: {  	v60 =	vld [tilespmem:$0xC00];
	[tilespmem:$0x1E9A0] =	vst v55  }
0x89: {  	v61 =	vld [tilespmem:$0xC10];
	[tilespmem:$0x1E9B0] =	vst v56  }
0x8a: {  	v62 =	vld [tilespmem:$0xC20];
	[tilespmem:$0x1E9C0] =	vst v57  }
0x8b: {  	v63 =	vld [tilespmem:$0xC30];
	[tilespmem:$0x1E9D0] =	vst v58  }
0x8c: {  	v4 =	vld [tilespmem:$0xC80];
	[tilespmem:$0x1E9E0] =	vst v59  }
0x8d: {  	v5 =	vld [tilespmem:$0xC90];
	[tilespmem:$0x1E9F0] =	vst v60  }
0x8e: {  	v6 =	vld [tilespmem:$0xCA0];
	[tilespmem:$0x1EA00] =	vst v61  }
0x8f: {  	v7 =	vld [tilespmem:$0xCB0];
	[tilespmem:$0x1EA10] =	vst v62  }
0x90: {  	v8 =	vld [tilespmem:$0xD00];
	[tilespmem:$0x1EA20] =	vst v63  }
0x91: {  	v9 =	vld [tilespmem:$0xD10];
	[tilespmem:$0x1EA30] =	vst v4  }
0x92: {  	v10 =	vld [tilespmem:$0xD20];
	[tilespmem:$0x1EA40] =	vst v5  }
0x93: {  	v11 =	vld [tilespmem:$0xD30];
	[tilespmem:$0x1EA50] =	vst v6  }
0x94: {  	v12 =	vld [tilespmem:$0xD80];
	[tilespmem:$0x1EA60] =	vst v7  }
0x95: {  	v13 =	vld [tilespmem:$0xD90];
	[tilespmem:$0x1EA70] =	vst v8  }
0x96: {  	v14 =	vld [tilespmem:$0xDA0];
	[tilespmem:$0x1EA80] =	vst v9  }
0x97: {  	v15 =	vld [tilespmem:$0xDB0];
	[tilespmem:$0x1EA90] =	vst v10  }
0x98: {  	v16 =	vld [tilespmem:$0xE00];
	[tilespmem:$0x1EAA0] =	vst v11  }
0x99: {  	v17 =	vld [tilespmem:$0xE10];
	[tilespmem:$0x1EAB0] =	vst v12  }
0x9a: {  	v18 =	vld [tilespmem:$0xE20];
	[tilespmem:$0x1EAC0] =	vst v13  }
0x9b: {  	v19 =	vld [tilespmem:$0xE30];
	[tilespmem:$0x1EAD0] =	vst v14  }
0x9c: {  	v20 =	vld [tilespmem:$0xE80];
	[tilespmem:$0x1EAE0] =	vst v15  }
0x9d: {  	v21 =	vld [tilespmem:$0xE90];
	[tilespmem:$0x1EAF0] =	vst v16  }
0x9e: {  	v22 =	vld [tilespmem:$0xEA0];
	[tilespmem:$0x1EB00] =	vst v17  }
0x9f: {  	v23 =	vld [tilespmem:$0xEB0];
	[tilespmem:$0x1EB10] =	vst v18  }
0xa0: {  	v24 =	vld [tilespmem:$0xF00];
	[tilespmem:$0x1EB20] =	vst v19  }
0xa1: {  	[tilespmem:$0x1EB30] =	vst v20;
	v25 =	vld [tilespmem:$0xF10]  }
0xa2: {  	[tilespmem:$0x1EB40] =	vst v21;
	v26 =	vld [tilespmem:$0xF20]  }
0xa3: {  	[tilespmem:$0x1EB50] =	vst v22;
	v27 =	vld [tilespmem:$0xF30]  }
0xa4: {  	[tilespmem:$0x1EB60] =	vst v23;
	v28 =	vld [tilespmem:$0xF80]  }
0xa5: {  	[tilespmem:$0x1EB70] =	vst v24;
	v29 =	vld [tilespmem:$0xF90]  }
0xa6: {  	v30 =	vld [tilespmem:$0xFA0];
	[tilespmem:$0x1EB80] =	vst v25  }
0xa7: {  	v31 =	vld [tilespmem:$0xFB0];
	[tilespmem:$0x1EB90] =	vst v26  }
0xa8: {  	v32 =	vld [tilespmem:$0x1000];
	[tilespmem:$0x1EBA0] =	vst v27  }
0xa9: {  	v33 =	vld [tilespmem:$0x1010];
	[tilespmem:$0x1EBB0] =	vst v28  }
0xaa: {  	v34 =	vld [tilespmem:$0x1020];
	[tilespmem:$0x1EBC0] =	vst v29  }
0xab: {  	v35 =	vld [tilespmem:$0x1030];
	[tilespmem:$0x1EBD0] =	vst v30  }
0xac: {  	v36 =	vld [tilespmem:$0x1080];
	[tilespmem:$0x1EBE0] =	vst v31  }
0xad: {  	v37 =	vld [tilespmem:$0x1090];
	[tilespmem:$0x1EBF0] =	vst v32  }
0xae: {  	v38 =	vld [tilespmem:$0x10A0];
	[tilespmem:$0x1EC00] =	vst v33  }
0xaf: {  	v39 =	vld [tilespmem:$0x10B0];
	[tilespmem:$0x1EC10] =	vst v34  }
0xb0: {  	v40 =	vld [tilespmem:$0x1100];
	[tilespmem:$0x1EC20] =	vst v35  }
0xb1: {  	v41 =	vld [tilespmem:$0x1110];
	[tilespmem:$0x1EC30] =	vst v36  }
0xb2: {  	v42 =	vld [tilespmem:$0x1120];
	[tilespmem:$0x1EC40] =	vst v37  }
0xb3: {  	v43 =	vld [tilespmem:$0x1130];
	[tilespmem:$0x1EC50] =	vst v38  }
0xb4: {  	v44 =	vld [tilespmem:$0x1180];
	[tilespmem:$0x1EC60] =	vst v39  }
0xb5: {  	v45 =	vld [tilespmem:$0x1190];
	[tilespmem:$0x1EC70] =	vst v40  }
0xb6: {  	v46 =	vld [tilespmem:$0x11A0];
	[tilespmem:$0x1EC80] =	vst v41  }
0xb7: {  	v47 =	vld [tilespmem:$0x11B0];
	[tilespmem:$0x1EC90] =	vst v42  }
0xb8: {  	v48 =	vld [tilespmem:$0x1200];
	[tilespmem:$0x1ECA0] =	vst v43  }
0xb9: {  	v49 =	vld [tilespmem:$0x1210];
	[tilespmem:$0x1ECB0] =	vst v44  }
0xba: {  	v50 =	vld [tilespmem:$0x1220];
	[tilespmem:$0x1ECC0] =	vst v45  }
0xbb: {  	v51 =	vld [tilespmem:$0x1230];
	[tilespmem:$0x1ECD0] =	vst v46  }
0xbc: {  	v52 =	vld [tilespmem:$0x1280];
	[tilespmem:$0x1ECE0] =	vst v47  }
0xbd: {  	v53 =	vld [tilespmem:$0x1290];
	[tilespmem:$0x1ECF0] =	vst v48  }
0xbe: {  	v54 =	vld [tilespmem:$0x12A0];
	[tilespmem:$0x1ED00] =	vst v49  }
0xbf: {  	v55 =	vld [tilespmem:$0x12B0];
	[tilespmem:$0x1ED10] =	vst v50  }
0xc0: {  	v56 =	vld [tilespmem:$0x1300];
	[tilespmem:$0x1ED20] =	vst v51  }
0xc1: {  	v57 =	vld [tilespmem:$0x1310];
	[tilespmem:$0x1ED30] =	vst v52  }
0xc2: {  	v58 =	vld [tilespmem:$0x1320];
	[tilespmem:$0x1ED40] =	vst v53  }
0xc3: {  	v59 =	vld [tilespmem:$0x1330];
	[tilespmem:$0x1ED50] =	vst v54  }
0xc4: {  	v60 =	vld [tilespmem:$0x1380];
	[tilespmem:$0x1ED60] =	vst v55  }
0xc5: {  	v61 =	vld [tilespmem:$0x1390];
	[tilespmem:$0x1ED70] =	vst v56  }
0xc6: {  	v62 =	vld [tilespmem:$0x13A0];
	[tilespmem:$0x1ED80] =	vst v57  }
0xc7: {  	v63 =	vld [tilespmem:$0x13B0];
	[tilespmem:$0x1ED90] =	vst v58  }
0xc8: {  	v4 =	vld [tilespmem:$0x1400];
	[tilespmem:$0x1EDA0] =	vst v59  }
0xc9: {  	v5 =	vld [tilespmem:$0x1410];
	[tilespmem:$0x1EDB0] =	vst v60  }
0xca: {  	v6 =	vld [tilespmem:$0x1420];
	[tilespmem:$0x1EDC0] =	vst v61  }
0xcb: {  	v7 =	vld [tilespmem:$0x1430];
	[tilespmem:$0x1EDD0] =	vst v62  }
0xcc: {  	v8 =	vld [tilespmem:$0x1480];
	[tilespmem:$0x1EDE0] =	vst v63  }
0xcd: {  	v9 =	vld [tilespmem:$0x1490];
	[tilespmem:$0x1EDF0] =	vst v4  }
0xce: {  	v10 =	vld [tilespmem:$0x14A0];
	[tilespmem:$0x1EE00] =	vst v5  }
0xcf: {  	v11 =	vld [tilespmem:$0x14B0];
	[tilespmem:$0x1EE10] =	vst v6  }
0xd0: {  	v12 =	vld [tilespmem:$0x1500];
	[tilespmem:$0x1EE20] =	vst v7  }
0xd1: {  	v13 =	vld [tilespmem:$0x1510];
	[tilespmem:$0x1EE30] =	vst v8  }
0xd2: {  	v14 =	vld [tilespmem:$0x1520];
	[tilespmem:$0x1EE40] =	vst v9  }
0xd3: {  	v15 =	vld [tilespmem:$0x1530];
	[tilespmem:$0x1EE50] =	vst v10  }
0xd4: {  	v16 =	vld [tilespmem:$0x1580];
	[tilespmem:$0x1EE60] =	vst v11  }
0xd5: {  	v17 =	vld [tilespmem:$0x1590];
	[tilespmem:$0x1EE70] =	vst v12  }
0xd6: {  	v18 =	vld [tilespmem:$0x15A0];
	[tilespmem:$0x1EE80] =	vst v13  }
0xd7: {  	v19 =	vld [tilespmem:$0x15B0];
	[tilespmem:$0x1EE90] =	vst v14  }
0xd8: {  	v20 =	vld [tilespmem:$0x1600];
	[tilespmem:$0x1EEA0] =	vst v15  }
0xd9: {  	v21 =	vld [tilespmem:$0x1610];
	[tilespmem:$0x1EEB0] =	vst v16  }
0xda: {  	v22 =	vld [tilespmem:$0x1620];
	[tilespmem:$0x1EEC0] =	vst v17  }
0xdb: {  	v23 =	vld [tilespmem:$0x1630];
	[tilespmem:$0x1EED0] =	vst v18  }
0xdc: {  	v24 =	vld [tilespmem:$0x1680];
	[tilespmem:$0x1EEE0] =	vst v19  }
0xdd: {  	[tilespmem:$0x1EEF0] =	vst v20;
	v25 =	vld [tilespmem:$0x1690]  }
0xde: {  	[tilespmem:$0x1EF00] =	vst v21;
	v26 =	vld [tilespmem:$0x16A0]  }
0xdf: {  	[tilespmem:$0x1EF10] =	vst v22;
	v27 =	vld [tilespmem:$0x16B0]  }
0xe0: {  	[tilespmem:$0x1EF20] =	vst v23;
	v28 =	vld [tilespmem:$0x1700]  }
0xe1: {  	[tilespmem:$0x1EF30] =	vst v24;
	v29 =	vld [tilespmem:$0x1710]  }
0xe2: {  	v30 =	vld [tilespmem:$0x1720];
	[tilespmem:$0x1EF40] =	vst v25  }
0xe3: {  	v31 =	vld [tilespmem:$0x1730];
	[tilespmem:$0x1EF50] =	vst v26  }
0xe4: {  	v32 =	vld [tilespmem:$0x1780];
	[tilespmem:$0x1EF60] =	vst v27  }
0xe5: {  	v33 =	vld [tilespmem:$0x1790];
	[tilespmem:$0x1EF70] =	vst v28  }
0xe6: {  	v34 =	vld [tilespmem:$0x17A0];
	[tilespmem:$0x1EF80] =	vst v29  }
0xe7: {  	v35 =	vld [tilespmem:$0x17B0];
	[tilespmem:$0x1EF90] =	vst v30  }
0xe8: {  	v36 =	vld [tilespmem:$0x1800];
	[tilespmem:$0x1EFA0] =	vst v31  }
0xe9: {  	v37 =	vld [tilespmem:$0x1810];
	[tilespmem:$0x1EFB0] =	vst v32  }
0xea: {  	v38 =	vld [tilespmem:$0x1820];
	[tilespmem:$0x1EFC0] =	vst v33  }
0xeb: {  	v39 =	vld [tilespmem:$0x1830];
	[tilespmem:$0x1EFD0] =	vst v34  }
0xec: {  	v40 =	vld [tilespmem:$0x1880];
	[tilespmem:$0x1EFE0] =	vst v35  }
0xed: {  	v41 =	vld [tilespmem:$0x1890];
	[tilespmem:$0x1EFF0] =	vst v36  }
0xee: {  	v42 =	vld [tilespmem:$0x18A0];
	[tilespmem:$0x1F000] =	vst v37  }
0xef: {  	v43 =	vld [tilespmem:$0x18B0];
	[tilespmem:$0x1F010] =	vst v38  }
0xf0: {  	v44 =	vld [tilespmem:$0x1900];
	[tilespmem:$0x1F020] =	vst v39  }
0xf1: {  	v45 =	vld [tilespmem:$0x1910];
	[tilespmem:$0x1F030] =	vst v40  }
0xf2: {  	v46 =	vld [tilespmem:$0x1920];
	[tilespmem:$0x1F040] =	vst v41  }
0xf3: {  	v47 =	vld [tilespmem:$0x1930];
	[tilespmem:$0x1F050] =	vst v42  }
0xf4: {  	v48 =	vld [tilespmem:$0x1980];
	[tilespmem:$0x1F060] =	vst v43  }
0xf5: {  	v49 =	vld [tilespmem:$0x1990];
	[tilespmem:$0x1F070] =	vst v44  }
0xf6: {  	v50 =	vld [tilespmem:$0x19A0];
	[tilespmem:$0x1F080] =	vst v45  }
0xf7: {  	v51 =	vld [tilespmem:$0x19B0];
	[tilespmem:$0x1F090] =	vst v46  }
0xf8: {  	v52 =	vld [tilespmem:$0x1A00];
	[tilespmem:$0x1F0A0] =	vst v47  }
0xf9: {  	v53 =	vld [tilespmem:$0x1A10];
	[tilespmem:$0x1F0B0] =	vst v48  }
0xfa: {  	v54 =	vld [tilespmem:$0x1A20];
	[tilespmem:$0x1F0C0] =	vst v49  }
0xfb: {  	v55 =	vld [tilespmem:$0x1A30];
	[tilespmem:$0x1F0D0] =	vst v50  }
0xfc: {  	v56 =	vld [tilespmem:$0x1A80];
	[tilespmem:$0x1F0E0] =	vst v51  }
0xfd: {  	[tilespmem:$0x1F0F0] =	vst v52  }
0xfe: {  	[tilespmem:$0x1F100] =	vst v53  }
0xff: {  	[tilespmem:$0x1F110] =	vst v54  }
0x100: {  	[tilespmem:$0x1F120] =	vst v55  }
0x101: {  	[tilespmem:$0x1F130] =	vst v56  }
0x102: {  	v0 =	vld [tilespmem:$0x1A90]  }
0x103: {  	v57 =	vld [tilespmem:$0x1AA0]  }
0x104: {  	v58 =	vld [tilespmem:$0x1AB0]  }
0x105: {  	v59 =	vld [tilespmem:$0x1B00]  }
0x106: {  	v60 =	vld [tilespmem:$0x1B10]  }
0x107: {  	v61 =	vld [tilespmem:$0x1B20]  }
0x108: {  	v62 =	vld [tilespmem:$0x1B30]  }
0x109: {  	v63 =	vld [tilespmem:$0x1B80]  }
0x10a: {  	v4 =	vld [tilespmem:$0x1B90]  }
0x10b: {  	v5 =	vld [tilespmem:$0x1BA0]  }
0x10c: {  	v6 =	vld [tilespmem:$0x1BB0]  }
0x10d: {  	v7 =	vld [tilespmem:$0x1C00]  }
0x10e: {  	v8 =	vld [tilespmem:$0x1C10]  }
0x10f: {  	v9 =	vld [tilespmem:$0x1C20]  }
0x110: {  	v10 =	vld [tilespmem:$0x1C30]  }
0x111: {  	v11 =	vld [tilespmem:$0x1C80]  }
0x112: {  	v12 =	vld [tilespmem:$0x1C90]  }
0x113: {  	v13 =	vld [tilespmem:$0x1CA0]  }
0x114: {  	v14 =	vld [tilespmem:$0x1CB0]  }
0x115: {  	v15 =	vld [tilespmem:$0x1D00]  }
0x116: {  	v16 =	vld [tilespmem:$0x1D10]  }
0x117: {  	v17 =	vld [tilespmem:$0x1D20]  }
0x118: {  	v18 =	vld [tilespmem:$0x1D30]  }
0x119: {  	v19 =	vld [tilespmem:$0x1D80]  }
0x11a: {  	v20 =	vld [tilespmem:$0x1D90]  }
0x11b: {  	v21 =	vld [tilespmem:$0x1DA0]  }
0x11c: {  	v22 =	vld [tilespmem:$0x1DB0]  }
0x11d: {  	v23 =	vld [tilespmem:$0x1E00]  }
0x11e: {  	v24 =	vld [tilespmem:$0x1E10]  }
0x11f: {  	v25 =	vld [tilespmem:$0x1E20]  }
0x120: {  	v26 =	vld [tilespmem:$0x1E30]  }
0x121: {  	v27 =	vld [tilespmem:$0x1E80]  }
0x122: {  	v28 =	vld [tilespmem:$0x1E90];
	[tilespmem:$0x1F140] =	vst v0  }
0x123: {  	v29 =	vld [tilespmem:$0x1EA0];
	[tilespmem:$0x1F150] =	vst v57  }
0x124: {  	v30 =	vld [tilespmem:$0x1EB0];
	[tilespmem:$0x1F160] =	vst v58  }
0x125: {  	v31 =	vld [tilespmem:$0x1F00];
	[tilespmem:$0x1F170] =	vst v59  }
0x126: {  	v32 =	vld [tilespmem:$0x1F10];
	[tilespmem:$0x1F180] =	vst v60  }
0x127: {  	v33 =	vld [tilespmem:$0x1F20];
	[tilespmem:$0x1F190] =	vst v61  }
0x128: {  	v34 =	vld [tilespmem:$0x1F30];
	[tilespmem:$0x1F1A0] =	vst v62  }
0x129: {  	v35 =	vld [tilespmem:$0x1F80];
	[tilespmem:$0x1F1B0] =	vst v63  }
0x12a: {  	v36 =	vld [tilespmem:$0x1F90];
	[tilespmem:$0x1F1C0] =	vst v4  }
0x12b: {  	v37 =	vld [tilespmem:$0x1FA0];
	[tilespmem:$0x1F1D0] =	vst v5  }
0x12c: {  	v38 =	vld [tilespmem:$0x1FB0];
	[tilespmem:$0x1F1E0] =	vst v6  }
0x12d: {  	v39 =	vld [tilespmem:$0x2000];
	[tilespmem:$0x1F1F0] =	vst v7  }
0x12e: {  	v40 =	vld [tilespmem:$0x2010];
	[tilespmem:$0x1F200] =	vst v8  }
0x12f: {  	v41 =	vld [tilespmem:$0x2020];
	[tilespmem:$0x1F210] =	vst v9  }
0x130: {  	v42 =	vld [tilespmem:$0x2030];
	[tilespmem:$0x1F220] =	vst v10  }
0x131: {  	v43 =	vld [tilespmem:$0x2080];
	[tilespmem:$0x1F230] =	vst v11  }
0x132: {  	v44 =	vld [tilespmem:$0x2090];
	[tilespmem:$0x1F240] =	vst v12  }
0x133: {  	v45 =	vld [tilespmem:$0x20A0];
	[tilespmem:$0x1F250] =	vst v13  }
0x134: {  	v46 =	vld [tilespmem:$0x20B0];
	[tilespmem:$0x1F260] =	vst v14  }
0x135: {  	v47 =	vld [tilespmem:$0x2100];
	[tilespmem:$0x1F270] =	vst v15  }
0x136: {  	v48 =	vld [tilespmem:$0x2110];
	[tilespmem:$0x1F280] =	vst v16  }
0x137: {  	v49 =	vld [tilespmem:$0x2120];
	[tilespmem:$0x1F290] =	vst v17  }
0x138: {  	v50 =	vld [tilespmem:$0x2130];
	[tilespmem:$0x1F2A0] =	vst v18  }
0x139: {  	v51 =	vld [tilespmem:$0x2180];
	[tilespmem:$0x1F2B0] =	vst v19  }
0x13a: {  	v52 =	vld [tilespmem:$0x2190];
	[tilespmem:$0x1F2C0] =	vst v20  }
0x13b: {  	v53 =	vld [tilespmem:$0x21A0];
	[tilespmem:$0x1F2D0] =	vst v21  }
0x13c: {  	v54 =	vld [tilespmem:$0x21B0];
	[tilespmem:$0x1F2E0] =	vst v22  }
0x13d: {  	v55 =	vld [tilespmem:$0x2200];
	[tilespmem:$0x1F2F0] =	vst v23  }
0x13e: {  	v56 =	vld [tilespmem:$0x2210];
	[tilespmem:$0x1F300] =	vst v24  }
0x13f: {  	[tilespmem:$0x1F310] =	vst v25;
	v57 =	vld [tilespmem:$0x2220]  }
0x140: {  	[tilespmem:$0x1F320] =	vst v26;
	v58 =	vld [tilespmem:$0x2230]  }
0x141: {  	[tilespmem:$0x1F330] =	vst v27;
	v59 =	vld [tilespmem:$0x2280]  }
0x142: {  	[tilespmem:$0x1F340] =	vst v28;
	v60 =	vld [tilespmem:$0x2290]  }
0x143: {  	[tilespmem:$0x1F350] =	vst v29;
	v61 =	vld [tilespmem:$0x22A0]  }
0x144: {  	[tilespmem:$0x1F360] =	vst v30;
	v62 =	vld [tilespmem:$0x22B0]  }
0x145: {  	[tilespmem:$0x1F370] =	vst v31;
	v63 =	vld [tilespmem:$0x2300]  }
0x146: {  	[tilespmem:$0x1F380] =	vst v32;
	v4 =	vld [tilespmem:$0x2310]  }
0x147: {  	[tilespmem:$0x1F390] =	vst v33;
	v5 =	vld [tilespmem:$0x2320]  }
0x148: {  	[tilespmem:$0x1F3A0] =	vst v34;
	v6 =	vld [tilespmem:$0x2380]  }
0x149: {  	[tilespmem:$0x1F3B0] =	vst v35;
	v7 =	vld [tilespmem:$0x3FA0]  }
0x14a: {  	[tilespmem:$0x1F3C0] =	vst v36;
	v8 =	vld [tilespmem:$0x3F90]  }
0x14b: {  	[tilespmem:$0x1F3D0] =	vst v37;
	v9 =	vld [tilespmem:$0x3F80]  }
0x14c: {  	[tilespmem:$0x1F3E0] =	vst v38;
	v10 =	vld [tilespmem:$0x3F30]  }
0x14d: {  	[tilespmem:$0x1F3F0] =	vst v39;
	v11 =	vld [tilespmem:$0x3F20]  }
0x14e: {  	[tilespmem:$0x1F400] =	vst v40;
	v12 =	vld [tilespmem:$0x3F10]  }
0x14f: {  	[tilespmem:$0x1F410] =	vst v41;
	v13 =	vld [tilespmem:$0x3F00]  }
0x150: {  	[tilespmem:$0x1F420] =	vst v42;
	v14 =	vld [tilespmem:$0x3EB0]  }
0x151: {  	[tilespmem:$0x1F430] =	vst v43;
	v15 =	vld [tilespmem:$0x3EA0]  }
0x152: {  	[tilespmem:$0x1F440] =	vst v44;
	v16 =	vld [tilespmem:$0x3E90]  }
0x153: {  	[tilespmem:$0x1F450] =	vst v45;
	v17 =	vld [tilespmem:$0x3E80]  }
0x154: {  	[tilespmem:$0x1F460] =	vst v46;
	v18 =	vld [tilespmem:$0x3E30]  }
0x155: {  	[tilespmem:$0x1F470] =	vst v47;
	v19 =	vld [tilespmem:$0x3E20]  }
0x156: {  	[tilespmem:$0x1F480] =	vst v48;
	v20 =	vld [tilespmem:$0x3E10]  }
0x157: {  	[tilespmem:$0x1F490] =	vst v49;
	v21 =	vld [tilespmem:$0x3E00]  }
0x158: {  	[tilespmem:$0x1F4A0] =	vst v50;
	v22 =	vld [tilespmem:$0x3DB0]  }
0x159: {  	[tilespmem:$0x1F4B0] =	vst v51;
	v23 =	vld [tilespmem:$0x3DA0]  }
0x15a: {  	[tilespmem:$0x1F4C0] =	vst v52;
	v24 =	vld [tilespmem:$0x3D90]  }
0x15b: {  	[tilespmem:$0x1F4D0] =	vst v53;
	v25 =	vld [tilespmem:$0x3D80]  }
0x15c: {  	[tilespmem:$0x1F4E0] =	vst v54;
	v26 =	vld [tilespmem:$0x3D30]  }
0x15d: {  	[tilespmem:$0x1FFF0] =	vst v55;
	v27 =	vld [tilespmem:$0x3D20]  }
0x15e: {  	[tilespmem:$0x1FFE0] =	vst v56;
	v28 =	vld [tilespmem:$0x3D10]  }
0x15f: {  	v29 =	vld [tilespmem:$0x3D00];
	[tilespmem:$0x1FFD0] =	vst v57  }
0x160: {  	v30 =	vld [tilespmem:$0x3CB0];
	[tilespmem:$0x1FFC0] =	vst v58  }
0x161: {  	v31 =	vld [tilespmem:$0x3CA0];
	[tilespmem:$0x1FFB0] =	vst v59  }
0x162: {  	v32 =	vld [tilespmem:$0x3C90];
	[tilespmem:$0x1FFA0] =	vst v60  }
0x163: {  	v33 =	vld [tilespmem:$0x3C80];
	[tilespmem:$0x1FF90] =	vst v61  }
0x164: {  	v34 =	vld [tilespmem:$0x3C30];
	[tilespmem:$0x1FF80] =	vst v62  }
0x165: {  	v35 =	vld [tilespmem:$0x3C20];
	[tilespmem:$0x1FF70] =	vst v63  }
0x166: {  	v36 =	vld [tilespmem:$0x3C10];
	[tilespmem:$0x1FF60] =	vst v4  }
0x167: {  	v37 =	vld [tilespmem:$0x3C00];
	[tilespmem:$0x1FF50] =	vst v5  }
0x168: {  	v38 =	vld [tilespmem:$0x3BB0];
	[tilespmem:$0x1FF30] =	vst v6  }
0x169: {  	v39 =	vld [tilespmem:$0x3BA0];
	[tilespmem:$0x1F4F0] =	vst v7  }
0x16a: {  	v40 =	vld [tilespmem:$0x3B90];
	[tilespmem:$0x1F500] =	vst v8  }
0x16b: {  	v41 =	vld [tilespmem:$0x3B80];
	[tilespmem:$0x1F510] =	vst v9  }
0x16c: {  	v42 =	vld [tilespmem:$0x3B30];
	[tilespmem:$0x1F520] =	vst v10  }
0x16d: {  	v43 =	vld [tilespmem:$0x3B20];
	[tilespmem:$0x1F530] =	vst v11  }
0x16e: {  	v44 =	vld [tilespmem:$0x3B10];
	[tilespmem:$0x1F540] =	vst v12  }
0x16f: {  	v45 =	vld [tilespmem:$0x3B00];
	[tilespmem:$0x1F550] =	vst v13  }
0x170: {  	v46 =	vld [tilespmem:$0x3AB0];
	[tilespmem:$0x1F560] =	vst v14  }
0x171: {  	v47 =	vld [tilespmem:$0x3AA0];
	[tilespmem:$0x1F570] =	vst v15  }
0x172: {  	v48 =	vld [tilespmem:$0x3A90];
	[tilespmem:$0x1F580] =	vst v16  }
0x173: {  	v49 =	vld [tilespmem:$0x3A80];
	[tilespmem:$0x1F590] =	vst v17  }
0x174: {  	v50 =	vld [tilespmem:$0x3A30];
	[tilespmem:$0x1F5A0] =	vst v18  }
0x175: {  	v51 =	vld [tilespmem:$0x3A20];
	[tilespmem:$0x1F5B0] =	vst v19  }
0x176: {  	v52 =	vld [tilespmem:$0x3A10];
	[tilespmem:$0x1F5C0] =	vst v20  }
0x177: {  	v53 =	vld [tilespmem:$0x3A00];
	[tilespmem:$0x1F5D0] =	vst v21  }
0x178: {  	v54 =	vld [tilespmem:$0x39B0];
	[tilespmem:$0x1F5E0] =	vst v22  }
0x179: {  	v55 =	vld [tilespmem:$0x39A0];
	[tilespmem:$0x1F5F0] =	vst v23  }
0x17a: {  	v56 =	vld [tilespmem:$0x3990];
	[tilespmem:$0x1F600] =	vst v24  }
0x17b: {  	[tilespmem:$0x1F610] =	vst v25;
	v57 =	vld [tilespmem:$0x3980]  }
0x17c: {  	[tilespmem:$0x1F620] =	vst v26;
	v58 =	vld [tilespmem:$0x3930]  }
0x17d: {  	[tilespmem:$0x1F630] =	vst v27;
	v59 =	vld [tilespmem:$0x3920]  }
0x17e: {  	[tilespmem:$0x1F640] =	vst v28;
	v60 =	vld [tilespmem:$0x3910]  }
0x17f: {  	[tilespmem:$0x1F650] =	vst v29;
	v61 =	vld [tilespmem:$0x3900]  }
0x180: {  	[tilespmem:$0x1F660] =	vst v30;
	v62 =	vld [tilespmem:$0x38B0]  }
0x181: {  	[tilespmem:$0x1F670] =	vst v31;
	v63 =	vld [tilespmem:$0x38A0]  }
0x182: {  	[tilespmem:$0x1F680] =	vst v32;
	v4 =	vld [tilespmem:$0x3890]  }
0x183: {  	[tilespmem:$0x1F690] =	vst v33;
	v5 =	vld [tilespmem:$0x3880]  }
0x184: {  	[tilespmem:$0x1F6A0] =	vst v34;
	v6 =	vld [tilespmem:$0x3830]  }
0x185: {  	[tilespmem:$0x1F6B0] =	vst v35;
	v7 =	vld [tilespmem:$0x3820]  }
0x186: {  	[tilespmem:$0x1F6C0] =	vst v36;
	v8 =	vld [tilespmem:$0x3810]  }
0x187: {  	[tilespmem:$0x1F6D0] =	vst v37;
	v9 =	vld [tilespmem:$0x3800]  }
0x188: {  	[tilespmem:$0x1F6E0] =	vst v38;
	v10 =	vld [tilespmem:$0x37B0]  }
0x189: {  	[tilespmem:$0x1F6F0] =	vst v39;
	v11 =	vld [tilespmem:$0x37A0]  }
0x18a: {  	[tilespmem:$0x1F700] =	vst v40;
	v12 =	vld [tilespmem:$0x3790]  }
0x18b: {  	[tilespmem:$0x1F710] =	vst v41;
	v13 =	vld [tilespmem:$0x3780]  }
0x18c: {  	[tilespmem:$0x1F720] =	vst v42;
	v14 =	vld [tilespmem:$0x3730]  }
0x18d: {  	[tilespmem:$0x1F730] =	vst v43;
	v15 =	vld [tilespmem:$0x3720]  }
0x18e: {  	[tilespmem:$0x1F740] =	vst v44;
	v16 =	vld [tilespmem:$0x3710]  }
0x18f: {  	[tilespmem:$0x1F750] =	vst v45;
	v17 =	vld [tilespmem:$0x3700]  }
0x190: {  	[tilespmem:$0x1F760] =	vst v46;
	v18 =	vld [tilespmem:$0x36B0]  }
0x191: {  	[tilespmem:$0x1F770] =	vst v47;
	v19 =	vld [tilespmem:$0x36A0]  }
0x192: {  	[tilespmem:$0x1F780] =	vst v48;
	v20 =	vld [tilespmem:$0x3690]  }
0x193: {  	[tilespmem:$0x1F790] =	vst v49;
	v21 =	vld [tilespmem:$0x3680]  }
0x194: {  	[tilespmem:$0x1F7A0] =	vst v50;
	v22 =	vld [tilespmem:$0x3630]  }
0x195: {  	[tilespmem:$0x1F7B0] =	vst v51;
	v23 =	vld [tilespmem:$0x3620]  }
0x196: {  	[tilespmem:$0x1F7C0] =	vst v52;
	v24 =	vld [tilespmem:$0x3610]  }
0x197: {  	[tilespmem:$0x1F7D0] =	vst v53;
	v25 =	vld [tilespmem:$0x3600]  }
0x198: {  	[tilespmem:$0x1F7E0] =	vst v54;
	v26 =	vld [tilespmem:$0x35B0]  }
0x199: {  	[tilespmem:$0x1F7F0] =	vst v55;
	v27 =	vld [tilespmem:$0x35A0]  }
0x19a: {  	[tilespmem:$0x1F800] =	vst v56;
	v28 =	vld [tilespmem:$0x3590]  }
0x19b: {  	v29 =	vld [tilespmem:$0x3580];
	[tilespmem:$0x1F810] =	vst v57  }
0x19c: {  	v30 =	vld [tilespmem:$0x3530];
	[tilespmem:$0x1F820] =	vst v58  }
0x19d: {  	v31 =	vld [tilespmem:$0x3520];
	[tilespmem:$0x1F830] =	vst v59  }
0x19e: {  	v32 =	vld [tilespmem:$0x3510];
	[tilespmem:$0x1F840] =	vst v60  }
0x19f: {  	v33 =	vld [tilespmem:$0x3500];
	[tilespmem:$0x1F850] =	vst v61  }
0x1a0: {  	v34 =	vld [tilespmem:$0x34B0];
	[tilespmem:$0x1F860] =	vst v62  }
0x1a1: {  	v35 =	vld [tilespmem:$0x34A0];
	[tilespmem:$0x1F870] =	vst v63  }
0x1a2: {  	v36 =	vld [tilespmem:$0x3490];
	[tilespmem:$0x1F880] =	vst v4  }
0x1a3: {  	v37 =	vld [tilespmem:$0x3480];
	[tilespmem:$0x1F890] =	vst v5  }
0x1a4: {  	v38 =	vld [tilespmem:$0x3430];
	[tilespmem:$0x1F8A0] =	vst v6  }
0x1a5: {  	v39 =	vld [tilespmem:$0x3420];
	[tilespmem:$0x1F8B0] =	vst v7  }
0x1a6: {  	v40 =	vld [tilespmem:$0x3410];
	[tilespmem:$0x1F8C0] =	vst v8  }
0x1a7: {  	v41 =	vld [tilespmem:$0x3400];
	[tilespmem:$0x1F8D0] =	vst v9  }
0x1a8: {  	v42 =	vld [tilespmem:$0x33B0];
	[tilespmem:$0x1F8E0] =	vst v10  }
0x1a9: {  	v43 =	vld [tilespmem:$0x33A0];
	[tilespmem:$0x1F8F0] =	vst v11  }
0x1aa: {  	v44 =	vld [tilespmem:$0x3390];
	[tilespmem:$0x1F900] =	vst v12  }
0x1ab: {  	v45 =	vld [tilespmem:$0x3380];
	[tilespmem:$0x1F910] =	vst v13  }
0x1ac: {  	v46 =	vld [tilespmem:$0x3330];
	[tilespmem:$0x1F920] =	vst v14  }
0x1ad: {  	v47 =	vld [tilespmem:$0x3320];
	[tilespmem:$0x1F930] =	vst v15  }
0x1ae: {  	v48 =	vld [tilespmem:$0x3310];
	[tilespmem:$0x1F940] =	vst v16  }
0x1af: {  	v49 =	vld [tilespmem:$0x3300];
	[tilespmem:$0x1F950] =	vst v17  }
0x1b0: {  	v50 =	vld [tilespmem:$0x32B0];
	[tilespmem:$0x1F960] =	vst v18  }
0x1b1: {  	v51 =	vld [tilespmem:$0x32A0];
	[tilespmem:$0x1F970] =	vst v19  }
0x1b2: {  	v52 =	vld [tilespmem:$0x3290];
	[tilespmem:$0x1F980] =	vst v20  }
0x1b3: {  	v53 =	vld [tilespmem:$0x3280];
	[tilespmem:$0x1F990] =	vst v21  }
0x1b4: {  	v54 =	vld [tilespmem:$0x3230];
	[tilespmem:$0x1F9A0] =	vst v22  }
0x1b5: {  	v55 =	vld [tilespmem:$0x3220];
	[tilespmem:$0x1F9B0] =	vst v23  }
0x1b6: {  	v56 =	vld [tilespmem:$0x3210];
	[tilespmem:$0x1F9C0] =	vst v24  }
0x1b7: {  	[tilespmem:$0x1F9D0] =	vst v25;
	v57 =	vld [tilespmem:$0x3200]  }
0x1b8: {  	[tilespmem:$0x1F9E0] =	vst v26;
	v58 =	vld [tilespmem:$0x31B0]  }
0x1b9: {  	[tilespmem:$0x1F9F0] =	vst v27;
	v59 =	vld [tilespmem:$0x31A0]  }
0x1ba: {  	[tilespmem:$0x1FA00] =	vst v28;
	v60 =	vld [tilespmem:$0x3190]  }
0x1bb: {  	[tilespmem:$0x1FA10] =	vst v29;
	v61 =	vld [tilespmem:$0x3180]  }
0x1bc: {  	[tilespmem:$0x1FA20] =	vst v30;
	v62 =	vld [tilespmem:$0x3130]  }
0x1bd: {  	[tilespmem:$0x1FA30] =	vst v31;
	v63 =	vld [tilespmem:$0x3120]  }
0x1be: {  	[tilespmem:$0x1FA40] =	vst v32;
	v4 =	vld [tilespmem:$0x3110]  }
0x1bf: {  	[tilespmem:$0x1FA50] =	vst v33;
	v5 =	vld [tilespmem:$0x3100]  }
0x1c0: {  	[tilespmem:$0x1FA60] =	vst v34;
	v6 =	vld [tilespmem:$0x30B0]  }
0x1c1: {  	[tilespmem:$0x1FA70] =	vst v35;
	v7 =	vld [tilespmem:$0x30A0]  }
0x1c2: {  	[tilespmem:$0x1FA80] =	vst v36;
	v8 =	vld [tilespmem:$0x3090]  }
0x1c3: {  	[tilespmem:$0x1FA90] =	vst v37;
	v9 =	vld [tilespmem:$0x3080]  }
0x1c4: {  	[tilespmem:$0x1FAA0] =	vst v38;
	v10 =	vld [tilespmem:$0x3030]  }
0x1c5: {  	[tilespmem:$0x1FAB0] =	vst v39;
	v11 =	vld [tilespmem:$0x3020]  }
0x1c6: {  	[tilespmem:$0x1FAC0] =	vst v40;
	v12 =	vld [tilespmem:$0x3010]  }
0x1c7: {  	[tilespmem:$0x1FAD0] =	vst v41;
	v13 =	vld [tilespmem:$0x3000]  }
0x1c8: {  	[tilespmem:$0x1FAE0] =	vst v42;
	v14 =	vld [tilespmem:$0x2FB0]  }
0x1c9: {  	[tilespmem:$0x1FAF0] =	vst v43;
	v15 =	vld [tilespmem:$0x2FA0]  }
0x1ca: {  	[tilespmem:$0x1FB00] =	vst v44;
	v16 =	vld [tilespmem:$0x2F90]  }
0x1cb: {  	[tilespmem:$0x1FB10] =	vst v45;
	v17 =	vld [tilespmem:$0x2F80]  }
0x1cc: {  	[tilespmem:$0x1FB20] =	vst v46;
	v18 =	vld [tilespmem:$0x2F30]  }
0x1cd: {  	[tilespmem:$0x1FB30] =	vst v47;
	v19 =	vld [tilespmem:$0x2F20]  }
0x1ce: {  	[tilespmem:$0x1FB40] =	vst v48;
	v20 =	vld [tilespmem:$0x2F10]  }
0x1cf: {  	[tilespmem:$0x1FB50] =	vst v49;
	v21 =	vld [tilespmem:$0x2F00]  }
0x1d0: {  	[tilespmem:$0x1FB60] =	vst v50;
	v22 =	vld [tilespmem:$0x2EB0]  }
0x1d1: {  	[tilespmem:$0x1FB70] =	vst v51;
	v23 =	vld [tilespmem:$0x2EA0]  }
0x1d2: {  	[tilespmem:$0x1FB80] =	vst v52;
	v24 =	vld [tilespmem:$0x2E90]  }
0x1d3: {  	[tilespmem:$0x1FB90] =	vst v53;
	v25 =	vld [tilespmem:$0x2E80]  }
0x1d4: {  	[tilespmem:$0x1FBA0] =	vst v54;
	v26 =	vld [tilespmem:$0x2E30]  }
0x1d5: {  	[tilespmem:$0x1FBB0] =	vst v55;
	v27 =	vld [tilespmem:$0x2E20]  }
0x1d6: {  	[tilespmem:$0x1FBC0] =	vst v56;
	v28 =	vld [tilespmem:$0x2E10]  }
0x1d7: {  	v29 =	vld [tilespmem:$0x2E00];
	[tilespmem:$0x1FBD0] =	vst v57  }
0x1d8: {  	v30 =	vld [tilespmem:$0x2DB0];
	[tilespmem:$0x1FBE0] =	vst v58  }
0x1d9: {  	v31 =	vld [tilespmem:$0x2DA0];
	[tilespmem:$0x1FBF0] =	vst v59  }
0x1da: {  	v32 =	vld [tilespmem:$0x2D90];
	[tilespmem:$0x1FC00] =	vst v60  }
0x1db: {  	v33 =	vld [tilespmem:$0x2D80];
	[tilespmem:$0x1FC10] =	vst v61  }
0x1dc: {  	v34 =	vld [tilespmem:$0x2D30];
	[tilespmem:$0x1FC20] =	vst v62  }
0x1dd: {  	v35 =	vld [tilespmem:$0x2D20];
	[tilespmem:$0x1FC30] =	vst v63  }
0x1de: {  	v36 =	vld [tilespmem:$0x2D10];
	[tilespmem:$0x1FC40] =	vst v4  }
0x1df: {  	v37 =	vld [tilespmem:$0x2D00];
	[tilespmem:$0x1FC50] =	vst v5  }
0x1e0: {  	v38 =	vld [tilespmem:$0x2CB0];
	[tilespmem:$0x1FC60] =	vst v6  }
0x1e1: {  	v39 =	vld [tilespmem:$0x2CA0];
	[tilespmem:$0x1FC70] =	vst v7  }
0x1e2: {  	v40 =	vld [tilespmem:$0x2C90];
	[tilespmem:$0x1FC80] =	vst v8  }
0x1e3: {  	v41 =	vld [tilespmem:$0x2C80];
	[tilespmem:$0x1FC90] =	vst v9  }
0x1e4: {  	v42 =	vld [tilespmem:$0x2C30];
	[tilespmem:$0x1FCA0] =	vst v10  }
0x1e5: {  	v43 =	vld [tilespmem:$0x2C20];
	[tilespmem:$0x1FCB0] =	vst v11  }
0x1e6: {  	v44 =	vld [tilespmem:$0x2C10];
	[tilespmem:$0x1FCC0] =	vst v12  }
0x1e7: {  	v45 =	vld [tilespmem:$0x2C00];
	[tilespmem:$0x1FCD0] =	vst v13  }
0x1e8: {  	v46 =	vld [tilespmem:$0x2BB0];
	[tilespmem:$0x1FCE0] =	vst v14  }
0x1e9: {  	v47 =	vld [tilespmem:$0x2BA0];
	[tilespmem:$0x1FCF0] =	vst v15  }
0x1ea: {  	v48 =	vld [tilespmem:$0x2B90];
	[tilespmem:$0x1FD00] =	vst v16  }
0x1eb: {  	v49 =	vld [tilespmem:$0x2B80];
	[tilespmem:$0x1FD10] =	vst v17  }
0x1ec: {  	v56 =	vld [tilespmem:$0x2A80];
	[tilespmem:$0x1FD20] =	vst v18  }
0x1ed: {  	v55 =	vld [tilespmem:$0x2A30];
	[tilespmem:$0x1FD30] =	vst v19  }
0x1ee: {  	v54 =	vld [tilespmem:$0x2A20];
	[tilespmem:$0x1FD40] =	vst v20  }
0x1ef: {  	v53 =	vld [tilespmem:$0x2A10];
	[tilespmem:$0x1FD50] =	vst v21  }
0x1f0: {  	v52 =	vld [tilespmem:$0x2A00];
	[tilespmem:$0x1FD60] =	vst v22  }
0x1f1: {  	v51 =	vld [tilespmem:$0x29B0];
	[tilespmem:$0x1FD70] =	vst v23  }
0x1f2: {  	v50 =	vld [tilespmem:$0x29A0];
	[tilespmem:$0x1FD80] =	vst v24  }
0x1f3: {  	[tilespmem:$0x1FD90] =	vst v25;
	v63 =	vld [tilespmem:$0x2B30]  }
0x1f4: {  	[tilespmem:$0x1FDA0] =	vst v26;
	v62 =	vld [tilespmem:$0x2B20]  }
0x1f5: {  	[tilespmem:$0x1FDB0] =	vst v27;
	v61 =	vld [tilespmem:$0x2B10]  }
0x1f6: {  	[tilespmem:$0x1FDC0] =	vst v28;
	v60 =	vld [tilespmem:$0x2B00]  }
0x1f7: {  	[tilespmem:$0x1FDD0] =	vst v29;
	v59 =	vld [tilespmem:$0x2AB0]  }
0x1f8: {  	[tilespmem:$0x1FDE0] =	vst v30;
	v58 =	vld [tilespmem:$0x2AA0]  }
0x1f9: {  	[tilespmem:$0x1FDF0] =	vst v31;
	v57 =	vld [tilespmem:$0x2A90]  }
0x1fa: {  	[tilespmem:$0x1FF10] =	vst v49;
	v49 =	vld [tilespmem:$0x2990]  }
0x1fb: {  	[tilespmem:$0x1FF00] =	vst v48;
	v48 =	vld [tilespmem:$0x2980]  }
0x1fc: {  	[tilespmem:$0x1FEF0] =	vst v47;
	v47 =	vld [tilespmem:$0x2930]  }
0x1fd: {  	[tilespmem:$0x1FEE0] =	vst v46;
	v46 =	vld [tilespmem:$0x2920]  }
0x1fe: {  	[tilespmem:$0x1FED0] =	vst v45;
	v45 =	vld [tilespmem:$0x2910]  }
0x1ff: {  	[tilespmem:$0x1FEC0] =	vst v44;
	v44 =	vld [tilespmem:$0x2900]  }
0x200: {  	[tilespmem:$0x1FEB0] =	vst v43;
	v43 =	vld [tilespmem:$0x28B0]  }
0x201: {  	[tilespmem:$0x1FEA0] =	vst v42;
	v42 =	vld [tilespmem:$0x28A0]  }
0x202: {  	[tilespmem:$0x1FE90] =	vst v41;
	v41 =	vld [tilespmem:$0x2890]  }
0x203: {  	[tilespmem:$0x1FE80] =	vst v40;
	v40 =	vld [tilespmem:$0x2880]  }
0x204: {  	[tilespmem:$0x1FE70] =	vst v39;
	v39 =	vld [tilespmem:$0x2830]  }
0x205: {  	[tilespmem:$0x1FE60] =	vst v38;
	v38 =	vld [tilespmem:$0x2820]  }
0x206: {  	[tilespmem:$0x1FE50] =	vst v37;
	v37 =	vld [tilespmem:$0x2810]  }
0x207: {  	[tilespmem:$0x1FE40] =	vst v36;
	v36 =	vld [tilespmem:$0x2800]  }
0x208: {  	[tilespmem:$0x1FE30] =	vst v35;
	v35 =	vld [tilespmem:$0x27B0]  }
0x209: {  	[tilespmem:$0x1FE20] =	vst v34;
	v34 =	vld [tilespmem:$0x27A0]  }
0x20a: {  	[tilespmem:$0x1FE10] =	vst v33;
	v33 =	vld [tilespmem:$0x2790]  }
0x20b: {  	[tilespmem:$0x1FE00] =	vst v32;
	v32 =	vld [tilespmem:$0x2780]  }
0x20c: {  	v31 =	vld [tilespmem:$0x2730]  }
0x20d: {  	v30 =	vld [tilespmem:$0x2720]  }
0x20e: {  	v29 =	vld [tilespmem:$0x2710]  }
0x20f: {  	v28 =	vld [tilespmem:$0x2700]  }
0x210: {  	v27 =	vld [tilespmem:$0x26B0]  }
0x211: {  	v26 =	vld [tilespmem:$0x26A0]  }
0x212: {  	v25 =	vld [tilespmem:$0x2690]  }
0x213: {  	v24 =	vld [tilespmem:$0x2680]  }
0x214: {  	v23 =	vld [tilespmem:$0x2630]  }
0x215: {  	v22 =	vld [tilespmem:$0x2620]  }
0x216: {  	v21 =	vld [tilespmem:$0x2610]  }
0x217: {  	v20 =	vld [tilespmem:$0x2600]  }
0x218: {  	v19 =	vld [tilespmem:$0x25B0]  }
0x219: {  	v18 =	vld [tilespmem:$0x25A0]  }
0x21a: {  	v17 =	vld [tilespmem:$0x2590]  }
0x21b: {  	v16 =	vld [tilespmem:$0x2580]  }
0x21c: {  	v15 =	vld [tilespmem:$0x2530]  }
0x21d: {  	v14 =	vld [tilespmem:$0x2520]  }
0x21e: {  	v13 =	vld [tilespmem:$0x2510]  }
0x21f: {  	v12 =	vld [tilespmem:$0x2500]  }
0x220: {  	v11 =	vld [tilespmem:$0x24B0]  }
0x221: {  	v10 =	vld [tilespmem:$0x24A0]  }
0x222: {  	v9 =	vld [tilespmem:$0x2490]  }
0x223: {  	v0 =	vld [tilespmem:$0x2390]  }
0x224: {  	v8 =	vld [tilespmem:$0x2480]  }
0x225: {  	v7 =	vld [tilespmem:$0x2430]  }
0x226: {  	v6 =	vld [tilespmem:$0x2420]  }
0x227: {  	v5 =	vld [tilespmem:$0x2410]  }
0x228: {  	[tilespmem:$0x1FF20] =	vst v0;
	v0 =	vld [tilespmem:$0x2330]  }
0x229: {  	v1 =	vld [tilespmem:$0x1E3F0]  }
0x22a: {  	v4 =	vld [tilespmem:$0x2400]  }
0x22b: {  	v3 =	vld [tilespmem:$0x23B0]  }
0x22c: {  	s18 =	sand.u32 $0x1, s14;
	v2 =	vld [tilespmem:$0x23A0]  }
0x22d: {  	s31 =	sshll.u32 s18, $0xE;
	[tilespmem:$0x1FF40] =	vst v0;
	v0 =	vld [tilespmem:$0x3FB0]  }
0x22e: {  	[tilespmem:s31+$0x4100] =	vst v1;
	v1 =	vld [tilespmem:$0x1E400];
	_ =	sdelay $0x4  }
0x22f: {  	[tilespmem:s31+$0x4110] =	vst v1;
	v1 =	vld [tilespmem:$0x1E410];
	_ =	sdelay $0x4  }
0x230: {  	[tilespmem:s31+$0x4120] =	vst v1;
	v1 =	vld [tilespmem:$0x1E420];
	_ =	sdelay $0x4  }
0x231: {  	[tilespmem:s31+$0x4130] =	vst v1;
	v1 =	vld [tilespmem:$0x1E430];
	_ =	sdelay $0x4  }
0x232: {  	[tilespmem:s31+$0x4180] =	vst v1;
	v1 =	vld [tilespmem:$0x1E440];
	_ =	sdelay $0x4  }
0x233: {  	[tilespmem:s31+$0x4190] =	vst v1;
	v1 =	vld [tilespmem:$0x1E450];
	_ =	sdelay $0x4  }
0x234: {  	[tilespmem:s31+$0x41A0] =	vst v1;
	v1 =	vld [tilespmem:$0x1E460];
	_ =	sdelay $0x4  }
0x235: {  	[tilespmem:s31+$0x41B0] =	vst v1;
	v1 =	vld [tilespmem:$0x1E470];
	_ =	sdelay $0x4  }
0x236: {  	[tilespmem:s31+$0x4200] =	vst v1;
	v1 =	vld [tilespmem:$0x1E480];
	_ =	sdelay $0x4  }
0x237: {  	[tilespmem:s31+$0x4210] =	vst v1;
	v1 =	vld [tilespmem:$0x1E490];
	_ =	sdelay $0x4  }
0x238: {  	[tilespmem:s31+$0x4220] =	vst v1;
	v1 =	vld [tilespmem:$0x1E4A0];
	_ =	sdelay $0x4  }
0x239: {  	[tilespmem:s31+$0x4230] =	vst v1;
	v1 =	vld [tilespmem:$0x1E4B0];
	_ =	sdelay $0x4  }
0x23a: {  	[tilespmem:s31+$0x4280] =	vst v1;
	v1 =	vld [tilespmem:$0x1E4C0];
	_ =	sdelay $0x4  }
0x23b: {  	[tilespmem:s31+$0x4290] =	vst v1;
	v1 =	vld [tilespmem:$0x1E4D0];
	_ =	sdelay $0x4  }
0x23c: {  	[tilespmem:s31+$0x42A0] =	vst v1;
	v1 =	vld [tilespmem:$0x1E4E0];
	_ =	sdelay $0x4  }
0x23d: {  	[tilespmem:s31+$0x42B0] =	vst v1;
	v1 =	vld [tilespmem:$0x1E4F0];
	_ =	sdelay $0x4  }
0x23e: {  	[tilespmem:s31+$0x4300] =	vst v1;
	v1 =	vld [tilespmem:$0x1E500];
	_ =	sdelay $0x4  }
0x23f: {  	[tilespmem:s31+$0x4310] =	vst v1;
	v1 =	vld [tilespmem:$0x1E510];
	_ =	sdelay $0x4  }
0x240: {  	[tilespmem:s31+$0x4320] =	vst v1;
	v1 =	vld [tilespmem:$0x1E520];
	_ =	sdelay $0x4  }
0x241: {  	[tilespmem:s31+$0x4330] =	vst v1;
	v1 =	vld [tilespmem:$0x1E530];
	_ =	sdelay $0x4  }
0x242: {  	[tilespmem:s31+$0x4380] =	vst v1;
	v1 =	vld [tilespmem:$0x1E540];
	_ =	sdelay $0x4  }
0x243: {  	[tilespmem:s31+$0x4390] =	vst v1;
	v1 =	vld [tilespmem:$0x1E550];
	_ =	sdelay $0x4  }
0x244: {  	[tilespmem:s31+$0x43A0] =	vst v1;
	v1 =	vld [tilespmem:$0x1E560];
	_ =	sdelay $0x4  }
0x245: {  	[tilespmem:s31+$0x43B0] =	vst v1;
	v1 =	vld [tilespmem:$0x1E570];
	_ =	sdelay $0x4  }
0x246: {  	[tilespmem:s31+$0x4400] =	vst v1;
	v1 =	vld [tilespmem:$0x1E580];
	_ =	sdelay $0x4  }
0x247: {  	[tilespmem:s31+$0x4410] =	vst v1;
	v1 =	vld [tilespmem:$0x1E590];
	_ =	sdelay $0x4  }
0x248: {  	[tilespmem:s31+$0x4420] =	vst v1;
	v1 =	vld [tilespmem:$0x1E5A0];
	_ =	sdelay $0x4  }
0x249: {  	[tilespmem:s31+$0x4430] =	vst v1;
	v1 =	vld [tilespmem:$0x1E5B0];
	_ =	sdelay $0x4  }
0x24a: {  	[tilespmem:s31+$0x4480] =	vst v1;
	v1 =	vld [tilespmem:$0x1E5C0];
	_ =	sdelay $0x4  }
0x24b: {  	[tilespmem:s31+$0x4490] =	vst v1;
	v1 =	vld [tilespmem:$0x1E5D0];
	_ =	sdelay $0x4  }
0x24c: {  	[tilespmem:s31+$0x44A0] =	vst v1;
	v1 =	vld [tilespmem:$0x1E5E0];
	_ =	sdelay $0x4  }
0x24d: {  	[tilespmem:s31+$0x44B0] =	vst v1;
	v1 =	vld [tilespmem:$0x1E5F0];
	_ =	sdelay $0x4  }
0x24e: {  	[tilespmem:s31+$0x4500] =	vst v1;
	v1 =	vld [tilespmem:$0x1E600];
	_ =	sdelay $0x4  }
0x24f: {  	[tilespmem:s31+$0x4510] =	vst v1;
	v1 =	vld [tilespmem:$0x1E610];
	_ =	sdelay $0x4  }
0x250: {  	[tilespmem:s31+$0x4520] =	vst v1;
	v1 =	vld [tilespmem:$0x1E620];
	_ =	sdelay $0x4  }
0x251: {  	[tilespmem:s31+$0x4530] =	vst v1;
	v1 =	vld [tilespmem:$0x1E630];
	_ =	sdelay $0x4  }
0x252: {  	[tilespmem:s31+$0x4580] =	vst v1;
	v1 =	vld [tilespmem:$0x1E640];
	_ =	sdelay $0x4  }
0x253: {  	[tilespmem:s31+$0x4590] =	vst v1;
	v1 =	vld [tilespmem:$0x1E650];
	_ =	sdelay $0x4  }
0x254: {  	[tilespmem:s31+$0x45A0] =	vst v1;
	v1 =	vld [tilespmem:$0x1E660];
	_ =	sdelay $0x4  }
0x255: {  	[tilespmem:s31+$0x45B0] =	vst v1;
	v1 =	vld [tilespmem:$0x1E670];
	_ =	sdelay $0x4  }
0x256: {  	[tilespmem:s31+$0x4600] =	vst v1;
	v1 =	vld [tilespmem:$0x1E680];
	_ =	sdelay $0x4  }
0x257: {  	[tilespmem:s31+$0x4610] =	vst v1;
	v1 =	vld [tilespmem:$0x1E690];
	_ =	sdelay $0x4  }
0x258: {  	[tilespmem:s31+$0x4620] =	vst v1;
	v1 =	vld [tilespmem:$0x1E6A0];
	_ =	sdelay $0x4  }
0x259: {  	[tilespmem:s31+$0x4630] =	vst v1;
	v1 =	vld [tilespmem:$0x1E6B0];
	_ =	sdelay $0x4  }
0x25a: {  	[tilespmem:s31+$0x4680] =	vst v1;
	v1 =	vld [tilespmem:$0x1E6C0];
	_ =	sdelay $0x4  }
0x25b: {  	[tilespmem:s31+$0x4690] =	vst v1;
	v1 =	vld [tilespmem:$0x1E6D0];
	_ =	sdelay $0x4  }
0x25c: {  	[tilespmem:s31+$0x46A0] =	vst v1;
	v1 =	vld [tilespmem:$0x1E6E0];
	_ =	sdelay $0x4  }
0x25d: {  	[tilespmem:s31+$0x46B0] =	vst v1;
	v1 =	vld [tilespmem:$0x1E6F0];
	_ =	sdelay $0x4  }
0x25e: {  	[tilespmem:s31+$0x4700] =	vst v1;
	v1 =	vld [tilespmem:$0x1E700];
	_ =	sdelay $0x4  }
0x25f: {  	[tilespmem:s31+$0x4710] =	vst v1;
	v1 =	vld [tilespmem:$0x1E710];
	_ =	sdelay $0x4  }
0x260: {  	[tilespmem:s31+$0x4720] =	vst v1;
	v1 =	vld [tilespmem:$0x1E720];
	_ =	sdelay $0x4  }
0x261: {  	[tilespmem:s31+$0x4730] =	vst v1;
	v1 =	vld [tilespmem:$0x1E730];
	_ =	sdelay $0x4  }
0x262: {  	[tilespmem:s31+$0x4780] =	vst v1;
	v1 =	vld [tilespmem:$0x1E740];
	_ =	sdelay $0x4  }
0x263: {  	[tilespmem:s31+$0x4790] =	vst v1;
	v1 =	vld [tilespmem:$0x1E750];
	_ =	sdelay $0x4  }
0x264: {  	[tilespmem:s31+$0x47A0] =	vst v1;
	v1 =	vld [tilespmem:$0x1E760];
	_ =	sdelay $0x4  }
0x265: {  	[tilespmem:s31+$0x47B0] =	vst v1;
	v1 =	vld [tilespmem:$0x1E770];
	_ =	sdelay $0x4  }
0x266: {  	[tilespmem:s31+$0x4800] =	vst v1;
	v1 =	vld [tilespmem:$0x1E780];
	_ =	sdelay $0x4  }
0x267: {  	[tilespmem:s31+$0x4810] =	vst v1;
	v1 =	vld [tilespmem:$0x1E790];
	_ =	sdelay $0x4  }
0x268: {  	[tilespmem:s31+$0x4820] =	vst v1;
	v1 =	vld [tilespmem:$0x1E7A0];
	_ =	sdelay $0x4  }
0x269: {  	[tilespmem:s31+$0x4830] =	vst v1;
	v1 =	vld [tilespmem:$0x1E7B0];
	_ =	sdelay $0x4  }
0x26a: {  	[tilespmem:s31+$0x4880] =	vst v1;
	v1 =	vld [tilespmem:$0x1E7C0];
	_ =	sdelay $0x4  }
0x26b: {  	[tilespmem:s31+$0x4890] =	vst v1;
	v1 =	vld [tilespmem:$0x1E7D0];
	_ =	sdelay $0x4  }
0x26c: {  	[tilespmem:s31+$0x48A0] =	vst v1;
	v1 =	vld [tilespmem:$0x1E7E0];
	_ =	sdelay $0x4  }
0x26d: {  	[tilespmem:s31+$0x48B0] =	vst v1;
	v1 =	vld [tilespmem:$0x1E7F0];
	_ =	sdelay $0x4  }
0x26e: {  	[tilespmem:s31+$0x4900] =	vst v1;
	v1 =	vld [tilespmem:$0x1E800];
	_ =	sdelay $0x4  }
0x26f: {  	[tilespmem:s31+$0x4910] =	vst v1;
	v1 =	vld [tilespmem:$0x1E810];
	_ =	sdelay $0x4  }
0x270: {  	[tilespmem:s31+$0x4920] =	vst v1;
	v1 =	vld [tilespmem:$0x1E820];
	_ =	sdelay $0x4  }
0x271: {  	[tilespmem:s31+$0x4930] =	vst v1;
	v1 =	vld [tilespmem:$0x1E830];
	_ =	sdelay $0x4  }
0x272: {  	[tilespmem:s31+$0x4980] =	vst v1;
	v1 =	vld [tilespmem:$0x1E840];
	_ =	sdelay $0x4  }
0x273: {  	[tilespmem:s31+$0x4990] =	vst v1;
	v1 =	vld [tilespmem:$0x1E850];
	_ =	sdelay $0x4  }
0x274: {  	[tilespmem:s31+$0x49A0] =	vst v1;
	v1 =	vld [tilespmem:$0x1E860];
	_ =	sdelay $0x4  }
0x275: {  	[tilespmem:s31+$0x49B0] =	vst v1;
	v1 =	vld [tilespmem:$0x1E870];
	_ =	sdelay $0x4  }
0x276: {  	[tilespmem:s31+$0x4A00] =	vst v1;
	v1 =	vld [tilespmem:$0x1E880];
	_ =	sdelay $0x4  }
0x277: {  	[tilespmem:s31+$0x4A10] =	vst v1;
	v1 =	vld [tilespmem:$0x1E890];
	_ =	sdelay $0x4  }
0x278: {  	[tilespmem:s31+$0x4A20] =	vst v1;
	v1 =	vld [tilespmem:$0x1E8A0];
	_ =	sdelay $0x4  }
0x279: {  	[tilespmem:s31+$0x4A30] =	vst v1;
	v1 =	vld [tilespmem:$0x1E8B0];
	_ =	sdelay $0x4  }
0x27a: {  	[tilespmem:s31+$0x4A80] =	vst v1;
	v1 =	vld [tilespmem:$0x1E8C0];
	_ =	sdelay $0x4  }
0x27b: {  	[tilespmem:s31+$0x4A90] =	vst v1;
	v1 =	vld [tilespmem:$0x1E8D0];
	_ =	sdelay $0x4  }
0x27c: {  	[tilespmem:s31+$0x4AA0] =	vst v1;
	v1 =	vld [tilespmem:$0x1E8E0];
	_ =	sdelay $0x4  }
0x27d: {  	[tilespmem:s31+$0x4AB0] =	vst v1;
	v1 =	vld [tilespmem:$0x1E8F0];
	_ =	sdelay $0x4  }
0x27e: {  	[tilespmem:s31+$0x4B00] =	vst v1;
	v1 =	vld [tilespmem:$0x1E900];
	_ =	sdelay $0x4  }
0x27f: {  	[tilespmem:s31+$0x4B10] =	vst v1;
	v1 =	vld [tilespmem:$0x1E910];
	_ =	sdelay $0x4  }
0x280: {  	[tilespmem:s31+$0x4B20] =	vst v1;
	v1 =	vld [tilespmem:$0x1E920];
	_ =	sdelay $0x4  }
0x281: {  	[tilespmem:s31+$0x4B30] =	vst v1;
	v1 =	vld [tilespmem:$0x1E930];
	_ =	sdelay $0x4  }
0x282: {  	[tilespmem:s31+$0x4B80] =	vst v1;
	v1 =	vld [tilespmem:$0x1E940];
	_ =	sdelay $0x4  }
0x283: {  	[tilespmem:s31+$0x4B90] =	vst v1;
	v1 =	vld [tilespmem:$0x1E950];
	_ =	sdelay $0x4  }
0x284: {  	[tilespmem:s31+$0x4BA0] =	vst v1;
	v1 =	vld [tilespmem:$0x1E960];
	_ =	sdelay $0x4  }
0x285: {  	[tilespmem:s31+$0x4BB0] =	vst v1;
	v1 =	vld [tilespmem:$0x1E970];
	_ =	sdelay $0x4  }
0x286: {  	[tilespmem:s31+$0x4C00] =	vst v1;
	v1 =	vld [tilespmem:$0x1E980];
	_ =	sdelay $0x4  }
0x287: {  	[tilespmem:s31+$0x4C10] =	vst v1;
	v1 =	vld [tilespmem:$0x1E990];
	_ =	sdelay $0x4  }
0x288: {  	[tilespmem:s31+$0x4C20] =	vst v1;
	v1 =	vld [tilespmem:$0x1E9A0];
	_ =	sdelay $0x4  }
0x289: {  	[tilespmem:s31+$0x4C30] =	vst v1;
	v1 =	vld [tilespmem:$0x1E9B0];
	_ =	sdelay $0x4  }
0x28a: {  	[tilespmem:s31+$0x4C80] =	vst v1;
	v1 =	vld [tilespmem:$0x1E9C0];
	_ =	sdelay $0x4  }
0x28b: {  	[tilespmem:s31+$0x4C90] =	vst v1;
	v1 =	vld [tilespmem:$0x1E9D0];
	_ =	sdelay $0x4  }
0x28c: {  	[tilespmem:s31+$0x4CA0] =	vst v1;
	v1 =	vld [tilespmem:$0x1E9E0];
	_ =	sdelay $0x4  }
0x28d: {  	[tilespmem:s31+$0x4CB0] =	vst v1;
	v1 =	vld [tilespmem:$0x1E9F0];
	_ =	sdelay $0x4  }
0x28e: {  	[tilespmem:s31+$0x4D00] =	vst v1;
	v1 =	vld [tilespmem:$0x1EA00];
	_ =	sdelay $0x4  }
0x28f: {  	[tilespmem:s31+$0x4D10] =	vst v1;
	v1 =	vld [tilespmem:$0x1EA10];
	_ =	sdelay $0x4  }
0x290: {  	[tilespmem:s31+$0x4D20] =	vst v1;
	v1 =	vld [tilespmem:$0x1EA20];
	_ =	sdelay $0x4  }
0x291: {  	[tilespmem:s31+$0x4D30] =	vst v1;
	v1 =	vld [tilespmem:$0x1EA30];
	_ =	sdelay $0x4  }
0x292: {  	[tilespmem:s31+$0x4D80] =	vst v1;
	v1 =	vld [tilespmem:$0x1EA40];
	_ =	sdelay $0x4  }
0x293: {  	[tilespmem:s31+$0x4D90] =	vst v1;
	v1 =	vld [tilespmem:$0x1EA50];
	_ =	sdelay $0x4  }
0x294: {  	[tilespmem:s31+$0x4DA0] =	vst v1;
	v1 =	vld [tilespmem:$0x1EA60];
	_ =	sdelay $0x4  }
0x295: {  	[tilespmem:s31+$0x4DB0] =	vst v1;
	v1 =	vld [tilespmem:$0x1EA70];
	_ =	sdelay $0x4  }
0x296: {  	[tilespmem:s31+$0x4E00] =	vst v1;
	v1 =	vld [tilespmem:$0x1EA80];
	_ =	sdelay $0x4  }
0x297: {  	[tilespmem:s31+$0x4E10] =	vst v1;
	v1 =	vld [tilespmem:$0x1EA90];
	_ =	sdelay $0x4  }
0x298: {  	[tilespmem:s31+$0x4E20] =	vst v1;
	v1 =	vld [tilespmem:$0x1EAA0];
	_ =	sdelay $0x4  }
0x299: {  	[tilespmem:s31+$0x4E30] =	vst v1;
	v1 =	vld [tilespmem:$0x1EAB0];
	_ =	sdelay $0x4  }
0x29a: {  	[tilespmem:s31+$0x4E80] =	vst v1;
	v1 =	vld [tilespmem:$0x1EAC0];
	_ =	sdelay $0x4  }
0x29b: {  	[tilespmem:s31+$0x4E90] =	vst v1;
	v1 =	vld [tilespmem:$0x1EAD0];
	_ =	sdelay $0x4  }
0x29c: {  	[tilespmem:s31+$0x4EA0] =	vst v1;
	v1 =	vld [tilespmem:$0x1EAE0];
	_ =	sdelay $0x4  }
0x29d: {  	[tilespmem:s31+$0x4EB0] =	vst v1;
	v1 =	vld [tilespmem:$0x1EAF0];
	_ =	sdelay $0x4  }
0x29e: {  	[tilespmem:s31+$0x4F00] =	vst v1;
	v1 =	vld [tilespmem:$0x1EB00];
	_ =	sdelay $0x4  }
0x29f: {  	[tilespmem:s31+$0x4F10] =	vst v1;
	v1 =	vld [tilespmem:$0x1EB10];
	_ =	sdelay $0x4  }
0x2a0: {  	[tilespmem:s31+$0x4F20] =	vst v1;
	v1 =	vld [tilespmem:$0x1EB20];
	_ =	sdelay $0x4  }
0x2a1: {  	[tilespmem:s31+$0x4F30] =	vst v1;
	v1 =	vld [tilespmem:$0x1EB30];
	_ =	sdelay $0x4  }
0x2a2: {  	[tilespmem:s31+$0x4F80] =	vst v1;
	v1 =	vld [tilespmem:$0x1EB40];
	_ =	sdelay $0x4  }
0x2a3: {  	[tilespmem:s31+$0x4F90] =	vst v1;
	v1 =	vld [tilespmem:$0x1EB50];
	_ =	sdelay $0x4  }
0x2a4: {  	[tilespmem:s31+$0x4FA0] =	vst v1;
	v1 =	vld [tilespmem:$0x1EB60];
	_ =	sdelay $0x4  }
0x2a5: {  	[tilespmem:s31+$0x4FB0] =	vst v1;
	v1 =	vld [tilespmem:$0x1EB70];
	_ =	sdelay $0x4  }
0x2a6: {  	[tilespmem:s31+$0x5000] =	vst v1;
	v1 =	vld [tilespmem:$0x1EB80];
	_ =	sdelay $0x4  }
0x2a7: {  	[tilespmem:s31+$0x5010] =	vst v1;
	v1 =	vld [tilespmem:$0x1EB90];
	_ =	sdelay $0x4  }
0x2a8: {  	[tilespmem:s31+$0x5020] =	vst v1;
	v1 =	vld [tilespmem:$0x1EBA0];
	_ =	sdelay $0x4  }
0x2a9: {  	[tilespmem:s31+$0x5030] =	vst v1;
	v1 =	vld [tilespmem:$0x1EBB0];
	_ =	sdelay $0x4  }
0x2aa: {  	[tilespmem:s31+$0x5080] =	vst v1;
	v1 =	vld [tilespmem:$0x1EBC0];
	_ =	sdelay $0x4  }
0x2ab: {  	[tilespmem:s31+$0x5090] =	vst v1;
	v1 =	vld [tilespmem:$0x1EBD0];
	_ =	sdelay $0x4  }
0x2ac: {  	[tilespmem:s31+$0x50A0] =	vst v1;
	v1 =	vld [tilespmem:$0x1EBE0];
	_ =	sdelay $0x4  }
0x2ad: {  	[tilespmem:s31+$0x50B0] =	vst v1;
	v1 =	vld [tilespmem:$0x1EBF0];
	_ =	sdelay $0x4  }
0x2ae: {  	[tilespmem:s31+$0x5100] =	vst v1;
	v1 =	vld [tilespmem:$0x1EC00];
	_ =	sdelay $0x4  }
0x2af: {  	[tilespmem:s31+$0x5110] =	vst v1;
	v1 =	vld [tilespmem:$0x1EC10];
	_ =	sdelay $0x4  }
0x2b0: {  	[tilespmem:s31+$0x5120] =	vst v1;
	v1 =	vld [tilespmem:$0x1EC20];
	_ =	sdelay $0x4  }
0x2b1: {  	[tilespmem:s31+$0x5130] =	vst v1;
	v1 =	vld [tilespmem:$0x1EC30];
	_ =	sdelay $0x4  }
0x2b2: {  	[tilespmem:s31+$0x5180] =	vst v1;
	v1 =	vld [tilespmem:$0x1EC40];
	_ =	sdelay $0x4  }
0x2b3: {  	[tilespmem:s31+$0x5190] =	vst v1;
	v1 =	vld [tilespmem:$0x1EC50];
	_ =	sdelay $0x4  }
0x2b4: {  	[tilespmem:s31+$0x51A0] =	vst v1;
	v1 =	vld [tilespmem:$0x1EC60];
	_ =	sdelay $0x4  }
0x2b5: {  	[tilespmem:s31+$0x51B0] =	vst v1;
	v1 =	vld [tilespmem:$0x1EC70];
	_ =	sdelay $0x4  }
0x2b6: {  	[tilespmem:s31+$0x5200] =	vst v1;
	v1 =	vld [tilespmem:$0x1EC80];
	_ =	sdelay $0x4  }
0x2b7: {  	[tilespmem:s31+$0x5210] =	vst v1;
	v1 =	vld [tilespmem:$0x1EC90];
	_ =	sdelay $0x4  }
0x2b8: {  	[tilespmem:s31+$0x5220] =	vst v1;
	v1 =	vld [tilespmem:$0x1ECA0];
	_ =	sdelay $0x4  }
0x2b9: {  	[tilespmem:s31+$0x5230] =	vst v1;
	v1 =	vld [tilespmem:$0x1ECB0];
	_ =	sdelay $0x4  }
0x2ba: {  	[tilespmem:s31+$0x5280] =	vst v1;
	v1 =	vld [tilespmem:$0x1ECC0];
	_ =	sdelay $0x4  }
0x2bb: {  	[tilespmem:s31+$0x5290] =	vst v1;
	v1 =	vld [tilespmem:$0x1ECD0];
	_ =	sdelay $0x4  }
0x2bc: {  	[tilespmem:s31+$0x52A0] =	vst v1;
	v1 =	vld [tilespmem:$0x1ECE0];
	_ =	sdelay $0x4  }
0x2bd: {  	[tilespmem:s31+$0x52B0] =	vst v1;
	v1 =	vld [tilespmem:$0x1ECF0];
	_ =	sdelay $0x4  }
0x2be: {  	[tilespmem:s31+$0x5300] =	vst v1;
	v1 =	vld [tilespmem:$0x1ED00];
	_ =	sdelay $0x4  }
0x2bf: {  	[tilespmem:s31+$0x5310] =	vst v1;
	v1 =	vld [tilespmem:$0x1ED10];
	_ =	sdelay $0x4  }
0x2c0: {  	[tilespmem:s31+$0x5320] =	vst v1;
	v1 =	vld [tilespmem:$0x1ED20];
	_ =	sdelay $0x4  }
0x2c1: {  	[tilespmem:s31+$0x5330] =	vst v1;
	v1 =	vld [tilespmem:$0x1ED30];
	_ =	sdelay $0x4  }
0x2c2: {  	[tilespmem:s31+$0x5380] =	vst v1;
	v1 =	vld [tilespmem:$0x1ED40];
	_ =	sdelay $0x4  }
0x2c3: {  	[tilespmem:s31+$0x5390] =	vst v1;
	v1 =	vld [tilespmem:$0x1ED50];
	_ =	sdelay $0x4  }
0x2c4: {  	[tilespmem:s31+$0x53A0] =	vst v1;
	v1 =	vld [tilespmem:$0x1ED60];
	_ =	sdelay $0x4  }
0x2c5: {  	[tilespmem:s31+$0x53B0] =	vst v1;
	v1 =	vld [tilespmem:$0x1ED70];
	_ =	sdelay $0x4  }
0x2c6: {  	[tilespmem:s31+$0x5400] =	vst v1;
	v1 =	vld [tilespmem:$0x1ED80];
	_ =	sdelay $0x4  }
0x2c7: {  	[tilespmem:s31+$0x5410] =	vst v1;
	v1 =	vld [tilespmem:$0x1ED90];
	_ =	sdelay $0x4  }
0x2c8: {  	[tilespmem:s31+$0x5420] =	vst v1;
	v1 =	vld [tilespmem:$0x1EDA0];
	_ =	sdelay $0x4  }
0x2c9: {  	[tilespmem:s31+$0x5430] =	vst v1;
	v1 =	vld [tilespmem:$0x1EDB0];
	_ =	sdelay $0x4  }
0x2ca: {  	[tilespmem:s31+$0x5480] =	vst v1;
	v1 =	vld [tilespmem:$0x1EDC0];
	_ =	sdelay $0x4  }
0x2cb: {  	[tilespmem:s31+$0x5490] =	vst v1;
	v1 =	vld [tilespmem:$0x1EDD0];
	_ =	sdelay $0x4  }
0x2cc: {  	[tilespmem:s31+$0x54A0] =	vst v1;
	v1 =	vld [tilespmem:$0x1EDE0];
	_ =	sdelay $0x4  }
0x2cd: {  	[tilespmem:s31+$0x54B0] =	vst v1;
	v1 =	vld [tilespmem:$0x1EDF0];
	_ =	sdelay $0x4  }
0x2ce: {  	[tilespmem:s31+$0x5500] =	vst v1;
	v1 =	vld [tilespmem:$0x1EE00];
	_ =	sdelay $0x4  }
0x2cf: {  	[tilespmem:s31+$0x5510] =	vst v1;
	v1 =	vld [tilespmem:$0x1EE10];
	_ =	sdelay $0x4  }
0x2d0: {  	[tilespmem:s31+$0x5520] =	vst v1;
	v1 =	vld [tilespmem:$0x1EE20];
	_ =	sdelay $0x4  }
0x2d1: {  	[tilespmem:s31+$0x5530] =	vst v1;
	v1 =	vld [tilespmem:$0x1EE30];
	_ =	sdelay $0x4  }
0x2d2: {  	[tilespmem:s31+$0x5580] =	vst v1;
	v1 =	vld [tilespmem:$0x1EE40];
	_ =	sdelay $0x4  }
0x2d3: {  	[tilespmem:s31+$0x5590] =	vst v1;
	v1 =	vld [tilespmem:$0x1EE50];
	_ =	sdelay $0x4  }
0x2d4: {  	[tilespmem:s31+$0x55A0] =	vst v1;
	v1 =	vld [tilespmem:$0x1EE60];
	_ =	sdelay $0x4  }
0x2d5: {  	[tilespmem:s31+$0x55B0] =	vst v1;
	v1 =	vld [tilespmem:$0x1EE70];
	_ =	sdelay $0x4  }
0x2d6: {  	[tilespmem:s31+$0x5600] =	vst v1;
	v1 =	vld [tilespmem:$0x1EE80];
	_ =	sdelay $0x4  }
0x2d7: {  	[tilespmem:s31+$0x5610] =	vst v1;
	v1 =	vld [tilespmem:$0x1EE90];
	_ =	sdelay $0x4  }
0x2d8: {  	[tilespmem:s31+$0x5620] =	vst v1;
	v1 =	vld [tilespmem:$0x1EEA0];
	_ =	sdelay $0x4  }
0x2d9: {  	[tilespmem:s31+$0x5630] =	vst v1;
	v1 =	vld [tilespmem:$0x1EEB0];
	_ =	sdelay $0x4  }
0x2da: {  	[tilespmem:s31+$0x5680] =	vst v1;
	v1 =	vld [tilespmem:$0x1EEC0];
	_ =	sdelay $0x4  }
0x2db: {  	[tilespmem:s31+$0x5690] =	vst v1;
	v1 =	vld [tilespmem:$0x1EED0];
	_ =	sdelay $0x4  }
0x2dc: {  	[tilespmem:s31+$0x56A0] =	vst v1;
	v1 =	vld [tilespmem:$0x1EEE0];
	_ =	sdelay $0x4  }
0x2dd: {  	[tilespmem:s31+$0x56B0] =	vst v1;
	v1 =	vld [tilespmem:$0x1EEF0];
	_ =	sdelay $0x4  }
0x2de: {  	[tilespmem:s31+$0x5700] =	vst v1;
	v1 =	vld [tilespmem:$0x1EF00];
	_ =	sdelay $0x4  }
0x2df: {  	[tilespmem:s31+$0x5710] =	vst v1;
	v1 =	vld [tilespmem:$0x1EF10];
	_ =	sdelay $0x4  }
0x2e0: {  	[tilespmem:s31+$0x5720] =	vst v1;
	v1 =	vld [tilespmem:$0x1EF20];
	_ =	sdelay $0x4  }
0x2e1: {  	[tilespmem:s31+$0x5730] =	vst v1;
	v1 =	vld [tilespmem:$0x1EF30];
	_ =	sdelay $0x4  }
0x2e2: {  	[tilespmem:s31+$0x5780] =	vst v1;
	v1 =	vld [tilespmem:$0x1EF40];
	_ =	sdelay $0x4  }
0x2e3: {  	[tilespmem:s31+$0x5790] =	vst v1;
	v1 =	vld [tilespmem:$0x1EF50];
	_ =	sdelay $0x4  }
0x2e4: {  	[tilespmem:s31+$0x57A0] =	vst v1;
	v1 =	vld [tilespmem:$0x1EF60];
	_ =	sdelay $0x4  }
0x2e5: {  	[tilespmem:s31+$0x57B0] =	vst v1;
	v1 =	vld [tilespmem:$0x1EF70];
	_ =	sdelay $0x4  }
0x2e6: {  	[tilespmem:s31+$0x5800] =	vst v1;
	v1 =	vld [tilespmem:$0x1EF80];
	_ =	sdelay $0x4  }
0x2e7: {  	[tilespmem:s31+$0x5810] =	vst v1;
	v1 =	vld [tilespmem:$0x1EF90];
	_ =	sdelay $0x4  }
0x2e8: {  	[tilespmem:s31+$0x5820] =	vst v1;
	v1 =	vld [tilespmem:$0x1EFA0];
	_ =	sdelay $0x4  }
0x2e9: {  	[tilespmem:s31+$0x5830] =	vst v1;
	v1 =	vld [tilespmem:$0x1EFB0];
	_ =	sdelay $0x4  }
0x2ea: {  	[tilespmem:s31+$0x5880] =	vst v1;
	v1 =	vld [tilespmem:$0x1EFC0];
	_ =	sdelay $0x4  }
0x2eb: {  	[tilespmem:s31+$0x5890] =	vst v1;
	v1 =	vld [tilespmem:$0x1EFD0];
	_ =	sdelay $0x4  }
0x2ec: {  	[tilespmem:s31+$0x58A0] =	vst v1;
	v1 =	vld [tilespmem:$0x1EFE0];
	_ =	sdelay $0x4  }
0x2ed: {  	[tilespmem:s31+$0x58B0] =	vst v1;
	v1 =	vld [tilespmem:$0x1EFF0];
	_ =	sdelay $0x4  }
0x2ee: {  	[tilespmem:s31+$0x5900] =	vst v1;
	v1 =	vld [tilespmem:$0x1F000];
	_ =	sdelay $0x4  }
0x2ef: {  	[tilespmem:s31+$0x5910] =	vst v1;
	v1 =	vld [tilespmem:$0x1F010];
	_ =	sdelay $0x4  }
0x2f0: {  	[tilespmem:s31+$0x5920] =	vst v1;
	v1 =	vld [tilespmem:$0x1F020];
	_ =	sdelay $0x4  }
0x2f1: {  	[tilespmem:s31+$0x5930] =	vst v1;
	v1 =	vld [tilespmem:$0x1F030];
	_ =	sdelay $0x4  }
0x2f2: {  	[tilespmem:s31+$0x5980] =	vst v1;
	v1 =	vld [tilespmem:$0x1F040];
	_ =	sdelay $0x4  }
0x2f3: {  	[tilespmem:s31+$0x5990] =	vst v1;
	v1 =	vld [tilespmem:$0x1F050];
	_ =	sdelay $0x4  }
0x2f4: {  	[tilespmem:s31+$0x59A0] =	vst v1;
	v1 =	vld [tilespmem:$0x1F060];
	_ =	sdelay $0x4  }
0x2f5: {  	[tilespmem:s31+$0x59B0] =	vst v1;
	v1 =	vld [tilespmem:$0x1F070];
	_ =	sdelay $0x4  }
0x2f6: {  	[tilespmem:s31+$0x5A00] =	vst v1;
	v1 =	vld [tilespmem:$0x1F080];
	_ =	sdelay $0x4  }
0x2f7: {  	[tilespmem:s31+$0x5A10] =	vst v1;
	v1 =	vld [tilespmem:$0x1F090];
	_ =	sdelay $0x4  }
0x2f8: {  	[tilespmem:s31+$0x5A20] =	vst v1;
	v1 =	vld [tilespmem:$0x1F0A0];
	_ =	sdelay $0x4  }
0x2f9: {  	[tilespmem:s31+$0x5A30] =	vst v1;
	v1 =	vld [tilespmem:$0x1F0B0];
	_ =	sdelay $0x4  }
0x2fa: {  	[tilespmem:s31+$0x5A80] =	vst v1;
	v1 =	vld [tilespmem:$0x1F0C0];
	_ =	sdelay $0x4  }
0x2fb: {  	[tilespmem:s31+$0x5A90] =	vst v1;
	v1 =	vld [tilespmem:$0x1F0D0];
	_ =	sdelay $0x4  }
0x2fc: {  	[tilespmem:s31+$0x5AA0] =	vst v1;
	v1 =	vld [tilespmem:$0x1F0E0];
	_ =	sdelay $0x4  }
0x2fd: {  	[tilespmem:s31+$0x5AB0] =	vst v1;
	v1 =	vld [tilespmem:$0x1F0F0];
	_ =	sdelay $0x4  }
0x2fe: {  	[tilespmem:s31+$0x5B00] =	vst v1;
	v1 =	vld [tilespmem:$0x1F100];
	_ =	sdelay $0x4  }
0x2ff: {  	[tilespmem:s31+$0x5B10] =	vst v1;
	v1 =	vld [tilespmem:$0x1F110];
	_ =	sdelay $0x4  }
0x300: {  	[tilespmem:s31+$0x5B20] =	vst v1;
	v1 =	vld [tilespmem:$0x1F120];
	_ =	sdelay $0x4  }
0x301: {  	[tilespmem:s31+$0x5B30] =	vst v1;
	v1 =	vld [tilespmem:$0x1F130];
	_ =	sdelay $0x4  }
0x302: {  	[tilespmem:s31+$0x5B80] =	vst v1;
	v1 =	vld [tilespmem:$0x1F140];
	_ =	sdelay $0x4  }
0x303: {  	[tilespmem:s31+$0x5B90] =	vst v1;
	v1 =	vld [tilespmem:$0x1F150];
	_ =	sdelay $0x4  }
0x304: {  	[tilespmem:s31+$0x5BA0] =	vst v1;
	v1 =	vld [tilespmem:$0x1F160];
	_ =	sdelay $0x4  }
0x305: {  	[tilespmem:s31+$0x5BB0] =	vst v1;
	v1 =	vld [tilespmem:$0x1F170];
	_ =	sdelay $0x4  }
0x306: {  	[tilespmem:s31+$0x5C00] =	vst v1;
	v1 =	vld [tilespmem:$0x1F180];
	_ =	sdelay $0x4  }
0x307: {  	[tilespmem:s31+$0x5C10] =	vst v1;
	v1 =	vld [tilespmem:$0x1F190];
	_ =	sdelay $0x4  }
0x308: {  	[tilespmem:s31+$0x5C20] =	vst v1;
	v1 =	vld [tilespmem:$0x1F1A0];
	_ =	sdelay $0x4  }
0x309: {  	[tilespmem:s31+$0x5C30] =	vst v1;
	v1 =	vld [tilespmem:$0x1F1B0];
	_ =	sdelay $0x4  }
0x30a: {  	[tilespmem:s31+$0x5C80] =	vst v1;
	v1 =	vld [tilespmem:$0x1F1C0];
	_ =	sdelay $0x4  }
0x30b: {  	[tilespmem:s31+$0x5C90] =	vst v1;
	v1 =	vld [tilespmem:$0x1F1D0];
	_ =	sdelay $0x4  }
0x30c: {  	[tilespmem:s31+$0x5CA0] =	vst v1;
	v1 =	vld [tilespmem:$0x1F1E0];
	_ =	sdelay $0x4  }
0x30d: {  	[tilespmem:s31+$0x5CB0] =	vst v1;
	v1 =	vld [tilespmem:$0x1F1F0];
	_ =	sdelay $0x4  }
0x30e: {  	[tilespmem:s31+$0x5D00] =	vst v1;
	v1 =	vld [tilespmem:$0x1F200];
	_ =	sdelay $0x4  }
0x30f: {  	[tilespmem:s31+$0x5D10] =	vst v1;
	v1 =	vld [tilespmem:$0x1F210];
	_ =	sdelay $0x4  }
0x310: {  	[tilespmem:s31+$0x5D20] =	vst v1;
	v1 =	vld [tilespmem:$0x1F220];
	_ =	sdelay $0x4  }
0x311: {  	[tilespmem:s31+$0x5D30] =	vst v1;
	v1 =	vld [tilespmem:$0x1F230];
	_ =	sdelay $0x4  }
0x312: {  	[tilespmem:s31+$0x5D80] =	vst v1;
	v1 =	vld [tilespmem:$0x1F240];
	_ =	sdelay $0x4  }
0x313: {  	[tilespmem:s31+$0x5D90] =	vst v1;
	v1 =	vld [tilespmem:$0x1F250];
	_ =	sdelay $0x4  }
0x314: {  	[tilespmem:s31+$0x5DA0] =	vst v1;
	v1 =	vld [tilespmem:$0x1F260];
	_ =	sdelay $0x4  }
0x315: {  	[tilespmem:s31+$0x5DB0] =	vst v1;
	v1 =	vld [tilespmem:$0x1F270];
	_ =	sdelay $0x4  }
0x316: {  	[tilespmem:s31+$0x5E00] =	vst v1  }
0x317: {  	[tilespmem:s31+$0x80B0] =	vst v0;
	v0 =	vld [tilespmem:$0x1F4F0];
	_ =	sdelay $0x4  }
0x318: {  	[tilespmem:s31+$0x80A0] =	vst v0;
	v0 =	vld [tilespmem:$0x1F500];
	_ =	sdelay $0x4  }
0x319: {  	[tilespmem:s31+$0x8090] =	vst v0;
	v0 =	vld [tilespmem:$0x1F510];
	_ =	sdelay $0x4  }
0x31a: {  	[tilespmem:s31+$0x8080] =	vst v0;
	v0 =	vld [tilespmem:$0x1F520];
	_ =	sdelay $0x4  }
0x31b: {  	[tilespmem:s31+$0x8030] =	vst v0;
	v0 =	vld [tilespmem:$0x1F530];
	_ =	sdelay $0x4  }
0x31c: {  	[tilespmem:s31+$0x8020] =	vst v0;
	v0 =	vld [tilespmem:$0x1F540];
	_ =	sdelay $0x4  }
0x31d: {  	[tilespmem:s31+$0x8010] =	vst v0;
	v0 =	vld [tilespmem:$0x1F550];
	_ =	sdelay $0x4  }
0x31e: {  	[tilespmem:s31+$0x8000] =	vst v0;
	v0 =	vld [tilespmem:$0x1F560];
	_ =	sdelay $0x4  }
0x31f: {  	[tilespmem:s31+$0x7FB0] =	vst v0;
	v0 =	vld [tilespmem:$0x1F570];
	_ =	sdelay $0x4  }
0x320: {  	[tilespmem:s31+$0x7FA0] =	vst v0;
	v0 =	vld [tilespmem:$0x1F580];
	_ =	sdelay $0x4  }
0x321: {  	[tilespmem:s31+$0x7F90] =	vst v0;
	v0 =	vld [tilespmem:$0x1F590];
	_ =	sdelay $0x4  }
0x322: {  	[tilespmem:s31+$0x7F80] =	vst v0;
	v0 =	vld [tilespmem:$0x1F5A0];
	_ =	sdelay $0x4  }
0x323: {  	[tilespmem:s31+$0x7F30] =	vst v0;
	v0 =	vld [tilespmem:$0x1F5B0];
	_ =	sdelay $0x4  }
0x324: {  	[tilespmem:s31+$0x7F20] =	vst v0;
	v0 =	vld [tilespmem:$0x1F5C0];
	_ =	sdelay $0x4  }
0x325: {  	[tilespmem:s31+$0x7F10] =	vst v0;
	v0 =	vld [tilespmem:$0x1F5D0];
	_ =	sdelay $0x4  }
0x326: {  	[tilespmem:s31+$0x7F00] =	vst v0;
	v0 =	vld [tilespmem:$0x1F5E0];
	_ =	sdelay $0x4  }
0x327: {  	[tilespmem:s31+$0x7EB0] =	vst v0;
	v0 =	vld [tilespmem:$0x1F5F0];
	_ =	sdelay $0x4  }
0x328: {  	[tilespmem:s31+$0x7EA0] =	vst v0;
	v0 =	vld [tilespmem:$0x1F600];
	_ =	sdelay $0x4  }
0x329: {  	[tilespmem:s31+$0x7E90] =	vst v0;
	v0 =	vld [tilespmem:$0x1F610];
	_ =	sdelay $0x4  }
0x32a: {  	[tilespmem:s31+$0x7E80] =	vst v0;
	v0 =	vld [tilespmem:$0x1F620];
	_ =	sdelay $0x4  }
0x32b: {  	[tilespmem:s31+$0x7E30] =	vst v0;
	v0 =	vld [tilespmem:$0x1F630];
	_ =	sdelay $0x4  }
0x32c: {  	[tilespmem:s31+$0x7E20] =	vst v0;
	v0 =	vld [tilespmem:$0x1F640];
	_ =	sdelay $0x4  }
0x32d: {  	[tilespmem:s31+$0x7E10] =	vst v0;
	v0 =	vld [tilespmem:$0x1F650];
	_ =	sdelay $0x4  }
0x32e: {  	[tilespmem:s31+$0x7E00] =	vst v0;
	v0 =	vld [tilespmem:$0x1F660];
	_ =	sdelay $0x4  }
0x32f: {  	[tilespmem:s31+$0x7DB0] =	vst v0;
	v0 =	vld [tilespmem:$0x1F670];
	_ =	sdelay $0x4  }
0x330: {  	[tilespmem:s31+$0x7DA0] =	vst v0;
	v0 =	vld [tilespmem:$0x1F680];
	_ =	sdelay $0x4  }
0x331: {  	[tilespmem:s31+$0x7D90] =	vst v0;
	v0 =	vld [tilespmem:$0x1F690];
	_ =	sdelay $0x4  }
0x332: {  	[tilespmem:s31+$0x7D80] =	vst v0;
	v0 =	vld [tilespmem:$0x1F6A0];
	_ =	sdelay $0x4  }
0x333: {  	[tilespmem:s31+$0x7D30] =	vst v0;
	v0 =	vld [tilespmem:$0x1F6B0];
	_ =	sdelay $0x4  }
0x334: {  	[tilespmem:s31+$0x7D20] =	vst v0;
	v0 =	vld [tilespmem:$0x1F6C0];
	_ =	sdelay $0x4  }
0x335: {  	[tilespmem:s31+$0x7D10] =	vst v0;
	v0 =	vld [tilespmem:$0x1F6D0];
	_ =	sdelay $0x4  }
0x336: {  	[tilespmem:s31+$0x7D00] =	vst v0;
	v0 =	vld [tilespmem:$0x1F6E0];
	_ =	sdelay $0x4  }
0x337: {  	[tilespmem:s31+$0x7CB0] =	vst v0;
	v0 =	vld [tilespmem:$0x1F6F0];
	_ =	sdelay $0x4  }
0x338: {  	[tilespmem:s31+$0x7CA0] =	vst v0;
	v0 =	vld [tilespmem:$0x1F700];
	_ =	sdelay $0x4  }
0x339: {  	[tilespmem:s31+$0x7C90] =	vst v0;
	v0 =	vld [tilespmem:$0x1F710];
	_ =	sdelay $0x4  }
0x33a: {  	[tilespmem:s31+$0x7C80] =	vst v0;
	v0 =	vld [tilespmem:$0x1F720];
	_ =	sdelay $0x4  }
0x33b: {  	[tilespmem:s31+$0x7C30] =	vst v0;
	v0 =	vld [tilespmem:$0x1F730];
	_ =	sdelay $0x4  }
0x33c: {  	[tilespmem:s31+$0x7C20] =	vst v0;
	v0 =	vld [tilespmem:$0x1F740];
	_ =	sdelay $0x4  }
0x33d: {  	[tilespmem:s31+$0x7C10] =	vst v0;
	v0 =	vld [tilespmem:$0x1F750];
	_ =	sdelay $0x4  }
0x33e: {  	[tilespmem:s31+$0x7C00] =	vst v0;
	v0 =	vld [tilespmem:$0x1F760];
	_ =	sdelay $0x4  }
0x33f: {  	[tilespmem:s31+$0x7BB0] =	vst v0;
	v0 =	vld [tilespmem:$0x1F770];
	_ =	sdelay $0x4  }
0x340: {  	[tilespmem:s31+$0x7BA0] =	vst v0;
	v0 =	vld [tilespmem:$0x1F780];
	_ =	sdelay $0x4  }
0x341: {  	[tilespmem:s31+$0x7B90] =	vst v0;
	v0 =	vld [tilespmem:$0x1F790];
	_ =	sdelay $0x4  }
0x342: {  	[tilespmem:s31+$0x7B80] =	vst v0;
	v0 =	vld [tilespmem:$0x1F7A0];
	_ =	sdelay $0x4  }
0x343: {  	[tilespmem:s31+$0x7B30] =	vst v0;
	v0 =	vld [tilespmem:$0x1F7B0];
	_ =	sdelay $0x4  }
0x344: {  	[tilespmem:s31+$0x7B20] =	vst v0;
	v0 =	vld [tilespmem:$0x1F7C0];
	_ =	sdelay $0x4  }
0x345: {  	[tilespmem:s31+$0x7B10] =	vst v0;
	v0 =	vld [tilespmem:$0x1F7D0];
	_ =	sdelay $0x4  }
0x346: {  	[tilespmem:s31+$0x7B00] =	vst v0;
	v0 =	vld [tilespmem:$0x1F7E0];
	_ =	sdelay $0x4  }
0x347: {  	[tilespmem:s31+$0x7AB0] =	vst v0;
	v0 =	vld [tilespmem:$0x1F7F0];
	_ =	sdelay $0x4  }
0x348: {  	[tilespmem:s31+$0x7AA0] =	vst v0;
	v0 =	vld [tilespmem:$0x1F800];
	_ =	sdelay $0x4  }
0x349: {  	[tilespmem:s31+$0x7A90] =	vst v0;
	v0 =	vld [tilespmem:$0x1F810];
	_ =	sdelay $0x4  }
0x34a: {  	[tilespmem:s31+$0x7A80] =	vst v0;
	v0 =	vld [tilespmem:$0x1F820];
	_ =	sdelay $0x4  }
0x34b: {  	[tilespmem:s31+$0x7A30] =	vst v0;
	v0 =	vld [tilespmem:$0x1F830];
	_ =	sdelay $0x4  }
0x34c: {  	[tilespmem:s31+$0x7A20] =	vst v0;
	v0 =	vld [tilespmem:$0x1F840];
	_ =	sdelay $0x4  }
0x34d: {  	[tilespmem:s31+$0x7A10] =	vst v0;
	v0 =	vld [tilespmem:$0x1F850];
	_ =	sdelay $0x4  }
0x34e: {  	[tilespmem:s31+$0x7A00] =	vst v0;
	v0 =	vld [tilespmem:$0x1F860];
	_ =	sdelay $0x4  }
0x34f: {  	[tilespmem:s31+$0x79B0] =	vst v0;
	v0 =	vld [tilespmem:$0x1F870];
	_ =	sdelay $0x4  }
0x350: {  	[tilespmem:s31+$0x79A0] =	vst v0;
	v0 =	vld [tilespmem:$0x1F880];
	_ =	sdelay $0x4  }
0x351: {  	[tilespmem:s31+$0x7990] =	vst v0;
	v0 =	vld [tilespmem:$0x1F890];
	_ =	sdelay $0x4  }
0x352: {  	[tilespmem:s31+$0x7980] =	vst v0;
	v0 =	vld [tilespmem:$0x1F8A0];
	_ =	sdelay $0x4  }
0x353: {  	[tilespmem:s31+$0x7930] =	vst v0;
	v0 =	vld [tilespmem:$0x1F8B0];
	_ =	sdelay $0x4  }
0x354: {  	[tilespmem:s31+$0x7920] =	vst v0;
	v0 =	vld [tilespmem:$0x1F8C0];
	_ =	sdelay $0x4  }
0x355: {  	[tilespmem:s31+$0x7910] =	vst v0;
	v0 =	vld [tilespmem:$0x1F8D0];
	_ =	sdelay $0x4  }
0x356: {  	[tilespmem:s31+$0x7900] =	vst v0;
	v0 =	vld [tilespmem:$0x1F8E0];
	_ =	sdelay $0x4  }
0x357: {  	[tilespmem:s31+$0x78B0] =	vst v0;
	v0 =	vld [tilespmem:$0x1F8F0];
	_ =	sdelay $0x4  }
0x358: {  	[tilespmem:s31+$0x78A0] =	vst v0;
	v0 =	vld [tilespmem:$0x1F900];
	_ =	sdelay $0x4  }
0x359: {  	[tilespmem:s31+$0x7890] =	vst v0;
	v0 =	vld [tilespmem:$0x1F910];
	_ =	sdelay $0x4  }
0x35a: {  	[tilespmem:s31+$0x7880] =	vst v0;
	v0 =	vld [tilespmem:$0x1F920];
	_ =	sdelay $0x4  }
0x35b: {  	[tilespmem:s31+$0x7830] =	vst v0;
	v0 =	vld [tilespmem:$0x1F930];
	_ =	sdelay $0x4  }
0x35c: {  	[tilespmem:s31+$0x7820] =	vst v0;
	v0 =	vld [tilespmem:$0x1F940];
	_ =	sdelay $0x4  }
0x35d: {  	[tilespmem:s31+$0x7810] =	vst v0;
	v0 =	vld [tilespmem:$0x1F950];
	_ =	sdelay $0x4  }
0x35e: {  	[tilespmem:s31+$0x7800] =	vst v0;
	v0 =	vld [tilespmem:$0x1F960];
	_ =	sdelay $0x4  }
0x35f: {  	[tilespmem:s31+$0x77B0] =	vst v0;
	v0 =	vld [tilespmem:$0x1F970];
	_ =	sdelay $0x4  }
0x360: {  	[tilespmem:s31+$0x77A0] =	vst v0;
	v0 =	vld [tilespmem:$0x1F980];
	_ =	sdelay $0x4  }
0x361: {  	[tilespmem:s31+$0x7790] =	vst v0;
	v0 =	vld [tilespmem:$0x1F990];
	_ =	sdelay $0x4  }
0x362: {  	[tilespmem:s31+$0x7780] =	vst v0;
	v0 =	vld [tilespmem:$0x1F9A0];
	_ =	sdelay $0x4  }
0x363: {  	[tilespmem:s31+$0x7730] =	vst v0;
	v0 =	vld [tilespmem:$0x1F9B0];
	_ =	sdelay $0x4  }
0x364: {  	[tilespmem:s31+$0x7720] =	vst v0;
	v0 =	vld [tilespmem:$0x1F9C0];
	_ =	sdelay $0x4  }
0x365: {  	[tilespmem:s31+$0x7710] =	vst v0;
	v0 =	vld [tilespmem:$0x1F9D0];
	_ =	sdelay $0x4  }
0x366: {  	[tilespmem:s31+$0x7700] =	vst v0;
	v0 =	vld [tilespmem:$0x1F9E0];
	_ =	sdelay $0x4  }
0x367: {  	[tilespmem:s31+$0x76B0] =	vst v0;
	v0 =	vld [tilespmem:$0x1F9F0];
	_ =	sdelay $0x4  }
0x368: {  	[tilespmem:s31+$0x76A0] =	vst v0;
	v0 =	vld [tilespmem:$0x1FA00];
	_ =	sdelay $0x4  }
0x369: {  	[tilespmem:s31+$0x7690] =	vst v0;
	v0 =	vld [tilespmem:$0x1FA10];
	_ =	sdelay $0x4  }
0x36a: {  	[tilespmem:s31+$0x7680] =	vst v0;
	v0 =	vld [tilespmem:$0x1FA20];
	_ =	sdelay $0x4  }
0x36b: {  	[tilespmem:s31+$0x7630] =	vst v0;
	v0 =	vld [tilespmem:$0x1FA30];
	_ =	sdelay $0x4  }
0x36c: {  	[tilespmem:s31+$0x7620] =	vst v0;
	v0 =	vld [tilespmem:$0x1FA40];
	_ =	sdelay $0x4  }
0x36d: {  	[tilespmem:s31+$0x7610] =	vst v0;
	v0 =	vld [tilespmem:$0x1FA50];
	_ =	sdelay $0x4  }
0x36e: {  	[tilespmem:s31+$0x7600] =	vst v0;
	v0 =	vld [tilespmem:$0x1FA60];
	_ =	sdelay $0x4  }
0x36f: {  	[tilespmem:s31+$0x75B0] =	vst v0;
	v0 =	vld [tilespmem:$0x1FA70];
	_ =	sdelay $0x3  }
0x370: {  	v1 =	vld [tilespmem:$0x1F280]  }
0x371: {  	[tilespmem:s31+$0x75A0] =	vst v0;
	v0 =	vld [tilespmem:$0x1FA80];
	_ =	sdelay $0x3  }
0x372: {  	[tilespmem:s31+$0x5E10] =	vst v1;
	v1 =	vld [tilespmem:$0x1F290]  }
0x373: {  	[tilespmem:s31+$0x7590] =	vst v0;
	v0 =	vld [tilespmem:$0x1FA90];
	_ =	sdelay $0x3  }
0x374: {  	[tilespmem:s31+$0x5E20] =	vst v1;
	v1 =	vld [tilespmem:$0x1F2A0]  }
0x375: {  	[tilespmem:s31+$0x7580] =	vst v0;
	v0 =	vld [tilespmem:$0x1FAA0];
	_ =	sdelay $0x3  }
0x376: {  	[tilespmem:s31+$0x5E30] =	vst v1;
	v1 =	vld [tilespmem:$0x1F2B0]  }
0x377: {  	[tilespmem:s31+$0x7530] =	vst v0;
	v0 =	vld [tilespmem:$0x1FAB0];
	_ =	sdelay $0x3  }
0x378: {  	[tilespmem:s31+$0x5E80] =	vst v1;
	v1 =	vld [tilespmem:$0x1F2C0]  }
0x379: {  	[tilespmem:s31+$0x7520] =	vst v0;
	v0 =	vld [tilespmem:$0x1FAC0];
	_ =	sdelay $0x3  }
0x37a: {  	[tilespmem:s31+$0x5E90] =	vst v1;
	v1 =	vld [tilespmem:$0x1F2D0]  }
0x37b: {  	[tilespmem:s31+$0x7510] =	vst v0;
	v0 =	vld [tilespmem:$0x1FAD0];
	_ =	sdelay $0x3  }
0x37c: {  	[tilespmem:s31+$0x5EA0] =	vst v1;
	v1 =	vld [tilespmem:$0x1F2E0]  }
0x37d: {  	[tilespmem:s31+$0x7500] =	vst v0;
	v0 =	vld [tilespmem:$0x1FAE0];
	_ =	sdelay $0x3  }
0x37e: {  	[tilespmem:s31+$0x5EB0] =	vst v1;
	v1 =	vld [tilespmem:$0x1F2F0]  }
0x37f: {  	[tilespmem:s31+$0x74B0] =	vst v0;
	v0 =	vld [tilespmem:$0x1FAF0];
	_ =	sdelay $0x3  }
0x380: {  	[tilespmem:s31+$0x5F00] =	vst v1;
	v1 =	vld [tilespmem:$0x1F300]  }
0x381: {  	[tilespmem:s31+$0x74A0] =	vst v0;
	v0 =	vld [tilespmem:$0x1FB00];
	_ =	sdelay $0x3  }
0x382: {  	[tilespmem:s31+$0x5F10] =	vst v1;
	v1 =	vld [tilespmem:$0x1F310]  }
0x383: {  	[tilespmem:s31+$0x7490] =	vst v0;
	v0 =	vld [tilespmem:$0x1FB10];
	_ =	sdelay $0x3  }
0x384: {  	[tilespmem:s31+$0x5F20] =	vst v1;
	v1 =	vld [tilespmem:$0x1F320]  }
0x385: {  	[tilespmem:s31+$0x7480] =	vst v0;
	v0 =	vld [tilespmem:$0x1FB20];
	_ =	sdelay $0x3  }
0x386: {  	[tilespmem:s31+$0x5F30] =	vst v1;
	v1 =	vld [tilespmem:$0x1F330]  }
0x387: {  	[tilespmem:s31+$0x7430] =	vst v0;
	v0 =	vld [tilespmem:$0x1FB30];
	_ =	sdelay $0x3  }
0x388: {  	[tilespmem:s31+$0x5F80] =	vst v1;
	v1 =	vld [tilespmem:$0x1F340]  }
0x389: {  	[tilespmem:s31+$0x7420] =	vst v0;
	v0 =	vld [tilespmem:$0x1FB40];
	_ =	sdelay $0x3  }
0x38a: {  	[tilespmem:s31+$0x5F90] =	vst v1;
	v1 =	vld [tilespmem:$0x1F350]  }
0x38b: {  	[tilespmem:s31+$0x7410] =	vst v0;
	v0 =	vld [tilespmem:$0x1FB50];
	_ =	sdelay $0x3  }
0x38c: {  	[tilespmem:s31+$0x5FA0] =	vst v1;
	v1 =	vld [tilespmem:$0x1F360]  }
0x38d: {  	[tilespmem:s31+$0x7400] =	vst v0;
	v0 =	vld [tilespmem:$0x1FB60];
	_ =	sdelay $0x3  }
0x38e: {  	[tilespmem:s31+$0x5FB0] =	vst v1;
	v1 =	vld [tilespmem:$0x1F370]  }
0x38f: {  	[tilespmem:s31+$0x73B0] =	vst v0;
	v0 =	vld [tilespmem:$0x1FB70];
	_ =	sdelay $0x3  }
0x390: {  	[tilespmem:s31+$0x6000] =	vst v1;
	v1 =	vld [tilespmem:$0x1F380]  }
0x391: {  	[tilespmem:s31+$0x73A0] =	vst v0;
	v0 =	vld [tilespmem:$0x1FB80];
	_ =	sdelay $0x3  }
0x392: {  	[tilespmem:s31+$0x6010] =	vst v1;
	v1 =	vld [tilespmem:$0x1F390]  }
0x393: {  	[tilespmem:s31+$0x7390] =	vst v0;
	v0 =	vld [tilespmem:$0x1FB90];
	_ =	sdelay $0x3  }
0x394: {  	[tilespmem:s31+$0x6020] =	vst v1;
	v1 =	vld [tilespmem:$0x1F3A0]  }
0x395: {  	[tilespmem:s31+$0x7380] =	vst v0;
	v0 =	vld [tilespmem:$0x1FBA0];
	_ =	sdelay $0x3  }
0x396: {  	[tilespmem:s31+$0x6030] =	vst v1;
	v1 =	vld [tilespmem:$0x1F3B0]  }
0x397: {  	[tilespmem:s31+$0x7330] =	vst v0;
	v0 =	vld [tilespmem:$0x1FBB0];
	_ =	sdelay $0x3  }
0x398: {  	[tilespmem:s31+$0x6080] =	vst v1;
	v1 =	vld [tilespmem:$0x1F3C0]  }
0x399: {  	[tilespmem:s31+$0x7320] =	vst v0;
	v0 =	vld [tilespmem:$0x1FBC0];
	_ =	sdelay $0x3  }
0x39a: {  	[tilespmem:s31+$0x6090] =	vst v1;
	v1 =	vld [tilespmem:$0x1F3D0]  }
0x39b: {  	[tilespmem:s31+$0x7310] =	vst v0;
	v0 =	vld [tilespmem:$0x1FBD0];
	_ =	sdelay $0x3  }
0x39c: {  	[tilespmem:s31+$0x60A0] =	vst v1;
	v1 =	vld [tilespmem:$0x1F3E0]  }
0x39d: {  	[tilespmem:s31+$0x7300] =	vst v0;
	v0 =	vld [tilespmem:$0x1FBE0];
	_ =	sdelay $0x3  }
0x39e: {  	[tilespmem:s31+$0x60B0] =	vst v1;
	v1 =	vld [tilespmem:$0x1F3F0]  }
0x39f: {  	[tilespmem:s31+$0x72B0] =	vst v0;
	v0 =	vld [tilespmem:$0x1FBF0];
	_ =	sdelay $0x3  }
0x3a0: {  	[tilespmem:s31+$0x6100] =	vst v1;
	v1 =	vld [tilespmem:$0x1F400]  }
0x3a1: {  	[tilespmem:s31+$0x72A0] =	vst v0;
	v0 =	vld [tilespmem:$0x1FC00];
	_ =	sdelay $0x3  }
0x3a2: {  	[tilespmem:s31+$0x6110] =	vst v1;
	v1 =	vld [tilespmem:$0x1F410]  }
0x3a3: {  	[tilespmem:s31+$0x7290] =	vst v0;
	v0 =	vld [tilespmem:$0x1FC10];
	_ =	sdelay $0x3  }
0x3a4: {  	[tilespmem:s31+$0x6120] =	vst v1;
	v1 =	vld [tilespmem:$0x1F420]  }
0x3a5: {  	[tilespmem:s31+$0x7280] =	vst v0;
	v0 =	vld [tilespmem:$0x1FC20];
	_ =	sdelay $0x3  }
0x3a6: {  	[tilespmem:s31+$0x6130] =	vst v1;
	v1 =	vld [tilespmem:$0x1F430]  }
0x3a7: {  	[tilespmem:s31+$0x7230] =	vst v0;
	v0 =	vld [tilespmem:$0x1FC30];
	_ =	sdelay $0x3  }
0x3a8: {  	[tilespmem:s31+$0x6180] =	vst v1;
	v1 =	vld [tilespmem:$0x1F440]  }
0x3a9: {  	[tilespmem:s31+$0x7220] =	vst v0;
	v0 =	vld [tilespmem:$0x1FC40];
	_ =	sdelay $0x3  }
0x3aa: {  	[tilespmem:s31+$0x6190] =	vst v1;
	v1 =	vld [tilespmem:$0x1F450]  }
0x3ab: {  	[tilespmem:s31+$0x7210] =	vst v0;
	v0 =	vld [tilespmem:$0x1FC50];
	_ =	sdelay $0x3  }
0x3ac: {  	[tilespmem:s31+$0x61A0] =	vst v1;
	v1 =	vld [tilespmem:$0x1F460]  }
0x3ad: {  	[tilespmem:s31+$0x7200] =	vst v0;
	v0 =	vld [tilespmem:$0x1FC60];
	_ =	sdelay $0x3  }
0x3ae: {  	[tilespmem:s31+$0x61B0] =	vst v1;
	v1 =	vld [tilespmem:$0x1F470]  }
0x3af: {  	[tilespmem:s31+$0x71B0] =	vst v0;
	v0 =	vld [tilespmem:$0x1FC70];
	_ =	sdelay $0x3  }
0x3b0: {  	[tilespmem:s31+$0x6200] =	vst v1;
	v1 =	vld [tilespmem:$0x1F480]  }
0x3b1: {  	[tilespmem:s31+$0x71A0] =	vst v0;
	v0 =	vld [tilespmem:$0x1FC80];
	_ =	sdelay $0x3  }
0x3b2: {  	[tilespmem:s31+$0x6210] =	vst v1;
	v1 =	vld [tilespmem:$0x1F490]  }
0x3b3: {  	[tilespmem:s31+$0x7190] =	vst v0;
	v0 =	vld [tilespmem:$0x1FC90];
	_ =	sdelay $0x3  }
0x3b4: {  	[tilespmem:s31+$0x6220] =	vst v1;
	v1 =	vld [tilespmem:$0x1F4A0]  }
0x3b5: {  	[tilespmem:s31+$0x7180] =	vst v0;
	v0 =	vld [tilespmem:$0x1FCA0];
	_ =	sdelay $0x3  }
0x3b6: {  	[tilespmem:s31+$0x6230] =	vst v1;
	v1 =	vld [tilespmem:$0x1F4B0]  }
0x3b7: {  	[tilespmem:s31+$0x7130] =	vst v0;
	v0 =	vld [tilespmem:$0x1FCB0];
	_ =	sdelay $0x3  }
0x3b8: {  	[tilespmem:s31+$0x6280] =	vst v1;
	v1 =	vld [tilespmem:$0x1F4C0]  }
0x3b9: {  	[tilespmem:s31+$0x7120] =	vst v0;
	v0 =	vld [tilespmem:$0x1FCC0];
	_ =	sdelay $0x3  }
0x3ba: {  	[tilespmem:s31+$0x6290] =	vst v1;
	v1 =	vld [tilespmem:$0x1F4D0]  }
0x3bb: {  	[tilespmem:s31+$0x7110] =	vst v0;
	v0 =	vld [tilespmem:$0x1FCD0];
	_ =	sdelay $0x3  }
0x3bc: {  	[tilespmem:s31+$0x62A0] =	vst v1;
	v1 =	vld [tilespmem:$0x1F4E0]  }
0x3bd: {  	[tilespmem:s31+$0x7100] =	vst v0;
	v0 =	vld [tilespmem:$0x1FCE0];
	_ =	sdelay $0x3  }
0x3be: {  	[tilespmem:s31+$0x62B0] =	vst v1  }
0x3bf: {  	[tilespmem:s31+$0x70B0] =	vst v0;
	v0 =	vld [tilespmem:$0x1FCF0];
	_ =	sdelay $0x4  }
0x3c0: {  	[tilespmem:s31+$0x70A0] =	vst v0;
	v0 =	vld [tilespmem:$0x1FD00];
	_ =	sdelay $0x4  }
0x3c1: {  	[tilespmem:s31+$0x7090] =	vst v0;
	v0 =	vld [tilespmem:$0x1FD10];
	_ =	sdelay $0x4  }
0x3c2: {  	[tilespmem:s31+$0x7080] =	vst v0;
	v0 =	vld [tilespmem:$0x1FD20];
	_ =	sdelay $0x4  }
0x3c3: {  	[tilespmem:s31+$0x7030] =	vst v0;
	v0 =	vld [tilespmem:$0x1FD30];
	_ =	sdelay $0x4  }
0x3c4: {  	[tilespmem:s31+$0x7020] =	vst v0;
	v0 =	vld [tilespmem:$0x1FD40];
	_ =	sdelay $0x4  }
0x3c5: {  	[tilespmem:s31+$0x7010] =	vst v0;
	v0 =	vld [tilespmem:$0x1FD50];
	_ =	sdelay $0x4  }
0x3c6: {  	[tilespmem:s31+$0x7000] =	vst v0;
	v0 =	vld [tilespmem:$0x1FD60];
	_ =	sdelay $0x4  }
0x3c7: {  	[tilespmem:s31+$0x6FB0] =	vst v0;
	v0 =	vld [tilespmem:$0x1FD70];
	_ =	sdelay $0x4  }
0x3c8: {  	[tilespmem:s31+$0x6FA0] =	vst v0;
	v0 =	vld [tilespmem:$0x1FD80];
	_ =	sdelay $0x4  }
0x3c9: {  	[tilespmem:s31+$0x6F90] =	vst v0;
	v0 =	vld [tilespmem:$0x1FD90];
	_ =	sdelay $0x4  }
0x3ca: {  	[tilespmem:s31+$0x6F80] =	vst v0;
	v0 =	vld [tilespmem:$0x1FDA0];
	_ =	sdelay $0x4  }
0x3cb: {  	[tilespmem:s31+$0x6F30] =	vst v0;
	v0 =	vld [tilespmem:$0x1FDB0];
	_ =	sdelay $0x4  }
0x3cc: {  	[tilespmem:s31+$0x6F20] =	vst v0;
	v0 =	vld [tilespmem:$0x1FDC0];
	_ =	sdelay $0x4  }
0x3cd: {  	[tilespmem:s31+$0x6F10] =	vst v0;
	v0 =	vld [tilespmem:$0x1FDD0];
	_ =	sdelay $0x4  }
0x3ce: {  	[tilespmem:s31+$0x6F00] =	vst v0;
	v0 =	vld [tilespmem:$0x1FDE0];
	_ =	sdelay $0x4  }
0x3cf: {  	[tilespmem:s31+$0x6EB0] =	vst v0;
	v0 =	vld [tilespmem:$0x1FDF0]  }
0x3d0: {  	[tilespmem:s31+$0x6C30] =	vst v63  }
0x3d1: {  	[tilespmem:s31+$0x6C20] =	vst v62  }
0x3d2: {  	[tilespmem:s31+$0x6C10] =	vst v61  }
0x3d3: {  	[tilespmem:s31+$0x6C00] =	vst v60  }
0x3d4: {  	[tilespmem:s31+$0x6EA0] =	vst v0;
	v0 =	vld [tilespmem:$0x1FE00]  }
0x3d5: {  	[tilespmem:s31+$0x6BB0] =	vst v59  }
0x3d6: {  	[tilespmem:s31+$0x6BA0] =	vst v58  }
0x3d7: {  	[tilespmem:s31+$0x6B90] =	vst v57  }
0x3d8: {  	[tilespmem:s31+$0x6B80] =	vst v56  }
0x3d9: {  	[tilespmem:s31+$0x6E90] =	vst v0;
	v0 =	vld [tilespmem:$0x1FE10]  }
0x3da: {  	[tilespmem:s31+$0x6B30] =	vst v55  }
0x3db: {  	[tilespmem:s31+$0x6B20] =	vst v54  }
0x3dc: {  	[tilespmem:s31+$0x6B10] =	vst v53  }
0x3dd: {  	[tilespmem:s31+$0x6B00] =	vst v52  }
0x3de: {  	[tilespmem:s31+$0x6E80] =	vst v0;
	v0 =	vld [tilespmem:$0x1FE20]  }
0x3df: {  	[tilespmem:s31+$0x6AB0] =	vst v51  }
0x3e0: {  	[tilespmem:s31+$0x6AA0] =	vst v50  }
0x3e1: {  	[tilespmem:s31+$0x6A90] =	vst v49  }
0x3e2: {  	[tilespmem:s31+$0x6A80] =	vst v48  }
0x3e3: {  	[tilespmem:s31+$0x6E30] =	vst v0;
	v0 =	vld [tilespmem:$0x1FE30]  }
0x3e4: {  	[tilespmem:s31+$0x6A30] =	vst v47  }
0x3e5: {  	[tilespmem:s31+$0x6A20] =	vst v46  }
0x3e6: {  	[tilespmem:s31+$0x6A10] =	vst v45  }
0x3e7: {  	[tilespmem:s31+$0x6A00] =	vst v44  }
0x3e8: {  	[tilespmem:s31+$0x6E20] =	vst v0;
	v0 =	vld [tilespmem:$0x1FE40]  }
0x3e9: {  	[tilespmem:s31+$0x69B0] =	vst v43  }
0x3ea: {  	[tilespmem:s31+$0x69A0] =	vst v42  }
0x3eb: {  	[tilespmem:s31+$0x6990] =	vst v41  }
0x3ec: {  	[tilespmem:s31+$0x6980] =	vst v40  }
0x3ed: {  	[tilespmem:s31+$0x6E10] =	vst v0;
	v0 =	vld [tilespmem:$0x1FE50]  }
0x3ee: {  	[tilespmem:s31+$0x6930] =	vst v39  }
0x3ef: {  	[tilespmem:s31+$0x6920] =	vst v38  }
0x3f0: {  	[tilespmem:s31+$0x6910] =	vst v37  }
0x3f1: {  	[tilespmem:s31+$0x6900] =	vst v36  }
0x3f2: {  	[tilespmem:s31+$0x6E00] =	vst v0;
	v0 =	vld [tilespmem:$0x1FE60]  }
0x3f3: {  	[tilespmem:s31+$0x68B0] =	vst v35  }
0x3f4: {  	[tilespmem:s31+$0x68A0] =	vst v34  }
0x3f5: {  	[tilespmem:s31+$0x6890] =	vst v33  }
0x3f6: {  	[tilespmem:s31+$0x6880] =	vst v32  }
0x3f7: {  	[tilespmem:s31+$0x6DB0] =	vst v0;
	v0 =	vld [tilespmem:$0x1FE70]  }
0x3f8: {  	[tilespmem:s31+$0x6830] =	vst v31  }
0x3f9: {  	[tilespmem:s31+$0x6820] =	vst v30  }
0x3fa: {  	[tilespmem:s31+$0x6810] =	vst v29  }
0x3fb: {  	[tilespmem:s31+$0x6800] =	vst v28  }
0x3fc: {  	[tilespmem:s31+$0x6DA0] =	vst v0;
	v0 =	vld [tilespmem:$0x1FE80]  }
0x3fd: {  	[tilespmem:s31+$0x67B0] =	vst v27  }
0x3fe: {  	[tilespmem:s31+$0x67A0] =	vst v26  }
0x3ff: {  	[tilespmem:s31+$0x6790] =	vst v25  }
0x400: {  	[tilespmem:s31+$0x6780] =	vst v24  }
0x401: {  	[tilespmem:s31+$0x6D90] =	vst v0;
	v0 =	vld [tilespmem:$0x1FE90]  }
0x402: {  	[tilespmem:s31+$0x6730] =	vst v23  }
0x403: {  	[tilespmem:s31+$0x6720] =	vst v22  }
0x404: {  	[tilespmem:s31+$0x6710] =	vst v21  }
0x405: {  	[tilespmem:s31+$0x6700] =	vst v20  }
0x406: {  	[tilespmem:s31+$0x6D80] =	vst v0;
	v0 =	vld [tilespmem:$0x1FEA0]  }
0x407: {  	[tilespmem:s31+$0x66B0] =	vst v19  }
0x408: {  	[tilespmem:s31+$0x66A0] =	vst v18  }
0x409: {  	[tilespmem:s31+$0x6690] =	vst v17  }
0x40a: {  	[tilespmem:s31+$0x6680] =	vst v16  }
0x40b: {  	[tilespmem:s31+$0x6D30] =	vst v0;
	v0 =	vld [tilespmem:$0x1FEB0]  }
0x40c: {  	[tilespmem:s31+$0x6630] =	vst v15  }
0x40d: {  	[tilespmem:s31+$0x6620] =	vst v14  }
0x40e: {  	[tilespmem:s31+$0x6610] =	vst v13  }
0x40f: {  	[tilespmem:s31+$0x6600] =	vst v12  }
0x410: {  	[tilespmem:s31+$0x6D20] =	vst v0;
	v0 =	vld [tilespmem:$0x1FEC0]  }
0x411: {  	[tilespmem:s31+$0x65B0] =	vst v11  }
0x412: {  	[tilespmem:s31+$0x65A0] =	vst v10  }
0x413: {  	[tilespmem:s31+$0x6590] =	vst v9  }
0x414: {  	[tilespmem:s31+$0x6580] =	vst v8  }
0x415: {  	[tilespmem:s31+$0x6D10] =	vst v0;
	v0 =	vld [tilespmem:$0x1FED0]  }
0x416: {  	[tilespmem:s31+$0x6530] =	vst v7  }
0x417: {  	[tilespmem:s31+$0x6520] =	vst v6  }
0x418: {  	v50 =	vld [tilespmem:$0x1FF20];
	[tilespmem:s31+$0x6510] =	vst v5  }
0x419: {  	v51 =	vld [tilespmem:$0x1FF30];
	[tilespmem:s31+$0x6500] =	vst v4  }
0x41a: {  	[tilespmem:s31+$0x6D00] =	vst v0;
	v0 =	vld [tilespmem:$0x1FEE0]  }
0x41b: {  	v52 =	vld [tilespmem:$0x1FF40];
	[tilespmem:s31+$0x64B0] =	vst v3  }
0x41c: {  	v53 =	vld [tilespmem:$0x1FF50];
	[tilespmem:s31+$0x64A0] =	vst v2  }
0x41d: {  	v54 =	vld [tilespmem:$0x1FF60];
	[tilespmem:s31+$0x6490] =	vst v50  }
0x41e: {  	v55 =	vld [tilespmem:$0x1FF70];
	[tilespmem:s31+$0x6480] =	vst v51  }
0x41f: {  	[tilespmem:s31+$0x6CB0] =	vst v0;
	v0 =	vld [tilespmem:$0x1FEF0]  }
0x420: {  	v56 =	vld [tilespmem:$0x1FF80];
	[tilespmem:s31+$0x6430] =	vst v52  }
0x421: {  	v57 =	vld [tilespmem:$0x1FF90];
	[tilespmem:s31+$0x6420] =	vst v53  }
0x422: {  	v58 =	vld [tilespmem:$0x1FFA0];
	[tilespmem:s31+$0x6410] =	vst v54  }
0x423: {  	v59 =	vld [tilespmem:$0x1FFB0];
	[tilespmem:s31+$0x6400] =	vst v55  }
0x424: {  	[tilespmem:s31+$0x6CA0] =	vst v0;
	v0 =	vld [tilespmem:$0x1FF00]  }
0x425: {  	v60 =	vld [tilespmem:$0x1FFC0];
	[tilespmem:s31+$0x63B0] =	vst v56  }
0x426: {  	v61 =	vld [tilespmem:$0x1FFD0];
	[tilespmem:s31+$0x63A0] =	vst v57  }
0x427: {  	v62 =	vld [tilespmem:$0x1FFE0];
	[tilespmem:s31+$0x6390] =	vst v58  }
0x428: {  	v63 =	vld [tilespmem:$0x1FFF0];
	[tilespmem:s31+$0x6380] =	vst v59  }
0x429: {  	[tilespmem:s31+$0x6C90] =	vst v0;
	v0 =	vld [tilespmem:$0x1FF10]  }
0x42a: {  	[tilespmem:s31+$0x6330] =	vst v60  }
0x42b: {  	[tilespmem:s31+$0x6320] =	vst v61  }
0x42c: {  	[tilespmem:s31+$0x6310] =	vst v62  }
0x42d: {  	p2 =	seq.s32 s11, $0x1;
	[tilespmem:s31+$0x6300] =	vst v63  }
0x42e: {  	s17 =	sadd.s32 s4, s17;
	p1 =	por p2, p1;
	[tilespmem:s31+$0x6C80] =	vst v0  }
0x42f: {  	s17 =	sshll.u32 @p1 s17, $0xB;
	s21 =	simm.s32 $0x1;
	_ =	strace $0x90000055  }
0x430: {  	s17 =	sand.u32 @p1 $0x1FFFF800, s17;
	s21 =	simm.s32 @!p0 $0x0;
	_ =	strace @p1 $0x80000056  }
0x431: {  	p0 =	seq.s32 s11, $0x4;
	s18 =	sadd.s32 @p1 $0x3, s18;
	s20 =	rddreg [dreg:$0x5]  }
0x432: {  	s19 =	sadd.s32 $0x4100, s31;
	s17 =	sadd.s32 @p1 s20, s17;
	s20 =	simm.s32 @p1 $0x0  }
0x433: {  	[hbm4b:s17+s20] =	stream.linear.scatter @p1 [tilespmem:s19], [sflag:s18], $0x4000, $0x200038;
	[tilespmem:$0xC100] =	vst v63  }
0x434: {  	s17 =	simm.s32 $0x1;
	s19 =	simm.s32 $0x1;
	_ =	strace @p1 $0x90000056  }
0x435: {  	s17 =	simm.s32 @!p1 $0x0;
	p1 =	sne.s32 s11, $0x4;
	s11 =	sadd.s32 $0xFFFFFFFF, s11  }
0x436: {  	s18 =	sand.u32 @!p0 $0x1, s13;
	s19 =	simm.s32 @!p1 $0x0;
	p1 =	sne.s32 s11, $0x0  }
.Ltmp0:
0x437: {  	s18 =	sadd.s32 @!p0 $0x3, s18;
	_ =	strace @!p0 $0x80000057;
	(pc) =	sbr.rel @p1 .LBB2_2-.Ltmp0, $4  }
0x438: {  	_ =	swait.ge @!p0 [sflag:s18], $0x4000  }
0x439: {  	[sflag:s18] =	ssyncset.done @!p0 $0x0  }
0x43a: {  	s16 =	sadd.s32 s21, s16;
	s14 =	sadd.s32 s17, s14;
	[sflag:s18] =	ssyncadd.s32 @!p0 $0xFFFFC000  }
0x43b: {  	s15 =	sadd.s32 s17, s15;
	s13 =	sadd.s32 s19, s13;
	_ =	strace @!p0 $0x90000057  }
0x43c: {  	s10 =	sadd.s32 $0x1, s10  }
0x43d: {  	p0 =	sne.s32 s10, s6  }
.Ltmp1:
0x43e: {  	_ =	strace $0x80000058;
	(pc) =	sbr.rel @p0 .LBB2_1-.Ltmp1, $4  }
0x43f: {  	_ =	swait.ge [sflag:s9], $0x4000  }
0x440: {  	[sflag:s9] =	ssyncset.done $0x0  }
0x441: {  	[sflag:s9] =	ssyncadd.s32 $0xFFFFC000  }
0x442: {  	_ =	strace $0x90000058  }
0x443: {  	_ =	sfence.sel $0x180000  }
0x444: {  	[bflag:$0x0] =	sbarrier.arrive $0xFFFF  }
0x445: {  	p0 =	sne.s32 s2, $0x0;
	_ =	strace $0x90000051  }
0x446: {  	s0 =	sadd.s32 @!p0 $0x100000, s0;
	[bflag:$0x2] =	sbarrier.arrive $0xFFFF  }
0x447: {  	[sflag:s0] =	ssyncadd.tile.s32 @!p0 $0x1;
	_ =	shalt  }
.Lfunc_end2:
_tile_overlayer_lowered:
.L_overlay_start_2:
0x448: {  	(tag) =	ssettag $0x2  }
0x449: {  	s0 =	rddreg [dreg:$0x0];
	s2 =	stileid.u32  }
0x44a: {  	s1 =	rddreg [dreg:$0x1];
	p0 =	sne.s32 s2, $0x0  }
0x44b: {  	s3 =	rddreg [dreg:$0x2];
	[bflag:$0x3] =	sbarrier.arrive $0xFFFF;
	s2 =	simm.s32 @!p0 $0x1C01  }
0x44c: {  	[timem:s3], [sflag:s2] =	dma.local @!p0 [hbm:s0], s1  }
0x44d: {  	s0 =	simm.s32 @!p0 $0x1  }
0x44e: {  	_ =	swait.ge @!p0 [sflag:s0], s1  }
0x44f: {  	s1 =	ssub.s32 @!p0 $0x0, s1;
	[sflag:s0] =	ssyncset.done @!p0 $0x0  }
0x450: {  	[sflag:s0] =	ssyncadd.s32 @!p0 s1  }
0x451: {  	[bflag:$0x3] =	sbarrier.arrive $0xFFFF  }
0x452: {  	_ =	shalt  }

// kernel: kernel.8.cloned.1.call-start
scs
__scs_entry_jumppad:
0x0: {  	(pc) =	sbr.rel $0x88, $3  }
0x1: {  	(tag) =	ssettag $0x0;
	lr =	simm.s32 $0x1  }
0x2: {  	[smem:$0x3F9F] =	sst lr;
	_ =	strace $0xD0000000  }
0x3: {  	_ = 	snop  }
0x4: {  	_ = 	snop  }
0x5: {  	_ = 	snop  }
0x6: {  	_ = 	snop  }
0x7: {  	_ = 	snop  }
__scs_overlays_trampoline_lowered:
0x8: {  	[smem:$0x3FAE] =	sst s0  }
0x9: {  	[smem:$0x3FAF] =	sst s1  }
0xa: {  	[smem:$0x3FB0] =	sst s2  }
0xb: {  	[smem:$0x3FB1] =	sst s3  }
0xc: {  	[smem:$0x3FB2] =	sst s4  }
0xd: {  	[smem:$0x3FB3] =	sst s5  }
0xe: {  	[smem:$0x3FB4] =	sst s6  }
0xf: {  	[smem:$0x3FB5] =	sst s7  }
0x10: {  	[smem:$0x3FB6] =	sst s8  }
0x11: {  	[smem:$0x3FB7] =	sst s9;
	s0 =	simm.s32 @!p0 $0x0  }
0x12: {  	s1 =	sld [smem:$0x3F9D];
	s0 =	simm.s32 @p0 $0x1  }
0x13: {  	[smem:$0x3FB8] =	sst s0;
	s0 =	simm.s32 @!p1 $0x0  }
0x14: {  	s2 =	sld [smem:$0x3F9C];
	s0 =	simm.s32 @p1 $0x1  }
0x15: {  	[smem:$0x3FB9] =	sst s0;
	s0 =	simm.s32 @!p2 $0x0  }
0x16: {  	s3 =	sld [smem:$0x3FDB];
	s0 =	simm.s32 @p2 $0x1  }
0x17: {  	s4 =	simm.s32 $0x1BF5;
	[smem:$0x3FBB] =	sst s0  }
0x18: {  	s0 =	sld [smem:$0x3F9E];
	_ =	swait.ge [sflag:s4], $0x0  }
0x19: {  	s7 =	sld [smem:$0x3F9F]  }
0x1a: {  	s8 =	sadd.s32 $0xFFFFE003, lr  }
0x1b: {  	s9 =	sadd.s32 $0xFFFFFEF7, lr;
	s5 =	simm.s32 $0xFFFFFFFF;
	p2 =	slt.u32 s8, $0xFFFFF086  }
0x1c: {  	p1 =	slt.u32 s9, $0xF7A;
	s5 =	simm.s32 @!p2 $0x0  }
0x1d: {  	s5 =	simm.s32 @p1 $0x1;
	p0 =	seq.s32 s7, s2  }
0x1e: {  	s7 =	smul.u32 @!p0 $0xF7A, s2;
	p2 =	seq.s32 @!p0 s5, $0x0  }
0x1f: {  	s9 =	smul.u32 $0xF7A, s1;
	s8 =	simm.s32 @!p0 $0x1BF5;
	p2 =	por !p2, p0  }
0x20: {  	[sflag:s8] =	ssyncset.s32 @!p0 $0xFFFFF086;
	s6 =	sadd.s32 @!p0 s3, s7;
	s7 =	simm.s32 @!p0 $0x108  }
0x21: {  	s3 =	sadd.s32 s3, s9;
	s6 =	sadd.s32 @!p0 $0x88, s6;
	s7 =	simm.s32 @p2 $0x1082  }
0x22: {  	[simem:s7], [sflag:s8] =	dma.local @!p0 [hbm:s6], $0xF7A  }
0x23: {  	s9 =	sor.u32 $0xD0000000, s2;
	s6 =	simm.s32 $0x108;
	_ =	swait.ge @!p0 [sflag:s8], $0x0  }
0x24: {  	s3 =	sadd.s32 $0x88, s3;
	s6 =	simm.s32 @!p1 $0x1082;
	[sflag:s4] =	ssyncset.s32 $0xFFFFF086  }
0x25: {  	[simem:s6], [sflag:s4] =	dma.local [hbm:s3], $0xF7A  }
0x26: {  	[smem:$0x3F9F] =	sst s1;
	(tag) =	ssettag s2;
	_ =	strace s9  }
0x27: {  	s1 =	sld [smem:$0x3FAF]  }
0x28: {  	s2 =	sld [smem:$0x3FB0]  }
0x29: {  	s4 =	sld [smem:$0x3FB2]  }
0x2a: {  	p0 =	seq.s32 s5, $0x0;
	s5 =	sld [smem:$0x3FB3]  }
0x2b: {  	s6 =	sld [smem:$0x3FB4]  }
0x2c: {  	s7 =	sld [smem:$0x3FB5]  }
0x2d: {  	s3 =	simm.s32 $0x108;
	s8 =	sld [smem:$0x3FB6]  }
0x2e: {  	s3 =	simm.s32 @!p0 $0x1082;
	s9 =	sld [smem:$0x3FB7]  }
0x2f: {  	lr =	sadd.s32 s0, s3;
	s0 =	sld [smem:$0x3FAE]  }
0x30: {  	s3 =	sld [smem:$0x3FB1]  }
0x31: {  	[smem:$0x3FBA] =	sst s10  }
0x32: {  	s10 =	sld [smem:$0x3FB8];
	_ =	sdelay $0x3  }
0x33: {  	p0 =	seq.s32 s10, $0x1;
	s10 =	sld [smem:$0x3FBA];
	_ =	sdelay $0x3  }
0x34: {  	[smem:$0x3FBA] =	sst s10  }
0x35: {  	s10 =	sld [smem:$0x3FB9];
	_ =	sdelay $0x3  }
0x36: {  	p1 =	seq.s32 s10, $0x1;
	s10 =	sld [smem:$0x3FBA];
	_ =	sdelay $0x3  }
0x37: {  	[smem:$0x3FBA] =	sst s10  }
0x38: {  	s10 =	sld [smem:$0x3FBB]  }
0x39: {  	_ = 	snop;
	(pc) =	sbr.ind lr, $3  }
0x3a: {  	_ = 	snop  }
0x3b: {  	_ = 	snop  }
0x3c: {  	p2 =	seq.s32 s10, $0x1;
	s10 =	sld [smem:$0x3FBA]  }
0x3d: {  	_ =	shalt  }
0x3e: {  	_ =	shalt  }
0x3f: {  	_ =	shalt  }
0x40: {  	_ =	shalt  }
0x41: {  	_ =	shalt  }
0x42: {  	_ =	shalt  }
0x43: {  	_ =	shalt  }
0x44: {  	_ =	shalt  }
0x45: {  	_ =	shalt  }
0x46: {  	_ =	shalt  }
0x47: {  	_ =	shalt  }
0x48: {  	_ =	shalt  }
0x49: {  	_ =	shalt  }
0x4a: {  	_ =	shalt  }
0x4b: {  	_ =	shalt  }
0x4c: {  	_ =	shalt  }
0x4d: {  	_ =	shalt  }
0x4e: {  	_ =	shalt  }
0x4f: {  	_ =	shalt  }
0x50: {  	_ =	shalt  }
0x51: {  	_ =	shalt  }
0x52: {  	_ =	shalt  }
0x53: {  	_ =	shalt  }
0x54: {  	_ =	shalt  }
0x55: {  	_ =	shalt  }
0x56: {  	_ =	shalt  }
0x57: {  	_ =	shalt  }
0x58: {  	_ =	shalt  }
0x59: {  	_ =	shalt  }
0x5a: {  	_ =	shalt  }
0x5b: {  	_ =	shalt  }
0x5c: {  	_ =	shalt  }
0x5d: {  	_ =	shalt  }
0x5e: {  	_ =	shalt  }
0x5f: {  	_ =	shalt  }
0x60: {  	_ =	shalt  }
0x61: {  	_ =	shalt  }
0x62: {  	_ =	shalt  }
0x63: {  	_ =	shalt  }
0x64: {  	_ =	shalt  }
0x65: {  	_ =	shalt  }
0x66: {  	_ =	shalt  }
0x67: {  	_ =	shalt  }
0x68: {  	_ =	shalt  }
0x69: {  	_ =	shalt  }
0x6a: {  	_ =	shalt  }
0x6b: {  	_ =	shalt  }
0x6c: {  	_ =	shalt  }
0x6d: {  	_ =	shalt  }
0x6e: {  	_ =	shalt  }
0x6f: {  	_ =	shalt  }
0x70: {  	_ =	shalt  }
0x71: {  	_ =	shalt  }
0x72: {  	_ =	shalt  }
0x73: {  	_ =	shalt  }
0x74: {  	_ =	shalt  }
0x75: {  	_ =	shalt  }
0x76: {  	_ =	shalt  }
0x77: {  	_ =	shalt  }
0x78: {  	_ =	shalt  }
0x79: {  	_ =	shalt  }
0x7a: {  	_ =	shalt  }
0x7b: {  	_ =	shalt  }
0x7c: {  	_ =	shalt  }
0x7d: {  	_ =	shalt  }
0x7e: {  	_ =	shalt  }
0x7f: {  	_ =	shalt  }
0x80: {  	_ =	shalt  }
0x81: {  	_ =	shalt  }
0x82: {  	_ =	shalt  }
0x83: {  	_ =	shalt  }
0x84: {  	_ =	shalt  }
0x85: {  	_ =	shalt  }
0x86: {  	_ =	shalt  }
0x87: {  	_ =	shalt  }
.Lfunc_end0:
.L_simem_size_0:
called_computation_lowered:
.L_overlay_start_0:
0x88: {  	s2 =	sld [smem:$0x3FD9]  }
0x89: {  	s3 =	sld [smem:$0x3FFE];
	_ =	sdelay $0x1  }
0x8a: {  	s1 =	srdreg.scid  }
0x8b: {  	s0 =	sand.u32 $0x1, s1  }
0x8c: {  	s16 =	sshll.u32 s0, $0xA;
	s2 =	sadd.s32 s3, s2  }
0x8d: {  	s2 =	sadd.s32 s2, s16  }
0x8e: {  	[smem:$0x3FC6] =	sst s2  }
0x8f: {  	_ = 	snop  }
0x90: {  	(tm) =	ssettm $0x1  }
0x91: {  	s17 =	sld [smem:$0x3FFB];
	_ =	sdelay $0x3  }
0x92: {  	_ =	strace s17  }
0x93: {  	s2 =	sld [smem:$0x3FFC];
	_ =	sdelay $0x3  }
0x94: {  	_ =	strace s2  }
0x95: {  	s2 =	sld [smem:$0x3FFD];
	_ =	sdelay $0x3  }
0x96: {  	_ =	strace s2  }
0x97: {  	_ =	strace $0x8FFFFFFF  }
0x98: {  	s18 =	sld [smem:$0x3FDB];
	_ =	sdelay $0x1  }
0x99: {  	s19 =	simm.s32 $_scs_section_size  }
0x9a: {  	s4 =	simm.s32 $_size__tile_overlayer_lowered;
	s5 =	simm.s32 $_tile_overlayer_lowered  }
0x9b: {  	s22 =	simm.s32 $0x1BFF;
	s21 =	sshll.u32 s5, $0x1;
	s2 =	sadd.s32 s19, s18  }
0x9c: {  	s6 =	simm.s32 $0x0;
	s20 =	sshll.u32 s4, $0x1;
	s4 =	sadd.s32 s21, s2  }
0x9d: {  	[timem:s6], [sflag:s22] =	dma.local [hbm:s4], s20  }
0x9e: {  	_ =	swait.ge [sflag:s22], s20  }
0x9f: {  	s3 =	ssub.s32 $0x0, s20;
	[sflag:s22] =	ssyncset.done $0x0  }
0xa0: {  	[sflag:s22] =	ssyncadd.s32 s3;
	_ =	sdelay $0x1  }
0xa1: {  	s23 =	simm.s32 $0x1B8B  }
0xa2: {  	_ =	swait.ge [sflag:s23], $0x1  }
0xa3: {  	[sflag:s23] =	ssyncset.done $0x0  }
0xa4: {  	s25 =	simm.s32 $0x1B8E;
	s24 =	sld [smem:$0x3FFE];
	[sflag:s23] =	ssyncadd.s32 $0xFFFFFFFF  }
0xa5: {  	s26 =	simm.s32 $execute0_lowered;
	[smem:$0x3FD2] =	sst s25  }
0xa6: {  	s4 =	sshll.u32 s26, $0x1;
	_ =	strace $0x80000046;
	[dreg:$0x1] =	wrdreg $0xFFFFFFFF  }
0xa7: {  	s28 =	simm.s32 $_size_execute0_lowered;
	s2 =	sadd.s32 s2, s4;
	[dreg:$0x0] =	wrdreg $0x0  }
0xa8: {  	s4 =	sshll.u32 s28, $0x1;
	[dreg:$0x2] =	wrdreg s2  }
0xa9: {  	[dreg:$0x3] =	wrdreg s4  }
0xaa: {  	[dreg:$0x4] =	wrdreg $0xC0  }
0xab: {  	_ =	task [dreg:s6], $0x5FFFF  }
0xac: {  	[dreg:$0x1] =	wrdreg $0xFFFFFFFF  }
0xad: {  	[dreg:$0x0] =	wrdreg $0x60  }
0xae: {  	[dreg:$0x2] =	wrdreg s24  }
0xaf: {  	[dreg:$0x3] =	wrdreg $0x9  }
0xb0: {  	_ =	task.clear_ibuf [dreg:s6], $0x4FFFF;
	_ =	strace $0x90000046  }
0xb1: {  	s29 =	simm.s32 $0x9;
	_ =	strace $0x8000004F  }
0xb2: {  	_ =	swait.ge [sflag:s29], $0x1  }
0xb3: {  	[sflag:s29] =	ssyncadd.s32 $0xFFFFFFFF  }
0xb4: {  	_ =	strace $0x9000004F  }
0xb5: {  	_ =	sfence  }
0xb6: {  	s30 =	sld [smem:$0x0];
	_ =	sdelay $0x2  }
0xb7: {  	s31 =	sshll.u32 s1, $0xD;
	s1 =	sshrl.u32 s1, $0x2  }
0xb8: {  	s3 =	sand.u32 $0x4000, s31;
	s1 =	sadd.s32 s1, s30  }
0xb9: {  	s0 =	sor.u32 s3, s0;
	s1 =	sshll.u32 s1, $0x11  }
0xba: {  	s0 =	sor.u32 s1, s0  }
0xbb: {  	s0 =	sadd.s32 $0x8F2B, s0  }
0xbc: {  	[sflag:s0] =	ssyncadd.remote.s32 $0x1  }
0xbd: {  	_ =	sfence.sel $0xFFFF  }
0xbe: {  	[dreg:$0x0] =	wrdreg $0xFFFFFFFF;
	(pc) =	sbr.abs _section_cstart, $3  }
0xbf: {  	[dreg:$0x1] =	wrdreg $0xFFFFFFFF  }
0xc0: {  	_ =	task.clear_ibuf [dreg:s6], $0x2FFFF;
	_ =	strace $0x9FFFFFFF  }
0xc1: {  	(tm) =	ssettm $0x7FFFFFFF  }
tec
execute0_lowered:
.L_overlay_start_1:
0x0: {  	(tag) =	ssettag $0x1  }
0x1: {  	s4 =	rddreg [dreg:$0x0]  }
0x2: {  	s0 =	rddreg [dreg:$0x1];
	s1 =	simm.s32 $0x0;
	s5 =	srdreg.scid  }
0x3: {  	s8 =	simm.s32 $0x80;
	s9 =	simm.s32 $0x4;
	s10 =	simm.s32 $0x0  }
0x4: {  	[smem:$0x7FF] =	sst s1;
	s2 =	sadd.s32 $0xC00, s4;
	s3 =	sadd.s32 $0x4E00, s4  }
0x5: {  	s4 =	sadd.s32 $0x5600, s4;
	_ =	strace $0x80000047;
	[dreg:$0x2] =	wrdreg s2  }
0x6: {  	s5 =	sand.u32 $0x1, s5;
	s2 =	stileid.u32;
	[dreg:$0x4] =	wrdreg s4  }
0x7: {  	s6 =	ssub.s32 $0x2, s5;
	s5 =	sshll.u32 s5, $0x4;
	[dreg:$0x3] =	wrdreg s8  }
0x8: {  	s8 =	simm.s32 $0x5;
	s7 =	sshrl.u32 s6, $0x1;
	s5 =	sor.u32 s2, s5  }
0x9: {  	s6 =	ssub.s32 s6, s7;
	s31 =	sshll.u32 s5, $0x6;
	s4 =	sshll.u32 s5, $0x2  }
0xa: {  	s7 =	simm.s32 $0x4000;
	s5 =	sadd.s32 s3, s31;
	s6 =	smax.u32 s6, $0x1  }
.LBB2_1:
0xb: {  	_ =	strace $0x80000048;
	s11 =	simm.s32 $0x4  }
0xc: {  	s12 =	simm.s32 $0x0;
	s13 =	simm.s32 $0x0;
	s14 =	simm.s32 $0x0  }
0xd: {  	[tilespmem:s7], [sflag:$0x1] =	stream.linear.gather [hbm4b:s5+s1], $0x80, $0x200038;
	[tilespmem:$0xC100] =	vst v63  }
0xe: {  	s15 =	simm.s32 $0x0;
	s16 =	simm.s32 $0x1;
	_ =	strace $0x90000048  }
.LBB2_2:
0xf: {  	s17 =	smov.u32 s12;
	s12 =	sadd.s32 $0x1, s12  }
0x10: {  	p0 =	seq.s32 s12, $0x4  }
0x11: {  	s12 =	simm.s32 @p0 $0x0  }
0x12: {  	p6 =	sne.s32 s11, $0x1;
	p1 =	sne.s32 s17, s12  }
0x13: {  	p0 =	por !p6, !p1  }
0x14: {  	p0 =	por !p0, !p0  }
0x15: {  	s19 =	sadd.s32 @p0 s4, s12  }
0x16: {  	s18 =	sand.u32 @p0 $0x1, s16;
	_ =	strace @p0 $0x80000049;
	s19 =	sshll.u32 @p0 s19, $0x4  }
0x17: {  	s21 =	simm.s32 @p0 $0x0;
	s20 =	sshll.u32 @p0 s18, $0x7;
	s19 =	sand.u32 @p0 $0x1FFFFFF0, s19  }
0x18: {  	s18 =	sadd.s32 @p0 $0x1, s18;
	s20 =	sor.u32 @p0 $0x4000, s20;
	s19 =	sadd.s32 @p0 s3, s19  }
0x19: {  	[tilespmem:s20], [sflag:s18] =	stream.linear.gather @p0 [hbm4b:s19+s21], $0x80, $0x200038;
	[tilespmem:$0xC100] =	vst v63  }
0x1a: {  	s26 =	sand.u32 $0x1, s15;
	_ =	strace @p0 $0x90000049  }
0x1b: {  	s18 =	sadd.s32 $0x1, s26;
	_ =	strace $0x8000004A  }
0x1c: {  	_ =	swait.ge [sflag:s18], $0x80  }
0x1d: {  	[sflag:s18] =	ssyncset.done $0x0  }
0x1e: {  	[sflag:s18] =	ssyncadd.s32 $0xFFFFFF80  }
0x1f: {  	_ =	strace $0x9000004A  }
0x20: {  	s29 =	sshll.u32 s15, $0x7;
	_ =	strace $0x8000004B  }
0x21: {  	s19 =	sand.u32 $0x80, s29;
	s28 =	rddreg [dreg:$0x2]  }
0x22: {  	s19 =	sor.u32 $0x4000, s19;
	s30 =	rddreg [dreg:$0x3]  }
0x23: {  	[tilespmem:s1], [sflag:$0x5] =	stream.indirect.gather [hbm4b:s28+s30], $0x80, s19, s30, $0x2000b8;
	[tilespmem:$0xC100] =	vst v63  }
0x24: {  	_ =	swait.ge [sflag:s8], $0x4000  }
0x25: {  	[sflag:s8] =	ssyncset.done $0x0  }
0x26: {  	[sflag:s8] =	ssyncadd.s32 $0xFFFFC000  }
0x27: {  	v0 =	vld [tilespmem:$0x0]  }
0x28: {  	v25 =	vld [tilespmem:$0x10]  }
0x29: {  	v26 =	vld [tilespmem:$0x20]  }
0x2a: {  	v27 =	vld [tilespmem:$0x30]  }
0x2b: {  	v28 =	vld [tilespmem:$0x80]  }
0x2c: {  	v29 =	vld [tilespmem:$0x90];
	[tilespmem:$0x1E3F0] =	vst v0  }
0x2d: {  	v30 =	vld [tilespmem:$0xA0];
	[tilespmem:$0x1E400] =	vst v25  }
0x2e: {  	v31 =	vld [tilespmem:$0xB0];
	[tilespmem:$0x1E410] =	vst v26  }
0x2f: {  	v32 =	vld [tilespmem:$0x100];
	[tilespmem:$0x1E420] =	vst v27  }
0x30: {  	v33 =	vld [tilespmem:$0x110];
	[tilespmem:$0x1E430] =	vst v28  }
0x31: {  	v34 =	vld [tilespmem:$0x120];
	[tilespmem:$0x1E440] =	vst v29  }
0x32: {  	v35 =	vld [tilespmem:$0x130];
	[tilespmem:$0x1E450] =	vst v30  }
0x33: {  	v36 =	vld [tilespmem:$0x180];
	[tilespmem:$0x1E460] =	vst v31  }
0x34: {  	v37 =	vld [tilespmem:$0x190];
	[tilespmem:$0x1E470] =	vst v32  }
0x35: {  	v38 =	vld [tilespmem:$0x1A0];
	[tilespmem:$0x1E480] =	vst v33  }
0x36: {  	v39 =	vld [tilespmem:$0x1B0];
	[tilespmem:$0x1E490] =	vst v34  }
0x37: {  	v40 =	vld [tilespmem:$0x200];
	[tilespmem:$0x1E4A0] =	vst v35  }
0x38: {  	v41 =	vld [tilespmem:$0x210];
	[tilespmem:$0x1E4B0] =	vst v36  }
0x39: {  	v42 =	vld [tilespmem:$0x220];
	[tilespmem:$0x1E4C0] =	vst v37  }
0x3a: {  	v43 =	vld [tilespmem:$0x230];
	[tilespmem:$0x1E4D0] =	vst v38  }
0x3b: {  	v44 =	vld [tilespmem:$0x280];
	[tilespmem:$0x1E4E0] =	vst v39  }
0x3c: {  	v45 =	vld [tilespmem:$0x290];
	[tilespmem:$0x1E4F0] =	vst v40  }
0x3d: {  	v46 =	vld [tilespmem:$0x2A0];
	[tilespmem:$0x1E500] =	vst v41  }
0x3e: {  	v47 =	vld [tilespmem:$0x2B0];
	[tilespmem:$0x1E510] =	vst v42  }
0x3f: {  	v48 =	vld [tilespmem:$0x300];
	[tilespmem:$0x1E520] =	vst v43  }
0x40: {  	v49 =	vld [tilespmem:$0x310];
	[tilespmem:$0x1E530] =	vst v44  }
0x41: {  	v50 =	vld [tilespmem:$0x320];
	[tilespmem:$0x1E540] =	vst v45  }
0x42: {  	v51 =	vld [tilespmem:$0x330];
	[tilespmem:$0x1E550] =	vst v46  }
0x43: {  	v52 =	vld [tilespmem:$0x380];
	[tilespmem:$0x1E560] =	vst v47  }
0x44: {  	v53 =	vld [tilespmem:$0x390];
	[tilespmem:$0x1E570] =	vst v48  }
0x45: {  	v54 =	vld [tilespmem:$0x3A0];
	[tilespmem:$0x1E580] =	vst v49  }
0x46: {  	v55 =	vld [tilespmem:$0x3B0];
	[tilespmem:$0x1E590] =	vst v50  }
0x47: {  	v56 =	vld [tilespmem:$0x400];
	[tilespmem:$0x1E5A0] =	vst v51  }
0x48: {  	v57 =	vld [tilespmem:$0x410];
	[tilespmem:$0x1E5B0] =	vst v52  }
0x49: {  	v58 =	vld [tilespmem:$0x420];
	[tilespmem:$0x1E5C0] =	vst v53  }
0x4a: {  	v59 =	vld [tilespmem:$0x430];
	[tilespmem:$0x1E5D0] =	vst v54  }
0x4b: {  	v60 =	vld [tilespmem:$0x480];
	[tilespmem:$0x1E5E0] =	vst v55  }
0x4c: {  	v61 =	vld [tilespmem:$0x490];
	[tilespmem:$0x1E5F0] =	vst v56  }
0x4d: {  	v62 =	vld [tilespmem:$0x4A0];
	[tilespmem:$0x1E600] =	vst v57  }
0x4e: {  	v63 =	vld [tilespmem:$0x4B0];
	[tilespmem:$0x1E610] =	vst v58  }
0x4f: {  	v4 =	vld [tilespmem:$0x500];
	[tilespmem:$0x1E620] =	vst v59  }
0x50: {  	v5 =	vld [tilespmem:$0x510];
	[tilespmem:$0x1E630] =	vst v60  }
0x51: {  	v6 =	vld [tilespmem:$0x520];
	[tilespmem:$0x1E640] =	vst v61  }
0x52: {  	v7 =	vld [tilespmem:$0x530];
	[tilespmem:$0x1E650] =	vst v62  }
0x53: {  	v8 =	vld [tilespmem:$0x580];
	[tilespmem:$0x1E660] =	vst v63  }
0x54: {  	v9 =	vld [tilespmem:$0x590];
	[tilespmem:$0x1E670] =	vst v4  }
0x55: {  	v10 =	vld [tilespmem:$0x5A0];
	[tilespmem:$0x1E680] =	vst v5  }
0x56: {  	v11 =	vld [tilespmem:$0x5B0];
	[tilespmem:$0x1E690] =	vst v6  }
0x57: {  	v12 =	vld [tilespmem:$0x600];
	[tilespmem:$0x1E6A0] =	vst v7  }
0x58: {  	v13 =	vld [tilespmem:$0x610];
	[tilespmem:$0x1E6B0] =	vst v8  }
0x59: {  	v14 =	vld [tilespmem:$0x620];
	[tilespmem:$0x1E6C0] =	vst v9  }
0x5a: {  	v15 =	vld [tilespmem:$0x630];
	[tilespmem:$0x1E6D0] =	vst v10  }
0x5b: {  	v16 =	vld [tilespmem:$0x680];
	[tilespmem:$0x1E6E0] =	vst v11  }
0x5c: {  	v17 =	vld [tilespmem:$0x690];
	[tilespmem:$0x1E6F0] =	vst v12  }
0x5d: {  	v18 =	vld [tilespmem:$0x6A0];
	[tilespmem:$0x1E700] =	vst v13  }
0x5e: {  	v19 =	vld [tilespmem:$0x6B0];
	[tilespmem:$0x1E710] =	vst v14  }
0x5f: {  	v20 =	vld [tilespmem:$0x700];
	[tilespmem:$0x1E720] =	vst v15  }
0x60: {  	v21 =	vld [tilespmem:$0x710];
	[tilespmem:$0x1E730] =	vst v16  }
0x61: {  	v22 =	vld [tilespmem:$0x720];
	[tilespmem:$0x1E740] =	vst v17  }
0x62: {  	v23 =	vld [tilespmem:$0x730];
	[tilespmem:$0x1E750] =	vst v18  }
0x63: {  	v24 =	vld [tilespmem:$0x780];
	[tilespmem:$0x1E760] =	vst v19  }
0x64: {  	[tilespmem:$0x1E770] =	vst v20;
	v25 =	vld [tilespmem:$0x790]  }
0x65: {  	[tilespmem:$0x1E780] =	vst v21;
	v26 =	vld [tilespmem:$0x7A0]  }
0x66: {  	[tilespmem:$0x1E790] =	vst v22;
	v27 =	vld [tilespmem:$0x7B0]  }
0x67: {  	[tilespmem:$0x1E7A0] =	vst v23;
	v28 =	vld [tilespmem:$0x800]  }
0x68: {  	[tilespmem:$0x1E7B0] =	vst v24;
	v29 =	vld [tilespmem:$0x810]  }
0x69: {  	v30 =	vld [tilespmem:$0x820];
	[tilespmem:$0x1E7C0] =	vst v25  }
0x6a: {  	v31 =	vld [tilespmem:$0x830];
	[tilespmem:$0x1E7D0] =	vst v26  }
0x6b: {  	v32 =	vld [tilespmem:$0x880];
	[tilespmem:$0x1E7E0] =	vst v27  }
0x6c: {  	v33 =	vld [tilespmem:$0x890];
	[tilespmem:$0x1E7F0] =	vst v28  }
0x6d: {  	v34 =	vld [tilespmem:$0x8A0];
	[tilespmem:$0x1E800] =	vst v29  }
0x6e: {  	v35 =	vld [tilespmem:$0x8B0];
	[tilespmem:$0x1E810] =	vst v30  }
0x6f: {  	v36 =	vld [tilespmem:$0x900];
	[tilespmem:$0x1E820] =	vst v31  }
0x70: {  	v37 =	vld [tilespmem:$0x910];
	[tilespmem:$0x1E830] =	vst v32  }
0x71: {  	v38 =	vld [tilespmem:$0x920];
	[tilespmem:$0x1E840] =	vst v33  }
0x72: {  	v39 =	vld [tilespmem:$0x930];
	[tilespmem:$0x1E850] =	vst v34  }
0x73: {  	v40 =	vld [tilespmem:$0x980];
	[tilespmem:$0x1E860] =	vst v35  }
0x74: {  	v41 =	vld [tilespmem:$0x990];
	[tilespmem:$0x1E870] =	vst v36  }
0x75: {  	v42 =	vld [tilespmem:$0x9A0];
	[tilespmem:$0x1E880] =	vst v37  }
0x76: {  	v43 =	vld [tilespmem:$0x9B0];
	[tilespmem:$0x1E890] =	vst v38  }
0x77: {  	v44 =	vld [tilespmem:$0xA00];
	[tilespmem:$0x1E8A0] =	vst v39  }
0x78: {  	v45 =	vld [tilespmem:$0xA10];
	[tilespmem:$0x1E8B0] =	vst v40  }
0x79: {  	v46 =	vld [tilespmem:$0xA20];
	[tilespmem:$0x1E8C0] =	vst v41  }
0x7a: {  	v47 =	vld [tilespmem:$0xA30];
	[tilespmem:$0x1E8D0] =	vst v42  }
0x7b: {  	v48 =	vld [tilespmem:$0xA80];
	[tilespmem:$0x1E8E0] =	vst v43  }
0x7c: {  	v49 =	vld [tilespmem:$0xA90];
	[tilespmem:$0x1E8F0] =	vst v44  }
0x7d: {  	v50 =	vld [tilespmem:$0xAA0];
	[tilespmem:$0x1E900] =	vst v45  }
0x7e: {  	v51 =	vld [tilespmem:$0xAB0];
	[tilespmem:$0x1E910] =	vst v46  }
0x7f: {  	v52 =	vld [tilespmem:$0xB00];
	[tilespmem:$0x1E920] =	vst v47  }
0x80: {  	v53 =	vld [tilespmem:$0xB10];
	[tilespmem:$0x1E930] =	vst v48  }
0x81: {  	v54 =	vld [tilespmem:$0xB20];
	[tilespmem:$0x1E940] =	vst v49  }
0x82: {  	v55 =	vld [tilespmem:$0xB30];
	[tilespmem:$0x1E950] =	vst v50  }
0x83: {  	v56 =	vld [tilespmem:$0xB80];
	[tilespmem:$0x1E960] =	vst v51  }
0x84: {  	v57 =	vld [tilespmem:$0xB90];
	[tilespmem:$0x1E970] =	vst v52  }
0x85: {  	v58 =	vld [tilespmem:$0xBA0];
	[tilespmem:$0x1E980] =	vst v53  }
0x86: {  	v59 =	vld [tilespmem:$0xBB0];
	[tilespmem:$0x1E990] =	vst v54  }
0x87: {  	v60 =	vld [tilespmem:$0xC00];
	[tilespmem:$0x1E9A0] =	vst v55  }
0x88: {  	v61 =	vld [tilespmem:$0xC10];
	[tilespmem:$0x1E9B0] =	vst v56  }
0x89: {  	v62 =	vld [tilespmem:$0xC20];
	[tilespmem:$0x1E9C0] =	vst v57  }
0x8a: {  	v63 =	vld [tilespmem:$0xC30];
	[tilespmem:$0x1E9D0] =	vst v58  }
0x8b: {  	v4 =	vld [tilespmem:$0xC80];
	[tilespmem:$0x1E9E0] =	vst v59  }
0x8c: {  	v5 =	vld [tilespmem:$0xC90];
	[tilespmem:$0x1E9F0] =	vst v60  }
0x8d: {  	v6 =	vld [tilespmem:$0xCA0];
	[tilespmem:$0x1EA00] =	vst v61  }
0x8e: {  	v7 =	vld [tilespmem:$0xCB0];
	[tilespmem:$0x1EA10] =	vst v62  }
0x8f: {  	v8 =	vld [tilespmem:$0xD00];
	[tilespmem:$0x1EA20] =	vst v63  }
0x90: {  	v9 =	vld [tilespmem:$0xD10];
	[tilespmem:$0x1EA30] =	vst v4  }
0x91: {  	v10 =	vld [tilespmem:$0xD20];
	[tilespmem:$0x1EA40] =	vst v5  }
0x92: {  	v11 =	vld [tilespmem:$0xD30];
	[tilespmem:$0x1EA50] =	vst v6  }
0x93: {  	v12 =	vld [tilespmem:$0xD80];
	[tilespmem:$0x1EA60] =	vst v7  }
0x94: {  	v13 =	vld [tilespmem:$0xD90];
	[tilespmem:$0x1EA70] =	vst v8  }
0x95: {  	v14 =	vld [tilespmem:$0xDA0];
	[tilespmem:$0x1EA80] =	vst v9  }
0x96: {  	v15 =	vld [tilespmem:$0xDB0];
	[tilespmem:$0x1EA90] =	vst v10  }
0x97: {  	v16 =	vld [tilespmem:$0xE00];
	[tilespmem:$0x1EAA0] =	vst v11  }
0x98: {  	v17 =	vld [tilespmem:$0xE10];
	[tilespmem:$0x1EAB0] =	vst v12  }
0x99: {  	v18 =	vld [tilespmem:$0xE20];
	[tilespmem:$0x1EAC0] =	vst v13  }
0x9a: {  	v19 =	vld [tilespmem:$0xE30];
	[tilespmem:$0x1EAD0] =	vst v14  }
0x9b: {  	v20 =	vld [tilespmem:$0xE80];
	[tilespmem:$0x1EAE0] =	vst v15  }
0x9c: {  	v21 =	vld [tilespmem:$0xE90];
	[tilespmem:$0x1EAF0] =	vst v16  }
0x9d: {  	v22 =	vld [tilespmem:$0xEA0];
	[tilespmem:$0x1EB00] =	vst v17  }
0x9e: {  	v23 =	vld [tilespmem:$0xEB0];
	[tilespmem:$0x1EB10] =	vst v18  }
0x9f: {  	v24 =	vld [tilespmem:$0xF00];
	[tilespmem:$0x1EB20] =	vst v19  }
0xa0: {  	[tilespmem:$0x1EB30] =	vst v20;
	v25 =	vld [tilespmem:$0xF10]  }
0xa1: {  	[tilespmem:$0x1EB40] =	vst v21;
	v26 =	vld [tilespmem:$0xF20]  }
0xa2: {  	[tilespmem:$0x1EB50] =	vst v22;
	v27 =	vld [tilespmem:$0xF30]  }
0xa3: {  	[tilespmem:$0x1EB60] =	vst v23;
	v28 =	vld [tilespmem:$0xF80]  }
0xa4: {  	[tilespmem:$0x1EB70] =	vst v24;
	v29 =	vld [tilespmem:$0xF90]  }
0xa5: {  	v30 =	vld [tilespmem:$0xFA0];
	[tilespmem:$0x1EB80] =	vst v25  }
0xa6: {  	v31 =	vld [tilespmem:$0xFB0];
	[tilespmem:$0x1EB90] =	vst v26  }
0xa7: {  	v32 =	vld [tilespmem:$0x1000];
	[tilespmem:$0x1EBA0] =	vst v27  }
0xa8: {  	v33 =	vld [tilespmem:$0x1010];
	[tilespmem:$0x1EBB0] =	vst v28  }
0xa9: {  	v34 =	vld [tilespmem:$0x1020];
	[tilespmem:$0x1EBC0] =	vst v29  }
0xaa: {  	v35 =	vld [tilespmem:$0x1030];
	[tilespmem:$0x1EBD0] =	vst v30  }
0xab: {  	v36 =	vld [tilespmem:$0x1080];
	[tilespmem:$0x1EBE0] =	vst v31  }
0xac: {  	v37 =	vld [tilespmem:$0x1090];
	[tilespmem:$0x1EBF0] =	vst v32  }
0xad: {  	v38 =	vld [tilespmem:$0x10A0];
	[tilespmem:$0x1EC00] =	vst v33  }
0xae: {  	v39 =	vld [tilespmem:$0x10B0];
	[tilespmem:$0x1EC10] =	vst v34  }
0xaf: {  	v40 =	vld [tilespmem:$0x1100];
	[tilespmem:$0x1EC20] =	vst v35  }
0xb0: {  	v41 =	vld [tilespmem:$0x1110];
	[tilespmem:$0x1EC30] =	vst v36  }
0xb1: {  	v42 =	vld [tilespmem:$0x1120];
	[tilespmem:$0x1EC40] =	vst v37  }
0xb2: {  	v43 =	vld [tilespmem:$0x1130];
	[tilespmem:$0x1EC50] =	vst v38  }
0xb3: {  	v44 =	vld [tilespmem:$0x1180];
	[tilespmem:$0x1EC60] =	vst v39  }
0xb4: {  	v45 =	vld [tilespmem:$0x1190];
	[tilespmem:$0x1EC70] =	vst v40  }
0xb5: {  	v46 =	vld [tilespmem:$0x11A0];
	[tilespmem:$0x1EC80] =	vst v41  }
0xb6: {  	v47 =	vld [tilespmem:$0x11B0];
	[tilespmem:$0x1EC90] =	vst v42  }
0xb7: {  	v48 =	vld [tilespmem:$0x1200];
	[tilespmem:$0x1ECA0] =	vst v43  }
0xb8: {  	v49 =	vld [tilespmem:$0x1210];
	[tilespmem:$0x1ECB0] =	vst v44  }
0xb9: {  	v50 =	vld [tilespmem:$0x1220];
	[tilespmem:$0x1ECC0] =	vst v45  }
0xba: {  	v51 =	vld [tilespmem:$0x1230];
	[tilespmem:$0x1ECD0] =	vst v46  }
0xbb: {  	v52 =	vld [tilespmem:$0x1280];
	[tilespmem:$0x1ECE0] =	vst v47  }
0xbc: {  	v53 =	vld [tilespmem:$0x1290];
	[tilespmem:$0x1ECF0] =	vst v48  }
0xbd: {  	v54 =	vld [tilespmem:$0x12A0];
	[tilespmem:$0x1ED00] =	vst v49  }
0xbe: {  	v55 =	vld [tilespmem:$0x12B0];
	[tilespmem:$0x1ED10] =	vst v50  }
0xbf: {  	v56 =	vld [tilespmem:$0x1300];
	[tilespmem:$0x1ED20] =	vst v51  }
0xc0: {  	v57 =	vld [tilespmem:$0x1310];
	[tilespmem:$0x1ED30] =	vst v52  }
0xc1: {  	v58 =	vld [tilespmem:$0x1320];
	[tilespmem:$0x1ED40] =	vst v53  }
0xc2: {  	v59 =	vld [tilespmem:$0x1330];
	[tilespmem:$0x1ED50] =	vst v54  }
0xc3: {  	v60 =	vld [tilespmem:$0x1380];
	[tilespmem:$0x1ED60] =	vst v55  }
0xc4: {  	v61 =	vld [tilespmem:$0x1390];
	[tilespmem:$0x1ED70] =	vst v56  }
0xc5: {  	v62 =	vld [tilespmem:$0x13A0];
	[tilespmem:$0x1ED80] =	vst v57  }
0xc6: {  	v63 =	vld [tilespmem:$0x13B0];
	[tilespmem:$0x1ED90] =	vst v58  }
0xc7: {  	v4 =	vld [tilespmem:$0x1400];
	[tilespmem:$0x1EDA0] =	vst v59  }
0xc8: {  	v5 =	vld [tilespmem:$0x1410];
	[tilespmem:$0x1EDB0] =	vst v60  }
0xc9: {  	v6 =	vld [tilespmem:$0x1420];
	[tilespmem:$0x1EDC0] =	vst v61  }
0xca: {  	v7 =	vld [tilespmem:$0x1430];
	[tilespmem:$0x1EDD0] =	vst v62  }
0xcb: {  	v8 =	vld [tilespmem:$0x1480];
	[tilespmem:$0x1EDE0] =	vst v63  }
0xcc: {  	v9 =	vld [tilespmem:$0x1490];
	[tilespmem:$0x1EDF0] =	vst v4  }
0xcd: {  	v10 =	vld [tilespmem:$0x14A0];
	[tilespmem:$0x1EE00] =	vst v5  }
0xce: {  	v11 =	vld [tilespmem:$0x14B0];
	[tilespmem:$0x1EE10] =	vst v6  }
0xcf: {  	v12 =	vld [tilespmem:$0x1500];
	[tilespmem:$0x1EE20] =	vst v7  }
0xd0: {  	v13 =	vld [tilespmem:$0x1510];
	[tilespmem:$0x1EE30] =	vst v8  }
0xd1: {  	v14 =	vld [tilespmem:$0x1520];
	[tilespmem:$0x1EE40] =	vst v9  }
0xd2: {  	v15 =	vld [tilespmem:$0x1530];
	[tilespmem:$0x1EE50] =	vst v10  }
0xd3: {  	v16 =	vld [tilespmem:$0x1580];
	[tilespmem:$0x1EE60] =	vst v11  }
0xd4: {  	v17 =	vld [tilespmem:$0x1590];
	[tilespmem:$0x1EE70] =	vst v12  }
0xd5: {  	v18 =	vld [tilespmem:$0x15A0];
	[tilespmem:$0x1EE80] =	vst v13  }
0xd6: {  	v19 =	vld [tilespmem:$0x15B0];
	[tilespmem:$0x1EE90] =	vst v14  }
0xd7: {  	v20 =	vld [tilespmem:$0x1600];
	[tilespmem:$0x1EEA0] =	vst v15  }
0xd8: {  	v21 =	vld [tilespmem:$0x1610];
	[tilespmem:$0x1EEB0] =	vst v16  }
0xd9: {  	v22 =	vld [tilespmem:$0x1620];
	[tilespmem:$0x1EEC0] =	vst v17  }
0xda: {  	v23 =	vld [tilespmem:$0x1630];
	[tilespmem:$0x1EED0] =	vst v18  }
0xdb: {  	v24 =	vld [tilespmem:$0x1680];
	[tilespmem:$0x1EEE0] =	vst v19  }
0xdc: {  	[tilespmem:$0x1EEF0] =	vst v20;
	v25 =	vld [tilespmem:$0x1690]  }
0xdd: {  	[tilespmem:$0x1EF00] =	vst v21;
	v26 =	vld [tilespmem:$0x16A0]  }
0xde: {  	[tilespmem:$0x1EF10] =	vst v22;
	v27 =	vld [tilespmem:$0x16B0]  }
0xdf: {  	[tilespmem:$0x1EF20] =	vst v23;
	v28 =	vld [tilespmem:$0x1700]  }
0xe0: {  	[tilespmem:$0x1EF30] =	vst v24;
	v29 =	vld [tilespmem:$0x1710]  }
0xe1: {  	v30 =	vld [tilespmem:$0x1720];
	[tilespmem:$0x1EF40] =	vst v25  }
0xe2: {  	v31 =	vld [tilespmem:$0x1730];
	[tilespmem:$0x1EF50] =	vst v26  }
0xe3: {  	v32 =	vld [tilespmem:$0x1780];
	[tilespmem:$0x1EF60] =	vst v27  }
0xe4: {  	v33 =	vld [tilespmem:$0x1790];
	[tilespmem:$0x1EF70] =	vst v28  }
0xe5: {  	v34 =	vld [tilespmem:$0x17A0];
	[tilespmem:$0x1EF80] =	vst v29  }
0xe6: {  	v35 =	vld [tilespmem:$0x17B0];
	[tilespmem:$0x1EF90] =	vst v30  }
0xe7: {  	v36 =	vld [tilespmem:$0x1800];
	[tilespmem:$0x1EFA0] =	vst v31  }
0xe8: {  	v37 =	vld [tilespmem:$0x1810];
	[tilespmem:$0x1EFB0] =	vst v32  }
0xe9: {  	v38 =	vld [tilespmem:$0x1820];
	[tilespmem:$0x1EFC0] =	vst v33  }
0xea: {  	v39 =	vld [tilespmem:$0x1830];
	[tilespmem:$0x1EFD0] =	vst v34  }
0xeb: {  	v40 =	vld [tilespmem:$0x1880];
	[tilespmem:$0x1EFE0] =	vst v35  }
0xec: {  	v41 =	vld [tilespmem:$0x1890];
	[tilespmem:$0x1EFF0] =	vst v36  }
0xed: {  	v42 =	vld [tilespmem:$0x18A0];
	[tilespmem:$0x1F000] =	vst v37  }
0xee: {  	v43 =	vld [tilespmem:$0x18B0];
	[tilespmem:$0x1F010] =	vst v38  }
0xef: {  	v44 =	vld [tilespmem:$0x1900];
	[tilespmem:$0x1F020] =	vst v39  }
0xf0: {  	v45 =	vld [tilespmem:$0x1910];
	[tilespmem:$0x1F030] =	vst v40  }
0xf1: {  	v46 =	vld [tilespmem:$0x1920];
	[tilespmem:$0x1F040] =	vst v41  }
0xf2: {  	v47 =	vld [tilespmem:$0x1930];
	[tilespmem:$0x1F050] =	vst v42  }
0xf3: {  	v48 =	vld [tilespmem:$0x1980];
	[tilespmem:$0x1F060] =	vst v43  }
0xf4: {  	v49 =	vld [tilespmem:$0x1990];
	[tilespmem:$0x1F070] =	vst v44  }
0xf5: {  	v50 =	vld [tilespmem:$0x19A0];
	[tilespmem:$0x1F080] =	vst v45  }
0xf6: {  	v51 =	vld [tilespmem:$0x19B0];
	[tilespmem:$0x1F090] =	vst v46  }
0xf7: {  	v52 =	vld [tilespmem:$0x1A00];
	[tilespmem:$0x1F0A0] =	vst v47  }
0xf8: {  	v53 =	vld [tilespmem:$0x1A10];
	[tilespmem:$0x1F0B0] =	vst v48  }
0xf9: {  	v54 =	vld [tilespmem:$0x1A20];
	[tilespmem:$0x1F0C0] =	vst v49  }
0xfa: {  	v55 =	vld [tilespmem:$0x1A30];
	[tilespmem:$0x1F0D0] =	vst v50  }
0xfb: {  	v56 =	vld [tilespmem:$0x1A80];
	[tilespmem:$0x1F0E0] =	vst v51  }
0xfc: {  	[tilespmem:$0x1F0F0] =	vst v52  }
0xfd: {  	[tilespmem:$0x1F100] =	vst v53  }
0xfe: {  	[tilespmem:$0x1F110] =	vst v54  }
0xff: {  	[tilespmem:$0x1F120] =	vst v55  }
0x100: {  	[tilespmem:$0x1F130] =	vst v56  }
0x101: {  	v0 =	vld [tilespmem:$0x1A90]  }
0x102: {  	v57 =	vld [tilespmem:$0x1AA0]  }
0x103: {  	v58 =	vld [tilespmem:$0x1AB0]  }
0x104: {  	v59 =	vld [tilespmem:$0x1B00]  }
0x105: {  	v60 =	vld [tilespmem:$0x1B10]  }
0x106: {  	v61 =	vld [tilespmem:$0x1B20]  }
0x107: {  	v62 =	vld [tilespmem:$0x1B30]  }
0x108: {  	v63 =	vld [tilespmem:$0x1B80]  }
0x109: {  	v4 =	vld [tilespmem:$0x1B90]  }
0x10a: {  	v5 =	vld [tilespmem:$0x1BA0]  }
0x10b: {  	v6 =	vld [tilespmem:$0x1BB0]  }
0x10c: {  	v7 =	vld [tilespmem:$0x1C00]  }
0x10d: {  	v8 =	vld [tilespmem:$0x1C10]  }
0x10e: {  	v9 =	vld [tilespmem:$0x1C20]  }
0x10f: {  	v10 =	vld [tilespmem:$0x1C30]  }
0x110: {  	v11 =	vld [tilespmem:$0x1C80]  }
0x111: {  	v12 =	vld [tilespmem:$0x1C90]  }
0x112: {  	v13 =	vld [tilespmem:$0x1CA0]  }
0x113: {  	v14 =	vld [tilespmem:$0x1CB0]  }
0x114: {  	v15 =	vld [tilespmem:$0x1D00]  }
0x115: {  	v16 =	vld [tilespmem:$0x1D10]  }
0x116: {  	v17 =	vld [tilespmem:$0x1D20]  }
0x117: {  	v18 =	vld [tilespmem:$0x1D30]  }
0x118: {  	v19 =	vld [tilespmem:$0x1D80]  }
0x119: {  	v20 =	vld [tilespmem:$0x1D90]  }
0x11a: {  	v21 =	vld [tilespmem:$0x1DA0]  }
0x11b: {  	v22 =	vld [tilespmem:$0x1DB0]  }
0x11c: {  	v23 =	vld [tilespmem:$0x1E00]  }
0x11d: {  	v24 =	vld [tilespmem:$0x1E10]  }
0x11e: {  	v25 =	vld [tilespmem:$0x1E20]  }
0x11f: {  	v26 =	vld [tilespmem:$0x1E30]  }
0x120: {  	v27 =	vld [tilespmem:$0x1E80]  }
0x121: {  	v28 =	vld [tilespmem:$0x1E90];
	[tilespmem:$0x1F140] =	vst v0  }
0x122: {  	v29 =	vld [tilespmem:$0x1EA0];
	[tilespmem:$0x1F150] =	vst v57  }
0x123: {  	v30 =	vld [tilespmem:$0x1EB0];
	[tilespmem:$0x1F160] =	vst v58  }
0x124: {  	v31 =	vld [tilespmem:$0x1F00];
	[tilespmem:$0x1F170] =	vst v59  }
0x125: {  	v32 =	vld [tilespmem:$0x1F10];
	[tilespmem:$0x1F180] =	vst v60  }
0x126: {  	v33 =	vld [tilespmem:$0x1F20];
	[tilespmem:$0x1F190] =	vst v61  }
0x127: {  	v34 =	vld [tilespmem:$0x1F30];
	[tilespmem:$0x1F1A0] =	vst v62  }
0x128: {  	v35 =	vld [tilespmem:$0x1F80];
	[tilespmem:$0x1F1B0] =	vst v63  }
0x129: {  	v36 =	vld [tilespmem:$0x1F90];
	[tilespmem:$0x1F1C0] =	vst v4  }
0x12a: {  	v37 =	vld [tilespmem:$0x1FA0];
	[tilespmem:$0x1F1D0] =	vst v5  }
0x12b: {  	v38 =	vld [tilespmem:$0x1FB0];
	[tilespmem:$0x1F1E0] =	vst v6  }
0x12c: {  	v39 =	vld [tilespmem:$0x2000];
	[tilespmem:$0x1F1F0] =	vst v7  }
0x12d: {  	v40 =	vld [tilespmem:$0x2010];
	[tilespmem:$0x1F200] =	vst v8  }
0x12e: {  	v41 =	vld [tilespmem:$0x2020];
	[tilespmem:$0x1F210] =	vst v9  }
0x12f: {  	v42 =	vld [tilespmem:$0x2030];
	[tilespmem:$0x1F220] =	vst v10  }
0x130: {  	v43 =	vld [tilespmem:$0x2080];
	[tilespmem:$0x1F230] =	vst v11  }
0x131: {  	v44 =	vld [tilespmem:$0x2090];
	[tilespmem:$0x1F240] =	vst v12  }
0x132: {  	v45 =	vld [tilespmem:$0x20A0];
	[tilespmem:$0x1F250] =	vst v13  }
0x133: {  	v46 =	vld [tilespmem:$0x20B0];
	[tilespmem:$0x1F260] =	vst v14  }
0x134: {  	v47 =	vld [tilespmem:$0x2100];
	[tilespmem:$0x1F270] =	vst v15  }
0x135: {  	v48 =	vld [tilespmem:$0x2110];
	[tilespmem:$0x1F280] =	vst v16  }
0x136: {  	v49 =	vld [tilespmem:$0x2120];
	[tilespmem:$0x1F290] =	vst v17  }
0x137: {  	v50 =	vld [tilespmem:$0x2130];
	[tilespmem:$0x1F2A0] =	vst v18  }
0x138: {  	v51 =	vld [tilespmem:$0x2180];
	[tilespmem:$0x1F2B0] =	vst v19  }
0x139: {  	v52 =	vld [tilespmem:$0x2190];
	[tilespmem:$0x1F2C0] =	vst v20  }
0x13a: {  	v53 =	vld [tilespmem:$0x21A0];
	[tilespmem:$0x1F2D0] =	vst v21  }
0x13b: {  	v54 =	vld [tilespmem:$0x21B0];
	[tilespmem:$0x1F2E0] =	vst v22  }
0x13c: {  	v55 =	vld [tilespmem:$0x2200];
	[tilespmem:$0x1F2F0] =	vst v23  }
0x13d: {  	v56 =	vld [tilespmem:$0x2210];
	[tilespmem:$0x1F300] =	vst v24  }
0x13e: {  	[tilespmem:$0x1F310] =	vst v25;
	v57 =	vld [tilespmem:$0x2220]  }
0x13f: {  	[tilespmem:$0x1F320] =	vst v26;
	v58 =	vld [tilespmem:$0x2230]  }
0x140: {  	[tilespmem:$0x1F330] =	vst v27;
	v59 =	vld [tilespmem:$0x2280]  }
0x141: {  	[tilespmem:$0x1F340] =	vst v28;
	v60 =	vld [tilespmem:$0x2290]  }
0x142: {  	[tilespmem:$0x1F350] =	vst v29;
	v61 =	vld [tilespmem:$0x22A0]  }
0x143: {  	[tilespmem:$0x1F360] =	vst v30;
	v62 =	vld [tilespmem:$0x22B0]  }
0x144: {  	[tilespmem:$0x1F370] =	vst v31;
	v63 =	vld [tilespmem:$0x2300]  }
0x145: {  	[tilespmem:$0x1F380] =	vst v32;
	v4 =	vld [tilespmem:$0x2310]  }
0x146: {  	[tilespmem:$0x1F390] =	vst v33;
	v5 =	vld [tilespmem:$0x2320]  }
0x147: {  	[tilespmem:$0x1F3A0] =	vst v34;
	v6 =	vld [tilespmem:$0x2380]  }
0x148: {  	[tilespmem:$0x1F3B0] =	vst v35;
	v7 =	vld [tilespmem:$0x3FA0]  }
0x149: {  	[tilespmem:$0x1F3C0] =	vst v36;
	v8 =	vld [tilespmem:$0x3F90]  }
0x14a: {  	[tilespmem:$0x1F3D0] =	vst v37;
	v9 =	vld [tilespmem:$0x3F80]  }
0x14b: {  	[tilespmem:$0x1F3E0] =	vst v38;
	v10 =	vld [tilespmem:$0x3F30]  }
0x14c: {  	[tilespmem:$0x1F3F0] =	vst v39;
	v11 =	vld [tilespmem:$0x3F20]  }
0x14d: {  	[tilespmem:$0x1F400] =	vst v40;
	v12 =	vld [tilespmem:$0x3F10]  }
0x14e: {  	[tilespmem:$0x1F410] =	vst v41;
	v13 =	vld [tilespmem:$0x3F00]  }
0x14f: {  	[tilespmem:$0x1F420] =	vst v42;
	v14 =	vld [tilespmem:$0x3EB0]  }
0x150: {  	[tilespmem:$0x1F430] =	vst v43;
	v15 =	vld [tilespmem:$0x3EA0]  }
0x151: {  	[tilespmem:$0x1F440] =	vst v44;
	v16 =	vld [tilespmem:$0x3E90]  }
0x152: {  	[tilespmem:$0x1F450] =	vst v45;
	v17 =	vld [tilespmem:$0x3E80]  }
0x153: {  	[tilespmem:$0x1F460] =	vst v46;
	v18 =	vld [tilespmem:$0x3E30]  }
0x154: {  	[tilespmem:$0x1F470] =	vst v47;
	v19 =	vld [tilespmem:$0x3E20]  }
0x155: {  	[tilespmem:$0x1F480] =	vst v48;
	v20 =	vld [tilespmem:$0x3E10]  }
0x156: {  	[tilespmem:$0x1F490] =	vst v49;
	v21 =	vld [tilespmem:$0x3E00]  }
0x157: {  	[tilespmem:$0x1F4A0] =	vst v50;
	v22 =	vld [tilespmem:$0x3DB0]  }
0x158: {  	[tilespmem:$0x1F4B0] =	vst v51;
	v23 =	vld [tilespmem:$0x3DA0]  }
0x159: {  	[tilespmem:$0x1F4C0] =	vst v52;
	v24 =	vld [tilespmem:$0x3D90]  }
0x15a: {  	[tilespmem:$0x1F4D0] =	vst v53;
	v25 =	vld [tilespmem:$0x3D80]  }
0x15b: {  	[tilespmem:$0x1F4E0] =	vst v54;
	v26 =	vld [tilespmem:$0x3D30]  }
0x15c: {  	[tilespmem:$0x1FFF0] =	vst v55;
	v27 =	vld [tilespmem:$0x3D20]  }
0x15d: {  	[tilespmem:$0x1FFE0] =	vst v56;
	v28 =	vld [tilespmem:$0x3D10]  }
0x15e: {  	v29 =	vld [tilespmem:$0x3D00];
	[tilespmem:$0x1FFD0] =	vst v57  }
0x15f: {  	v30 =	vld [tilespmem:$0x3CB0];
	[tilespmem:$0x1FFC0] =	vst v58  }
0x160: {  	v31 =	vld [tilespmem:$0x3CA0];
	[tilespmem:$0x1FFB0] =	vst v59  }
0x161: {  	v32 =	vld [tilespmem:$0x3C90];
	[tilespmem:$0x1FFA0] =	vst v60  }
0x162: {  	v33 =	vld [tilespmem:$0x3C80];
	[tilespmem:$0x1FF90] =	vst v61  }
0x163: {  	v34 =	vld [tilespmem:$0x3C30];
	[tilespmem:$0x1FF80] =	vst v62  }
0x164: {  	v35 =	vld [tilespmem:$0x3C20];
	[tilespmem:$0x1FF70] =	vst v63  }
0x165: {  	v36 =	vld [tilespmem:$0x3C10];
	[tilespmem:$0x1FF60] =	vst v4  }
0x166: {  	v37 =	vld [tilespmem:$0x3C00];
	[tilespmem:$0x1FF50] =	vst v5  }
0x167: {  	v38 =	vld [tilespmem:$0x3BB0];
	[tilespmem:$0x1FF30] =	vst v6  }
0x168: {  	v39 =	vld [tilespmem:$0x3BA0];
	[tilespmem:$0x1F4F0] =	vst v7  }
0x169: {  	v40 =	vld [tilespmem:$0x3B90];
	[tilespmem:$0x1F500] =	vst v8  }
0x16a: {  	v41 =	vld [tilespmem:$0x3B80];
	[tilespmem:$0x1F510] =	vst v9  }
0x16b: {  	v42 =	vld [tilespmem:$0x3B30];
	[tilespmem:$0x1F520] =	vst v10  }
0x16c: {  	v43 =	vld [tilespmem:$0x3B20];
	[tilespmem:$0x1F530] =	vst v11  }
0x16d: {  	v44 =	vld [tilespmem:$0x3B10];
	[tilespmem:$0x1F540] =	vst v12  }
0x16e: {  	v45 =	vld [tilespmem:$0x3B00];
	[tilespmem:$0x1F550] =	vst v13  }
0x16f: {  	v46 =	vld [tilespmem:$0x3AB0];
	[tilespmem:$0x1F560] =	vst v14  }
0x170: {  	v47 =	vld [tilespmem:$0x3AA0];
	[tilespmem:$0x1F570] =	vst v15  }
0x171: {  	v48 =	vld [tilespmem:$0x3A90];
	[tilespmem:$0x1F580] =	vst v16  }
0x172: {  	v49 =	vld [tilespmem:$0x3A80];
	[tilespmem:$0x1F590] =	vst v17  }
0x173: {  	v50 =	vld [tilespmem:$0x3A30];
	[tilespmem:$0x1F5A0] =	vst v18  }
0x174: {  	v51 =	vld [tilespmem:$0x3A20];
	[tilespmem:$0x1F5B0] =	vst v19  }
0x175: {  	v52 =	vld [tilespmem:$0x3A10];
	[tilespmem:$0x1F5C0] =	vst v20  }
0x176: {  	v53 =	vld [tilespmem:$0x3A00];
	[tilespmem:$0x1F5D0] =	vst v21  }
0x177: {  	v54 =	vld [tilespmem:$0x39B0];
	[tilespmem:$0x1F5E0] =	vst v22  }
0x178: {  	v55 =	vld [tilespmem:$0x39A0];
	[tilespmem:$0x1F5F0] =	vst v23  }
0x179: {  	v56 =	vld [tilespmem:$0x3990];
	[tilespmem:$0x1F600] =	vst v24  }
0x17a: {  	[tilespmem:$0x1F610] =	vst v25;
	v57 =	vld [tilespmem:$0x3980]  }
0x17b: {  	[tilespmem:$0x1F620] =	vst v26;
	v58 =	vld [tilespmem:$0x3930]  }
0x17c: {  	[tilespmem:$0x1F630] =	vst v27;
	v59 =	vld [tilespmem:$0x3920]  }
0x17d: {  	[tilespmem:$0x1F640] =	vst v28;
	v60 =	vld [tilespmem:$0x3910]  }
0x17e: {  	[tilespmem:$0x1F650] =	vst v29;
	v61 =	vld [tilespmem:$0x3900]  }
0x17f: {  	[tilespmem:$0x1F660] =	vst v30;
	v62 =	vld [tilespmem:$0x38B0]  }
0x180: {  	[tilespmem:$0x1F670] =	vst v31;
	v63 =	vld [tilespmem:$0x38A0]  }
0x181: {  	[tilespmem:$0x1F680] =	vst v32;
	v4 =	vld [tilespmem:$0x3890]  }
0x182: {  	[tilespmem:$0x1F690] =	vst v33;
	v5 =	vld [tilespmem:$0x3880]  }
0x183: {  	[tilespmem:$0x1F6A0] =	vst v34;
	v6 =	vld [tilespmem:$0x3830]  }
0x184: {  	[tilespmem:$0x1F6B0] =	vst v35;
	v7 =	vld [tilespmem:$0x3820]  }
0x185: {  	[tilespmem:$0x1F6C0] =	vst v36;
	v8 =	vld [tilespmem:$0x3810]  }
0x186: {  	[tilespmem:$0x1F6D0] =	vst v37;
	v9 =	vld [tilespmem:$0x3800]  }
0x187: {  	[tilespmem:$0x1F6E0] =	vst v38;
	v10 =	vld [tilespmem:$0x37B0]  }
0x188: {  	[tilespmem:$0x1F6F0] =	vst v39;
	v11 =	vld [tilespmem:$0x37A0]  }
0x189: {  	[tilespmem:$0x1F700] =	vst v40;
	v12 =	vld [tilespmem:$0x3790]  }
0x18a: {  	[tilespmem:$0x1F710] =	vst v41;
	v13 =	vld [tilespmem:$0x3780]  }
0x18b: {  	[tilespmem:$0x1F720] =	vst v42;
	v14 =	vld [tilespmem:$0x3730]  }
0x18c: {  	[tilespmem:$0x1F730] =	vst v43;
	v15 =	vld [tilespmem:$0x3720]  }
0x18d: {  	[tilespmem:$0x1F740] =	vst v44;
	v16 =	vld [tilespmem:$0x3710]  }
0x18e: {  	[tilespmem:$0x1F750] =	vst v45;
	v17 =	vld [tilespmem:$0x3700]  }
0x18f: {  	[tilespmem:$0x1F760] =	vst v46;
	v18 =	vld [tilespmem:$0x36B0]  }
0x190: {  	[tilespmem:$0x1F770] =	vst v47;
	v19 =	vld [tilespmem:$0x36A0]  }
0x191: {  	[tilespmem:$0x1F780] =	vst v48;
	v20 =	vld [tilespmem:$0x3690]  }
0x192: {  	[tilespmem:$0x1F790] =	vst v49;
	v21 =	vld [tilespmem:$0x3680]  }
0x193: {  	[tilespmem:$0x1F7A0] =	vst v50;
	v22 =	vld [tilespmem:$0x3630]  }
0x194: {  	[tilespmem:$0x1F7B0] =	vst v51;
	v23 =	vld [tilespmem:$0x3620]  }
0x195: {  	[tilespmem:$0x1F7C0] =	vst v52;
	v24 =	vld [tilespmem:$0x3610]  }
0x196: {  	[tilespmem:$0x1F7D0] =	vst v53;
	v25 =	vld [tilespmem:$0x3600]  }
0x197: {  	[tilespmem:$0x1F7E0] =	vst v54;
	v26 =	vld [tilespmem:$0x35B0]  }
0x198: {  	[tilespmem:$0x1F7F0] =	vst v55;
	v27 =	vld [tilespmem:$0x35A0]  }
0x199: {  	[tilespmem:$0x1F800] =	vst v56;
	v28 =	vld [tilespmem:$0x3590]  }
0x19a: {  	v29 =	vld [tilespmem:$0x3580];
	[tilespmem:$0x1F810] =	vst v57  }
0x19b: {  	v30 =	vld [tilespmem:$0x3530];
	[tilespmem:$0x1F820] =	vst v58  }
0x19c: {  	v31 =	vld [tilespmem:$0x3520];
	[tilespmem:$0x1F830] =	vst v59  }
0x19d: {  	v32 =	vld [tilespmem:$0x3510];
	[tilespmem:$0x1F840] =	vst v60  }
0x19e: {  	v33 =	vld [tilespmem:$0x3500];
	[tilespmem:$0x1F850] =	vst v61  }
0x19f: {  	v34 =	vld [tilespmem:$0x34B0];
	[tilespmem:$0x1F860] =	vst v62  }
0x1a0: {  	v35 =	vld [tilespmem:$0x34A0];
	[tilespmem:$0x1F870] =	vst v63  }
0x1a1: {  	v36 =	vld [tilespmem:$0x3490];
	[tilespmem:$0x1F880] =	vst v4  }
0x1a2: {  	v37 =	vld [tilespmem:$0x3480];
	[tilespmem:$0x1F890] =	vst v5  }
0x1a3: {  	v38 =	vld [tilespmem:$0x3430];
	[tilespmem:$0x1F8A0] =	vst v6  }
0x1a4: {  	v39 =	vld [tilespmem:$0x3420];
	[tilespmem:$0x1F8B0] =	vst v7  }
0x1a5: {  	v40 =	vld [tilespmem:$0x3410];
	[tilespmem:$0x1F8C0] =	vst v8  }
0x1a6: {  	v41 =	vld [tilespmem:$0x3400];
	[tilespmem:$0x1F8D0] =	vst v9  }
0x1a7: {  	v42 =	vld [tilespmem:$0x33B0];
	[tilespmem:$0x1F8E0] =	vst v10  }
0x1a8: {  	v43 =	vld [tilespmem:$0x33A0];
	[tilespmem:$0x1F8F0] =	vst v11  }
0x1a9: {  	v44 =	vld [tilespmem:$0x3390];
	[tilespmem:$0x1F900] =	vst v12  }
0x1aa: {  	v45 =	vld [tilespmem:$0x3380];
	[tilespmem:$0x1F910] =	vst v13  }
0x1ab: {  	v46 =	vld [tilespmem:$0x3330];
	[tilespmem:$0x1F920] =	vst v14  }
0x1ac: {  	v47 =	vld [tilespmem:$0x3320];
	[tilespmem:$0x1F930] =	vst v15  }
0x1ad: {  	v48 =	vld [tilespmem:$0x3310];
	[tilespmem:$0x1F940] =	vst v16  }
0x1ae: {  	v49 =	vld [tilespmem:$0x3300];
	[tilespmem:$0x1F950] =	vst v17  }
0x1af: {  	v50 =	vld [tilespmem:$0x32B0];
	[tilespmem:$0x1F960] =	vst v18  }
0x1b0: {  	v51 =	vld [tilespmem:$0x32A0];
	[tilespmem:$0x1F970] =	vst v19  }
0x1b1: {  	v52 =	vld [tilespmem:$0x3290];
	[tilespmem:$0x1F980] =	vst v20  }
0x1b2: {  	v53 =	vld [tilespmem:$0x3280];
	[tilespmem:$0x1F990] =	vst v21  }
0x1b3: {  	v54 =	vld [tilespmem:$0x3230];
	[tilespmem:$0x1F9A0] =	vst v22  }
0x1b4: {  	v55 =	vld [tilespmem:$0x3220];
	[tilespmem:$0x1F9B0] =	vst v23  }
0x1b5: {  	v56 =	vld [tilespmem:$0x3210];
	[tilespmem:$0x1F9C0] =	vst v24  }
0x1b6: {  	[tilespmem:$0x1F9D0] =	vst v25;
	v57 =	vld [tilespmem:$0x3200]  }
0x1b7: {  	[tilespmem:$0x1F9E0] =	vst v26;
	v58 =	vld [tilespmem:$0x31B0]  }
0x1b8: {  	[tilespmem:$0x1F9F0] =	vst v27;
	v59 =	vld [tilespmem:$0x31A0]  }
0x1b9: {  	[tilespmem:$0x1FA00] =	vst v28;
	v60 =	vld [tilespmem:$0x3190]  }
0x1ba: {  	[tilespmem:$0x1FA10] =	vst v29;
	v61 =	vld [tilespmem:$0x3180]  }
0x1bb: {  	[tilespmem:$0x1FA20] =	vst v30;
	v62 =	vld [tilespmem:$0x3130]  }
0x1bc: {  	[tilespmem:$0x1FA30] =	vst v31;
	v63 =	vld [tilespmem:$0x3120]  }
0x1bd: {  	[tilespmem:$0x1FA40] =	vst v32;
	v4 =	vld [tilespmem:$0x3110]  }
0x1be: {  	[tilespmem:$0x1FA50] =	vst v33;
	v5 =	vld [tilespmem:$0x3100]  }
0x1bf: {  	[tilespmem:$0x1FA60] =	vst v34;
	v6 =	vld [tilespmem:$0x30B0]  }
0x1c0: {  	[tilespmem:$0x1FA70] =	vst v35;
	v7 =	vld [tilespmem:$0x30A0]  }
0x1c1: {  	[tilespmem:$0x1FA80] =	vst v36;
	v8 =	vld [tilespmem:$0x3090]  }
0x1c2: {  	[tilespmem:$0x1FA90] =	vst v37;
	v9 =	vld [tilespmem:$0x3080]  }
0x1c3: {  	[tilespmem:$0x1FAA0] =	vst v38;
	v10 =	vld [tilespmem:$0x3030]  }
0x1c4: {  	[tilespmem:$0x1FAB0] =	vst v39;
	v11 =	vld [tilespmem:$0x3020]  }
0x1c5: {  	[tilespmem:$0x1FAC0] =	vst v40;
	v12 =	vld [tilespmem:$0x3010]  }
0x1c6: {  	[tilespmem:$0x1FAD0] =	vst v41;
	v13 =	vld [tilespmem:$0x3000]  }
0x1c7: {  	[tilespmem:$0x1FAE0] =	vst v42;
	v14 =	vld [tilespmem:$0x2FB0]  }
0x1c8: {  	[tilespmem:$0x1FAF0] =	vst v43;
	v15 =	vld [tilespmem:$0x2FA0]  }
0x1c9: {  	[tilespmem:$0x1FB00] =	vst v44;
	v16 =	vld [tilespmem:$0x2F90]  }
0x1ca: {  	[tilespmem:$0x1FB10] =	vst v45;
	v17 =	vld [tilespmem:$0x2F80]  }
0x1cb: {  	[tilespmem:$0x1FB20] =	vst v46;
	v18 =	vld [tilespmem:$0x2F30]  }
0x1cc: {  	[tilespmem:$0x1FB30] =	vst v47;
	v19 =	vld [tilespmem:$0x2F20]  }
0x1cd: {  	[tilespmem:$0x1FB40] =	vst v48;
	v20 =	vld [tilespmem:$0x2F10]  }
0x1ce: {  	[tilespmem:$0x1FB50] =	vst v49;
	v21 =	vld [tilespmem:$0x2F00]  }
0x1cf: {  	[tilespmem:$0x1FB60] =	vst v50;
	v22 =	vld [tilespmem:$0x2EB0]  }
0x1d0: {  	[tilespmem:$0x1FB70] =	vst v51;
	v23 =	vld [tilespmem:$0x2EA0]  }
0x1d1: {  	[tilespmem:$0x1FB80] =	vst v52;
	v24 =	vld [tilespmem:$0x2E90]  }
0x1d2: {  	[tilespmem:$0x1FB90] =	vst v53;
	v25 =	vld [tilespmem:$0x2E80]  }
0x1d3: {  	[tilespmem:$0x1FBA0] =	vst v54;
	v26 =	vld [tilespmem:$0x2E30]  }
0x1d4: {  	[tilespmem:$0x1FBB0] =	vst v55;
	v27 =	vld [tilespmem:$0x2E20]  }
0x1d5: {  	[tilespmem:$0x1FBC0] =	vst v56;
	v28 =	vld [tilespmem:$0x2E10]  }
0x1d6: {  	v29 =	vld [tilespmem:$0x2E00];
	[tilespmem:$0x1FBD0] =	vst v57  }
0x1d7: {  	v30 =	vld [tilespmem:$0x2DB0];
	[tilespmem:$0x1FBE0] =	vst v58  }
0x1d8: {  	v31 =	vld [tilespmem:$0x2DA0];
	[tilespmem:$0x1FBF0] =	vst v59  }
0x1d9: {  	v32 =	vld [tilespmem:$0x2D90];
	[tilespmem:$0x1FC00] =	vst v60  }
0x1da: {  	v33 =	vld [tilespmem:$0x2D80];
	[tilespmem:$0x1FC10] =	vst v61  }
0x1db: {  	v34 =	vld [tilespmem:$0x2D30];
	[tilespmem:$0x1FC20] =	vst v62  }
0x1dc: {  	v35 =	vld [tilespmem:$0x2D20];
	[tilespmem:$0x1FC30] =	vst v63  }
0x1dd: {  	v36 =	vld [tilespmem:$0x2D10];
	[tilespmem:$0x1FC40] =	vst v4  }
0x1de: {  	v37 =	vld [tilespmem:$0x2D00];
	[tilespmem:$0x1FC50] =	vst v5  }
0x1df: {  	v38 =	vld [tilespmem:$0x2CB0];
	[tilespmem:$0x1FC60] =	vst v6  }
0x1e0: {  	v39 =	vld [tilespmem:$0x2CA0];
	[tilespmem:$0x1FC70] =	vst v7  }
0x1e1: {  	v40 =	vld [tilespmem:$0x2C90];
	[tilespmem:$0x1FC80] =	vst v8  }
0x1e2: {  	v41 =	vld [tilespmem:$0x2C80];
	[tilespmem:$0x1FC90] =	vst v9  }
0x1e3: {  	v42 =	vld [tilespmem:$0x2C30];
	[tilespmem:$0x1FCA0] =	vst v10  }
0x1e4: {  	v43 =	vld [tilespmem:$0x2C20];
	[tilespmem:$0x1FCB0] =	vst v11  }
0x1e5: {  	v44 =	vld [tilespmem:$0x2C10];
	[tilespmem:$0x1FCC0] =	vst v12  }
0x1e6: {  	v45 =	vld [tilespmem:$0x2C00];
	[tilespmem:$0x1FCD0] =	vst v13  }
0x1e7: {  	v46 =	vld [tilespmem:$0x2BB0];
	[tilespmem:$0x1FCE0] =	vst v14  }
0x1e8: {  	v47 =	vld [tilespmem:$0x2BA0];
	[tilespmem:$0x1FCF0] =	vst v15  }
0x1e9: {  	v48 =	vld [tilespmem:$0x2B90];
	[tilespmem:$0x1FD00] =	vst v16  }
0x1ea: {  	v49 =	vld [tilespmem:$0x2B80];
	[tilespmem:$0x1FD10] =	vst v17  }
0x1eb: {  	v56 =	vld [tilespmem:$0x2A80];
	[tilespmem:$0x1FD20] =	vst v18  }
0x1ec: {  	v55 =	vld [tilespmem:$0x2A30];
	[tilespmem:$0x1FD30] =	vst v19  }
0x1ed: {  	v54 =	vld [tilespmem:$0x2A20];
	[tilespmem:$0x1FD40] =	vst v20  }
0x1ee: {  	v53 =	vld [tilespmem:$0x2A10];
	[tilespmem:$0x1FD50] =	vst v21  }
0x1ef: {  	v52 =	vld [tilespmem:$0x2A00];
	[tilespmem:$0x1FD60] =	vst v22  }
0x1f0: {  	v51 =	vld [tilespmem:$0x29B0];
	[tilespmem:$0x1FD70] =	vst v23  }
0x1f1: {  	v50 =	vld [tilespmem:$0x29A0];
	[tilespmem:$0x1FD80] =	vst v24  }
0x1f2: {  	[tilespmem:$0x1FD90] =	vst v25;
	v63 =	vld [tilespmem:$0x2B30]  }
0x1f3: {  	[tilespmem:$0x1FDA0] =	vst v26;
	v62 =	vld [tilespmem:$0x2B20]  }
0x1f4: {  	[tilespmem:$0x1FDB0] =	vst v27;
	v61 =	vld [tilespmem:$0x2B10]  }
0x1f5: {  	[tilespmem:$0x1FDC0] =	vst v28;
	v60 =	vld [tilespmem:$0x2B00]  }
0x1f6: {  	[tilespmem:$0x1FDD0] =	vst v29;
	v59 =	vld [tilespmem:$0x2AB0]  }
0x1f7: {  	[tilespmem:$0x1FDE0] =	vst v30;
	v58 =	vld [tilespmem:$0x2AA0]  }
0x1f8: {  	[tilespmem:$0x1FDF0] =	vst v31;
	v57 =	vld [tilespmem:$0x2A90]  }
0x1f9: {  	[tilespmem:$0x1FF10] =	vst v49;
	v49 =	vld [tilespmem:$0x2990]  }
0x1fa: {  	[tilespmem:$0x1FF00] =	vst v48;
	v48 =	vld [tilespmem:$0x2980]  }
0x1fb: {  	[tilespmem:$0x1FEF0] =	vst v47;
	v47 =	vld [tilespmem:$0x2930]  }
0x1fc: {  	[tilespmem:$0x1FEE0] =	vst v46;
	v46 =	vld [tilespmem:$0x2920]  }
0x1fd: {  	[tilespmem:$0x1FED0] =	vst v45;
	v45 =	vld [tilespmem:$0x2910]  }
0x1fe: {  	[tilespmem:$0x1FEC0] =	vst v44;
	v44 =	vld [tilespmem:$0x2900]  }
0x1ff: {  	[tilespmem:$0x1FEB0] =	vst v43;
	v43 =	vld [tilespmem:$0x28B0]  }
0x200: {  	[tilespmem:$0x1FEA0] =	vst v42;
	v42 =	vld [tilespmem:$0x28A0]  }
0x201: {  	[tilespmem:$0x1FE90] =	vst v41;
	v41 =	vld [tilespmem:$0x2890]  }
0x202: {  	[tilespmem:$0x1FE80] =	vst v40;
	v40 =	vld [tilespmem:$0x2880]  }
0x203: {  	[tilespmem:$0x1FE70] =	vst v39;
	v39 =	vld [tilespmem:$0x2830]  }
0x204: {  	[tilespmem:$0x1FE60] =	vst v38;
	v38 =	vld [tilespmem:$0x2820]  }
0x205: {  	[tilespmem:$0x1FE50] =	vst v37;
	v37 =	vld [tilespmem:$0x2810]  }
0x206: {  	[tilespmem:$0x1FE40] =	vst v36;
	v36 =	vld [tilespmem:$0x2800]  }
0x207: {  	[tilespmem:$0x1FE30] =	vst v35;
	v35 =	vld [tilespmem:$0x27B0]  }
0x208: {  	[tilespmem:$0x1FE20] =	vst v34;
	v34 =	vld [tilespmem:$0x27A0]  }
0x209: {  	[tilespmem:$0x1FE10] =	vst v33;
	v33 =	vld [tilespmem:$0x2790]  }
0x20a: {  	[tilespmem:$0x1FE00] =	vst v32;
	v32 =	vld [tilespmem:$0x2780]  }
0x20b: {  	v31 =	vld [tilespmem:$0x2730]  }
0x20c: {  	v30 =	vld [tilespmem:$0x2720]  }
0x20d: {  	v29 =	vld [tilespmem:$0x2710]  }
0x20e: {  	v28 =	vld [tilespmem:$0x2700]  }
0x20f: {  	v27 =	vld [tilespmem:$0x26B0]  }
0x210: {  	v26 =	vld [tilespmem:$0x26A0]  }
0x211: {  	v25 =	vld [tilespmem:$0x2690]  }
0x212: {  	v24 =	vld [tilespmem:$0x2680]  }
0x213: {  	v23 =	vld [tilespmem:$0x2630]  }
0x214: {  	v22 =	vld [tilespmem:$0x2620]  }
0x215: {  	v21 =	vld [tilespmem:$0x2610]  }
0x216: {  	v20 =	vld [tilespmem:$0x2600]  }
0x217: {  	v19 =	vld [tilespmem:$0x25B0]  }
0x218: {  	v18 =	vld [tilespmem:$0x25A0]  }
0x219: {  	v17 =	vld [tilespmem:$0x2590]  }
0x21a: {  	v16 =	vld [tilespmem:$0x2580]  }
0x21b: {  	v15 =	vld [tilespmem:$0x2530]  }
0x21c: {  	v14 =	vld [tilespmem:$0x2520]  }
0x21d: {  	v13 =	vld [tilespmem:$0x2510]  }
0x21e: {  	v12 =	vld [tilespmem:$0x2500]  }
0x21f: {  	v11 =	vld [tilespmem:$0x24B0]  }
0x220: {  	v10 =	vld [tilespmem:$0x24A0]  }
0x221: {  	v9 =	vld [tilespmem:$0x2490]  }
0x222: {  	v0 =	vld [tilespmem:$0x2390]  }
0x223: {  	v8 =	vld [tilespmem:$0x2480]  }
0x224: {  	v7 =	vld [tilespmem:$0x2430]  }
0x225: {  	v6 =	vld [tilespmem:$0x2420]  }
0x226: {  	v5 =	vld [tilespmem:$0x2410]  }
0x227: {  	[tilespmem:$0x1FF20] =	vst v0;
	v0 =	vld [tilespmem:$0x2330]  }
0x228: {  	v1 =	vld [tilespmem:$0x1E3F0]  }
0x229: {  	v4 =	vld [tilespmem:$0x2400]  }
0x22a: {  	v3 =	vld [tilespmem:$0x23B0]  }
0x22b: {  	s18 =	sand.u32 $0x1, s14;
	v2 =	vld [tilespmem:$0x23A0]  }
0x22c: {  	s31 =	sshll.u32 s18, $0xE;
	[tilespmem:$0x1FF40] =	vst v0;
	v0 =	vld [tilespmem:$0x3FB0]  }
0x22d: {  	[tilespmem:s31+$0x4100] =	vst v1;
	v1 =	vld [tilespmem:$0x1E400];
	_ =	sdelay $0x4  }
0x22e: {  	[tilespmem:s31+$0x4110] =	vst v1;
	v1 =	vld [tilespmem:$0x1E410];
	_ =	sdelay $0x4  }
0x22f: {  	[tilespmem:s31+$0x4120] =	vst v1;
	v1 =	vld [tilespmem:$0x1E420];
	_ =	sdelay $0x4  }
0x230: {  	[tilespmem:s31+$0x4130] =	vst v1;
	v1 =	vld [tilespmem:$0x1E430];
	_ =	sdelay $0x4  }
0x231: {  	[tilespmem:s31+$0x4180] =	vst v1;
	v1 =	vld [tilespmem:$0x1E440];
	_ =	sdelay $0x4  }
0x232: {  	[tilespmem:s31+$0x4190] =	vst v1;
	v1 =	vld [tilespmem:$0x1E450];
	_ =	sdelay $0x4  }
0x233: {  	[tilespmem:s31+$0x41A0] =	vst v1;
	v1 =	vld [tilespmem:$0x1E460];
	_ =	sdelay $0x4  }
0x234: {  	[tilespmem:s31+$0x41B0] =	vst v1;
	v1 =	vld [tilespmem:$0x1E470];
	_ =	sdelay $0x4  }
0x235: {  	[tilespmem:s31+$0x4200] =	vst v1;
	v1 =	vld [tilespmem:$0x1E480];
	_ =	sdelay $0x4  }
0x236: {  	[tilespmem:s31+$0x4210] =	vst v1;
	v1 =	vld [tilespmem:$0x1E490];
	_ =	sdelay $0x4  }
0x237: {  	[tilespmem:s31+$0x4220] =	vst v1;
	v1 =	vld [tilespmem:$0x1E4A0];
	_ =	sdelay $0x4  }
0x238: {  	[tilespmem:s31+$0x4230] =	vst v1;
	v1 =	vld [tilespmem:$0x1E4B0];
	_ =	sdelay $0x4  }
0x239: {  	[tilespmem:s31+$0x4280] =	vst v1;
	v1 =	vld [tilespmem:$0x1E4C0];
	_ =	sdelay $0x4  }
0x23a: {  	[tilespmem:s31+$0x4290] =	vst v1;
	v1 =	vld [tilespmem:$0x1E4D0];
	_ =	sdelay $0x4  }
0x23b: {  	[tilespmem:s31+$0x42A0] =	vst v1;
	v1 =	vld [tilespmem:$0x1E4E0];
	_ =	sdelay $0x4  }
0x23c: {  	[tilespmem:s31+$0x42B0] =	vst v1;
	v1 =	vld [tilespmem:$0x1E4F0];
	_ =	sdelay $0x4  }
0x23d: {  	[tilespmem:s31+$0x4300] =	vst v1;
	v1 =	vld [tilespmem:$0x1E500];
	_ =	sdelay $0x4  }
0x23e: {  	[tilespmem:s31+$0x4310] =	vst v1;
	v1 =	vld [tilespmem:$0x1E510];
	_ =	sdelay $0x4  }
0x23f: {  	[tilespmem:s31+$0x4320] =	vst v1;
	v1 =	vld [tilespmem:$0x1E520];
	_ =	sdelay $0x4  }
0x240: {  	[tilespmem:s31+$0x4330] =	vst v1;
	v1 =	vld [tilespmem:$0x1E530];
	_ =	sdelay $0x4  }
0x241: {  	[tilespmem:s31+$0x4380] =	vst v1;
	v1 =	vld [tilespmem:$0x1E540];
	_ =	sdelay $0x4  }
0x242: {  	[tilespmem:s31+$0x4390] =	vst v1;
	v1 =	vld [tilespmem:$0x1E550];
	_ =	sdelay $0x4  }
0x243: {  	[tilespmem:s31+$0x43A0] =	vst v1;
	v1 =	vld [tilespmem:$0x1E560];
	_ =	sdelay $0x4  }
0x244: {  	[tilespmem:s31+$0x43B0] =	vst v1;
	v1 =	vld [tilespmem:$0x1E570];
	_ =	sdelay $0x4  }
0x245: {  	[tilespmem:s31+$0x4400] =	vst v1;
	v1 =	vld [tilespmem:$0x1E580];
	_ =	sdelay $0x4  }
0x246: {  	[tilespmem:s31+$0x4410] =	vst v1;
	v1 =	vld [tilespmem:$0x1E590];
	_ =	sdelay $0x4  }
0x247: {  	[tilespmem:s31+$0x4420] =	vst v1;
	v1 =	vld [tilespmem:$0x1E5A0];
	_ =	sdelay $0x4  }
0x248: {  	[tilespmem:s31+$0x4430] =	vst v1;
	v1 =	vld [tilespmem:$0x1E5B0];
	_ =	sdelay $0x4  }
0x249: {  	[tilespmem:s31+$0x4480] =	vst v1;
	v1 =	vld [tilespmem:$0x1E5C0];
	_ =	sdelay $0x4  }
0x24a: {  	[tilespmem:s31+$0x4490] =	vst v1;
	v1 =	vld [tilespmem:$0x1E5D0];
	_ =	sdelay $0x4  }
0x24b: {  	[tilespmem:s31+$0x44A0] =	vst v1;
	v1 =	vld [tilespmem:$0x1E5E0];
	_ =	sdelay $0x4  }
0x24c: {  	[tilespmem:s31+$0x44B0] =	vst v1;
	v1 =	vld [tilespmem:$0x1E5F0];
	_ =	sdelay $0x4  }
0x24d: {  	[tilespmem:s31+$0x4500] =	vst v1;
	v1 =	vld [tilespmem:$0x1E600];
	_ =	sdelay $0x4  }
0x24e: {  	[tilespmem:s31+$0x4510] =	vst v1;
	v1 =	vld [tilespmem:$0x1E610];
	_ =	sdelay $0x4  }
0x24f: {  	[tilespmem:s31+$0x4520] =	vst v1;
	v1 =	vld [tilespmem:$0x1E620];
	_ =	sdelay $0x4  }
0x250: {  	[tilespmem:s31+$0x4530] =	vst v1;
	v1 =	vld [tilespmem:$0x1E630];
	_ =	sdelay $0x4  }
0x251: {  	[tilespmem:s31+$0x4580] =	vst v1;
	v1 =	vld [tilespmem:$0x1E640];
	_ =	sdelay $0x4  }
0x252: {  	[tilespmem:s31+$0x4590] =	vst v1;
	v1 =	vld [tilespmem:$0x1E650];
	_ =	sdelay $0x4  }
0x253: {  	[tilespmem:s31+$0x45A0] =	vst v1;
	v1 =	vld [tilespmem:$0x1E660];
	_ =	sdelay $0x4  }
0x254: {  	[tilespmem:s31+$0x45B0] =	vst v1;
	v1 =	vld [tilespmem:$0x1E670];
	_ =	sdelay $0x4  }
0x255: {  	[tilespmem:s31+$0x4600] =	vst v1;
	v1 =	vld [tilespmem:$0x1E680];
	_ =	sdelay $0x4  }
0x256: {  	[tilespmem:s31+$0x4610] =	vst v1;
	v1 =	vld [tilespmem:$0x1E690];
	_ =	sdelay $0x4  }
0x257: {  	[tilespmem:s31+$0x4620] =	vst v1;
	v1 =	vld [tilespmem:$0x1E6A0];
	_ =	sdelay $0x4  }
0x258: {  	[tilespmem:s31+$0x4630] =	vst v1;
	v1 =	vld [tilespmem:$0x1E6B0];
	_ =	sdelay $0x4  }
0x259: {  	[tilespmem:s31+$0x4680] =	vst v1;
	v1 =	vld [tilespmem:$0x1E6C0];
	_ =	sdelay $0x4  }
0x25a: {  	[tilespmem:s31+$0x4690] =	vst v1;
	v1 =	vld [tilespmem:$0x1E6D0];
	_ =	sdelay $0x4  }
0x25b: {  	[tilespmem:s31+$0x46A0] =	vst v1;
	v1 =	vld [tilespmem:$0x1E6E0];
	_ =	sdelay $0x4  }
0x25c: {  	[tilespmem:s31+$0x46B0] =	vst v1;
	v1 =	vld [tilespmem:$0x1E6F0];
	_ =	sdelay $0x4  }
0x25d: {  	[tilespmem:s31+$0x4700] =	vst v1;
	v1 =	vld [tilespmem:$0x1E700];
	_ =	sdelay $0x4  }
0x25e: {  	[tilespmem:s31+$0x4710] =	vst v1;
	v1 =	vld [tilespmem:$0x1E710];
	_ =	sdelay $0x4  }
0x25f: {  	[tilespmem:s31+$0x4720] =	vst v1;
	v1 =	vld [tilespmem:$0x1E720];
	_ =	sdelay $0x4  }
0x260: {  	[tilespmem:s31+$0x4730] =	vst v1;
	v1 =	vld [tilespmem:$0x1E730];
	_ =	sdelay $0x4  }
0x261: {  	[tilespmem:s31+$0x4780] =	vst v1;
	v1 =	vld [tilespmem:$0x1E740];
	_ =	sdelay $0x4  }
0x262: {  	[tilespmem:s31+$0x4790] =	vst v1;
	v1 =	vld [tilespmem:$0x1E750];
	_ =	sdelay $0x4  }
0x263: {  	[tilespmem:s31+$0x47A0] =	vst v1;
	v1 =	vld [tilespmem:$0x1E760];
	_ =	sdelay $0x4  }
0x264: {  	[tilespmem:s31+$0x47B0] =	vst v1;
	v1 =	vld [tilespmem:$0x1E770];
	_ =	sdelay $0x4  }
0x265: {  	[tilespmem:s31+$0x4800] =	vst v1;
	v1 =	vld [tilespmem:$0x1E780];
	_ =	sdelay $0x4  }
0x266: {  	[tilespmem:s31+$0x4810] =	vst v1;
	v1 =	vld [tilespmem:$0x1E790];
	_ =	sdelay $0x4  }
0x267: {  	[tilespmem:s31+$0x4820] =	vst v1;
	v1 =	vld [tilespmem:$0x1E7A0];
	_ =	sdelay $0x4  }
0x268: {  	[tilespmem:s31+$0x4830] =	vst v1;
	v1 =	vld [tilespmem:$0x1E7B0];
	_ =	sdelay $0x4  }
0x269: {  	[tilespmem:s31+$0x4880] =	vst v1;
	v1 =	vld [tilespmem:$0x1E7C0];
	_ =	sdelay $0x4  }
0x26a: {  	[tilespmem:s31+$0x4890] =	vst v1;
	v1 =	vld [tilespmem:$0x1E7D0];
	_ =	sdelay $0x4  }
0x26b: {  	[tilespmem:s31+$0x48A0] =	vst v1;
	v1 =	vld [tilespmem:$0x1E7E0];
	_ =	sdelay $0x4  }
0x26c: {  	[tilespmem:s31+$0x48B0] =	vst v1;
	v1 =	vld [tilespmem:$0x1E7F0];
	_ =	sdelay $0x4  }
0x26d: {  	[tilespmem:s31+$0x4900] =	vst v1;
	v1 =	vld [tilespmem:$0x1E800];
	_ =	sdelay $0x4  }
0x26e: {  	[tilespmem:s31+$0x4910] =	vst v1;
	v1 =	vld [tilespmem:$0x1E810];
	_ =	sdelay $0x4  }
0x26f: {  	[tilespmem:s31+$0x4920] =	vst v1;
	v1 =	vld [tilespmem:$0x1E820];
	_ =	sdelay $0x4  }
0x270: {  	[tilespmem:s31+$0x4930] =	vst v1;
	v1 =	vld [tilespmem:$0x1E830];
	_ =	sdelay $0x4  }
0x271: {  	[tilespmem:s31+$0x4980] =	vst v1;
	v1 =	vld [tilespmem:$0x1E840];
	_ =	sdelay $0x4  }
0x272: {  	[tilespmem:s31+$0x4990] =	vst v1;
	v1 =	vld [tilespmem:$0x1E850];
	_ =	sdelay $0x4  }
0x273: {  	[tilespmem:s31+$0x49A0] =	vst v1;
	v1 =	vld [tilespmem:$0x1E860];
	_ =	sdelay $0x4  }
0x274: {  	[tilespmem:s31+$0x49B0] =	vst v1;
	v1 =	vld [tilespmem:$0x1E870];
	_ =	sdelay $0x4  }
0x275: {  	[tilespmem:s31+$0x4A00] =	vst v1;
	v1 =	vld [tilespmem:$0x1E880];
	_ =	sdelay $0x4  }
0x276: {  	[tilespmem:s31+$0x4A10] =	vst v1;
	v1 =	vld [tilespmem:$0x1E890];
	_ =	sdelay $0x4  }
0x277: {  	[tilespmem:s31+$0x4A20] =	vst v1;
	v1 =	vld [tilespmem:$0x1E8A0];
	_ =	sdelay $0x4  }
0x278: {  	[tilespmem:s31+$0x4A30] =	vst v1;
	v1 =	vld [tilespmem:$0x1E8B0];
	_ =	sdelay $0x4  }
0x279: {  	[tilespmem:s31+$0x4A80] =	vst v1;
	v1 =	vld [tilespmem:$0x1E8C0];
	_ =	sdelay $0x4  }
0x27a: {  	[tilespmem:s31+$0x4A90] =	vst v1;
	v1 =	vld [tilespmem:$0x1E8D0];
	_ =	sdelay $0x4  }
0x27b: {  	[tilespmem:s31+$0x4AA0] =	vst v1;
	v1 =	vld [tilespmem:$0x1E8E0];
	_ =	sdelay $0x4  }
0x27c: {  	[tilespmem:s31+$0x4AB0] =	vst v1;
	v1 =	vld [tilespmem:$0x1E8F0];
	_ =	sdelay $0x4  }
0x27d: {  	[tilespmem:s31+$0x4B00] =	vst v1;
	v1 =	vld [tilespmem:$0x1E900];
	_ =	sdelay $0x4  }
0x27e: {  	[tilespmem:s31+$0x4B10] =	vst v1;
	v1 =	vld [tilespmem:$0x1E910];
	_ =	sdelay $0x4  }
0x27f: {  	[tilespmem:s31+$0x4B20] =	vst v1;
	v1 =	vld [tilespmem:$0x1E920];
	_ =	sdelay $0x4  }
0x280: {  	[tilespmem:s31+$0x4B30] =	vst v1;
	v1 =	vld [tilespmem:$0x1E930];
	_ =	sdelay $0x4  }
0x281: {  	[tilespmem:s31+$0x4B80] =	vst v1;
	v1 =	vld [tilespmem:$0x1E940];
	_ =	sdelay $0x4  }
0x282: {  	[tilespmem:s31+$0x4B90] =	vst v1;
	v1 =	vld [tilespmem:$0x1E950];
	_ =	sdelay $0x4  }
0x283: {  	[tilespmem:s31+$0x4BA0] =	vst v1;
	v1 =	vld [tilespmem:$0x1E960];
	_ =	sdelay $0x4  }
0x284: {  	[tilespmem:s31+$0x4BB0] =	vst v1;
	v1 =	vld [tilespmem:$0x1E970];
	_ =	sdelay $0x4  }
0x285: {  	[tilespmem:s31+$0x4C00] =	vst v1;
	v1 =	vld [tilespmem:$0x1E980];
	_ =	sdelay $0x4  }
0x286: {  	[tilespmem:s31+$0x4C10] =	vst v1;
	v1 =	vld [tilespmem:$0x1E990];
	_ =	sdelay $0x4  }
0x287: {  	[tilespmem:s31+$0x4C20] =	vst v1;
	v1 =	vld [tilespmem:$0x1E9A0];
	_ =	sdelay $0x4  }
0x288: {  	[tilespmem:s31+$0x4C30] =	vst v1;
	v1 =	vld [tilespmem:$0x1E9B0];
	_ =	sdelay $0x4  }
0x289: {  	[tilespmem:s31+$0x4C80] =	vst v1;
	v1 =	vld [tilespmem:$0x1E9C0];
	_ =	sdelay $0x4  }
0x28a: {  	[tilespmem:s31+$0x4C90] =	vst v1;
	v1 =	vld [tilespmem:$0x1E9D0];
	_ =	sdelay $0x4  }
0x28b: {  	[tilespmem:s31+$0x4CA0] =	vst v1;
	v1 =	vld [tilespmem:$0x1E9E0];
	_ =	sdelay $0x4  }
0x28c: {  	[tilespmem:s31+$0x4CB0] =	vst v1;
	v1 =	vld [tilespmem:$0x1E9F0];
	_ =	sdelay $0x4  }
0x28d: {  	[tilespmem:s31+$0x4D00] =	vst v1;
	v1 =	vld [tilespmem:$0x1EA00];
	_ =	sdelay $0x4  }
0x28e: {  	[tilespmem:s31+$0x4D10] =	vst v1;
	v1 =	vld [tilespmem:$0x1EA10];
	_ =	sdelay $0x4  }
0x28f: {  	[tilespmem:s31+$0x4D20] =	vst v1;
	v1 =	vld [tilespmem:$0x1EA20];
	_ =	sdelay $0x4  }
0x290: {  	[tilespmem:s31+$0x4D30] =	vst v1;
	v1 =	vld [tilespmem:$0x1EA30];
	_ =	sdelay $0x4  }
0x291: {  	[tilespmem:s31+$0x4D80] =	vst v1;
	v1 =	vld [tilespmem:$0x1EA40];
	_ =	sdelay $0x4  }
0x292: {  	[tilespmem:s31+$0x4D90] =	vst v1;
	v1 =	vld [tilespmem:$0x1EA50];
	_ =	sdelay $0x4  }
0x293: {  	[tilespmem:s31+$0x4DA0] =	vst v1;
	v1 =	vld [tilespmem:$0x1EA60];
	_ =	sdelay $0x4  }
0x294: {  	[tilespmem:s31+$0x4DB0] =	vst v1;
	v1 =	vld [tilespmem:$0x1EA70];
	_ =	sdelay $0x4  }
0x295: {  	[tilespmem:s31+$0x4E00] =	vst v1;
	v1 =	vld [tilespmem:$0x1EA80];
	_ =	sdelay $0x4  }
0x296: {  	[tilespmem:s31+$0x4E10] =	vst v1;
	v1 =	vld [tilespmem:$0x1EA90];
	_ =	sdelay $0x4  }
0x297: {  	[tilespmem:s31+$0x4E20] =	vst v1;
	v1 =	vld [tilespmem:$0x1EAA0];
	_ =	sdelay $0x4  }
0x298: {  	[tilespmem:s31+$0x4E30] =	vst v1;
	v1 =	vld [tilespmem:$0x1EAB0];
	_ =	sdelay $0x4  }
0x299: {  	[tilespmem:s31+$0x4E80] =	vst v1;
	v1 =	vld [tilespmem:$0x1EAC0];
	_ =	sdelay $0x4  }
0x29a: {  	[tilespmem:s31+$0x4E90] =	vst v1;
	v1 =	vld [tilespmem:$0x1EAD0];
	_ =	sdelay $0x4  }
0x29b: {  	[tilespmem:s31+$0x4EA0] =	vst v1;
	v1 =	vld [tilespmem:$0x1EAE0];
	_ =	sdelay $0x4  }
0x29c: {  	[tilespmem:s31+$0x4EB0] =	vst v1;
	v1 =	vld [tilespmem:$0x1EAF0];
	_ =	sdelay $0x4  }
0x29d: {  	[tilespmem:s31+$0x4F00] =	vst v1;
	v1 =	vld [tilespmem:$0x1EB00];
	_ =	sdelay $0x4  }
0x29e: {  	[tilespmem:s31+$0x4F10] =	vst v1;
	v1 =	vld [tilespmem:$0x1EB10];
	_ =	sdelay $0x4  }
0x29f: {  	[tilespmem:s31+$0x4F20] =	vst v1;
	v1 =	vld [tilespmem:$0x1EB20];
	_ =	sdelay $0x4  }
0x2a0: {  	[tilespmem:s31+$0x4F30] =	vst v1;
	v1 =	vld [tilespmem:$0x1EB30];
	_ =	sdelay $0x4  }
0x2a1: {  	[tilespmem:s31+$0x4F80] =	vst v1;
	v1 =	vld [tilespmem:$0x1EB40];
	_ =	sdelay $0x4  }
0x2a2: {  	[tilespmem:s31+$0x4F90] =	vst v1;
	v1 =	vld [tilespmem:$0x1EB50];
	_ =	sdelay $0x4  }
0x2a3: {  	[tilespmem:s31+$0x4FA0] =	vst v1;
	v1 =	vld [tilespmem:$0x1EB60];
	_ =	sdelay $0x4  }
0x2a4: {  	[tilespmem:s31+$0x4FB0] =	vst v1;
	v1 =	vld [tilespmem:$0x1EB70];
	_ =	sdelay $0x4  }
0x2a5: {  	[tilespmem:s31+$0x5000] =	vst v1;
	v1 =	vld [tilespmem:$0x1EB80];
	_ =	sdelay $0x4  }
0x2a6: {  	[tilespmem:s31+$0x5010] =	vst v1;
	v1 =	vld [tilespmem:$0x1EB90];
	_ =	sdelay $0x4  }
0x2a7: {  	[tilespmem:s31+$0x5020] =	vst v1;
	v1 =	vld [tilespmem:$0x1EBA0];
	_ =	sdelay $0x4  }
0x2a8: {  	[tilespmem:s31+$0x5030] =	vst v1;
	v1 =	vld [tilespmem:$0x1EBB0];
	_ =	sdelay $0x4  }
0x2a9: {  	[tilespmem:s31+$0x5080] =	vst v1;
	v1 =	vld [tilespmem:$0x1EBC0];
	_ =	sdelay $0x4  }
0x2aa: {  	[tilespmem:s31+$0x5090] =	vst v1;
	v1 =	vld [tilespmem:$0x1EBD0];
	_ =	sdelay $0x4  }
0x2ab: {  	[tilespmem:s31+$0x50A0] =	vst v1;
	v1 =	vld [tilespmem:$0x1EBE0];
	_ =	sdelay $0x4  }
0x2ac: {  	[tilespmem:s31+$0x50B0] =	vst v1;
	v1 =	vld [tilespmem:$0x1EBF0];
	_ =	sdelay $0x4  }
0x2ad: {  	[tilespmem:s31+$0x5100] =	vst v1;
	v1 =	vld [tilespmem:$0x1EC00];
	_ =	sdelay $0x4  }
0x2ae: {  	[tilespmem:s31+$0x5110] =	vst v1;
	v1 =	vld [tilespmem:$0x1EC10];
	_ =	sdelay $0x4  }
0x2af: {  	[tilespmem:s31+$0x5120] =	vst v1;
	v1 =	vld [tilespmem:$0x1EC20];
	_ =	sdelay $0x4  }
0x2b0: {  	[tilespmem:s31+$0x5130] =	vst v1;
	v1 =	vld [tilespmem:$0x1EC30];
	_ =	sdelay $0x4  }
0x2b1: {  	[tilespmem:s31+$0x5180] =	vst v1;
	v1 =	vld [tilespmem:$0x1EC40];
	_ =	sdelay $0x4  }
0x2b2: {  	[tilespmem:s31+$0x5190] =	vst v1;
	v1 =	vld [tilespmem:$0x1EC50];
	_ =	sdelay $0x4  }
0x2b3: {  	[tilespmem:s31+$0x51A0] =	vst v1;
	v1 =	vld [tilespmem:$0x1EC60];
	_ =	sdelay $0x4  }
0x2b4: {  	[tilespmem:s31+$0x51B0] =	vst v1;
	v1 =	vld [tilespmem:$0x1EC70];
	_ =	sdelay $0x4  }
0x2b5: {  	[tilespmem:s31+$0x5200] =	vst v1;
	v1 =	vld [tilespmem:$0x1EC80];
	_ =	sdelay $0x4  }
0x2b6: {  	[tilespmem:s31+$0x5210] =	vst v1;
	v1 =	vld [tilespmem:$0x1EC90];
	_ =	sdelay $0x4  }
0x2b7: {  	[tilespmem:s31+$0x5220] =	vst v1;
	v1 =	vld [tilespmem:$0x1ECA0];
	_ =	sdelay $0x4  }
0x2b8: {  	[tilespmem:s31+$0x5230] =	vst v1;
	v1 =	vld [tilespmem:$0x1ECB0];
	_ =	sdelay $0x4  }
0x2b9: {  	[tilespmem:s31+$0x5280] =	vst v1;
	v1 =	vld [tilespmem:$0x1ECC0];
	_ =	sdelay $0x4  }
0x2ba: {  	[tilespmem:s31+$0x5290] =	vst v1;
	v1 =	vld [tilespmem:$0x1ECD0];
	_ =	sdelay $0x4  }
0x2bb: {  	[tilespmem:s31+$0x52A0] =	vst v1;
	v1 =	vld [tilespmem:$0x1ECE0];
	_ =	sdelay $0x4  }
0x2bc: {  	[tilespmem:s31+$0x52B0] =	vst v1;
	v1 =	vld [tilespmem:$0x1ECF0];
	_ =	sdelay $0x4  }
0x2bd: {  	[tilespmem:s31+$0x5300] =	vst v1;
	v1 =	vld [tilespmem:$0x1ED00];
	_ =	sdelay $0x4  }
0x2be: {  	[tilespmem:s31+$0x5310] =	vst v1;
	v1 =	vld [tilespmem:$0x1ED10];
	_ =	sdelay $0x4  }
0x2bf: {  	[tilespmem:s31+$0x5320] =	vst v1;
	v1 =	vld [tilespmem:$0x1ED20];
	_ =	sdelay $0x4  }
0x2c0: {  	[tilespmem:s31+$0x5330] =	vst v1;
	v1 =	vld [tilespmem:$0x1ED30];
	_ =	sdelay $0x4  }
0x2c1: {  	[tilespmem:s31+$0x5380] =	vst v1;
	v1 =	vld [tilespmem:$0x1ED40];
	_ =	sdelay $0x4  }
0x2c2: {  	[tilespmem:s31+$0x5390] =	vst v1;
	v1 =	vld [tilespmem:$0x1ED50];
	_ =	sdelay $0x4  }
0x2c3: {  	[tilespmem:s31+$0x53A0] =	vst v1;
	v1 =	vld [tilespmem:$0x1ED60];
	_ =	sdelay $0x4  }
0x2c4: {  	[tilespmem:s31+$0x53B0] =	vst v1;
	v1 =	vld [tilespmem:$0x1ED70];
	_ =	sdelay $0x4  }
0x2c5: {  	[tilespmem:s31+$0x5400] =	vst v1;
	v1 =	vld [tilespmem:$0x1ED80];
	_ =	sdelay $0x4  }
0x2c6: {  	[tilespmem:s31+$0x5410] =	vst v1;
	v1 =	vld [tilespmem:$0x1ED90];
	_ =	sdelay $0x4  }
0x2c7: {  	[tilespmem:s31+$0x5420] =	vst v1;
	v1 =	vld [tilespmem:$0x1EDA0];
	_ =	sdelay $0x4  }
0x2c8: {  	[tilespmem:s31+$0x5430] =	vst v1;
	v1 =	vld [tilespmem:$0x1EDB0];
	_ =	sdelay $0x4  }
0x2c9: {  	[tilespmem:s31+$0x5480] =	vst v1;
	v1 =	vld [tilespmem:$0x1EDC0];
	_ =	sdelay $0x4  }
0x2ca: {  	[tilespmem:s31+$0x5490] =	vst v1;
	v1 =	vld [tilespmem:$0x1EDD0];
	_ =	sdelay $0x4  }
0x2cb: {  	[tilespmem:s31+$0x54A0] =	vst v1;
	v1 =	vld [tilespmem:$0x1EDE0];
	_ =	sdelay $0x4  }
0x2cc: {  	[tilespmem:s31+$0x54B0] =	vst v1;
	v1 =	vld [tilespmem:$0x1EDF0];
	_ =	sdelay $0x4  }
0x2cd: {  	[tilespmem:s31+$0x5500] =	vst v1;
	v1 =	vld [tilespmem:$0x1EE00];
	_ =	sdelay $0x4  }
0x2ce: {  	[tilespmem:s31+$0x5510] =	vst v1;
	v1 =	vld [tilespmem:$0x1EE10];
	_ =	sdelay $0x4  }
0x2cf: {  	[tilespmem:s31+$0x5520] =	vst v1;
	v1 =	vld [tilespmem:$0x1EE20];
	_ =	sdelay $0x4  }
0x2d0: {  	[tilespmem:s31+$0x5530] =	vst v1;
	v1 =	vld [tilespmem:$0x1EE30];
	_ =	sdelay $0x4  }
0x2d1: {  	[tilespmem:s31+$0x5580] =	vst v1;
	v1 =	vld [tilespmem:$0x1EE40];
	_ =	sdelay $0x4  }
0x2d2: {  	[tilespmem:s31+$0x5590] =	vst v1;
	v1 =	vld [tilespmem:$0x1EE50];
	_ =	sdelay $0x4  }
0x2d3: {  	[tilespmem:s31+$0x55A0] =	vst v1;
	v1 =	vld [tilespmem:$0x1EE60];
	_ =	sdelay $0x4  }
0x2d4: {  	[tilespmem:s31+$0x55B0] =	vst v1;
	v1 =	vld [tilespmem:$0x1EE70];
	_ =	sdelay $0x4  }
0x2d5: {  	[tilespmem:s31+$0x5600] =	vst v1;
	v1 =	vld [tilespmem:$0x1EE80];
	_ =	sdelay $0x4  }
0x2d6: {  	[tilespmem:s31+$0x5610] =	vst v1;
	v1 =	vld [tilespmem:$0x1EE90];
	_ =	sdelay $0x4  }
0x2d7: {  	[tilespmem:s31+$0x5620] =	vst v1;
	v1 =	vld [tilespmem:$0x1EEA0];
	_ =	sdelay $0x4  }
0x2d8: {  	[tilespmem:s31+$0x5630] =	vst v1;
	v1 =	vld [tilespmem:$0x1EEB0];
	_ =	sdelay $0x4  }
0x2d9: {  	[tilespmem:s31+$0x5680] =	vst v1;
	v1 =	vld [tilespmem:$0x1EEC0];
	_ =	sdelay $0x4  }
0x2da: {  	[tilespmem:s31+$0x5690] =	vst v1;
	v1 =	vld [tilespmem:$0x1EED0];
	_ =	sdelay $0x4  }
0x2db: {  	[tilespmem:s31+$0x56A0] =	vst v1;
	v1 =	vld [tilespmem:$0x1EEE0];
	_ =	sdelay $0x4  }
0x2dc: {  	[tilespmem:s31+$0x56B0] =	vst v1;
	v1 =	vld [tilespmem:$0x1EEF0];
	_ =	sdelay $0x4  }
0x2dd: {  	[tilespmem:s31+$0x5700] =	vst v1;
	v1 =	vld [tilespmem:$0x1EF00];
	_ =	sdelay $0x4  }
0x2de: {  	[tilespmem:s31+$0x5710] =	vst v1;
	v1 =	vld [tilespmem:$0x1EF10];
	_ =	sdelay $0x4  }
0x2df: {  	[tilespmem:s31+$0x5720] =	vst v1;
	v1 =	vld [tilespmem:$0x1EF20];
	_ =	sdelay $0x4  }
0x2e0: {  	[tilespmem:s31+$0x5730] =	vst v1;
	v1 =	vld [tilespmem:$0x1EF30];
	_ =	sdelay $0x4  }
0x2e1: {  	[tilespmem:s31+$0x5780] =	vst v1;
	v1 =	vld [tilespmem:$0x1EF40];
	_ =	sdelay $0x4  }
0x2e2: {  	[tilespmem:s31+$0x5790] =	vst v1;
	v1 =	vld [tilespmem:$0x1EF50];
	_ =	sdelay $0x4  }
0x2e3: {  	[tilespmem:s31+$0x57A0] =	vst v1;
	v1 =	vld [tilespmem:$0x1EF60];
	_ =	sdelay $0x4  }
0x2e4: {  	[tilespmem:s31+$0x57B0] =	vst v1;
	v1 =	vld [tilespmem:$0x1EF70];
	_ =	sdelay $0x4  }
0x2e5: {  	[tilespmem:s31+$0x5800] =	vst v1;
	v1 =	vld [tilespmem:$0x1EF80];
	_ =	sdelay $0x4  }
0x2e6: {  	[tilespmem:s31+$0x5810] =	vst v1;
	v1 =	vld [tilespmem:$0x1EF90];
	_ =	sdelay $0x4  }
0x2e7: {  	[tilespmem:s31+$0x5820] =	vst v1;
	v1 =	vld [tilespmem:$0x1EFA0];
	_ =	sdelay $0x4  }
0x2e8: {  	[tilespmem:s31+$0x5830] =	vst v1;
	v1 =	vld [tilespmem:$0x1EFB0];
	_ =	sdelay $0x4  }
0x2e9: {  	[tilespmem:s31+$0x5880] =	vst v1;
	v1 =	vld [tilespmem:$0x1EFC0];
	_ =	sdelay $0x4  }
0x2ea: {  	[tilespmem:s31+$0x5890] =	vst v1;
	v1 =	vld [tilespmem:$0x1EFD0];
	_ =	sdelay $0x4  }
0x2eb: {  	[tilespmem:s31+$0x58A0] =	vst v1;
	v1 =	vld [tilespmem:$0x1EFE0];
	_ =	sdelay $0x4  }
0x2ec: {  	[tilespmem:s31+$0x58B0] =	vst v1;
	v1 =	vld [tilespmem:$0x1EFF0];
	_ =	sdelay $0x4  }
0x2ed: {  	[tilespmem:s31+$0x5900] =	vst v1;
	v1 =	vld [tilespmem:$0x1F000];
	_ =	sdelay $0x4  }
0x2ee: {  	[tilespmem:s31+$0x5910] =	vst v1;
	v1 =	vld [tilespmem:$0x1F010];
	_ =	sdelay $0x4  }
0x2ef: {  	[tilespmem:s31+$0x5920] =	vst v1;
	v1 =	vld [tilespmem:$0x1F020];
	_ =	sdelay $0x4  }
0x2f0: {  	[tilespmem:s31+$0x5930] =	vst v1;
	v1 =	vld [tilespmem:$0x1F030];
	_ =	sdelay $0x4  }
0x2f1: {  	[tilespmem:s31+$0x5980] =	vst v1;
	v1 =	vld [tilespmem:$0x1F040];
	_ =	sdelay $0x4  }
0x2f2: {  	[tilespmem:s31+$0x5990] =	vst v1;
	v1 =	vld [tilespmem:$0x1F050];
	_ =	sdelay $0x4  }
0x2f3: {  	[tilespmem:s31+$0x59A0] =	vst v1;
	v1 =	vld [tilespmem:$0x1F060];
	_ =	sdelay $0x4  }
0x2f4: {  	[tilespmem:s31+$0x59B0] =	vst v1;
	v1 =	vld [tilespmem:$0x1F070];
	_ =	sdelay $0x4  }
0x2f5: {  	[tilespmem:s31+$0x5A00] =	vst v1;
	v1 =	vld [tilespmem:$0x1F080];
	_ =	sdelay $0x4  }
0x2f6: {  	[tilespmem:s31+$0x5A10] =	vst v1;
	v1 =	vld [tilespmem:$0x1F090];
	_ =	sdelay $0x4  }
0x2f7: {  	[tilespmem:s31+$0x5A20] =	vst v1;
	v1 =	vld [tilespmem:$0x1F0A0];
	_ =	sdelay $0x4  }
0x2f8: {  	[tilespmem:s31+$0x5A30] =	vst v1;
	v1 =	vld [tilespmem:$0x1F0B0];
	_ =	sdelay $0x4  }
0x2f9: {  	[tilespmem:s31+$0x5A80] =	vst v1;
	v1 =	vld [tilespmem:$0x1F0C0];
	_ =	sdelay $0x4  }
0x2fa: {  	[tilespmem:s31+$0x5A90] =	vst v1;
	v1 =	vld [tilespmem:$0x1F0D0];
	_ =	sdelay $0x4  }
0x2fb: {  	[tilespmem:s31+$0x5AA0] =	vst v1;
	v1 =	vld [tilespmem:$0x1F0E0];
	_ =	sdelay $0x4  }
0x2fc: {  	[tilespmem:s31+$0x5AB0] =	vst v1;
	v1 =	vld [tilespmem:$0x1F0F0];
	_ =	sdelay $0x4  }
0x2fd: {  	[tilespmem:s31+$0x5B00] =	vst v1;
	v1 =	vld [tilespmem:$0x1F100];
	_ =	sdelay $0x4  }
0x2fe: {  	[tilespmem:s31+$0x5B10] =	vst v1;
	v1 =	vld [tilespmem:$0x1F110];
	_ =	sdelay $0x4  }
0x2ff: {  	[tilespmem:s31+$0x5B20] =	vst v1;
	v1 =	vld [tilespmem:$0x1F120];
	_ =	sdelay $0x4  }
0x300: {  	[tilespmem:s31+$0x5B30] =	vst v1;
	v1 =	vld [tilespmem:$0x1F130];
	_ =	sdelay $0x4  }
0x301: {  	[tilespmem:s31+$0x5B80] =	vst v1;
	v1 =	vld [tilespmem:$0x1F140];
	_ =	sdelay $0x4  }
0x302: {  	[tilespmem:s31+$0x5B90] =	vst v1;
	v1 =	vld [tilespmem:$0x1F150];
	_ =	sdelay $0x4  }
0x303: {  	[tilespmem:s31+$0x5BA0] =	vst v1;
	v1 =	vld [tilespmem:$0x1F160];
	_ =	sdelay $0x4  }
0x304: {  	[tilespmem:s31+$0x5BB0] =	vst v1;
	v1 =	vld [tilespmem:$0x1F170];
	_ =	sdelay $0x4  }
0x305: {  	[tilespmem:s31+$0x5C00] =	vst v1;
	v1 =	vld [tilespmem:$0x1F180];
	_ =	sdelay $0x4  }
0x306: {  	[tilespmem:s31+$0x5C10] =	vst v1;
	v1 =	vld [tilespmem:$0x1F190];
	_ =	sdelay $0x4  }
0x307: {  	[tilespmem:s31+$0x5C20] =	vst v1;
	v1 =	vld [tilespmem:$0x1F1A0];
	_ =	sdelay $0x4  }
0x308: {  	[tilespmem:s31+$0x5C30] =	vst v1;
	v1 =	vld [tilespmem:$0x1F1B0];
	_ =	sdelay $0x4  }
0x309: {  	[tilespmem:s31+$0x5C80] =	vst v1;
	v1 =	vld [tilespmem:$0x1F1C0];
	_ =	sdelay $0x4  }
0x30a: {  	[tilespmem:s31+$0x5C90] =	vst v1;
	v1 =	vld [tilespmem:$0x1F1D0];
	_ =	sdelay $0x4  }
0x30b: {  	[tilespmem:s31+$0x5CA0] =	vst v1;
	v1 =	vld [tilespmem:$0x1F1E0];
	_ =	sdelay $0x4  }
0x30c: {  	[tilespmem:s31+$0x5CB0] =	vst v1;
	v1 =	vld [tilespmem:$0x1F1F0];
	_ =	sdelay $0x4  }
0x30d: {  	[tilespmem:s31+$0x5D00] =	vst v1;
	v1 =	vld [tilespmem:$0x1F200];
	_ =	sdelay $0x4  }
0x30e: {  	[tilespmem:s31+$0x5D10] =	vst v1;
	v1 =	vld [tilespmem:$0x1F210];
	_ =	sdelay $0x4  }
0x30f: {  	[tilespmem:s31+$0x5D20] =	vst v1;
	v1 =	vld [tilespmem:$0x1F220];
	_ =	sdelay $0x4  }
0x310: {  	[tilespmem:s31+$0x5D30] =	vst v1;
	v1 =	vld [tilespmem:$0x1F230];
	_ =	sdelay $0x4  }
0x311: {  	[tilespmem:s31+$0x5D80] =	vst v1;
	v1 =	vld [tilespmem:$0x1F240];
	_ =	sdelay $0x4  }
0x312: {  	[tilespmem:s31+$0x5D90] =	vst v1;
	v1 =	vld [tilespmem:$0x1F250];
	_ =	sdelay $0x4  }
0x313: {  	[tilespmem:s31+$0x5DA0] =	vst v1;
	v1 =	vld [tilespmem:$0x1F260];
	_ =	sdelay $0x4  }
0x314: {  	[tilespmem:s31+$0x5DB0] =	vst v1;
	v1 =	vld [tilespmem:$0x1F270];
	_ =	sdelay $0x4  }
0x315: {  	[tilespmem:s31+$0x5E00] =	vst v1  }
0x316: {  	[tilespmem:s31+$0x80B0] =	vst v0;
	v0 =	vld [tilespmem:$0x1F4F0];
	_ =	sdelay $0x4  }
0x317: {  	[tilespmem:s31+$0x80A0] =	vst v0;
	v0 =	vld [tilespmem:$0x1F500];
	_ =	sdelay $0x4  }
0x318: {  	[tilespmem:s31+$0x8090] =	vst v0;
	v0 =	vld [tilespmem:$0x1F510];
	_ =	sdelay $0x4  }
0x319: {  	[tilespmem:s31+$0x8080] =	vst v0;
	v0 =	vld [tilespmem:$0x1F520];
	_ =	sdelay $0x4  }
0x31a: {  	[tilespmem:s31+$0x8030] =	vst v0;
	v0 =	vld [tilespmem:$0x1F530];
	_ =	sdelay $0x4  }
0x31b: {  	[tilespmem:s31+$0x8020] =	vst v0;
	v0 =	vld [tilespmem:$0x1F540];
	_ =	sdelay $0x4  }
0x31c: {  	[tilespmem:s31+$0x8010] =	vst v0;
	v0 =	vld [tilespmem:$0x1F550];
	_ =	sdelay $0x4  }
0x31d: {  	[tilespmem:s31+$0x8000] =	vst v0;
	v0 =	vld [tilespmem:$0x1F560];
	_ =	sdelay $0x4  }
0x31e: {  	[tilespmem:s31+$0x7FB0] =	vst v0;
	v0 =	vld [tilespmem:$0x1F570];
	_ =	sdelay $0x4  }
0x31f: {  	[tilespmem:s31+$0x7FA0] =	vst v0;
	v0 =	vld [tilespmem:$0x1F580];
	_ =	sdelay $0x4  }
0x320: {  	[tilespmem:s31+$0x7F90] =	vst v0;
	v0 =	vld [tilespmem:$0x1F590];
	_ =	sdelay $0x4  }
0x321: {  	[tilespmem:s31+$0x7F80] =	vst v0;
	v0 =	vld [tilespmem:$0x1F5A0];
	_ =	sdelay $0x4  }
0x322: {  	[tilespmem:s31+$0x7F30] =	vst v0;
	v0 =	vld [tilespmem:$0x1F5B0];
	_ =	sdelay $0x4  }
0x323: {  	[tilespmem:s31+$0x7F20] =	vst v0;
	v0 =	vld [tilespmem:$0x1F5C0];
	_ =	sdelay $0x4  }
0x324: {  	[tilespmem:s31+$0x7F10] =	vst v0;
	v0 =	vld [tilespmem:$0x1F5D0];
	_ =	sdelay $0x4  }
0x325: {  	[tilespmem:s31+$0x7F00] =	vst v0;
	v0 =	vld [tilespmem:$0x1F5E0];
	_ =	sdelay $0x4  }
0x326: {  	[tilespmem:s31+$0x7EB0] =	vst v0;
	v0 =	vld [tilespmem:$0x1F5F0];
	_ =	sdelay $0x4  }
0x327: {  	[tilespmem:s31+$0x7EA0] =	vst v0;
	v0 =	vld [tilespmem:$0x1F600];
	_ =	sdelay $0x4  }
0x328: {  	[tilespmem:s31+$0x7E90] =	vst v0;
	v0 =	vld [tilespmem:$0x1F610];
	_ =	sdelay $0x4  }
0x329: {  	[tilespmem:s31+$0x7E80] =	vst v0;
	v0 =	vld [tilespmem:$0x1F620];
	_ =	sdelay $0x4  }
0x32a: {  	[tilespmem:s31+$0x7E30] =	vst v0;
	v0 =	vld [tilespmem:$0x1F630];
	_ =	sdelay $0x4  }
0x32b: {  	[tilespmem:s31+$0x7E20] =	vst v0;
	v0 =	vld [tilespmem:$0x1F640];
	_ =	sdelay $0x4  }
0x32c: {  	[tilespmem:s31+$0x7E10] =	vst v0;
	v0 =	vld [tilespmem:$0x1F650];
	_ =	sdelay $0x4  }
0x32d: {  	[tilespmem:s31+$0x7E00] =	vst v0;
	v0 =	vld [tilespmem:$0x1F660];
	_ =	sdelay $0x4  }
0x32e: {  	[tilespmem:s31+$0x7DB0] =	vst v0;
	v0 =	vld [tilespmem:$0x1F670];
	_ =	sdelay $0x4  }
0x32f: {  	[tilespmem:s31+$0x7DA0] =	vst v0;
	v0 =	vld [tilespmem:$0x1F680];
	_ =	sdelay $0x4  }
0x330: {  	[tilespmem:s31+$0x7D90] =	vst v0;
	v0 =	vld [tilespmem:$0x1F690];
	_ =	sdelay $0x4  }
0x331: {  	[tilespmem:s31+$0x7D80] =	vst v0;
	v0 =	vld [tilespmem:$0x1F6A0];
	_ =	sdelay $0x4  }
0x332: {  	[tilespmem:s31+$0x7D30] =	vst v0;
	v0 =	vld [tilespmem:$0x1F6B0];
	_ =	sdelay $0x4  }
0x333: {  	[tilespmem:s31+$0x7D20] =	vst v0;
	v0 =	vld [tilespmem:$0x1F6C0];
	_ =	sdelay $0x4  }
0x334: {  	[tilespmem:s31+$0x7D10] =	vst v0;
	v0 =	vld [tilespmem:$0x1F6D0];
	_ =	sdelay $0x4  }
0x335: {  	[tilespmem:s31+$0x7D00] =	vst v0;
	v0 =	vld [tilespmem:$0x1F6E0];
	_ =	sdelay $0x4  }
0x336: {  	[tilespmem:s31+$0x7CB0] =	vst v0;
	v0 =	vld [tilespmem:$0x1F6F0];
	_ =	sdelay $0x4  }
0x337: {  	[tilespmem:s31+$0x7CA0] =	vst v0;
	v0 =	vld [tilespmem:$0x1F700];
	_ =	sdelay $0x4  }
0x338: {  	[tilespmem:s31+$0x7C90] =	vst v0;
	v0 =	vld [tilespmem:$0x1F710];
	_ =	sdelay $0x4  }
0x339: {  	[tilespmem:s31+$0x7C80] =	vst v0;
	v0 =	vld [tilespmem:$0x1F720];
	_ =	sdelay $0x4  }
0x33a: {  	[tilespmem:s31+$0x7C30] =	vst v0;
	v0 =	vld [tilespmem:$0x1F730];
	_ =	sdelay $0x4  }
0x33b: {  	[tilespmem:s31+$0x7C20] =	vst v0;
	v0 =	vld [tilespmem:$0x1F740];
	_ =	sdelay $0x4  }
0x33c: {  	[tilespmem:s31+$0x7C10] =	vst v0;
	v0 =	vld [tilespmem:$0x1F750];
	_ =	sdelay $0x4  }
0x33d: {  	[tilespmem:s31+$0x7C00] =	vst v0;
	v0 =	vld [tilespmem:$0x1F760];
	_ =	sdelay $0x4  }
0x33e: {  	[tilespmem:s31+$0x7BB0] =	vst v0;
	v0 =	vld [tilespmem:$0x1F770];
	_ =	sdelay $0x4  }
0x33f: {  	[tilespmem:s31+$0x7BA0] =	vst v0;
	v0 =	vld [tilespmem:$0x1F780];
	_ =	sdelay $0x4  }
0x340: {  	[tilespmem:s31+$0x7B90] =	vst v0;
	v0 =	vld [tilespmem:$0x1F790];
	_ =	sdelay $0x4  }
0x341: {  	[tilespmem:s31+$0x7B80] =	vst v0;
	v0 =	vld [tilespmem:$0x1F7A0];
	_ =	sdelay $0x4  }
0x342: {  	[tilespmem:s31+$0x7B30] =	vst v0;
	v0 =	vld [tilespmem:$0x1F7B0];
	_ =	sdelay $0x4  }
0x343: {  	[tilespmem:s31+$0x7B20] =	vst v0;
	v0 =	vld [tilespmem:$0x1F7C0];
	_ =	sdelay $0x4  }
0x344: {  	[tilespmem:s31+$0x7B10] =	vst v0;
	v0 =	vld [tilespmem:$0x1F7D0];
	_ =	sdelay $0x4  }
0x345: {  	[tilespmem:s31+$0x7B00] =	vst v0;
	v0 =	vld [tilespmem:$0x1F7E0];
	_ =	sdelay $0x4  }
0x346: {  	[tilespmem:s31+$0x7AB0] =	vst v0;
	v0 =	vld [tilespmem:$0x1F7F0];
	_ =	sdelay $0x4  }
0x347: {  	[tilespmem:s31+$0x7AA0] =	vst v0;
	v0 =	vld [tilespmem:$0x1F800];
	_ =	sdelay $0x4  }
0x348: {  	[tilespmem:s31+$0x7A90] =	vst v0;
	v0 =	vld [tilespmem:$0x1F810];
	_ =	sdelay $0x4  }
0x349: {  	[tilespmem:s31+$0x7A80] =	vst v0;
	v0 =	vld [tilespmem:$0x1F820];
	_ =	sdelay $0x4  }
0x34a: {  	[tilespmem:s31+$0x7A30] =	vst v0;
	v0 =	vld [tilespmem:$0x1F830];
	_ =	sdelay $0x4  }
0x34b: {  	[tilespmem:s31+$0x7A20] =	vst v0;
	v0 =	vld [tilespmem:$0x1F840];
	_ =	sdelay $0x4  }
0x34c: {  	[tilespmem:s31+$0x7A10] =	vst v0;
	v0 =	vld [tilespmem:$0x1F850];
	_ =	sdelay $0x4  }
0x34d: {  	[tilespmem:s31+$0x7A00] =	vst v0;
	v0 =	vld [tilespmem:$0x1F860];
	_ =	sdelay $0x4  }
0x34e: {  	[tilespmem:s31+$0x79B0] =	vst v0;
	v0 =	vld [tilespmem:$0x1F870];
	_ =	sdelay $0x4  }
0x34f: {  	[tilespmem:s31+$0x79A0] =	vst v0;
	v0 =	vld [tilespmem:$0x1F880];
	_ =	sdelay $0x4  }
0x350: {  	[tilespmem:s31+$0x7990] =	vst v0;
	v0 =	vld [tilespmem:$0x1F890];
	_ =	sdelay $0x4  }
0x351: {  	[tilespmem:s31+$0x7980] =	vst v0;
	v0 =	vld [tilespmem:$0x1F8A0];
	_ =	sdelay $0x4  }
0x352: {  	[tilespmem:s31+$0x7930] =	vst v0;
	v0 =	vld [tilespmem:$0x1F8B0];
	_ =	sdelay $0x4  }
0x353: {  	[tilespmem:s31+$0x7920] =	vst v0;
	v0 =	vld [tilespmem:$0x1F8C0];
	_ =	sdelay $0x4  }
0x354: {  	[tilespmem:s31+$0x7910] =	vst v0;
	v0 =	vld [tilespmem:$0x1F8D0];
	_ =	sdelay $0x4  }
0x355: {  	[tilespmem:s31+$0x7900] =	vst v0;
	v0 =	vld [tilespmem:$0x1F8E0];
	_ =	sdelay $0x4  }
0x356: {  	[tilespmem:s31+$0x78B0] =	vst v0;
	v0 =	vld [tilespmem:$0x1F8F0];
	_ =	sdelay $0x4  }
0x357: {  	[tilespmem:s31+$0x78A0] =	vst v0;
	v0 =	vld [tilespmem:$0x1F900];
	_ =	sdelay $0x4  }
0x358: {  	[tilespmem:s31+$0x7890] =	vst v0;
	v0 =	vld [tilespmem:$0x1F910];
	_ =	sdelay $0x4  }
0x359: {  	[tilespmem:s31+$0x7880] =	vst v0;
	v0 =	vld [tilespmem:$0x1F920];
	_ =	sdelay $0x4  }
0x35a: {  	[tilespmem:s31+$0x7830] =	vst v0;
	v0 =	vld [tilespmem:$0x1F930];
	_ =	sdelay $0x4  }
0x35b: {  	[tilespmem:s31+$0x7820] =	vst v0;
	v0 =	vld [tilespmem:$0x1F940];
	_ =	sdelay $0x4  }
0x35c: {  	[tilespmem:s31+$0x7810] =	vst v0;
	v0 =	vld [tilespmem:$0x1F950];
	_ =	sdelay $0x4  }
0x35d: {  	[tilespmem:s31+$0x7800] =	vst v0;
	v0 =	vld [tilespmem:$0x1F960];
	_ =	sdelay $0x4  }
0x35e: {  	[tilespmem:s31+$0x77B0] =	vst v0;
	v0 =	vld [tilespmem:$0x1F970];
	_ =	sdelay $0x4  }
0x35f: {  	[tilespmem:s31+$0x77A0] =	vst v0;
	v0 =	vld [tilespmem:$0x1F980];
	_ =	sdelay $0x4  }
0x360: {  	[tilespmem:s31+$0x7790] =	vst v0;
	v0 =	vld [tilespmem:$0x1F990];
	_ =	sdelay $0x4  }
0x361: {  	[tilespmem:s31+$0x7780] =	vst v0;
	v0 =	vld [tilespmem:$0x1F9A0];
	_ =	sdelay $0x4  }
0x362: {  	[tilespmem:s31+$0x7730] =	vst v0;
	v0 =	vld [tilespmem:$0x1F9B0];
	_ =	sdelay $0x4  }
0x363: {  	[tilespmem:s31+$0x7720] =	vst v0;
	v0 =	vld [tilespmem:$0x1F9C0];
	_ =	sdelay $0x4  }
0x364: {  	[tilespmem:s31+$0x7710] =	vst v0;
	v0 =	vld [tilespmem:$0x1F9D0];
	_ =	sdelay $0x4  }
0x365: {  	[tilespmem:s31+$0x7700] =	vst v0;
	v0 =	vld [tilespmem:$0x1F9E0];
	_ =	sdelay $0x4  }
0x366: {  	[tilespmem:s31+$0x76B0] =	vst v0;
	v0 =	vld [tilespmem:$0x1F9F0];
	_ =	sdelay $0x4  }
0x367: {  	[tilespmem:s31+$0x76A0] =	vst v0;
	v0 =	vld [tilespmem:$0x1FA00];
	_ =	sdelay $0x4  }
0x368: {  	[tilespmem:s31+$0x7690] =	vst v0;
	v0 =	vld [tilespmem:$0x1FA10];
	_ =	sdelay $0x4  }
0x369: {  	[tilespmem:s31+$0x7680] =	vst v0;
	v0 =	vld [tilespmem:$0x1FA20];
	_ =	sdelay $0x4  }
0x36a: {  	[tilespmem:s31+$0x7630] =	vst v0;
	v0 =	vld [tilespmem:$0x1FA30];
	_ =	sdelay $0x4  }
0x36b: {  	[tilespmem:s31+$0x7620] =	vst v0;
	v0 =	vld [tilespmem:$0x1FA40];
	_ =	sdelay $0x4  }
0x36c: {  	[tilespmem:s31+$0x7610] =	vst v0;
	v0 =	vld [tilespmem:$0x1FA50];
	_ =	sdelay $0x4  }
0x36d: {  	[tilespmem:s31+$0x7600] =	vst v0;
	v0 =	vld [tilespmem:$0x1FA60];
	_ =	sdelay $0x4  }
0x36e: {  	[tilespmem:s31+$0x75B0] =	vst v0;
	v0 =	vld [tilespmem:$0x1FA70];
	_ =	sdelay $0x3  }
0x36f: {  	v1 =	vld [tilespmem:$0x1F280]  }
0x370: {  	[tilespmem:s31+$0x75A0] =	vst v0;
	v0 =	vld [tilespmem:$0x1FA80];
	_ =	sdelay $0x3  }
0x371: {  	[tilespmem:s31+$0x5E10] =	vst v1;
	v1 =	vld [tilespmem:$0x1F290]  }
0x372: {  	[tilespmem:s31+$0x7590] =	vst v0;
	v0 =	vld [tilespmem:$0x1FA90];
	_ =	sdelay $0x3  }
0x373: {  	[tilespmem:s31+$0x5E20] =	vst v1;
	v1 =	vld [tilespmem:$0x1F2A0]  }
0x374: {  	[tilespmem:s31+$0x7580] =	vst v0;
	v0 =	vld [tilespmem:$0x1FAA0];
	_ =	sdelay $0x3  }
0x375: {  	[tilespmem:s31+$0x5E30] =	vst v1;
	v1 =	vld [tilespmem:$0x1F2B0]  }
0x376: {  	[tilespmem:s31+$0x7530] =	vst v0;
	v0 =	vld [tilespmem:$0x1FAB0];
	_ =	sdelay $0x3  }
0x377: {  	[tilespmem:s31+$0x5E80] =	vst v1;
	v1 =	vld [tilespmem:$0x1F2C0]  }
0x378: {  	[tilespmem:s31+$0x7520] =	vst v0;
	v0 =	vld [tilespmem:$0x1FAC0];
	_ =	sdelay $0x3  }
0x379: {  	[tilespmem:s31+$0x5E90] =	vst v1;
	v1 =	vld [tilespmem:$0x1F2D0]  }
0x37a: {  	[tilespmem:s31+$0x7510] =	vst v0;
	v0 =	vld [tilespmem:$0x1FAD0];
	_ =	sdelay $0x3  }
0x37b: {  	[tilespmem:s31+$0x5EA0] =	vst v1;
	v1 =	vld [tilespmem:$0x1F2E0]  }
0x37c: {  	[tilespmem:s31+$0x7500] =	vst v0;
	v0 =	vld [tilespmem:$0x1FAE0];
	_ =	sdelay $0x3  }
0x37d: {  	[tilespmem:s31+$0x5EB0] =	vst v1;
	v1 =	vld [tilespmem:$0x1F2F0]  }
0x37e: {  	[tilespmem:s31+$0x74B0] =	vst v0;
	v0 =	vld [tilespmem:$0x1FAF0];
	_ =	sdelay $0x3  }
0x37f: {  	[tilespmem:s31+$0x5F00] =	vst v1;
	v1 =	vld [tilespmem:$0x1F300]  }
0x380: {  	[tilespmem:s31+$0x74A0] =	vst v0;
	v0 =	vld [tilespmem:$0x1FB00];
	_ =	sdelay $0x3  }
0x381: {  	[tilespmem:s31+$0x5F10] =	vst v1;
	v1 =	vld [tilespmem:$0x1F310]  }
0x382: {  	[tilespmem:s31+$0x7490] =	vst v0;
	v0 =	vld [tilespmem:$0x1FB10];
	_ =	sdelay $0x3  }
0x383: {  	[tilespmem:s31+$0x5F20] =	vst v1;
	v1 =	vld [tilespmem:$0x1F320]  }
0x384: {  	[tilespmem:s31+$0x7480] =	vst v0;
	v0 =	vld [tilespmem:$0x1FB20];
	_ =	sdelay $0x3  }
0x385: {  	[tilespmem:s31+$0x5F30] =	vst v1;
	v1 =	vld [tilespmem:$0x1F330]  }
0x386: {  	[tilespmem:s31+$0x7430] =	vst v0;
	v0 =	vld [tilespmem:$0x1FB30];
	_ =	sdelay $0x3  }
0x387: {  	[tilespmem:s31+$0x5F80] =	vst v1;
	v1 =	vld [tilespmem:$0x1F340]  }
0x388: {  	[tilespmem:s31+$0x7420] =	vst v0;
	v0 =	vld [tilespmem:$0x1FB40];
	_ =	sdelay $0x3  }
0x389: {  	[tilespmem:s31+$0x5F90] =	vst v1;
	v1 =	vld [tilespmem:$0x1F350]  }
0x38a: {  	[tilespmem:s31+$0x7410] =	vst v0;
	v0 =	vld [tilespmem:$0x1FB50];
	_ =	sdelay $0x3  }
0x38b: {  	[tilespmem:s31+$0x5FA0] =	vst v1;
	v1 =	vld [tilespmem:$0x1F360]  }
0x38c: {  	[tilespmem:s31+$0x7400] =	vst v0;
	v0 =	vld [tilespmem:$0x1FB60];
	_ =	sdelay $0x3  }
0x38d: {  	[tilespmem:s31+$0x5FB0] =	vst v1;
	v1 =	vld [tilespmem:$0x1F370]  }
0x38e: {  	[tilespmem:s31+$0x73B0] =	vst v0;
	v0 =	vld [tilespmem:$0x1FB70];
	_ =	sdelay $0x3  }
0x38f: {  	[tilespmem:s31+$0x6000] =	vst v1;
	v1 =	vld [tilespmem:$0x1F380]  }
0x390: {  	[tilespmem:s31+$0x73A0] =	vst v0;
	v0 =	vld [tilespmem:$0x1FB80];
	_ =	sdelay $0x3  }
0x391: {  	[tilespmem:s31+$0x6010] =	vst v1;
	v1 =	vld [tilespmem:$0x1F390]  }
0x392: {  	[tilespmem:s31+$0x7390] =	vst v0;
	v0 =	vld [tilespmem:$0x1FB90];
	_ =	sdelay $0x3  }
0x393: {  	[tilespmem:s31+$0x6020] =	vst v1;
	v1 =	vld [tilespmem:$0x1F3A0]  }
0x394: {  	[tilespmem:s31+$0x7380] =	vst v0;
	v0 =	vld [tilespmem:$0x1FBA0];
	_ =	sdelay $0x3  }
0x395: {  	[tilespmem:s31+$0x6030] =	vst v1;
	v1 =	vld [tilespmem:$0x1F3B0]  }
0x396: {  	[tilespmem:s31+$0x7330] =	vst v0;
	v0 =	vld [tilespmem:$0x1FBB0];
	_ =	sdelay $0x3  }
0x397: {  	[tilespmem:s31+$0x6080] =	vst v1;
	v1 =	vld [tilespmem:$0x1F3C0]  }
0x398: {  	[tilespmem:s31+$0x7320] =	vst v0;
	v0 =	vld [tilespmem:$0x1FBC0];
	_ =	sdelay $0x3  }
0x399: {  	[tilespmem:s31+$0x6090] =	vst v1;
	v1 =	vld [tilespmem:$0x1F3D0]  }
0x39a: {  	[tilespmem:s31+$0x7310] =	vst v0;
	v0 =	vld [tilespmem:$0x1FBD0];
	_ =	sdelay $0x3  }
0x39b: {  	[tilespmem:s31+$0x60A0] =	vst v1;
	v1 =	vld [tilespmem:$0x1F3E0]  }
0x39c: {  	[tilespmem:s31+$0x7300] =	vst v0;
	v0 =	vld [tilespmem:$0x1FBE0];
	_ =	sdelay $0x3  }
0x39d: {  	[tilespmem:s31+$0x60B0] =	vst v1;
	v1 =	vld [tilespmem:$0x1F3F0]  }
0x39e: {  	[tilespmem:s31+$0x72B0] =	vst v0;
	v0 =	vld [tilespmem:$0x1FBF0];
	_ =	sdelay $0x3  }
0x39f: {  	[tilespmem:s31+$0x6100] =	vst v1;
	v1 =	vld [tilespmem:$0x1F400]  }
0x3a0: {  	[tilespmem:s31+$0x72A0] =	vst v0;
	v0 =	vld [tilespmem:$0x1FC00];
	_ =	sdelay $0x3  }
0x3a1: {  	[tilespmem:s31+$0x6110] =	vst v1;
	v1 =	vld [tilespmem:$0x1F410]  }
0x3a2: {  	[tilespmem:s31+$0x7290] =	vst v0;
	v0 =	vld [tilespmem:$0x1FC10];
	_ =	sdelay $0x3  }
0x3a3: {  	[tilespmem:s31+$0x6120] =	vst v1;
	v1 =	vld [tilespmem:$0x1F420]  }
0x3a4: {  	[tilespmem:s31+$0x7280] =	vst v0;
	v0 =	vld [tilespmem:$0x1FC20];
	_ =	sdelay $0x3  }
0x3a5: {  	[tilespmem:s31+$0x6130] =	vst v1;
	v1 =	vld [tilespmem:$0x1F430]  }
0x3a6: {  	[tilespmem:s31+$0x7230] =	vst v0;
	v0 =	vld [tilespmem:$0x1FC30];
	_ =	sdelay $0x3  }
0x3a7: {  	[tilespmem:s31+$0x6180] =	vst v1;
	v1 =	vld [tilespmem:$0x1F440]  }
0x3a8: {  	[tilespmem:s31+$0x7220] =	vst v0;
	v0 =	vld [tilespmem:$0x1FC40];
	_ =	sdelay $0x3  }
0x3a9: {  	[tilespmem:s31+$0x6190] =	vst v1;
	v1 =	vld [tilespmem:$0x1F450]  }
0x3aa: {  	[tilespmem:s31+$0x7210] =	vst v0;
	v0 =	vld [tilespmem:$0x1FC50];
	_ =	sdelay $0x3  }
0x3ab: {  	[tilespmem:s31+$0x61A0] =	vst v1;
	v1 =	vld [tilespmem:$0x1F460]  }
0x3ac: {  	[tilespmem:s31+$0x7200] =	vst v0;
	v0 =	vld [tilespmem:$0x1FC60];
	_ =	sdelay $0x3  }
0x3ad: {  	[tilespmem:s31+$0x61B0] =	vst v1;
	v1 =	vld [tilespmem:$0x1F470]  }
0x3ae: {  	[tilespmem:s31+$0x71B0] =	vst v0;
	v0 =	vld [tilespmem:$0x1FC70];
	_ =	sdelay $0x3  }
0x3af: {  	[tilespmem:s31+$0x6200] =	vst v1;
	v1 =	vld [tilespmem:$0x1F480]  }
0x3b0: {  	[tilespmem:s31+$0x71A0] =	vst v0;
	v0 =	vld [tilespmem:$0x1FC80];
	_ =	sdelay $0x3  }
0x3b1: {  	[tilespmem:s31+$0x6210] =	vst v1;
	v1 =	vld [tilespmem:$0x1F490]  }
0x3b2: {  	[tilespmem:s31+$0x7190] =	vst v0;
	v0 =	vld [tilespmem:$0x1FC90];
	_ =	sdelay $0x3  }
0x3b3: {  	[tilespmem:s31+$0x6220] =	vst v1;
	v1 =	vld [tilespmem:$0x1F4A0]  }
0x3b4: {  	[tilespmem:s31+$0x7180] =	vst v0;
	v0 =	vld [tilespmem:$0x1FCA0];
	_ =	sdelay $0x3  }
0x3b5: {  	[tilespmem:s31+$0x6230] =	vst v1;
	v1 =	vld [tilespmem:$0x1F4B0]  }
0x3b6: {  	[tilespmem:s31+$0x7130] =	vst v0;
	v0 =	vld [tilespmem:$0x1FCB0];
	_ =	sdelay $0x3  }
0x3b7: {  	[tilespmem:s31+$0x6280] =	vst v1;
	v1 =	vld [tilespmem:$0x1F4C0]  }
0x3b8: {  	[tilespmem:s31+$0x7120] =	vst v0;
	v0 =	vld [tilespmem:$0x1FCC0];
	_ =	sdelay $0x3  }
0x3b9: {  	[tilespmem:s31+$0x6290] =	vst v1;
	v1 =	vld [tilespmem:$0x1F4D0]  }
0x3ba: {  	[tilespmem:s31+$0x7110] =	vst v0;
	v0 =	vld [tilespmem:$0x1FCD0];
	_ =	sdelay $0x3  }
0x3bb: {  	[tilespmem:s31+$0x62A0] =	vst v1;
	v1 =	vld [tilespmem:$0x1F4E0]  }
0x3bc: {  	[tilespmem:s31+$0x7100] =	vst v0;
	v0 =	vld [tilespmem:$0x1FCE0];
	_ =	sdelay $0x3  }
0x3bd: {  	[tilespmem:s31+$0x62B0] =	vst v1  }
0x3be: {  	[tilespmem:s31+$0x70B0] =	vst v0;
	v0 =	vld [tilespmem:$0x1FCF0];
	_ =	sdelay $0x4  }
0x3bf: {  	[tilespmem:s31+$0x70A0] =	vst v0;
	v0 =	vld [tilespmem:$0x1FD00];
	_ =	sdelay $0x4  }
0x3c0: {  	[tilespmem:s31+$0x7090] =	vst v0;
	v0 =	vld [tilespmem:$0x1FD10];
	_ =	sdelay $0x4  }
0x3c1: {  	[tilespmem:s31+$0x7080] =	vst v0;
	v0 =	vld [tilespmem:$0x1FD20];
	_ =	sdelay $0x4  }
0x3c2: {  	[tilespmem:s31+$0x7030] =	vst v0;
	v0 =	vld [tilespmem:$0x1FD30];
	_ =	sdelay $0x4  }
0x3c3: {  	[tilespmem:s31+$0x7020] =	vst v0;
	v0 =	vld [tilespmem:$0x1FD40];
	_ =	sdelay $0x4  }
0x3c4: {  	[tilespmem:s31+$0x7010] =	vst v0;
	v0 =	vld [tilespmem:$0x1FD50];
	_ =	sdelay $0x4  }
0x3c5: {  	[tilespmem:s31+$0x7000] =	vst v0;
	v0 =	vld [tilespmem:$0x1FD60];
	_ =	sdelay $0x4  }
0x3c6: {  	[tilespmem:s31+$0x6FB0] =	vst v0;
	v0 =	vld [tilespmem:$0x1FD70];
	_ =	sdelay $0x4  }
0x3c7: {  	[tilespmem:s31+$0x6FA0] =	vst v0;
	v0 =	vld [tilespmem:$0x1FD80];
	_ =	sdelay $0x4  }
0x3c8: {  	[tilespmem:s31+$0x6F90] =	vst v0;
	v0 =	vld [tilespmem:$0x1FD90];
	_ =	sdelay $0x4  }
0x3c9: {  	[tilespmem:s31+$0x6F80] =	vst v0;
	v0 =	vld [tilespmem:$0x1FDA0];
	_ =	sdelay $0x4  }
0x3ca: {  	[tilespmem:s31+$0x6F30] =	vst v0;
	v0 =	vld [tilespmem:$0x1FDB0];
	_ =	sdelay $0x4  }
0x3cb: {  	[tilespmem:s31+$0x6F20] =	vst v0;
	v0 =	vld [tilespmem:$0x1FDC0];
	_ =	sdelay $0x4  }
0x3cc: {  	[tilespmem:s31+$0x6F10] =	vst v0;
	v0 =	vld [tilespmem:$0x1FDD0];
	_ =	sdelay $0x4  }
0x3cd: {  	[tilespmem:s31+$0x6F00] =	vst v0;
	v0 =	vld [tilespmem:$0x1FDE0];
	_ =	sdelay $0x4  }
0x3ce: {  	[tilespmem:s31+$0x6EB0] =	vst v0;
	v0 =	vld [tilespmem:$0x1FDF0]  }
0x3cf: {  	[tilespmem:s31+$0x6C30] =	vst v63  }
0x3d0: {  	[tilespmem:s31+$0x6C20] =	vst v62  }
0x3d1: {  	[tilespmem:s31+$0x6C10] =	vst v61  }
0x3d2: {  	[tilespmem:s31+$0x6C00] =	vst v60  }
0x3d3: {  	[tilespmem:s31+$0x6EA0] =	vst v0;
	v0 =	vld [tilespmem:$0x1FE00]  }
0x3d4: {  	[tilespmem:s31+$0x6BB0] =	vst v59  }
0x3d5: {  	[tilespmem:s31+$0x6BA0] =	vst v58  }
0x3d6: {  	[tilespmem:s31+$0x6B90] =	vst v57  }
0x3d7: {  	[tilespmem:s31+$0x6B80] =	vst v56  }
0x3d8: {  	[tilespmem:s31+$0x6E90] =	vst v0;
	v0 =	vld [tilespmem:$0x1FE10]  }
0x3d9: {  	[tilespmem:s31+$0x6B30] =	vst v55  }
0x3da: {  	[tilespmem:s31+$0x6B20] =	vst v54  }
0x3db: {  	[tilespmem:s31+$0x6B10] =	vst v53  }
0x3dc: {  	[tilespmem:s31+$0x6B00] =	vst v52  }
0x3dd: {  	[tilespmem:s31+$0x6E80] =	vst v0;
	v0 =	vld [tilespmem:$0x1FE20]  }
0x3de: {  	[tilespmem:s31+$0x6AB0] =	vst v51  }
0x3df: {  	[tilespmem:s31+$0x6AA0] =	vst v50  }
0x3e0: {  	[tilespmem:s31+$0x6A90] =	vst v49  }
0x3e1: {  	[tilespmem:s31+$0x6A80] =	vst v48  }
0x3e2: {  	[tilespmem:s31+$0x6E30] =	vst v0;
	v0 =	vld [tilespmem:$0x1FE30]  }
0x3e3: {  	[tilespmem:s31+$0x6A30] =	vst v47  }
0x3e4: {  	[tilespmem:s31+$0x6A20] =	vst v46  }
0x3e5: {  	[tilespmem:s31+$0x6A10] =	vst v45  }
0x3e6: {  	[tilespmem:s31+$0x6A00] =	vst v44  }
0x3e7: {  	[tilespmem:s31+$0x6E20] =	vst v0;
	v0 =	vld [tilespmem:$0x1FE40]  }
0x3e8: {  	[tilespmem:s31+$0x69B0] =	vst v43  }
0x3e9: {  	[tilespmem:s31+$0x69A0] =	vst v42  }
0x3ea: {  	[tilespmem:s31+$0x6990] =	vst v41  }
0x3eb: {  	[tilespmem:s31+$0x6980] =	vst v40  }
0x3ec: {  	[tilespmem:s31+$0x6E10] =	vst v0;
	v0 =	vld [tilespmem:$0x1FE50]  }
0x3ed: {  	[tilespmem:s31+$0x6930] =	vst v39  }
0x3ee: {  	[tilespmem:s31+$0x6920] =	vst v38  }
0x3ef: {  	[tilespmem:s31+$0x6910] =	vst v37  }
0x3f0: {  	[tilespmem:s31+$0x6900] =	vst v36  }
0x3f1: {  	[tilespmem:s31+$0x6E00] =	vst v0;
	v0 =	vld [tilespmem:$0x1FE60]  }
0x3f2: {  	[tilespmem:s31+$0x68B0] =	vst v35  }
0x3f3: {  	[tilespmem:s31+$0x68A0] =	vst v34  }
0x3f4: {  	[tilespmem:s31+$0x6890] =	vst v33  }
0x3f5: {  	[tilespmem:s31+$0x6880] =	vst v32  }
0x3f6: {  	[tilespmem:s31+$0x6DB0] =	vst v0;
	v0 =	vld [tilespmem:$0x1FE70]  }
0x3f7: {  	[tilespmem:s31+$0x6830] =	vst v31  }
0x3f8: {  	[tilespmem:s31+$0x6820] =	vst v30  }
0x3f9: {  	[tilespmem:s31+$0x6810] =	vst v29  }
0x3fa: {  	[tilespmem:s31+$0x6800] =	vst v28  }
0x3fb: {  	[tilespmem:s31+$0x6DA0] =	vst v0;
	v0 =	vld [tilespmem:$0x1FE80]  }
0x3fc: {  	[tilespmem:s31+$0x67B0] =	vst v27  }
0x3fd: {  	[tilespmem:s31+$0x67A0] =	vst v26  }
0x3fe: {  	[tilespmem:s31+$0x6790] =	vst v25  }
0x3ff: {  	[tilespmem:s31+$0x6780] =	vst v24  }
0x400: {  	[tilespmem:s31+$0x6D90] =	vst v0;
	v0 =	vld [tilespmem:$0x1FE90]  }
0x401: {  	[tilespmem:s31+$0x6730] =	vst v23  }
0x402: {  	[tilespmem:s31+$0x6720] =	vst v22  }
0x403: {  	[tilespmem:s31+$0x6710] =	vst v21  }
0x404: {  	[tilespmem:s31+$0x6700] =	vst v20  }
0x405: {  	[tilespmem:s31+$0x6D80] =	vst v0;
	v0 =	vld [tilespmem:$0x1FEA0]  }
0x406: {  	[tilespmem:s31+$0x66B0] =	vst v19  }
0x407: {  	[tilespmem:s31+$0x66A0] =	vst v18  }
0x408: {  	[tilespmem:s31+$0x6690] =	vst v17  }
0x409: {  	[tilespmem:s31+$0x6680] =	vst v16  }
0x40a: {  	[tilespmem:s31+$0x6D30] =	vst v0;
	v0 =	vld [tilespmem:$0x1FEB0]  }
0x40b: {  	[tilespmem:s31+$0x6630] =	vst v15  }
0x40c: {  	[tilespmem:s31+$0x6620] =	vst v14  }
0x40d: {  	[tilespmem:s31+$0x6610] =	vst v13  }
0x40e: {  	[tilespmem:s31+$0x6600] =	vst v12  }
0x40f: {  	[tilespmem:s31+$0x6D20] =	vst v0;
	v0 =	vld [tilespmem:$0x1FEC0]  }
0x410: {  	[tilespmem:s31+$0x65B0] =	vst v11  }
0x411: {  	[tilespmem:s31+$0x65A0] =	vst v10  }
0x412: {  	[tilespmem:s31+$0x6590] =	vst v9  }
0x413: {  	[tilespmem:s31+$0x6580] =	vst v8  }
0x414: {  	[tilespmem:s31+$0x6D10] =	vst v0;
	v0 =	vld [tilespmem:$0x1FED0]  }
0x415: {  	[tilespmem:s31+$0x6530] =	vst v7  }
0x416: {  	[tilespmem:s31+$0x6520] =	vst v6  }
0x417: {  	v50 =	vld [tilespmem:$0x1FF20];
	[tilespmem:s31+$0x6510] =	vst v5  }
0x418: {  	v51 =	vld [tilespmem:$0x1FF30];
	[tilespmem:s31+$0x6500] =	vst v4  }
0x419: {  	[tilespmem:s31+$0x6D00] =	vst v0;
	v0 =	vld [tilespmem:$0x1FEE0]  }
0x41a: {  	v52 =	vld [tilespmem:$0x1FF40];
	[tilespmem:s31+$0x64B0] =	vst v3  }
0x41b: {  	v53 =	vld [tilespmem:$0x1FF50];
	[tilespmem:s31+$0x64A0] =	vst v2  }
0x41c: {  	v54 =	vld [tilespmem:$0x1FF60];
	[tilespmem:s31+$0x6490] =	vst v50  }
0x41d: {  	v55 =	vld [tilespmem:$0x1FF70];
	[tilespmem:s31+$0x6480] =	vst v51  }
0x41e: {  	[tilespmem:s31+$0x6CB0] =	vst v0;
	v0 =	vld [tilespmem:$0x1FEF0]  }
0x41f: {  	v56 =	vld [tilespmem:$0x1FF80];
	[tilespmem:s31+$0x6430] =	vst v52  }
0x420: {  	v57 =	vld [tilespmem:$0x1FF90];
	[tilespmem:s31+$0x6420] =	vst v53  }
0x421: {  	v58 =	vld [tilespmem:$0x1FFA0];
	[tilespmem:s31+$0x6410] =	vst v54  }
0x422: {  	v59 =	vld [tilespmem:$0x1FFB0];
	[tilespmem:s31+$0x6400] =	vst v55  }
0x423: {  	[tilespmem:s31+$0x6CA0] =	vst v0;
	v0 =	vld [tilespmem:$0x1FF00]  }
0x424: {  	v60 =	vld [tilespmem:$0x1FFC0];
	[tilespmem:s31+$0x63B0] =	vst v56  }
0x425: {  	v61 =	vld [tilespmem:$0x1FFD0];
	[tilespmem:s31+$0x63A0] =	vst v57  }
0x426: {  	v62 =	vld [tilespmem:$0x1FFE0];
	[tilespmem:s31+$0x6390] =	vst v58  }
0x427: {  	v63 =	vld [tilespmem:$0x1FFF0];
	[tilespmem:s31+$0x6380] =	vst v59  }
0x428: {  	[tilespmem:s31+$0x6C90] =	vst v0;
	v0 =	vld [tilespmem:$0x1FF10]  }
0x429: {  	[tilespmem:s31+$0x6330] =	vst v60  }
0x42a: {  	[tilespmem:s31+$0x6320] =	vst v61  }
0x42b: {  	[tilespmem:s31+$0x6310] =	vst v62  }
0x42c: {  	p2 =	seq.s32 s11, $0x1;
	[tilespmem:s31+$0x6300] =	vst v63  }
0x42d: {  	s17 =	sadd.s32 s4, s17;
	p1 =	por p2, p1;
	[tilespmem:s31+$0x6C80] =	vst v0  }
0x42e: {  	s17 =	sshll.u32 @p1 s17, $0xB;
	s21 =	simm.s32 $0x1;
	_ =	strace $0x9000004B  }
0x42f: {  	s17 =	sand.u32 @p1 $0x1FFFF800, s17;
	s21 =	simm.s32 @!p0 $0x0;
	_ =	strace @p1 $0x8000004C  }
0x430: {  	p0 =	seq.s32 s11, $0x4;
	s18 =	sadd.s32 @p1 $0x3, s18;
	s20 =	rddreg [dreg:$0x4]  }
0x431: {  	s19 =	sadd.s32 $0x4100, s31;
	s17 =	sadd.s32 @p1 s20, s17;
	s20 =	simm.s32 @p1 $0x0  }
0x432: {  	[hbm4b:s17+s20] =	stream.linear.scatter @p1 [tilespmem:s19], [sflag:s18], $0x4000, $0x200038;
	[tilespmem:$0xC100] =	vst v63  }
0x433: {  	s17 =	simm.s32 $0x1;
	s19 =	simm.s32 $0x1;
	_ =	strace @p1 $0x9000004C  }
0x434: {  	s17 =	simm.s32 @!p1 $0x0;
	p1 =	sne.s32 s11, $0x4;
	s11 =	sadd.s32 $0xFFFFFFFF, s11  }
0x435: {  	s18 =	sand.u32 @!p0 $0x1, s13;
	s19 =	simm.s32 @!p1 $0x0;
	p1 =	sne.s32 s11, $0x0  }
.Ltmp0:
0x436: {  	s18 =	sadd.s32 @!p0 $0x3, s18;
	_ =	strace @!p0 $0x8000004D;
	(pc) =	sbr.rel @p1 .LBB2_2-.Ltmp0, $4  }
0x437: {  	_ =	swait.ge @!p0 [sflag:s18], $0x4000  }
0x438: {  	[sflag:s18] =	ssyncset.done @!p0 $0x0  }
0x439: {  	s16 =	sadd.s32 s21, s16;
	s14 =	sadd.s32 s17, s14;
	[sflag:s18] =	ssyncadd.s32 @!p0 $0xFFFFC000  }
0x43a: {  	s15 =	sadd.s32 s17, s15;
	s13 =	sadd.s32 s19, s13;
	_ =	strace @!p0 $0x9000004D  }
0x43b: {  	s10 =	sadd.s32 $0x1, s10  }
0x43c: {  	p0 =	sne.s32 s10, s6  }
.Ltmp1:
0x43d: {  	_ =	strace $0x8000004E;
	(pc) =	sbr.rel @p0 .LBB2_1-.Ltmp1, $4  }
0x43e: {  	_ =	swait.ge [sflag:s9], $0x4000  }
0x43f: {  	[sflag:s9] =	ssyncset.done $0x0  }
0x440: {  	[sflag:s9] =	ssyncadd.s32 $0xFFFFC000  }
0x441: {  	_ =	strace $0x9000004E  }
0x442: {  	_ =	sfence.sel $0x180000  }
0x443: {  	[bflag:$0x0] =	sbarrier.arrive $0xFFFF  }
0x444: {  	p0 =	sne.s32 s2, $0x0;
	_ =	strace $0x90000047  }
0x445: {  	s0 =	sadd.s32 @!p0 $0x100000, s0;
	[bflag:$0x2] =	sbarrier.arrive $0xFFFF  }
0x446: {  	[sflag:s0] =	ssyncadd.tile.s32 @!p0 $0x1;
	_ =	shalt  }
.Lfunc_end2:
_tile_overlayer_lowered:
.L_overlay_start_2:
0x447: {  	(tag) =	ssettag $0x2  }
0x448: {  	s0 =	rddreg [dreg:$0x0];
	s2 =	stileid.u32  }
0x449: {  	s1 =	rddreg [dreg:$0x1];
	p0 =	sne.s32 s2, $0x0  }
0x44a: {  	s3 =	rddreg [dreg:$0x2];
	[bflag:$0x3] =	sbarrier.arrive $0xFFFF;
	s2 =	simm.s32 @!p0 $0x1C01  }
0x44b: {  	[timem:s3], [sflag:s2] =	dma.local @!p0 [hbm:s0], s1  }
0x44c: {  	s0 =	simm.s32 @!p0 $0x1  }
0x44d: {  	_ =	swait.ge @!p0 [sflag:s0], s1  }
0x44e: {  	s1 =	ssub.s32 @!p0 $0x0, s1;
	[sflag:s0] =	ssyncset.done @!p0 $0x0  }
0x44f: {  	[sflag:s0] =	ssyncadd.s32 @!p0 s1  }
0x450: {  	[bflag:$0x3] =	sbarrier.arrive $0xFFFF  }
0x451: {  	_ =	shalt  }

</sc_bundles>
